<compile_context>
chip_gen: v7x
topology: tpu7x:2x2x1
jax: 0.10.2.dev20260603
libtpu: 0.0.44.dev20260713+nightly
codegen_flags: <defaults>
</compile_context>

<pallas_src>
import functools

import jax
import jax.numpy as jnp
from jax import lax
from jax.experimental import pallas as pl
from jax.experimental.pallas import tpu as pltpu
from jax.experimental.pallas import tpu_sc as plsc

N_BITS = 20
LO_BITS = 10
C_ROWS = 2048
D = 64
BLK = 256
L = 16


def _combine_tables_body(table_ref, out_ref):
    K = N_BITS + 1
    k = lax.broadcasted_iota(jnp.int32, (K, C_ROWS), 0)
    r = lax.broadcasted_iota(jnp.int32, (K, C_ROWS), 1)
    g = r >> LO_BITS
    local = r & ((1 << LO_BITS) - 1)
    shift = k - g * LO_BITS
    in_group = (shift >= 0) & (shift < LO_BITS)
    bits_t = jnp.where(in_group, (local >> jnp.maximum(shift, 0)) & 1, 0)
    out_ref[...] = lax.dot_general(
        table_ref[...], bits_t.astype(jnp.float32),
        dimension_numbers=(((0,), (0,)), ((), ())),
        preferred_element_type=jnp.float32)


def _combine_tables(table):
    return pl.pallas_call(
        _combine_tables_body,
        out_shape=jax.ShapeDtypeStruct((D, C_ROWS), jnp.float32),
    )(table)


def _pack_pairs(ct):
    ct_bf = ct.astype(jnp.bfloat16)
    pairs = ct_bf.reshape(D // 2, 2, C_ROWS).transpose(0, 2, 1)
    packed = lax.bitcast_convert_type(pairs, jnp.int32)
    return packed.reshape(-1)


def _sc_lookup(ctab_packed, xf):
    info = plsc.get_sparse_core_info()
    nc, ns = info.num_cores, info.num_subcores
    nw = nc * ns
    t_total = xf.shape[0]
    per_w = t_total // nw
    nblk = per_w // BLK
    assert per_w * nw == t_total and nblk * BLK == per_w and nblk % 2 == 0

    mesh = plsc.VectorSubcoreMesh(core_axis_name="c", subcore_axis_name="s")

    @functools.partial(
        pl.kernel,
        mesh=mesh,
        compiler_params=pltpu.CompilerParams(needs_layout_passes=False),
        out_type=jax.ShapeDtypeStruct((D, t_total), jnp.float32),
        scratch_types=[
            pltpu.VMEM((D // 2 * C_ROWS,), jnp.int32),
            pltpu.VMEM((2, BLK), jnp.int32),
            pltpu.VMEM((2, D, BLK), jnp.float32),
            pltpu.SemaphoreType.DMA,
            pltpu.SemaphoreType.DMA,
            pltpu.SemaphoreType.DMA,
            pltpu.SemaphoreType.DMA,
        ],
    )
    def lookup(ctab_hbm, x_hbm, out_hbm, tab, xv, ov, xs0, xs1, os0, os1):
        xsem = (xs0, xs1)
        osem = (os0, os1)
        wid = lax.axis_index("s") * nc + lax.axis_index("c")
        base = wid * per_w

        pltpu.sync_copy(ctab_hbm, tab)

        def fire_x(j, s):
            pltpu.async_copy(x_hbm.at[pl.ds(base + j * BLK, BLK)],
                             xv.at[s], xsem[s])

        fire_x(0, 0)

        def blockstep(j, s):
            pltpu.make_async_copy(x_hbm.at[pl.ds(0, BLK)], xv.at[s],
                                  xsem[s]).wait()

            @pl.when(j + 1 < nblk)
            def _():
                fire_x(j + 1, 1 - s)

            @pl.when(j >= 2)
            def _():
                pltpu.make_async_copy(ov.at[s],
                                      out_hbm.at[:, pl.ds(0, BLK)],
                                      osem[s]).wait()

            @plsc.parallel_loop(0, BLK // L, unroll=4)
            def group(g):
                xs16 = xv[s, pl.ds(g * L, L)]
                i_lo = xs16 & (C_ROWS // 2 - 1)
                i_hi = (xs16 >> LO_BITS) + C_ROWS // 2
                for p in range(D // 2):
                    wlo = plsc.load_gather(tab, [i_lo + p * C_ROWS])
                    whi = plsc.load_gather(tab, [i_hi + p * C_ROWS])
                    bsum = (plsc.bitcast(wlo, jnp.bfloat16)
                            + plsc.bitcast(whi, jnp.bfloat16))
                    w = plsc.bitcast(bsum, jnp.int32)
                    e = plsc.bitcast(w << 16, jnp.float32)
                    o = plsc.bitcast(w & jnp.int32(-65536), jnp.float32)
                    ov[s, 2 * p, pl.ds(g * L, L)] = e
                    ov[s, 2 * p + 1, pl.ds(g * L, L)] = o

            pltpu.async_copy(
                ov.at[s], out_hbm.at[:, pl.ds(base + j * BLK, BLK)], osem[s])

        def pair(jj, carry):
            blockstep(2 * jj, 0)
            blockstep(2 * jj + 1, 1)
            return carry

        lax.fori_loop(0, nblk // 2, pair, 0)

        for s in range(2):
            pltpu.make_async_copy(ov.at[s], out_hbm.at[:, pl.ds(0, BLK)],
                                  osem[s]).wait()

    return lookup(ctab_packed, xf)


def kernel(x, table):
    xf = x.reshape(-1)
    ctab_packed = _pack_pairs(_combine_tables(table))
    out_t = _sc_lookup(ctab_packed, xf)
    return out_t.T

# --- scband reference (transcript-rebuilt; emitter-appended) ---
"""Pipeline reference for scband-binary-position-embedding-11562051961176 (READ-ONLY COPY).

The authoritative reference and input builder live on the scoring server;
editing this copy changes nothing except your own understanding.
"""

import jax, jax.numpy as jnp
import numpy as np
import math

N_POSITIONS = 1000000
D_MODEL = 64
N_BITS = math.ceil(math.log2(N_POSITIONS))  # 20


def setup_inputs(seed: int = 0) -> dict:
    key = jax.random.key(seed)
    k1, k2 = jax.random.split(key)
    # position ids in [0, n_positions)
    x = jax.random.randint(k1, (4096, 200), 0, N_POSITIONS, dtype=jnp.int32)
    # embedding table: rows L2-normalized, row 0 zeroed (as in the torch __init__)
    table = jax.random.normal(k2, (N_BITS + 1, D_MODEL), dtype=jnp.float32)
    table = table / jnp.linalg.norm(table, axis=1, keepdims=True)
    table = table.at[0].set(0.0)
    return {"x": x, "table": table}


def reference(x, table):
    # torch forward: flatten x; for each token, gather embeddings of set-bit
    # positions (embedding index == bit index) and sum them.
    # Equivalent dense formulation: binary mask [T, n_bits] @ table[:n_bits].
    x_flat = x.reshape(-1)
    bit_idx = jnp.arange(N_BITS, dtype=x_flat.dtype)
    bits = ((x_flat[:, None] >> bit_idx[None, :]) & 1).astype(jnp.float32)  # [T, n_bits]
    embeddings = bits @ table[:N_BITS]  # sum of embeddings of set bits; empty -> zeros
    return embeddings

if __name__ == "__main__":
    import jax
    _d = setup_inputs()
    print(jax.jit(kernel)(*tuple(_d.values())))

</pallas_src>

<mosaic_0001>
#map = affine_map<(d0, d1) -> (0)>
#map1 = affine_map<(d0, d1) -> (0, 0)>
module attributes {stable_mosaic.version = 14 : i64} {
  func.func @lookup(%arg0: i32, %arg1: i32, %arg2: memref<65536xi32, #tpu.memory_space<hbm>>, %arg3: memref<819200xi32, #tpu.memory_space<hbm>>, %arg4: memref<64x819200xf32, #tpu.memory_space<hbm>>, %arg5: memref<65536xi32, #tpu.memory_space<vmem>>, %arg6: memref<2x256xi32, #tpu.memory_space<vmem>>, %arg7: memref<2x64x256xf32, #tpu.memory_space<vmem>>, %arg8: memref<!tpu.dma_semaphore, #tpu.memory_space<semaphore_mem>>, %arg9: memref<!tpu.dma_semaphore, #tpu.memory_space<semaphore_mem>>, %arg10: memref<!tpu.dma_semaphore, #tpu.memory_space<semaphore_mem>>, %arg11: memref<!tpu.dma_semaphore, #tpu.memory_space<semaphore_mem>>) attributes {dimension_semantics = [#tpu.dimension_semantics<core_parallel>, #tpu.dimension_semantics<subcore_parallel>], iteration_bounds = array<i64: 2, 16>, scalar_prefetch = 0 : i64, scratch_operands = 7 : i64, tpu.core_type = #tpu.core_type<sc_vector_subcore>, window_params = [{transform_indices = #map}, {transform_indices = #map}, {transform_indices = #map1}]} {
    %mul3A = arith.constant 2 : i32
    %mul3A_0 = arith.muli %arg1, %mul3A : i32
    %add3A = arith.addi %mul3A_0, %arg0 : i32
    %mul3A_1 = arith.constant 25600 : i32
    %mul3A_2 = arith.muli %add3A, %mul3A_1 : i32
    "tpu.region"() ({
      %run_scoped3A = tpu.sem_alloc : memref<!tpu.dma_semaphore, #tpu.memory_space<semaphore_mem>>
      tpu.enqueue_dma source(%arg2 : memref<65536xi32, #tpu.memory_space<hbm>>) target(%arg5 : memref<65536xi32, #tpu.memory_space<vmem>>) target_semaphore(%run_scoped3A : memref<!tpu.dma_semaphore, #tpu.memory_space<semaphore_mem>>)
      tpu.wait_dma2 semaphore(%run_scoped3A : memref<!tpu.dma_semaphore, #tpu.memory_space<semaphore_mem>>) src(%arg2 : memref<65536xi32, #tpu.memory_space<hbm>>) dst(%arg5 : memref<65536xi32, #tpu.memory_space<vmem>>)
      tpu.yield
    }) : () -> ()
    %add3A_3 = arith.constant 0 : i32
    %add3A_4 = arith.addi %mul3A_2, %add3A_3 : i32
    %dma_start3A = arith.constant 0 : i32
    %dma_start3A_5 = arith.constant 0 : i32
    %dma_start3A_6 = tpu.memref_slice %arg6[%dma_start3A, %dma_start3A_5] : memref<2x256xi32, #tpu.memory_space<vmem>> -> memref<1x256xi32, #tpu.memory_space<vmem>>
    %dma_start3A_7 = tpu.memref_squeeze %dma_start3A_6 : memref<1x256xi32, #tpu.memory_space<vmem>> -> memref<256xi32, #tpu.memory_space<vmem>>
    %dma_start3A_8 = tpu.memref_slice %arg3[%add3A_4] : memref<819200xi32, #tpu.memory_space<hbm>> -> memref<256xi32, #tpu.memory_space<hbm>>
    %dma_start3A_9 = arith.constant 0 : i32
    %dma_start3A_10 = tpu.memref_slice %arg6[%dma_start3A, %dma_start3A_9] : memref<2x256xi32, #tpu.memory_space<vmem>> -> memref<1x256xi32, #tpu.memory_space<vmem>>
    %dma_start3A_11 = tpu.memref_squeeze %dma_start3A_10 : memref<1x256xi32, #tpu.memory_space<vmem>> -> memref<256xi32, #tpu.memory_space<vmem>>
    %dma_start3A_12 = tpu.memref_slice %arg3[%add3A_4] : memref<819200xi32, #tpu.memory_space<hbm>> -> memref<256xi32, #tpu.memory_space<hbm>>
    tpu.enqueue_dma source(%dma_start3A_12 : memref<256xi32, #tpu.memory_space<hbm>>) target(%dma_start3A_11 : memref<256xi32, #tpu.memory_space<vmem>>) target_semaphore(%arg8 : memref<!tpu.dma_semaphore, #tpu.memory_space<semaphore_mem>>)
    %scan3A = arith.constant 0 : i32
    %scan3A_13 = arith.constant 0 : i32
    %scan3A_14 = arith.constant 50 : i32
    %scan3A_15 = arith.addi %scan3A_13, %scan3A_14 : i32
    %scan3A_16 = arith.constant 1 : i32
    scf.for %scan3A_47 = %scan3A_13 to %scan3A_15 step %scan3A_16  : i32 {
      %mul3A_48 = arith.constant 2 : i32
      %mul3A_49 = arith.muli %mul3A_48, %scan3A_47 : i32
      %dma_wait3A_50 = arith.constant 0 : i32
      %dma_wait3A_51 = arith.constant 0 : i32
      %dma_wait3A_52 = tpu.memref_slice %arg6[%dma_wait3A_50, %dma_wait3A_51] : memref<2x256xi32, #tpu.memory_space<vmem>> -> memref<1x256xi32, #tpu.memory_space<vmem>>
      %dma_wait3A_53 = tpu.memref_squeeze %dma_wait3A_52 : memref<1x256xi32, #tpu.memory_space<vmem>> -> memref<256xi32, #tpu.memory_space<vmem>>
      %dma_wait3A_54 = arith.constant 0 : i32
      %dma_wait3A_55 = tpu.memref_slice %arg3[%dma_wait3A_54] : memref<819200xi32, #tpu.memory_space<hbm>> -> memref<256xi32, #tpu.memory_space<hbm>>
      %dma_wait3A_56 = arith.constant 0 : i32
      %dma_wait3A_57 = tpu.memref_slice %arg6[%dma_wait3A_50, %dma_wait3A_56] : memref<2x256xi32, #tpu.memory_space<vmem>> -> memref<1x256xi32, #tpu.memory_space<vmem>>
      %dma_wait3A_58 = tpu.memref_squeeze %dma_wait3A_57 : memref<1x256xi32, #tpu.memory_space<vmem>> -> memref<256xi32, #tpu.memory_space<vmem>>
      %dma_wait3A_59 = arith.constant 0 : i32
      %dma_wait3A_60 = tpu.memref_slice %arg3[%dma_wait3A_59] : memref<819200xi32, #tpu.memory_space<hbm>> -> memref<256xi32, #tpu.memory_space<hbm>>
      tpu.wait_dma2 semaphore(%arg8 : memref<!tpu.dma_semaphore, #tpu.memory_space<semaphore_mem>>) src(%dma_wait3A_60 : memref<256xi32, #tpu.memory_space<hbm>>) dst(%dma_wait3A_58 : memref<256xi32, #tpu.memory_space<vmem>>)
      %add3A_61 = arith.constant 1 : i32
      %add3A_62 = arith.addi %mul3A_49, %add3A_61 : i32
      %lt3A = arith.constant 100 : i32
      %lt3A_63 = arith.cmpi slt, %add3A_62, %lt3A : i32
      %convert_element_type3A = arith.extui %lt3A_63 : i1 to i32
      %cond3A = arith.constant 0 : i32
      %cond3A_64 = arith.cmpi ne, %convert_element_type3A, %cond3A : i32
      scf.if %cond3A_64 {
        %add3A_133 = arith.constant 1 : i32
        %add3A_134 = arith.addi %mul3A_49, %add3A_133 : i32
        %mul3A_135 = arith.constant 256 : i32
        %mul3A_136 = arith.muli %add3A_134, %mul3A_135 : i32
        %add3A_137 = arith.addi %mul3A_2, %mul3A_136 : i32
        %dma_start3A_138 = arith.constant 1 : i32
        %dma_start3A_139 = arith.constant 0 : i32
        %dma_start3A_140 = tpu.memref_slice %arg6[%dma_start3A_138, %dma_start3A_139] : memref<2x256xi32, #tpu.memory_space<vmem>> -> memref<1x256xi32, #tpu.memory_space<vmem>>
        %dma_start3A_141 = tpu.memref_squeeze %dma_start3A_140 : memref<1x256xi32, #tpu.memory_space<vmem>> -> memref<256xi32, #tpu.memory_space<vmem>>
        %dma_start3A_142 = tpu.memref_slice %arg3[%add3A_137] : memref<819200xi32, #tpu.memory_space<hbm>> -> memref<256xi32, #tpu.memory_space<hbm>>
        %dma_start3A_143 = arith.constant 0 : i32
        %dma_start3A_144 = tpu.memref_slice %arg6[%dma_start3A_138, %dma_start3A_143] : memref<2x256xi32, #tpu.memory_space<vmem>> -> memref<1x256xi32, #tpu.memory_space<vmem>>
        %dma_start3A_145 = tpu.memref_squeeze %dma_start3A_144 : memref<1x256xi32, #tpu.memory_space<vmem>> -> memref<256xi32, #tpu.memory_space<vmem>>
        %dma_start3A_146 = tpu.memref_slice %arg3[%add3A_137] : memref<819200xi32, #tpu.memory_space<hbm>> -> memref<256xi32, #tpu.memory_space<hbm>>
        tpu.enqueue_dma source(%dma_start3A_146 : memref<256xi32, #tpu.memory_space<hbm>>) target(%dma_start3A_145 : memref<256xi32, #tpu.memory_space<vmem>>) target_semaphore(%arg9 : memref<!tpu.dma_semaphore, #tpu.memory_space<semaphore_mem>>)
      } else {
      }
      %ge3A = arith.constant 2 : i32
      %ge3A_65 = arith.cmpi sge, %mul3A_49, %ge3A : i32
      %convert_element_type3A_66 = arith.extui %ge3A_65 : i1 to i32
      %cond3A_67 = arith.constant 0 : i32
      %cond3A_68 = arith.cmpi ne, %convert_element_type3A_66, %cond3A_67 : i32
      scf.if %cond3A_68 {
        %dma_wait3A_133 = arith.constant 0 : i32
        %dma_wait3A_134 = arith.constant 0 : i32
        %dma_wait3A_135 = arith.constant 0 : i32
        %dma_wait3A_136 = tpu.memref_slice %arg7[%dma_wait3A_133, %dma_wait3A_134, %dma_wait3A_135] : memref<2x64x256xf32, #tpu.memory_space<vmem>> -> memref<1x64x256xf32, #tpu.memory_space<vmem>>
        %dma_wait3A_137 = tpu.memref_squeeze %dma_wait3A_136 : memref<1x64x256xf32, #tpu.memory_space<vmem>> -> memref<64x256xf32, #tpu.memory_space<vmem>>
        %dma_wait3A_138 = arith.constant 0 : i32
        %dma_wait3A_139 = arith.constant 0 : i32
        %dma_wait3A_140 = tpu.memref_slice %arg4[%dma_wait3A_138, %dma_wait3A_139] : memref<64x819200xf32, #tpu.memory_space<hbm>> -> memref<64x256xf32, #tpu.memory_space<hbm>>
        %dma_wait3A_141 = arith.constant 0 : i32
        %dma_wait3A_142 = arith.constant 0 : i32
        %dma_wait3A_143 = tpu.memref_slice %arg4[%dma_wait3A_141, %dma_wait3A_142] : memref<64x819200xf32, #tpu.memory_space<hbm>> -> memref<64x256xf32, #tpu.memory_space<hbm>>
        %dma_wait3A_144 = arith.constant 0 : i32
        %dma_wait3A_145 = arith.constant 0 : i32
        %dma_wait3A_146 = tpu.memref_slice %arg7[%dma_wait3A_133, %dma_wait3A_144, %dma_wait3A_145] : memref<2x64x256xf32, #tpu.memory_space<vmem>> -> memref<1x64x256xf32, #tpu.memory_space<vmem>>
        %dma_wait3A_147 = tpu.memref_squeeze %dma_wait3A_146 : memref<1x64x256xf32, #tpu.memory_space<vmem>> -> memref<64x256xf32, #tpu.memory_space<vmem>>
        tpu.wait_dma2 semaphore(%arg10 : memref<!tpu.dma_semaphore, #tpu.memory_space<semaphore_mem>>) src(%dma_wait3A_147 : memref<64x256xf32, #tpu.memory_space<vmem>>) dst(%dma_wait3A_143 : memref<64x256xf32, #tpu.memory_space<hbm>>)
      } else {
      }
      %parallel_loop3A = arith.constant 0 : i32
      %parallel_loop3A_69 = arith.constant 16 : i32
      %parallel_loop3A_70 = arith.constant 1 : i32
      scf.for %parallel_loop3A_133 = %parallel_loop3A to %parallel_loop3A_69 step %parallel_loop3A_70  : i32 {
        %parallel_loop3A_134 = arith.constant 16 : i32
        %parallel_loop3A_135 = arith.muli %parallel_loop3A_133, %parallel_loop3A_134 : i32
        %parallel_loop3A_136 = arith.constant 0 : i32
        %parallel_loop3A_137 = arith.index_cast %parallel_loop3A_136 : i32 to index
        %parallel_loop3A_138 = arith.index_cast %parallel_loop3A_135 : i32 to index
        %parallel_loop3A_139 = tpu.vector_load %arg6[%parallel_loop3A_137, %parallel_loop3A_138] {strides = array<i32>} : memref<2x256xi32, #tpu.memory_space<vmem>>, vector<16xi32>,
        %parallel_loop3A_140 = arith.constant 1023 : i32
        %parallel_loop3A_141 = vector.broadcast %parallel_loop3A_140 : i32 to vector<16xi32>
        %parallel_loop3A_142 = arith.andi %parallel_loop3A_139, %parallel_loop3A_141 : vector<16xi32>
        %parallel_loop3A_143 = arith.constant 10 : i32
        %parallel_loop3A_144 = vector.broadcast %parallel_loop3A_143 : i32 to vector<16xi32>
        %parallel_loop3A_145 = arith.shrsi %parallel_loop3A_139, %parallel_loop3A_144 : vector<16xi32>
        %parallel_loop3A_146 = arith.constant 1024 : i32
        %parallel_loop3A_147 = vector.broadcast %parallel_loop3A_146 : i32 to vector<16xi32>
        %parallel_loop3A_148 = arith.addi %parallel_loop3A_145, %parallel_loop3A_147 : vector<16xi32>
        %parallel_loop3A_149 = arith.constant 0 : i32
        %parallel_loop3A_150 = vector.broadcast %parallel_loop3A_149 : i32 to vector<16xi32>
        %parallel_loop3A_151 = arith.addi %parallel_loop3A_142, %parallel_loop3A_150 : vector<16xi32>
        %parallel_loop3A_152 = tpu.vector_load_idx %arg5[%parallel_loop3A_151] : memref<65536xi32, #tpu.memory_space<vmem>>[vector<16xi32>], vector<16xi32>,
        %parallel_loop3A_153 = arith.constant 0 : i32
        %parallel_loop3A_154 = vector.broadcast %parallel_loop3A_153 : i32 to vector<16xi32>
        %parallel_loop3A_155 = arith.addi %parallel_loop3A_148, %parallel_loop3A_154 : vector<16xi32>
        %parallel_loop3A_156 = tpu.vector_load_idx %arg5[%parallel_loop3A_155] : memref<65536xi32, #tpu.memory_space<vmem>>[vector<16xi32>], vector<16xi32>,
        %parallel_loop3A_157 = vector.bitcast %parallel_loop3A_152 : vector<16xi32> to vector<32xbf16>
        %parallel_loop3A_158 = vector.bitcast %parallel_loop3A_156 : vector<16xi32> to vector<32xbf16>
        %parallel_loop3A_159 = arith.addf %parallel_loop3A_157, %parallel_loop3A_158 : vector<32xbf16>
        %parallel_loop3A_160 = vector.bitcast %parallel_loop3A_159 : vector<32xbf16> to vector<16xi32>
        %parallel_loop3A_161 = arith.constant 16 : i32
        %parallel_loop3A_162 = vector.broadcast %parallel_loop3A_161 : i32 to vector<16xi32>
        %parallel_loop3A_163 = arith.shli %parallel_loop3A_160, %parallel_loop3A_162 : vector<16xi32>
        %parallel_loop3A_164 = vector.bitcast %parallel_loop3A_163 : vector<16xi32> to vector<16xf32>
        %parallel_loop3A_165 = arith.constant -65536 : i32
        %parallel_loop3A_166 = vector.broadcast %parallel_loop3A_165 : i32 to vector<16xi32>
        %parallel_loop3A_167 = arith.andi %parallel_loop3A_160, %parallel_loop3A_166 : vector<16xi32>
        %parallel_loop3A_168 = vector.bitcast %parallel_loop3A_167 : vector<16xi32> to vector<16xf32>
        %parallel_loop3A_169 = arith.constant 16 : i32
        %parallel_loop3A_170 = arith.muli %parallel_loop3A_133, %parallel_loop3A_169 : i32
        %parallel_loop3A_171 = arith.constant 0 : i32
        %parallel_loop3A_172 = arith.constant 0 : i32
        %parallel_loop3A_173 = arith.index_cast %parallel_loop3A_171 : i32 to index
        %parallel_loop3A_174 = arith.index_cast %parallel_loop3A_172 : i32 to index
        %parallel_loop3A_175 = arith.index_cast %parallel_loop3A_170 : i32 to index
        %parallel_loop3A_176 = tpu.vector_load %arg7[%parallel_loop3A_173, %parallel_loop3A_174, %parallel_loop3A_175] {strides = array<i32>} : memref<2x64x256xf32, #tpu.memory_space<vmem>>, vector<16xf32>,
        tpu.vector_store %arg7[%parallel_loop3A_173, %parallel_loop3A_174, %parallel_loop3A_175], %parallel_loop3A_164 {strides = array<i32>} : memref<2x64x256xf32, #tpu.memory_space<vmem>>, vector<16xf32>,
        %parallel_loop3A_177 = arith.constant 16 : i32
        %parallel_loop3A_178 = arith.muli %parallel_loop3A_133, %parallel_loop3A_177 : i32
        %parallel_loop3A_179 = arith.constant 0 : i32
        %parallel_loop3A_180 = arith.constant 1 : i32
        %parallel_loop3A_181 = arith.index_cast %parallel_loop3A_179 : i32 to index
        %parallel_loop3A_182 = arith.index_cast %parallel_loop3A_180 : i32 to index
        %parallel_loop3A_183 = arith.index_cast %parallel_loop3A_178 : i32 to index
        %parallel_loop3A_184 = tpu.vector_load %arg7[%parallel_loop3A_181, %parallel_loop3A_182, %parallel_loop3A_183] {strides = array<i32>} : memref<2x64x256xf32, #tpu.memory_space<vmem>>, vector<16xf32>,
        tpu.vector_store %arg7[%parallel_loop3A_181, %parallel_loop3A_182, %parallel_loop3A_183], %parallel_loop3A_168 {strides = array<i32>} : memref<2x64x256xf32, #tpu.memory_space<vmem>>, vector<16xf32>,
        %parallel_loop3A_185 = arith.constant 2048 : i32
        %parallel_loop3A_186 = vector.broadcast %parallel_loop3A_185 : i32 to vector<16xi32>
        %parallel_loop3A_187 = arith.addi %parallel_loop3A_142, %parallel_loop3A_186 : vector<16xi32>
        %parallel_loop3A_188 = tpu.vector_load_idx %arg5[%parallel_loop3A_187] : memref<65536xi32, #tpu.memory_space<vmem>>[vector<16xi32>], vector<16xi32>,
        %parallel_loop3A_189 = arith.constant 2048 : i32
        %parallel_loop3A_190 = vector.broadcast %parallel_loop3A_189 : i32 to vector<16xi32>
        %parallel_loop3A_191 = arith.addi %parallel_loop3A_148, %parallel_loop3A_190 : vector<16xi32>
        %parallel_loop3A_192 = tpu.vector_load_idx %arg5[%parallel_loop3A_191] : memref<65536xi32, #tpu.memory_space<vmem>>[vector<16xi32>], vector<16xi32>,
        %parallel_loop3A_193 = vector.bitcast %parallel_loop3A_188 : vector<16xi32> to vector<32xbf16>
        %parallel_loop3A_194 = vector.bitcast %parallel_loop3A_192 : vector<16xi32> to vector<32xbf16>
        %parallel_loop3A_195 = arith.addf %parallel_loop3A_193, %parallel_loop3A_194 : vector<32xbf16>
        %parallel_loop3A_196 = vector.bitcast %parallel_loop3A_195 : vector<32xbf16> to vector<16xi32>
        %parallel_loop3A_197 = arith.constant 16 : i32
        %parallel_loop3A_198 = vector.broadcast %parallel_loop3A_197 : i32 to vector<16xi32>
        %parallel_loop3A_199 = arith.shli %parallel_loop3A_196, %parallel_loop3A_198 : vector<16xi32>
        %parallel_loop3A_200 = vector.bitcast %parallel_loop3A_199 : vector<16xi32> to vector<16xf32>
        %parallel_loop3A_201 = arith.constant -65536 : i32
        %parallel_loop3A_202 = vector.broadcast %parallel_loop3A_201 : i32 to vector<16xi32>
        %parallel_loop3A_203 = arith.andi %parallel_loop3A_196, %parallel_loop3A_202 : vector<16xi32>
        %parallel_loop3A_204 = vector.bitcast %parallel_loop3A_203 : vector<16xi32> to vector<16xf32>
        %parallel_loop3A_205 = arith.constant 16 : i32
        %parallel_loop3A_206 = arith.muli %parallel_loop3A_133, %parallel_loop3A_205 : i32
        %parallel_loop3A_207 = arith.constant 0 : i32
        %parallel_loop3A_208 = arith.constant 2 : i32
        %parallel_loop3A_209 = arith.index_cast %parallel_loop3A_207 : i32 to index
        %parallel_loop3A_210 = arith.index_cast %parallel_loop3A_208 : i32 to index
        %parallel_loop3A_211 = arith.index_cast %parallel_loop3A_206 : i32 to index
        %parallel_loop3A_212 = tpu.vector_load %arg7[%parallel_loop3A_209, %parallel_loop3A_210, %parallel_loop3A_211] {strides = array<i32>} : memref<2x64x256xf32, #tpu.memory_space<vmem>>, vector<16xf32>,
        tpu.vector_store %arg7[%parallel_loop3A_209, %parallel_loop3A_210, %parallel_loop3A_211], %parallel_loop3A_200 {strides = array<i32>} : memref<2x64x256xf32, #tpu.memory_space<vmem>>, vector<16xf32>,
        %parallel_loop3A_213 = arith.constant 16 : i32
        %parallel_loop3A_214 = arith.muli %parallel_loop3A_133, %parallel_loop3A_213 : i32
        %parallel_loop3A_215 = arith.constant 0 : i32
        %parallel_loop3A_216 = arith.constant 3 : i32
        %parallel_loop3A_217 = arith.index_cast %parallel_loop3A_215 : i32 to index
        %parallel_loop3A_218 = arith.index_cast %parallel_loop3A_216 : i32 to index
        %parallel_loop3A_219 = arith.index_cast %parallel_loop3A_214 : i32 to index
        %parallel_loop3A_220 = tpu.vector_load %arg7[%parallel_loop3A_217, %parallel_loop3A_218, %parallel_loop3A_219] {strides = array<i32>} : memref<2x64x256xf32, #tpu.memory_space<vmem>>, vector<16xf32>,
        tpu.vector_store %arg7[%parallel_loop3A_217, %parallel_loop3A_218, %parallel_loop3A_219], %parallel_loop3A_204 {strides = array<i32>} : memref<2x64x256xf32, #tpu.memory_space<vmem>>, vector<16xf32>,
        %parallel_loop3A_221 = arith.constant 4096 : i32
        %parallel_loop3A_222 = vector.broadcast %parallel_loop3A_221 : i32 to vector<16xi32>
        %parallel_loop3A_223 = arith.addi %parallel_loop3A_142, %parallel_loop3A_222 : vector<16xi32>
        %parallel_loop3A_224 = tpu.vector_load_idx %arg5[%parallel_loop3A_223] : memref<65536xi32, #tpu.memory_space<vmem>>[vector<16xi32>], vector<16xi32>,
        %parallel_loop3A_225 = arith.constant 4096 : i32
        %parallel_loop3A_226 = vector.broadcast %parallel_loop3A_225 : i32 to vector<16xi32>
        %parallel_loop3A_227 = arith.addi %parallel_loop3A_148, %parallel_loop3A_226 : vector<16xi32>
        %parallel_loop3A_228 = tpu.vector_load_idx %arg5[%parallel_loop3A_227] : memref<65536xi32, #tpu.memory_space<vmem>>[vector<16xi32>], vector<16xi32>,
        %parallel_loop3A_229 = vector.bitcast %parallel_loop3A_224 : vector<16xi32> to vector<32xbf16>
        %parallel_loop3A_230 = vector.bitcast %parallel_loop3A_228 : vector<16xi32> to vector<32xbf16>
        %parallel_loop3A_231 = arith.addf %parallel_loop3A_229, %parallel_loop3A_230 : vector<32xbf16>
        %parallel_loop3A_232 = vector.bitcast %parallel_loop3A_231 : vector<32xbf16> to vector<16xi32>
        %parallel_loop3A_233 = arith.constant 16 : i32
        %parallel_loop3A_234 = vector.broadcast %parallel_loop3A_233 : i32 to vector<16xi32>
        %parallel_loop3A_235 = arith.shli %parallel_loop3A_232, %parallel_loop3A_234 : vector<16xi32>
        %parallel_loop3A_236 = vector.bitcast %parallel_loop3A_235 : vector<16xi32> to vector<16xf32>
        %parallel_loop3A_237 = arith.constant -65536 : i32
        %parallel_loop3A_238 = vector.broadcast %parallel_loop3A_237 : i32 to vector<16xi32>
        %parallel_loop3A_239 = arith.andi %parallel_loop3A_232, %parallel_loop3A_238 : vector<16xi32>
        %parallel_loop3A_240 = vector.bitcast %parallel_loop3A_239 : vector<16xi32> to vector<16xf32>
        %parallel_loop3A_241 = arith.constant 16 : i32
        %parallel_loop3A_242 = arith.muli %parallel_loop3A_133, %parallel_loop3A_241 : i32
        %parallel_loop3A_243 = arith.constant 0 : i32
        %parallel_loop3A_244 = arith.constant 4 : i32
        %parallel_loop3A_245 = arith.index_cast %parallel_loop3A_243 : i32 to index
        %parallel_loop3A_246 = arith.index_cast %parallel_loop3A_244 : i32 to index
        %parallel_loop3A_247 = arith.index_cast %parallel_loop3A_242 : i32 to index
        %parallel_loop3A_248 = tpu.vector_load %arg7[%parallel_loop3A_245, %parallel_loop3A_246, %parallel_loop3A_247] {strides = array<i32>} : memref<2x64x256xf32, #tpu.memory_space<vmem>>, vector<16xf32>,
        tpu.vector_store %arg7[%parallel_loop3A_245, %parallel_loop3A_246, %parallel_loop3A_247], %parallel_loop3A_236 {strides = array<i32>} : memref<2x64x256xf32, #tpu.memory_space<vmem>>, vector<16xf32>,
        %parallel_loop3A_249 = arith.constant 16 : i32
        %parallel_loop3A_250 = arith.muli %parallel_loop3A_133, %parallel_loop3A_249 : i32
        %parallel_loop3A_251 = arith.constant 0 : i32
        %parallel_loop3A_252 = arith.constant 5 : i32
        %parallel_loop3A_253 = arith.index_cast %parallel_loop3A_251 : i32 to index
        %parallel_loop3A_254 = arith.index_cast %parallel_loop3A_252 : i32 to index
        %parallel_loop3A_255 = arith.index_cast %parallel_loop3A_250 : i32 to index
        %parallel_loop3A_256 = tpu.vector_load %arg7[%parallel_loop3A_253, %parallel_loop3A_254, %parallel_loop3A_255] {strides = array<i32>} : memref<2x64x256xf32, #tpu.memory_space<vmem>>, vector<16xf32>,
        tpu.vector_store %arg7[%parallel_loop3A_253, %parallel_loop3A_254, %parallel_loop3A_255], %parallel_loop3A_240 {strides = array<i32>} : memref<2x64x256xf32, #tpu.memory_space<vmem>>, vector<16xf32>,
        %parallel_loop3A_257 = arith.constant 6144 : i32
        %parallel_loop3A_258 = vector.broadcast %parallel_loop3A_257 : i32 to vector<16xi32>
        %parallel_loop3A_259 = arith.addi %parallel_loop3A_142, %parallel_loop3A_258 : vector<16xi32>
        %parallel_loop3A_260 = tpu.vector_load_idx %arg5[%parallel_loop3A_259] : memref<65536xi32, #tpu.memory_space<vmem>>[vector<16xi32>], vector<16xi32>,
        %parallel_loop3A_261 = arith.constant 6144 : i32
        %parallel_loop3A_262 = vector.broadcast %parallel_loop3A_261 : i32 to vector<16xi32>
        %parallel_loop3A_263 = arith.addi %parallel_loop3A_148, %parallel_loop3A_262 : vector<16xi32>
        %parallel_loop3A_264 = tpu.vector_load_idx %arg5[%parallel_loop3A_263] : memref<65536xi32, #tpu.memory_space<vmem>>[vector<16xi32>], vector<16xi32>,
        %parallel_loop3A_265 = vector.bitcast %parallel_loop3A_260 : vector<16xi32> to vector<32xbf16>
        %parallel_loop3A_266 = vector.bitcast %parallel_loop3A_264 : vector<16xi32> to vector<32xbf16>
        %parallel_loop3A_267 = arith.addf %parallel_loop3A_265, %parallel_loop3A_266 : vector<32xbf16>
        %parallel_loop3A_268 = vector.bitcast %parallel_loop3A_267 : vector<32xbf16> to vector<16xi32>
        %parallel_loop3A_269 = arith.constant 16 : i32
        %parallel_loop3A_270 = vector.broadcast %parallel_loop3A_269 : i32 to vector<16xi32>
        %parallel_loop3A_271 = arith.shli %parallel_loop3A_268, %parallel_loop3A_270 : vector<16xi32>
        %parallel_loop3A_272 = vector.bitcast %parallel_loop3A_271 : vector<16xi32> to vector<16xf32>
        %parallel_loop3A_273 = arith.constant -65536 : i32
        %parallel_loop3A_274 = vector.broadcast %parallel_loop3A_273 : i32 to vector<16xi32>
        %parallel_loop3A_275 = arith.andi %parallel_loop3A_268, %parallel_loop3A_274 : vector<16xi32>
        %parallel_loop3A_276 = vector.bitcast %parallel_loop3A_275 : vector<16xi32> to vector<16xf32>
        %parallel_loop3A_277 = arith.constant 16 : i32
        %parallel_loop3A_278 = arith.muli %parallel_loop3A_133, %parallel_loop3A_277 : i32
        %parallel_loop3A_279 = arith.constant 0 : i32
        %parallel_loop3A_280 = arith.constant 6 : i32
        %parallel_loop3A_281 = arith.index_cast %parallel_loop3A_279 : i32 to index
        %parallel_loop3A_282 = arith.index_cast %parallel_loop3A_280 : i32 to index
        %parallel_loop3A_283 = arith.index_cast %parallel_loop3A_278 : i32 to index
        %parallel_loop3A_284 = tpu.vector_load %arg7[%parallel_loop3A_281, %parallel_loop3A_282, %parallel_loop3A_283] {strides = array<i32>} : memref<2x64x256xf32, #tpu.memory_space<vmem>>, vector<16xf32>,
        tpu.vector_store %arg7[%parallel_loop3A_281, %parallel_loop3A_282, %parallel_loop3A_283], %parallel_loop3A_272 {strides = array<i32>} : memref<2x64x256xf32, #tpu.memory_space<vmem>>, vector<16xf32>,
        %parallel_loop3A_285 = arith.constant 16 : i32
        %parallel_loop3A_286 = arith.muli %parallel_loop3A_133, %parallel_loop3A_285 : i32
        %parallel_loop3A_287 = arith.constant 0 : i32
        %parallel_loop3A_288 = arith.constant 7 : i32
        %parallel_loop3A_289 = arith.index_cast %parallel_loop3A_287 : i32 to index
        %parallel_loop3A_290 = arith.index_cast %parallel_loop3A_288 : i32 to index
        %parallel_loop3A_291 = arith.index_cast %parallel_loop3A_286 : i32 to index
        %parallel_loop3A_292 = tpu.vector_load %arg7[%parallel_loop3A_289, %parallel_loop3A_290, %parallel_loop3A_291] {strides = array<i32>} : memref<2x64x256xf32, #tpu.memory_space<vmem>>, vector<16xf32>,
        tpu.vector_store %arg7[%parallel_loop3A_289, %parallel_loop3A_290, %parallel_loop3A_291], %parallel_loop3A_276 {strides = array<i32>} : memref<2x64x256xf32, #tpu.memory_space<vmem>>, vector<16xf32>,
        %parallel_loop3A_293 = arith.constant 8192 : i32
        %parallel_loop3A_294 = vector.broadcast %parallel_loop3A_293 : i32 to vector<16xi32>
        %parallel_loop3A_295 = arith.addi %parallel_loop3A_142, %parallel_loop3A_294 : vector<16xi32>
        %parallel_loop3A_296 = tpu.vector_load_idx %arg5[%parallel_loop3A_295] : memref<65536xi32, #tpu.memory_space<vmem>>[vector<16xi32>], vector<16xi32>,
        %parallel_loop3A_297 = arith.constant 8192 : i32
        %parallel_loop3A_298 = vector.broadcast %parallel_loop3A_297 : i32 to vector<16xi32>
        %parallel_loop3A_299 = arith.addi %parallel_loop3A_148, %parallel_loop3A_298 : vector<16xi32>
        %parallel_loop3A_300 = tpu.vector_load_idx %arg5[%parallel_loop3A_299] : memref<65536xi32, #tpu.memory_space<vmem>>[vector<16xi32>], vector<16xi32>,
        %parallel_loop3A_301 = vector.bitcast %parallel_loop3A_296 : vector<16xi32> to vector<32xbf16>
        %parallel_loop3A_302 = vector.bitcast %parallel_loop3A_300 : vector<16xi32> to vector<32xbf16>
        %parallel_loop3A_303 = arith.addf %parallel_loop3A_301, %parallel_loop3A_302 : vector<32xbf16>
        %parallel_loop3A_304 = vector.bitcast %parallel_loop3A_303 : vector<32xbf16> to vector<16xi32>
        %parallel_loop3A_305 = arith.constant 16 : i32
        %parallel_loop3A_306 = vector.broadcast %parallel_loop3A_305 : i32 to vector<16xi32>
        %parallel_loop3A_307 = arith.shli %parallel_loop3A_304, %parallel_loop3A_306 : vector<16xi32>
        %parallel_loop3A_308 = vector.bitcast %parallel_loop3A_307 : vector<16xi32> to vector<16xf32>
        %parallel_loop3A_309 = arith.constant -65536 : i32
        %parallel_loop3A_310 = vector.broadcast %parallel_loop3A_309 : i32 to vector<16xi32>
        %parallel_loop3A_311 = arith.andi %parallel_loop3A_304, %parallel_loop3A_310 : vector<16xi32>
        %parallel_loop3A_312 = vector.bitcast %parallel_loop3A_311 : vector<16xi32> to vector<16xf32>
        %parallel_loop3A_313 = arith.constant 16 : i32
        %parallel_loop3A_314 = arith.muli %parallel_loop3A_133, %parallel_loop3A_313 : i32
        %parallel_loop3A_315 = arith.constant 0 : i32
        %parallel_loop3A_316 = arith.constant 8 : i32
        %parallel_loop3A_317 = arith.index_cast %parallel_loop3A_315 : i32 to index
        %parallel_loop3A_318 = arith.index_cast %parallel_loop3A_316 : i32 to index
        %parallel_loop3A_319 = arith.index_cast %parallel_loop3A_314 : i32 to index
        %parallel_loop3A_320 = tpu.vector_load %arg7[%parallel_loop3A_317, %parallel_loop3A_318, %parallel_loop3A_319] {strides = array<i32>} : memref<2x64x256xf32, #tpu.memory_space<vmem>>, vector<16xf32>,
        tpu.vector_store %arg7[%parallel_loop3A_317, %parallel_loop3A_318, %parallel_loop3A_319], %parallel_loop3A_308 {strides = array<i32>} : memref<2x64x256xf32, #tpu.memory_space<vmem>>, vector<16xf32>,
        %parallel_loop3A_321 = arith.constant 16 : i32
        %parallel_loop3A_322 = arith.muli %parallel_loop3A_133, %parallel_loop3A_321 : i32
        %parallel_loop3A_323 = arith.constant 0 : i32
        %parallel_loop3A_324 = arith.constant 9 : i32
        %parallel_loop3A_325 = arith.index_cast %parallel_loop3A_323 : i32 to index
        %parallel_loop3A_326 = arith.index_cast %parallel_loop3A_324 : i32 to index
        %parallel_loop3A_327 = arith.index_cast %parallel_loop3A_322 : i32 to index
        %parallel_loop3A_328 = tpu.vector_load %arg7[%parallel_loop3A_325, %parallel_loop3A_326, %parallel_loop3A_327] {strides = array<i32>} : memref<2x64x256xf32, #tpu.memory_space<vmem>>, vector<16xf32>,
        tpu.vector_store %arg7[%parallel_loop3A_325, %parallel_loop3A_326, %parallel_loop3A_327], %parallel_loop3A_312 {strides = array<i32>} : memref<2x64x256xf32, #tpu.memory_space<vmem>>, vector<16xf32>,
        %parallel_loop3A_329 = arith.constant 10240 : i32
        %parallel_loop3A_330 = vector.broadcast %parallel_loop3A_329 : i32 to vector<16xi32>
        %parallel_loop3A_331 = arith.addi %parallel_loop3A_142, %parallel_loop3A_330 : vector<16xi32>
        %parallel_loop3A_332 = tpu.vector_load_idx %arg5[%parallel_loop3A_331] : memref<65536xi32, #tpu.memory_space<vmem>>[vector<16xi32>], vector<16xi32>,
        %parallel_loop3A_333 = arith.constant 10240 : i32
        %parallel_loop3A_334 = vector.broadcast %parallel_loop3A_333 : i32 to vector<16xi32>
        %parallel_loop3A_335 = arith.addi %parallel_loop3A_148, %parallel_loop3A_334 : vector<16xi32>
        %parallel_loop3A_336 = tpu.vector_load_idx %arg5[%parallel_loop3A_335] : memref<65536xi32, #tpu.memory_space<vmem>>[vector<16xi32>], vector<16xi32>,
        %parallel_loop3A_337 = vector.bitcast %parallel_loop3A_332 : vector<16xi32> to vector<32xbf16>
        %parallel_loop3A_338 = vector.bitcast %parallel_loop3A_336 : vector<16xi32> to vector<32xbf16>
        %parallel_loop3A_339 = arith.addf %parallel_loop3A_337, %parallel_loop3A_338 : vector<32xbf16>
        %parallel_loop3A_340 = vector.bitcast %parallel_loop3A_339 : vector<32xbf16> to vector<16xi32>
        %parallel_loop3A_341 = arith.constant 16 : i32
        %parallel_loop3A_342 = vector.broadcast %parallel_loop3A_341 : i32 to vector<16xi32>
        %parallel_loop3A_343 = arith.shli %parallel_loop3A_340, %parallel_loop3A_342 : vector<16xi32>
        %parallel_loop3A_344 = vector.bitcast %parallel_loop3A_343 : vector<16xi32> to vector<16xf32>
        %parallel_loop3A_345 = arith.constant -65536 : i32
        %parallel_loop3A_346 = vector.broadcast %parallel_loop3A_345 : i32 to vector<16xi32>
        %parallel_loop3A_347 = arith.andi %parallel_loop3A_340, %parallel_loop3A_346 : vector<16xi32>
        %parallel_loop3A_348 = vector.bitcast %parallel_loop3A_347 : vector<16xi32> to vector<16xf32>
        %parallel_loop3A_349 = arith.constant 16 : i32
        %parallel_loop3A_350 = arith.muli %parallel_loop3A_133, %parallel_loop3A_349 : i32
        %parallel_loop3A_351 = arith.constant 0 : i32
        %parallel_loop3A_352 = arith.constant 10 : i32
        %parallel_loop3A_353 = arith.index_cast %parallel_loop3A_351 : i32 to index
        %parallel_loop3A_354 = arith.index_cast %parallel_loop3A_352 : i32 to index
        %parallel_loop3A_355 = arith.index_cast %parallel_loop3A_350 : i32 to index
        %parallel_loop3A_356 = tpu.vector_load %arg7[%parallel_loop3A_353, %parallel_loop3A_354, %parallel_loop3A_355] {strides = array<i32>} : memref<2x64x256xf32, #tpu.memory_space<vmem>>, vector<16xf32>,
        tpu.vector_store %arg7[%parallel_loop3A_353, %parallel_loop3A_354, %parallel_loop3A_355], %parallel_loop3A_344 {strides = array<i32>} : memref<2x64x256xf32, #tpu.memory_space<vmem>>, vector<16xf32>,
        %parallel_loop3A_357 = arith.constant 16 : i32
        %parallel_loop3A_358 = arith.muli %parallel_loop3A_133, %parallel_loop3A_357 : i32
        %parallel_loop3A_359 = arith.constant 0 : i32
        %parallel_loop3A_360 = arith.constant 11 : i32
        %parallel_loop3A_361 = arith.index_cast %parallel_loop3A_359 : i32 to index
        %parallel_loop3A_362 = arith.index_cast %parallel_loop3A_360 : i32 to index
        %parallel_loop3A_363 = arith.index_cast %parallel_loop3A_358 : i32 to index
        %parallel_loop3A_364 = tpu.vector_load %arg7[%parallel_loop3A_361, %parallel_loop3A_362, %parallel_loop3A_363] {strides = array<i32>} : memref<2x64x256xf32, #tpu.memory_space<vmem>>, vector<16xf32>,
        tpu.vector_store %arg7[%parallel_loop3A_361, %parallel_loop3A_362, %parallel_loop3A_363], %parallel_loop3A_348 {strides = array<i32>} : memref<2x64x256xf32, #tpu.memory_space<vmem>>, vector<16xf32>,
        %parallel_loop3A_365 = arith.constant 12288 : i32
        %parallel_loop3A_366 = vector.broadcast %parallel_loop3A_365 : i32 to vector<16xi32>
        %parallel_loop3A_367 = arith.addi %parallel_loop3A_142, %parallel_loop3A_366 : vector<16xi32>
        %parallel_loop3A_368 = tpu.vector_load_idx %arg5[%parallel_loop3A_367] : memref<65536xi32, #tpu.memory_space<vmem>>[vector<16xi32>], vector<16xi32>,
        %parallel_loop3A_369 = arith.constant 12288 : i32
        %parallel_loop3A_370 = vector.broadcast %parallel_loop3A_369 : i32 to vector<16xi32>
        %parallel_loop3A_371 = arith.addi %parallel_loop3A_148, %parallel_loop3A_370 : vector<16xi32>
        %parallel_loop3A_372 = tpu.vector_load_idx %arg5[%parallel_loop3A_371] : memref<65536xi32, #tpu.memory_space<vmem>>[vector<16xi32>], vector<16xi32>,
        %parallel_loop3A_373 = vector.bitcast %parallel_loop3A_368 : vector<16xi32> to vector<32xbf16>
        %parallel_loop3A_374 = vector.bitcast %parallel_loop3A_372 : vector<16xi32> to vector<32xbf16>
        %parallel_loop3A_375 = arith.addf %parallel_loop3A_373, %parallel_loop3A_374 : vector<32xbf16>
        %parallel_loop3A_376 = vector.bitcast %parallel_loop3A_375 : vector<32xbf16> to vector<16xi32>
        %parallel_loop3A_377 = arith.constant 16 : i32
        %parallel_loop3A_378 = vector.broadcast %parallel_loop3A_377 : i32 to vector<16xi32>
        %parallel_loop3A_379 = arith.shli %parallel_loop3A_376, %parallel_loop3A_378 : vector<16xi32>
        %parallel_loop3A_380 = vector.bitcast %parallel_loop3A_379 : vector<16xi32> to vector<16xf32>
        %parallel_loop3A_381 = arith.constant -65536 : i32
        %parallel_loop3A_382 = vector.broadcast %parallel_loop3A_381 : i32 to vector<16xi32>
        %parallel_loop3A_383 = arith.andi %parallel_loop3A_376, %parallel_loop3A_382 : vector<16xi32>
        %parallel_loop3A_384 = vector.bitcast %parallel_loop3A_383 : vector<16xi32> to vector<16xf32>
        %parallel_loop3A_385 = arith.constant 16 : i32
        %parallel_loop3A_386 = arith.muli %parallel_loop3A_133, %parallel_loop3A_385 : i32
        %parallel_loop3A_387 = arith.constant 0 : i32
        %parallel_loop3A_388 = arith.constant 12 : i32
        %parallel_loop3A_389 = arith.index_cast %parallel_loop3A_387 : i32 to index
        %parallel_loop3A_390 = arith.index_cast %parallel_loop3A_388 : i32 to index
        %parallel_loop3A_391 = arith.index_cast %parallel_loop3A_386 : i32 to index
        %parallel_loop3A_392 = tpu.vector_load %arg7[%parallel_loop3A_389, %parallel_loop3A_390, %parallel_loop3A_391] {strides = array<i32>} : memref<2x64x256xf32, #tpu.memory_space<vmem>>, vector<16xf32>,
        tpu.vector_store %arg7[%parallel_loop3A_389, %parallel_loop3A_390, %parallel_loop3A_391], %parallel_loop3A_380 {strides = array<i32>} : memref<2x64x256xf32, #tpu.memory_space<vmem>>, vector<16xf32>,
        %parallel_loop3A_393 = arith.constant 16 : i32
        %parallel_loop3A_394 = arith.muli %parallel_loop3A_133, %parallel_loop3A_393 : i32
        %parallel_loop3A_395 = arith.constant 0 : i32
        %parallel_loop3A_396 = arith.constant 13 : i32
        %parallel_loop3A_397 = arith.index_cast %parallel_loop3A_395 : i32 to index
        %parallel_loop3A_398 = arith.index_cast %parallel_loop3A_396 : i32 to index
        %parallel_loop3A_399 = arith.index_cast %parallel_loop3A_394 : i32 to index
        %parallel_loop3A_400 = tpu.vector_load %arg7[%parallel_loop3A_397, %parallel_loop3A_398, %parallel_loop3A_399] {strides = array<i32>} : memref<2x64x256xf32, #tpu.memory_space<vmem>>, vector<16xf32>,
        tpu.vector_store %arg7[%parallel_loop3A_397, %parallel_loop3A_398, %parallel_loop3A_399], %parallel_loop3A_384 {strides = array<i32>} : memref<2x64x256xf32, #tpu.memory_space<vmem>>, vector<16xf32>,
        %parallel_loop3A_401 = arith.constant 14336 : i32
        %parallel_loop3A_402 = vector.broadcast %parallel_loop3A_401 : i32 to vector<16xi32>
        %parallel_loop3A_403 = arith.addi %parallel_loop3A_142, %parallel_loop3A_402 : vector<16xi32>
        %parallel_loop3A_404 = tpu.vector_load_idx %arg5[%parallel_loop3A_403] : memref<65536xi32, #tpu.memory_space<vmem>>[vector<16xi32>], vector<16xi32>,
        %parallel_loop3A_405 = arith.constant 14336 : i32
        %parallel_loop3A_406 = vector.broadcast %parallel_loop3A_405 : i32 to vector<16xi32>
        %parallel_loop3A_407 = arith.addi %parallel_loop3A_148, %parallel_loop3A_406 : vector<16xi32>
        %parallel_loop3A_408 = tpu.vector_load_idx %arg5[%parallel_loop3A_407] : memref<65536xi32, #tpu.memory_space<vmem>>[vector<16xi32>], vector<16xi32>,
        %parallel_loop3A_409 = vector.bitcast %parallel_loop3A_404 : vector<16xi32> to vector<32xbf16>
        %parallel_loop3A_410 = vector.bitcast %parallel_loop3A_408 : vector<16xi32> to vector<32xbf16>
        %parallel_loop3A_411 = arith.addf %parallel_loop3A_409, %parallel_loop3A_410 : vector<32xbf16>
        %parallel_loop3A_412 = vector.bitcast %parallel_loop3A_411 : vector<32xbf16> to vector<16xi32>
        %parallel_loop3A_413 = arith.constant 16 : i32
        %parallel_loop3A_414 = vector.broadcast %parallel_loop3A_413 : i32 to vector<16xi32>
        %parallel_loop3A_415 = arith.shli %parallel_loop3A_412, %parallel_loop3A_414 : vector<16xi32>
        %parallel_loop3A_416 = vector.bitcast %parallel_loop3A_415 : vector<16xi32> to vector<16xf32>
        %parallel_loop3A_417 = arith.constant -65536 : i32
        %parallel_loop3A_418 = vector.broadcast %parallel_loop3A_417 : i32 to vector<16xi32>
        %parallel_loop3A_419 = arith.andi %parallel_loop3A_412, %parallel_loop3A_418 : vector<16xi32>
        %parallel_loop3A_420 = vector.bitcast %parallel_loop3A_419 : vector<16xi32> to vector<16xf32>
        %parallel_loop3A_421 = arith.constant 16 : i32
        %parallel_loop3A_422 = arith.muli %parallel_loop3A_133, %parallel_loop3A_421 : i32
        %parallel_loop3A_423 = arith.constant 0 : i32
        %parallel_loop3A_424 = arith.constant 14 : i32
        %parallel_loop3A_425 = arith.index_cast %parallel_loop3A_423 : i32 to index
        %parallel_loop3A_426 = arith.index_cast %parallel_loop3A_424 : i32 to index
        %parallel_loop3A_427 = arith.index_cast %parallel_loop3A_422 : i32 to index
        %parallel_loop3A_428 = tpu.vector_load %arg7[%parallel_loop3A_425, %parallel_loop3A_426, %parallel_loop3A_427] {strides = array<i32>} : memref<2x64x256xf32, #tpu.memory_space<vmem>>, vector<16xf32>,
        tpu.vector_store %arg7[%parallel_loop3A_425, %parallel_loop3A_426, %parallel_loop3A_427], %parallel_loop3A_416 {strides = array<i32>} : memref<2x64x256xf32, #tpu.memory_space<vmem>>, vector<16xf32>,
        %parallel_loop3A_429 = arith.constant 16 : i32
        %parallel_loop3A_430 = arith.muli %parallel_loop3A_133, %parallel_loop3A_429 : i32
        %parallel_loop3A_431 = arith.constant 0 : i32
        %parallel_loop3A_432 = arith.constant 15 : i32
        %parallel_loop3A_433 = arith.index_cast %parallel_loop3A_431 : i32 to index
        %parallel_loop3A_434 = arith.index_cast %parallel_loop3A_432 : i32 to index
        %parallel_loop3A_435 = arith.index_cast %parallel_loop3A_430 : i32 to index
        %parallel_loop3A_436 = tpu.vector_load %arg7[%parallel_loop3A_433, %parallel_loop3A_434, %parallel_loop3A_435] {strides = array<i32>} : memref<2x64x256xf32, #tpu.memory_space<vmem>>, vector<16xf32>,
        tpu.vector_store %arg7[%parallel_loop3A_433, %parallel_loop3A_434, %parallel_loop3A_435], %parallel_loop3A_420 {strides = array<i32>} : memref<2x64x256xf32, #tpu.memory_space<vmem>>, vector<16xf32>,
        %parallel_loop3A_437 = arith.constant 16384 : i32
        %parallel_loop3A_438 = vector.broadcast %parallel_loop3A_437 : i32 to vector<16xi32>
        %parallel_loop3A_439 = arith.addi %parallel_loop3A_142, %parallel_loop3A_438 : vector<16xi32>
        %parallel_loop3A_440 = tpu.vector_load_idx %arg5[%parallel_loop3A_439] : memref<65536xi32, #tpu.memory_space<vmem>>[vector<16xi32>], vector<16xi32>,
        %parallel_loop3A_441 = arith.constant 16384 : i32
        %parallel_loop3A_442 = vector.broadcast %parallel_loop3A_441 : i32 to vector<16xi32>
        %parallel_loop3A_443 = arith.addi %parallel_loop3A_148, %parallel_loop3A_442 : vector<16xi32>
        %parallel_loop3A_444 = tpu.vector_load_idx %arg5[%parallel_loop3A_443] : memref<65536xi32, #tpu.memory_space<vmem>>[vector<16xi32>], vector<16xi32>,
        %parallel_loop3A_445 = vector.bitcast %parallel_loop3A_440 : vector<16xi32> to vector<32xbf16>
        %parallel_loop3A_446 = vector.bitcast %parallel_loop3A_444 : vector<16xi32> to vector<32xbf16>
        %parallel_loop3A_447 = arith.addf %parallel_loop3A_445, %parallel_loop3A_446 : vector<32xbf16>
        %parallel_loop3A_448 = vector.bitcast %parallel_loop3A_447 : vector<32xbf16> to vector<16xi32>
        %parallel_loop3A_449 = arith.constant 16 : i32
        %parallel_loop3A_450 = vector.broadcast %parallel_loop3A_449 : i32 to vector<16xi32>
        %parallel_loop3A_451 = arith.shli %parallel_loop3A_448, %parallel_loop3A_450 : vector<16xi32>
        %parallel_loop3A_452 = vector.bitcast %parallel_loop3A_451 : vector<16xi32> to vector<16xf32>
        %parallel_loop3A_453 = arith.constant -65536 : i32
        %parallel_loop3A_454 = vector.broadcast %parallel_loop3A_453 : i32 to vector<16xi32>
        %parallel_loop3A_455 = arith.andi %parallel_loop3A_448, %parallel_loop3A_454 : vector<16xi32>
        %parallel_loop3A_456 = vector.bitcast %parallel_loop3A_455 : vector<16xi32> to vector<16xf32>
        %parallel_loop3A_457 = arith.constant 16 : i32
        %parallel_loop3A_458 = arith.muli %parallel_loop3A_133, %parallel_loop3A_457 : i32
        %parallel_loop3A_459 = arith.constant 0 : i32
        %parallel_loop3A_460 = arith.constant 16 : i32
        %parallel_loop3A_461 = arith.index_cast %parallel_loop3A_459 : i32 to index
        %parallel_loop3A_462 = arith.index_cast %parallel_loop3A_460 : i32 to index
        %parallel_loop3A_463 = arith.index_cast %parallel_loop3A_458 : i32 to index
        %parallel_loop3A_464 = tpu.vector_load %arg7[%parallel_loop3A_461, %parallel_loop3A_462, %parallel_loop3A_463] {strides = array<i32>} : memref<2x64x256xf32, #tpu.memory_space<vmem>>, vector<16xf32>,
        tpu.vector_store %arg7[%parallel_loop3A_461, %parallel_loop3A_462, %parallel_loop3A_463], %parallel_loop3A_452 {strides = array<i32>} : memref<2x64x256xf32, #tpu.memory_space<vmem>>, vector<16xf32>,
        %parallel_loop3A_465 = arith.constant 16 : i32
        %parallel_loop3A_466 = arith.muli %parallel_loop3A_133, %parallel_loop3A_465 : i32
        %parallel_loop3A_467 = arith.constant 0 : i32
        %parallel_loop3A_468 = arith.constant 17 : i32
        %parallel_loop3A_469 = arith.index_cast %parallel_loop3A_467 : i32 to index
        %parallel_loop3A_470 = arith.index_cast %parallel_loop3A_468 : i32 to index
        %parallel_loop3A_471 = arith.index_cast %parallel_loop3A_466 : i32 to index
        %parallel_loop3A_472 = tpu.vector_load %arg7[%parallel_loop3A_469, %parallel_loop3A_470, %parallel_loop3A_471] {strides = array<i32>} : memref<2x64x256xf32, #tpu.memory_space<vmem>>, vector<16xf32>,
        tpu.vector_store %arg7[%parallel_loop3A_469, %parallel_loop3A_470, %parallel_loop3A_471], %parallel_loop3A_456 {strides = array<i32>} : memref<2x64x256xf32, #tpu.memory_space<vmem>>, vector<16xf32>,
        %parallel_loop3A_473 = arith.constant 18432 : i32
        %parallel_loop3A_474 = vector.broadcast %parallel_loop3A_473 : i32 to vector<16xi32>
        %parallel_loop3A_475 = arith.addi %parallel_loop3A_142, %parallel_loop3A_474 : vector<16xi32>
        %parallel_loop3A_476 = tpu.vector_load_idx %arg5[%parallel_loop3A_475] : memref<65536xi32, #tpu.memory_space<vmem>>[vector<16xi32>], vector<16xi32>,
        %parallel_loop3A_477 = arith.constant 18432 : i32
        %parallel_loop3A_478 = vector.broadcast %parallel_loop3A_477 : i32 to vector<16xi32>
        %parallel_loop3A_479 = arith.addi %parallel_loop3A_148, %parallel_loop3A_478 : vector<16xi32>
        %parallel_loop3A_480 = tpu.vector_load_idx %arg5[%parallel_loop3A_479] : memref<65536xi32, #tpu.memory_space<vmem>>[vector<16xi32>], vector<16xi32>,
        %parallel_loop3A_481 = vector.bitcast %parallel_loop3A_476 : vector<16xi32> to vector<32xbf16>
        %parallel_loop3A_482 = vector.bitcast %parallel_loop3A_480 : vector<16xi32> to vector<32xbf16>
        %parallel_loop3A_483 = arith.addf %parallel_loop3A_481, %parallel_loop3A_482 : vector<32xbf16>
        %parallel_loop3A_484 = vector.bitcast %parallel_loop3A_483 : vector<32xbf16> to vector<16xi32>
        %parallel_loop3A_485 = arith.constant 16 : i32
        %parallel_loop3A_486 = vector.broadcast %parallel_loop3A_485 : i32 to vector<16xi32>
        %parallel_loop3A_487 = arith.shli %parallel_loop3A_484, %parallel_loop3A_486 : vector<16xi32>
        %parallel_loop3A_488 = vector.bitcast %parallel_loop3A_487 : vector<16xi32> to vector<16xf32>
        %parallel_loop3A_489 = arith.constant -65536 : i32
        %parallel_loop3A_490 = vector.broadcast %parallel_loop3A_489 : i32 to vector<16xi32>
        %parallel_loop3A_491 = arith.andi %parallel_loop3A_484, %parallel_loop3A_490 : vector<16xi32>
        %parallel_loop3A_492 = vector.bitcast %parallel_loop3A_491 : vector<16xi32> to vector<16xf32>
        %parallel_loop3A_493 = arith.constant 16 : i32
        %parallel_loop3A_494 = arith.muli %parallel_loop3A_133, %parallel_loop3A_493 : i32
        %parallel_loop3A_495 = arith.constant 0 : i32
        %parallel_loop3A_496 = arith.constant 18 : i32
        %parallel_loop3A_497 = arith.index_cast %parallel_loop3A_495 : i32 to index
        %parallel_loop3A_498 = arith.index_cast %parallel_loop3A_496 : i32 to index
        %parallel_loop3A_499 = arith.index_cast %parallel_loop3A_494 : i32 to index
        %parallel_loop3A_500 = tpu.vector_load %arg7[%parallel_loop3A_497, %parallel_loop3A_498, %parallel_loop3A_499] {strides = array<i32>} : memref<2x64x256xf32, #tpu.memory_space<vmem>>, vector<16xf32>,
        tpu.vector_store %arg7[%parallel_loop3A_497, %parallel_loop3A_498, %parallel_loop3A_499], %parallel_loop3A_488 {strides = array<i32>} : memref<2x64x256xf32, #tpu.memory_space<vmem>>, vector<16xf32>,
        %parallel_loop3A_501 = arith.constant 16 : i32
        %parallel_loop3A_502 = arith.muli %parallel_loop3A_133, %parallel_loop3A_501 : i32
        %parallel_loop3A_503 = arith.constant 0 : i32
        %parallel_loop3A_504 = arith.constant 19 : i32
        %parallel_loop3A_505 = arith.index_cast %parallel_loop3A_503 : i32 to index
        %parallel_loop3A_506 = arith.index_cast %parallel_loop3A_504 : i32 to index
        %parallel_loop3A_507 = arith.index_cast %parallel_loop3A_502 : i32 to index
        %parallel_loop3A_508 = tpu.vector_load %arg7[%parallel_loop3A_505, %parallel_loop3A_506, %parallel_loop3A_507] {strides = array<i32>} : memref<2x64x256xf32, #tpu.memory_space<vmem>>, vector<16xf32>,
        tpu.vector_store %arg7[%parallel_loop3A_505, %parallel_loop3A_506, %parallel_loop3A_507], %parallel_loop3A_492 {strides = array<i32>} : memref<2x64x256xf32, #tpu.memory_space<vmem>>, vector<16xf32>,
        %parallel_loop3A_509 = arith.constant 20480 : i32
        %parallel_loop3A_510 = vector.broadcast %parallel_loop3A_509 : i32 to vector<16xi32>
        %parallel_loop3A_511 = arith.addi %parallel_loop3A_142, %parallel_loop3A_510 : vector<16xi32>
        %parallel_loop3A_512 = tpu.vector_load_idx %arg5[%parallel_loop3A_511] : memref<65536xi32, #tpu.memory_space<vmem>>[vector<16xi32>], vector<16xi32>,
        %parallel_loop3A_513 = arith.constant 20480 : i32
        %parallel_loop3A_514 = vector.broadcast %parallel_loop3A_513 : i32 to vector<16xi32>
        %parallel_loop3A_515 = arith.addi %parallel_loop3A_148, %parallel_loop3A_514 : vector<16xi32>
        %parallel_loop3A_516 = tpu.vector_load_idx %arg5[%parallel_loop3A_515] : memref<65536xi32, #tpu.memory_space<vmem>>[vector<16xi32>], vector<16xi32>,
        %parallel_loop3A_517 = vector.bitcast %parallel_loop3A_512 : vector<16xi32> to vector<32xbf16>
        %parallel_loop3A_518 = vector.bitcast %parallel_loop3A_516 : vector<16xi32> to vector<32xbf16>
        %parallel_loop3A_519 = arith.addf %parallel_loop3A_517, %parallel_loop3A_518 : vector<32xbf16>
        %parallel_loop3A_520 = vector.bitcast %parallel_loop3A_519 : vector<32xbf16> to vector<16xi32>
        %parallel_loop3A_521 = arith.constant 16 : i32
        %parallel_loop3A_522 = vector.broadcast %parallel_loop3A_521 : i32 to vector<16xi32>
        %parallel_loop3A_523 = arith.shli %parallel_loop3A_520, %parallel_loop3A_522 : vector<16xi32>
        %parallel_loop3A_524 = vector.bitcast %parallel_loop3A_523 : vector<16xi32> to vector<16xf32>
        %parallel_loop3A_525 = arith.constant -65536 : i32
        %parallel_loop3A_526 = vector.broadcast %parallel_loop3A_525 : i32 to vector<16xi32>
        %parallel_loop3A_527 = arith.andi %parallel_loop3A_520, %parallel_loop3A_526 : vector<16xi32>
        %parallel_loop3A_528 = vector.bitcast %parallel_loop3A_527 : vector<16xi32> to vector<16xf32>
        %parallel_loop3A_529 = arith.constant 16 : i32
        %parallel_loop3A_530 = arith.muli %parallel_loop3A_133, %parallel_loop3A_529 : i32
        %parallel_loop3A_531 = arith.constant 0 : i32
        %parallel_loop3A_532 = arith.constant 20 : i32
        %parallel_loop3A_533 = arith.index_cast %parallel_loop3A_531 : i32 to index
        %parallel_loop3A_534 = arith.index_cast %parallel_loop3A_532 : i32 to index
        %parallel_loop3A_535 = arith.index_cast %parallel_loop3A_530 : i32 to index
        %parallel_loop3A_536 = tpu.vector_load %arg7[%parallel_loop3A_533, %parallel_loop3A_534, %parallel_loop3A_535] {strides = array<i32>} : memref<2x64x256xf32, #tpu.memory_space<vmem>>, vector<16xf32>,
        tpu.vector_store %arg7[%parallel_loop3A_533, %parallel_loop3A_534, %parallel_loop3A_535], %parallel_loop3A_524 {strides = array<i32>} : memref<2x64x256xf32, #tpu.memory_space<vmem>>, vector<16xf32>,
        %parallel_loop3A_537 = arith.constant 16 : i32
        %parallel_loop3A_538 = arith.muli %parallel_loop3A_133, %parallel_loop3A_537 : i32
        %parallel_loop3A_539 = arith.constant 0 : i32
        %parallel_loop3A_540 = arith.constant 21 : i32
        %parallel_loop3A_541 = arith.index_cast %parallel_loop3A_539 : i32 to index
        %parallel_loop3A_542 = arith.index_cast %parallel_loop3A_540 : i32 to index
        %parallel_loop3A_543 = arith.index_cast %parallel_loop3A_538 : i32 to index
        %parallel_loop3A_544 = tpu.vector_load %arg7[%parallel_loop3A_541, %parallel_loop3A_542, %parallel_loop3A_543] {strides = array<i32>} : memref<2x64x256xf32, #tpu.memory_space<vmem>>, vector<16xf32>,
        tpu.vector_store %arg7[%parallel_loop3A_541, %parallel_loop3A_542, %parallel_loop3A_543], %parallel_loop3A_528 {strides = array<i32>} : memref<2x64x256xf32, #tpu.memory_space<vmem>>, vector<16xf32>,
        %parallel_loop3A_545 = arith.constant 22528 : i32
        %parallel_loop3A_546 = vector.broadcast %parallel_loop3A_545 : i32 to vector<16xi32>
        %parallel_loop3A_547 = arith.addi %parallel_loop3A_142, %parallel_loop3A_546 : vector<16xi32>
        %parallel_loop3A_548 = tpu.vector_load_idx %arg5[%parallel_loop3A_547] : memref<65536xi32, #tpu.memory_space<vmem>>[vector<16xi32>], vector<16xi32>,
        %parallel_loop3A_549 = arith.constant 22528 : i32
        %parallel_loop3A_550 = vector.broadcast %parallel_loop3A_549 : i32 to vector<16xi32>
        %parallel_loop3A_551 = arith.addi %parallel_loop3A_148, %parallel_loop3A_550 : vector<16xi32>
        %parallel_loop3A_552 = tpu.vector_load_idx %arg5[%parallel_loop3A_551] : memref<65536xi32, #tpu.memory_space<vmem>>[vector<16xi32>], vector<16xi32>,
        %parallel_loop3A_553 = vector.bitcast %parallel_loop3A_548 : vector<16xi32> to vector<32xbf16>
        %parallel_loop3A_554 = vector.bitcast %parallel_loop3A_552 : vector<16xi32> to vector<32xbf16>
        %parallel_loop3A_555 = arith.addf %parallel_loop3A_553, %parallel_loop3A_554 : vector<32xbf16>
        %parallel_loop3A_556 = vector.bitcast %parallel_loop3A_555 : vector<32xbf16> to vector<16xi32>
        %parallel_loop3A_557 = arith.constant 16 : i32
        %parallel_loop3A_558 = vector.broadcast %parallel_loop3A_557 : i32 to vector<16xi32>
        %parallel_loop3A_559 = arith.shli %parallel_loop3A_556, %parallel_loop3A_558 : vector<16xi32>
        %parallel_loop3A_560 = vector.bitcast %parallel_loop3A_559 : vector<16xi32> to vector<16xf32>
        %parallel_loop3A_561 = arith.constant -65536 : i32
        %parallel_loop3A_562 = vector.broadcast %parallel_loop3A_561 : i32 to vector<16xi32>
        %parallel_loop3A_563 = arith.andi %parallel_loop3A_556, %parallel_loop3A_562 : vector<16xi32>
        %parallel_loop3A_564 = vector.bitcast %parallel_loop3A_563 : vector<16xi32> to vector<16xf32>
        %parallel_loop3A_565 = arith.constant 16 : i32
        %parallel_loop3A_566 = arith.muli %parallel_loop3A_133, %parallel_loop3A_565 : i32
        %parallel_loop3A_567 = arith.constant 0 : i32
        %parallel_loop3A_568 = arith.constant 22 : i32
        %parallel_loop3A_569 = arith.index_cast %parallel_loop3A_567 : i32 to index
        %parallel_loop3A_570 = arith.index_cast %parallel_loop3A_568 : i32 to index
        %parallel_loop3A_571 = arith.index_cast %parallel_loop3A_566 : i32 to index
        %parallel_loop3A_572 = tpu.vector_load %arg7[%parallel_loop3A_569, %parallel_loop3A_570, %parallel_loop3A_571] {strides = array<i32>} : memref<2x64x256xf32, #tpu.memory_space<vmem>>, vector<16xf32>,
        tpu.vector_store %arg7[%parallel_loop3A_569, %parallel_loop3A_570, %parallel_loop3A_571], %parallel_loop3A_560 {strides = array<i32>} : memref<2x64x256xf32, #tpu.memory_space<vmem>>, vector<16xf32>,
        %parallel_loop3A_573 = arith.constant 16 : i32
        %parallel_loop3A_574 = arith.muli %parallel_loop3A_133, %parallel_loop3A_573 : i32
        %parallel_loop3A_575 = arith.constant 0 : i32
        %parallel_loop3A_576 = arith.constant 23 : i32
        %parallel_loop3A_577 = arith.index_cast %parallel_loop3A_575 : i32 to index
        %parallel_loop3A_578 = arith.index_cast %parallel_loop3A_576 : i32 to index
        %parallel_loop3A_579 = arith.index_cast %parallel_loop3A_574 : i32 to index
        %parallel_loop3A_580 = tpu.vector_load %arg7[%parallel_loop3A_577, %parallel_loop3A_578, %parallel_loop3A_579] {strides = array<i32>} : memref<2x64x256xf32, #tpu.memory_space<vmem>>, vector<16xf32>,
        tpu.vector_store %arg7[%parallel_loop3A_577, %parallel_loop3A_578, %parallel_loop3A_579], %parallel_loop3A_564 {strides = array<i32>} : memref<2x64x256xf32, #tpu.memory_space<vmem>>, vector<16xf32>,
        %parallel_loop3A_581 = arith.constant 24576 : i32
        %parallel_loop3A_582 = vector.broadcast %parallel_loop3A_581 : i32 to vector<16xi32>
        %parallel_loop3A_583 = arith.addi %parallel_loop3A_142, %parallel_loop3A_582 : vector<16xi32>
        %parallel_loop3A_584 = tpu.vector_load_idx %arg5[%parallel_loop3A_583] : memref<65536xi32, #tpu.memory_space<vmem>>[vector<16xi32>], vector<16xi32>,
        %parallel_loop3A_585 = arith.constant 24576 : i32
        %parallel_loop3A_586 = vector.broadcast %parallel_loop3A_585 : i32 to vector<16xi32>
        %parallel_loop3A_587 = arith.addi %parallel_loop3A_148, %parallel_loop3A_586 : vector<16xi32>
        %parallel_loop3A_588 = tpu.vector_load_idx %arg5[%parallel_loop3A_587] : memref<65536xi32, #tpu.memory_space<vmem>>[vector<16xi32>], vector<16xi32>,
        %parallel_loop3A_589 = vector.bitcast %parallel_loop3A_584 : vector<16xi32> to vector<32xbf16>
        %parallel_loop3A_590 = vector.bitcast %parallel_loop3A_588 : vector<16xi32> to vector<32xbf16>
        %parallel_loop3A_591 = arith.addf %parallel_loop3A_589, %parallel_loop3A_590 : vector<32xbf16>
        %parallel_loop3A_592 = vector.bitcast %parallel_loop3A_591 : vector<32xbf16> to vector<16xi32>
        %parallel_loop3A_593 = arith.constant 16 : i32
        %parallel_loop3A_594 = vector.broadcast %parallel_loop3A_593 : i32 to vector<16xi32>
        %parallel_loop3A_595 = arith.shli %parallel_loop3A_592, %parallel_loop3A_594 : vector<16xi32>
        %parallel_loop3A_596 = vector.bitcast %parallel_loop3A_595 : vector<16xi32> to vector<16xf32>
        %parallel_loop3A_597 = arith.constant -65536 : i32
        %parallel_loop3A_598 = vector.broadcast %parallel_loop3A_597 : i32 to vector<16xi32>
        %parallel_loop3A_599 = arith.andi %parallel_loop3A_592, %parallel_loop3A_598 : vector<16xi32>
        %parallel_loop3A_600 = vector.bitcast %parallel_loop3A_599 : vector<16xi32> to vector<16xf32>
        %parallel_loop3A_601 = arith.constant 16 : i32
        %parallel_loop3A_602 = arith.muli %parallel_loop3A_133, %parallel_loop3A_601 : i32
        %parallel_loop3A_603 = arith.constant 0 : i32
        %parallel_loop3A_604 = arith.constant 24 : i32
        %parallel_loop3A_605 = arith.index_cast %parallel_loop3A_603 : i32 to index
        %parallel_loop3A_606 = arith.index_cast %parallel_loop3A_604 : i32 to index
        %parallel_loop3A_607 = arith.index_cast %parallel_loop3A_602 : i32 to index
        %parallel_loop3A_608 = tpu.vector_load %arg7[%parallel_loop3A_605, %parallel_loop3A_606, %parallel_loop3A_607] {strides = array<i32>} : memref<2x64x256xf32, #tpu.memory_space<vmem>>, vector<16xf32>,
        tpu.vector_store %arg7[%parallel_loop3A_605, %parallel_loop3A_606, %parallel_loop3A_607], %parallel_loop3A_596 {strides = array<i32>} : memref<2x64x256xf32, #tpu.memory_space<vmem>>, vector<16xf32>,
        %parallel_loop3A_609 = arith.constant 16 : i32
        %parallel_loop3A_610 = arith.muli %parallel_loop3A_133, %parallel_loop3A_609 : i32
        %parallel_loop3A_611 = arith.constant 0 : i32
        %parallel_loop3A_612 = arith.constant 25 : i32
        %parallel_loop3A_613 = arith.index_cast %parallel_loop3A_611 : i32 to index
        %parallel_loop3A_614 = arith.index_cast %parallel_loop3A_612 : i32 to index
        %parallel_loop3A_615 = arith.index_cast %parallel_loop3A_610 : i32 to index
        %parallel_loop3A_616 = tpu.vector_load %arg7[%parallel_loop3A_613, %parallel_loop3A_614, %parallel_loop3A_615] {strides = array<i32>} : memref<2x64x256xf32, #tpu.memory_space<vmem>>, vector<16xf32>,
        tpu.vector_store %arg7[%parallel_loop3A_613, %parallel_loop3A_614, %parallel_loop3A_615], %parallel_loop3A_600 {strides = array<i32>} : memref<2x64x256xf32, #tpu.memory_space<vmem>>, vector<16xf32>,
        %parallel_loop3A_617 = arith.constant 26624 : i32
        %parallel_loop3A_618 = vector.broadcast %parallel_loop3A_617 : i32 to vector<16xi32>
        %parallel_loop3A_619 = arith.addi %parallel_loop3A_142, %parallel_loop3A_618 : vector<16xi32>
        %parallel_loop3A_620 = tpu.vector_load_idx %arg5[%parallel_loop3A_619] : memref<65536xi32, #tpu.memory_space<vmem>>[vector<16xi32>], vector<16xi32>,
        %parallel_loop3A_621 = arith.constant 26624 : i32
        %parallel_loop3A_622 = vector.broadcast %parallel_loop3A_621 : i32 to vector<16xi32>
        %parallel_loop3A_623 = arith.addi %parallel_loop3A_148, %parallel_loop3A_622 : vector<16xi32>
        %parallel_loop3A_624 = tpu.vector_load_idx %arg5[%parallel_loop3A_623] : memref<65536xi32, #tpu.memory_space<vmem>>[vector<16xi32>], vector<16xi32>,
        %parallel_loop3A_625 = vector.bitcast %parallel_loop3A_620 : vector<16xi32> to vector<32xbf16>
        %parallel_loop3A_626 = vector.bitcast %parallel_loop3A_624 : vector<16xi32> to vector<32xbf16>
        %parallel_loop3A_627 = arith.addf %parallel_loop3A_625, %parallel_loop3A_626 : vector<32xbf16>
        %parallel_loop3A_628 = vector.bitcast %parallel_loop3A_627 : vector<32xbf16> to vector<16xi32>
        %parallel_loop3A_629 = arith.constant 16 : i32
        %parallel_loop3A_630 = vector.broadcast %parallel_loop3A_629 : i32 to vector<16xi32>
        %parallel_loop3A_631 = arith.shli %parallel_loop3A_628, %parallel_loop3A_630 : vector<16xi32>
        %parallel_loop3A_632 = vector.bitcast %parallel_loop3A_631 : vector<16xi32> to vector<16xf32>
        %parallel_loop3A_633 = arith.constant -65536 : i32
        %parallel_loop3A_634 = vector.broadcast %parallel_loop3A_633 : i32 to vector<16xi32>
        %parallel_loop3A_635 = arith.andi %parallel_loop3A_628, %parallel_loop3A_634 : vector<16xi32>
        %parallel_loop3A_636 = vector.bitcast %parallel_loop3A_635 : vector<16xi32> to vector<16xf32>
        %parallel_loop3A_637 = arith.constant 16 : i32
        %parallel_loop3A_638 = arith.muli %parallel_loop3A_133, %parallel_loop3A_637 : i32
        %parallel_loop3A_639 = arith.constant 0 : i32
        %parallel_loop3A_640 = arith.constant 26 : i32
        %parallel_loop3A_641 = arith.index_cast %parallel_loop3A_639 : i32 to index
        %parallel_loop3A_642 = arith.index_cast %parallel_loop3A_640 : i32 to index
        %parallel_loop3A_643 = arith.index_cast %parallel_loop3A_638 : i32 to index
        %parallel_loop3A_644 = tpu.vector_load %arg7[%parallel_loop3A_641, %parallel_loop3A_642, %parallel_loop3A_643] {strides = array<i32>} : memref<2x64x256xf32, #tpu.memory_space<vmem>>, vector<16xf32>,
        tpu.vector_store %arg7[%parallel_loop3A_641, %parallel_loop3A_642, %parallel_loop3A_643], %parallel_loop3A_632 {strides = array<i32>} : memref<2x64x256xf32, #tpu.memory_space<vmem>>, vector<16xf32>,
        %parallel_loop3A_645 = arith.constant 16 : i32
        %parallel_loop3A_646 = arith.muli %parallel_loop3A_133, %parallel_loop3A_645 : i32
        %parallel_loop3A_647 = arith.constant 0 : i32
        %parallel_loop3A_648 = arith.constant 27 : i32
        %parallel_loop3A_649 = arith.index_cast %parallel_loop3A_647 : i32 to index
        %parallel_loop3A_650 = arith.index_cast %parallel_loop3A_648 : i32 to index
        %parallel_loop3A_651 = arith.index_cast %parallel_loop3A_646 : i32 to index
        %parallel_loop3A_652 = tpu.vector_load %arg7[%parallel_loop3A_649, %parallel_loop3A_650, %parallel_loop3A_651] {strides = array<i32>} : memref<2x64x256xf32, #tpu.memory_space<vmem>>, vector<16xf32>,
        tpu.vector_store %arg7[%parallel_loop3A_649, %parallel_loop3A_650, %parallel_loop3A_651], %parallel_loop3A_636 {strides = array<i32>} : memref<2x64x256xf32, #tpu.memory_space<vmem>>, vector<16xf32>,
        %parallel_loop3A_653 = arith.constant 28672 : i32
        %parallel_loop3A_654 = vector.broadcast %parallel_loop3A_653 : i32 to vector<16xi32>
        %parallel_loop3A_655 = arith.addi %parallel_loop3A_142, %parallel_loop3A_654 : vector<16xi32>
        %parallel_loop3A_656 = tpu.vector_load_idx %arg5[%parallel_loop3A_655] : memref<65536xi32, #tpu.memory_space<vmem>>[vector<16xi32>], vector<16xi32>,
        %parallel_loop3A_657 = arith.constant 28672 : i32
        %parallel_loop3A_658 = vector.broadcast %parallel_loop3A_657 : i32 to vector<16xi32>
        %parallel_loop3A_659 = arith.addi %parallel_loop3A_148, %parallel_loop3A_658 : vector<16xi32>
        %parallel_loop3A_660 = tpu.vector_load_idx %arg5[%parallel_loop3A_659] : memref<65536xi32, #tpu.memory_space<vmem>>[vector<16xi32>], vector<16xi32>,
        %parallel_loop3A_661 = vector.bitcast %parallel_loop3A_656 : vector<16xi32> to vector<32xbf16>
        %parallel_loop3A_662 = vector.bitcast %parallel_loop3A_660 : vector<16xi32> to vector<32xbf16>
        %parallel_loop3A_663 = arith.addf %parallel_loop3A_661, %parallel_loop3A_662 : vector<32xbf16>
        %parallel_loop3A_664 = vector.bitcast %parallel_loop3A_663 : vector<32xbf16> to vector<16xi32>
        %parallel_loop3A_665 = arith.constant 16 : i32
        %parallel_loop3A_666 = vector.broadcast %parallel_loop3A_665 : i32 to vector<16xi32>
        %parallel_loop3A_667 = arith.shli %parallel_loop3A_664, %parallel_loop3A_666 : vector<16xi32>
        %parallel_loop3A_668 = vector.bitcast %parallel_loop3A_667 : vector<16xi32> to vector<16xf32>
        %parallel_loop3A_669 = arith.constant -65536 : i32
        %parallel_loop3A_670 = vector.broadcast %parallel_loop3A_669 : i32 to vector<16xi32>
        %parallel_loop3A_671 = arith.andi %parallel_loop3A_664, %parallel_loop3A_670 : vector<16xi32>
        %parallel_loop3A_672 = vector.bitcast %parallel_loop3A_671 : vector<16xi32> to vector<16xf32>
        %parallel_loop3A_673 = arith.constant 16 : i32
        %parallel_loop3A_674 = arith.muli %parallel_loop3A_133, %parallel_loop3A_673 : i32
        %parallel_loop3A_675 = arith.constant 0 : i32
        %parallel_loop3A_676 = arith.constant 28 : i32
        %parallel_loop3A_677 = arith.index_cast %parallel_loop3A_675 : i32 to index
        %parallel_loop3A_678 = arith.index_cast %parallel_loop3A_676 : i32 to index
        %parallel_loop3A_679 = arith.index_cast %parallel_loop3A_674 : i32 to index
        %parallel_loop3A_680 = tpu.vector_load %arg7[%parallel_loop3A_677, %parallel_loop3A_678, %parallel_loop3A_679] {strides = array<i32>} : memref<2x64x256xf32, #tpu.memory_space<vmem>>, vector<16xf32>,
        tpu.vector_store %arg7[%parallel_loop3A_677, %parallel_loop3A_678, %parallel_loop3A_679], %parallel_loop3A_668 {strides = array<i32>} : memref<2x64x256xf32, #tpu.memory_space<vmem>>, vector<16xf32>,
        %parallel_loop3A_681 = arith.constant 16 : i32
        %parallel_loop3A_682 = arith.muli %parallel_loop3A_133, %parallel_loop3A_681 : i32
        %parallel_loop3A_683 = arith.constant 0 : i32
        %parallel_loop3A_684 = arith.constant 29 : i32
        %parallel_loop3A_685 = arith.index_cast %parallel_loop3A_683 : i32 to index
        %parallel_loop3A_686 = arith.index_cast %parallel_loop3A_684 : i32 to index
        %parallel_loop3A_687 = arith.index_cast %parallel_loop3A_682 : i32 to index
        %parallel_loop3A_688 = tpu.vector_load %arg7[%parallel_loop3A_685, %parallel_loop3A_686, %parallel_loop3A_687] {strides = array<i32>} : memref<2x64x256xf32, #tpu.memory_space<vmem>>, vector<16xf32>,
        tpu.vector_store %arg7[%parallel_loop3A_685, %parallel_loop3A_686, %parallel_loop3A_687], %parallel_loop3A_672 {strides = array<i32>} : memref<2x64x256xf32, #tpu.memory_space<vmem>>, vector<16xf32>,
        %parallel_loop3A_689 = arith.constant 30720 : i32
        %parallel_loop3A_690 = vector.broadcast %parallel_loop3A_689 : i32 to vector<16xi32>
        %parallel_loop3A_691 = arith.addi %parallel_loop3A_142, %parallel_loop3A_690 : vector<16xi32>
        %parallel_loop3A_692 = tpu.vector_load_idx %arg5[%parallel_loop3A_691] : memref<65536xi32, #tpu.memory_space<vmem>>[vector<16xi32>], vector<16xi32>,
        %parallel_loop3A_693 = arith.constant 30720 : i32
        %parallel_loop3A_694 = vector.broadcast %parallel_loop3A_693 : i32 to vector<16xi32>
        %parallel_loop3A_695 = arith.addi %parallel_loop3A_148, %parallel_loop3A_694 : vector<16xi32>
        %parallel_loop3A_696 = tpu.vector_load_idx %arg5[%parallel_loop3A_695] : memref<65536xi32, #tpu.memory_space<vmem>>[vector<16xi32>], vector<16xi32>,
        %parallel_loop3A_697 = vector.bitcast %parallel_loop3A_692 : vector<16xi32> to vector<32xbf16>
        %parallel_loop3A_698 = vector.bitcast %parallel_loop3A_696 : vector<16xi32> to vector<32xbf16>
        %parallel_loop3A_699 = arith.addf %parallel_loop3A_697, %parallel_loop3A_698 : vector<32xbf16>
        %parallel_loop3A_700 = vector.bitcast %parallel_loop3A_699 : vector<32xbf16> to vector<16xi32>
        %parallel_loop3A_701 = arith.constant 16 : i32
        %parallel_loop3A_702 = vector.broadcast %parallel_loop3A_701 : i32 to vector<16xi32>
        %parallel_loop3A_703 = arith.shli %parallel_loop3A_700, %parallel_loop3A_702 : vector<16xi32>
        %parallel_loop3A_704 = vector.bitcast %parallel_loop3A_703 : vector<16xi32> to vector<16xf32>
        %parallel_loop3A_705 = arith.constant -65536 : i32
        %parallel_loop3A_706 = vector.broadcast %parallel_loop3A_705 : i32 to vector<16xi32>
        %parallel_loop3A_707 = arith.andi %parallel_loop3A_700, %parallel_loop3A_706 : vector<16xi32>
        %parallel_loop3A_708 = vector.bitcast %parallel_loop3A_707 : vector<16xi32> to vector<16xf32>
        %parallel_loop3A_709 = arith.constant 16 : i32
        %parallel_loop3A_710 = arith.muli %parallel_loop3A_133, %parallel_loop3A_709 : i32
        %parallel_loop3A_711 = arith.constant 0 : i32
        %parallel_loop3A_712 = arith.constant 30 : i32
        %parallel_loop3A_713 = arith.index_cast %parallel_loop3A_711 : i32 to index
        %parallel_loop3A_714 = arith.index_cast %parallel_loop3A_712 : i32 to index
        %parallel_loop3A_715 = arith.index_cast %parallel_loop3A_710 : i32 to index
        %parallel_loop3A_716 = tpu.vector_load %arg7[%parallel_loop3A_713, %parallel_loop3A_714, %parallel_loop3A_715] {strides = array<i32>} : memref<2x64x256xf32, #tpu.memory_space<vmem>>, vector<16xf32>,
        tpu.vector_store %arg7[%parallel_loop3A_713, %parallel_loop3A_714, %parallel_loop3A_715], %parallel_loop3A_704 {strides = array<i32>} : memref<2x64x256xf32, #tpu.memory_space<vmem>>, vector<16xf32>,
        %parallel_loop3A_717 = arith.constant 16 : i32
        %parallel_loop3A_718 = arith.muli %parallel_loop3A_133, %parallel_loop3A_717 : i32
        %parallel_loop3A_719 = arith.constant 0 : i32
        %parallel_loop3A_720 = arith.constant 31 : i32
        %parallel_loop3A_721 = arith.index_cast %parallel_loop3A_719 : i32 to index
        %parallel_loop3A_722 = arith.index_cast %parallel_loop3A_720 : i32 to index
        %parallel_loop3A_723 = arith.index_cast %parallel_loop3A_718 : i32 to index
        %parallel_loop3A_724 = tpu.vector_load %arg7[%parallel_loop3A_721, %parallel_loop3A_722, %parallel_loop3A_723] {strides = array<i32>} : memref<2x64x256xf32, #tpu.memory_space<vmem>>, vector<16xf32>,
        tpu.vector_store %arg7[%parallel_loop3A_721, %parallel_loop3A_722, %parallel_loop3A_723], %parallel_loop3A_708 {strides = array<i32>} : memref<2x64x256xf32, #tpu.memory_space<vmem>>, vector<16xf32>,
        %parallel_loop3A_725 = arith.constant 32768 : i32
        %parallel_loop3A_726 = vector.broadcast %parallel_loop3A_725 : i32 to vector<16xi32>
        %parallel_loop3A_727 = arith.addi %parallel_loop3A_142, %parallel_loop3A_726 : vector<16xi32>
        %parallel_loop3A_728 = tpu.vector_load_idx %arg5[%parallel_loop3A_727] : memref<65536xi32, #tpu.memory_space<vmem>>[vector<16xi32>], vector<16xi32>,
        %parallel_loop3A_729 = arith.constant 32768 : i32
        %parallel_loop3A_730 = vector.broadcast %parallel_loop3A_729 : i32 to vector<16xi32>
        %parallel_loop3A_731 = arith.addi %parallel_loop3A_148, %parallel_loop3A_730 : vector<16xi32>
        %parallel_loop3A_732 = tpu.vector_load_idx %arg5[%parallel_loop3A_731] : memref<65536xi32, #tpu.memory_space<vmem>>[vector<16xi32>], vector<16xi32>,
        %parallel_loop3A_733 = vector.bitcast %parallel_loop3A_728 : vector<16xi32> to vector<32xbf16>
        %parallel_loop3A_734 = vector.bitcast %parallel_loop3A_732 : vector<16xi32> to vector<32xbf16>
        %parallel_loop3A_735 = arith.addf %parallel_loop3A_733, %parallel_loop3A_734 : vector<32xbf16>
        %parallel_loop3A_736 = vector.bitcast %parallel_loop3A_735 : vector<32xbf16> to vector<16xi32>
        %parallel_loop3A_737 = arith.constant 16 : i32
        %parallel_loop3A_738 = vector.broadcast %parallel_loop3A_737 : i32 to vector<16xi32>
        %parallel_loop3A_739 = arith.shli %parallel_loop3A_736, %parallel_loop3A_738 : vector<16xi32>
        %parallel_loop3A_740 = vector.bitcast %parallel_loop3A_739 : vector<16xi32> to vector<16xf32>
        %parallel_loop3A_741 = arith.constant -65536 : i32
        %parallel_loop3A_742 = vector.broadcast %parallel_loop3A_741 : i32 to vector<16xi32>
        %parallel_loop3A_743 = arith.andi %parallel_loop3A_736, %parallel_loop3A_742 : vector<16xi32>
        %parallel_loop3A_744 = vector.bitcast %parallel_loop3A_743 : vector<16xi32> to vector<16xf32>
        %parallel_loop3A_745 = arith.constant 16 : i32
        %parallel_loop3A_746 = arith.muli %parallel_loop3A_133, %parallel_loop3A_745 : i32
        %parallel_loop3A_747 = arith.constant 0 : i32
        %parallel_loop3A_748 = arith.constant 32 : i32
        %parallel_loop3A_749 = arith.index_cast %parallel_loop3A_747 : i32 to index
        %parallel_loop3A_750 = arith.index_cast %parallel_loop3A_748 : i32 to index
        %parallel_loop3A_751 = arith.index_cast %parallel_loop3A_746 : i32 to index
        %parallel_loop3A_752 = tpu.vector_load %arg7[%parallel_loop3A_749, %parallel_loop3A_750, %parallel_loop3A_751] {strides = array<i32>} : memref<2x64x256xf32, #tpu.memory_space<vmem>>, vector<16xf32>,
        tpu.vector_store %arg7[%parallel_loop3A_749, %parallel_loop3A_750, %parallel_loop3A_751], %parallel_loop3A_740 {strides = array<i32>} : memref<2x64x256xf32, #tpu.memory_space<vmem>>, vector<16xf32>,
        %parallel_loop3A_753 = arith.constant 16 : i32
        %parallel_loop3A_754 = arith.muli %parallel_loop3A_133, %parallel_loop3A_753 : i32
        %parallel_loop3A_755 = arith.constant 0 : i32
        %parallel_loop3A_756 = arith.constant 33 : i32
        %parallel_loop3A_757 = arith.index_cast %parallel_loop3A_755 : i32 to index
        %parallel_loop3A_758 = arith.index_cast %parallel_loop3A_756 : i32 to index
        %parallel_loop3A_759 = arith.index_cast %parallel_loop3A_754 : i32 to index
        %parallel_loop3A_760 = tpu.vector_load %arg7[%parallel_loop3A_757, %parallel_loop3A_758, %parallel_loop3A_759] {strides = array<i32>} : memref<2x64x256xf32, #tpu.memory_space<vmem>>, vector<16xf32>,
        tpu.vector_store %arg7[%parallel_loop3A_757, %parallel_loop3A_758, %parallel_loop3A_759], %parallel_loop3A_744 {strides = array<i32>} : memref<2x64x256xf32, #tpu.memory_space<vmem>>, vector<16xf32>,
        %parallel_loop3A_761 = arith.constant 34816 : i32
        %parallel_loop3A_762 = vector.broadcast %parallel_loop3A_761 : i32 to vector<16xi32>
        %parallel_loop3A_763 = arith.addi %parallel_loop3A_142, %parallel_loop3A_762 : vector<16xi32>
        %parallel_loop3A_764 = tpu.vector_load_idx %arg5[%parallel_loop3A_763] : memref<65536xi32, #tpu.memory_space<vmem>>[vector<16xi32>], vector<16xi32>,
        %parallel_loop3A_765 = arith.constant 34816 : i32
        %parallel_loop3A_766 = vector.broadcast %parallel_loop3A_765 : i32 to vector<16xi32>
        %parallel_loop3A_767 = arith.addi %parallel_loop3A_148, %parallel_loop3A_766 : vector<16xi32>
        %parallel_loop3A_768 = tpu.vector_load_idx %arg5[%parallel_loop3A_767] : memref<65536xi32, #tpu.memory_space<vmem>>[vector<16xi32>], vector<16xi32>,
        %parallel_loop3A_769 = vector.bitcast %parallel_loop3A_764 : vector<16xi32> to vector<32xbf16>
        %parallel_loop3A_770 = vector.bitcast %parallel_loop3A_768 : vector<16xi32> to vector<32xbf16>
        %parallel_loop3A_771 = arith.addf %parallel_loop3A_769, %parallel_loop3A_770 : vector<32xbf16>
        %parallel_loop3A_772 = vector.bitcast %parallel_loop3A_771 : vector<32xbf16> to vector<16xi32>
        %parallel_loop3A_773 = arith.constant 16 : i32
        %parallel_loop3A_774 = vector.broadcast %parallel_loop3A_773 : i32 to vector<16xi32>
        %parallel_loop3A_775 = arith.shli %parallel_loop3A_772, %parallel_loop3A_774 : vector<16xi32>
        %parallel_loop3A_776 = vector.bitcast %parallel_loop3A_775 : vector<16xi32> to vector<16xf32>
        %parallel_loop3A_777 = arith.constant -65536 : i32
        %parallel_loop3A_778 = vector.broadcast %parallel_loop3A_777 : i32 to vector<16xi32>
        %parallel_loop3A_779 = arith.andi %parallel_loop3A_772, %parallel_loop3A_778 : vector<16xi32>
        %parallel_loop3A_780 = vector.bitcast %parallel_loop3A_779 : vector<16xi32> to vector<16xf32>
        %parallel_loop3A_781 = arith.constant 16 : i32
        %parallel_loop3A_782 = arith.muli %parallel_loop3A_133, %parallel_loop3A_781 : i32
        %parallel_loop3A_783 = arith.constant 0 : i32
        %parallel_loop3A_784 = arith.constant 34 : i32
        %parallel_loop3A_785 = arith.index_cast %parallel_loop3A_783 : i32 to index
        %parallel_loop3A_786 = arith.index_cast %parallel_loop3A_784 : i32 to index
        %parallel_loop3A_787 = arith.index_cast %parallel_loop3A_782 : i32 to index
        %parallel_loop3A_788 = tpu.vector_load %arg7[%parallel_loop3A_785, %parallel_loop3A_786, %parallel_loop3A_787] {strides = array<i32>} : memref<2x64x256xf32, #tpu.memory_space<vmem>>, vector<16xf32>,
        tpu.vector_store %arg7[%parallel_loop3A_785, %parallel_loop3A_786, %parallel_loop3A_787], %parallel_loop3A_776 {strides = array<i32>} : memref<2x64x256xf32, #tpu.memory_space<vmem>>, vector<16xf32>,
        %parallel_loop3A_789 = arith.constant 16 : i32
        %parallel_loop3A_790 = arith.muli %parallel_loop3A_133, %parallel_loop3A_789 : i32
        %parallel_loop3A_791 = arith.constant 0 : i32
        %parallel_loop3A_792 = arith.constant 35 : i32
        %parallel_loop3A_793 = arith.index_cast %parallel_loop3A_791 : i32 to index
        %parallel_loop3A_794 = arith.index_cast %parallel_loop3A_792 : i32 to index
        %parallel_loop3A_795 = arith.index_cast %parallel_loop3A_790 : i32 to index
        %parallel_loop3A_796 = tpu.vector_load %arg7[%parallel_loop3A_793, %parallel_loop3A_794, %parallel_loop3A_795] {strides = array<i32>} : memref<2x64x256xf32, #tpu.memory_space<vmem>>, vector<16xf32>,
        tpu.vector_store %arg7[%parallel_loop3A_793, %parallel_loop3A_794, %parallel_loop3A_795], %parallel_loop3A_780 {strides = array<i32>} : memref<2x64x256xf32, #tpu.memory_space<vmem>>, vector<16xf32>,
        %parallel_loop3A_797 = arith.constant 36864 : i32
        %parallel_loop3A_798 = vector.broadcast %parallel_loop3A_797 : i32 to vector<16xi32>
        %parallel_loop3A_799 = arith.addi %parallel_loop3A_142, %parallel_loop3A_798 : vector<16xi32>
        %parallel_loop3A_800 = tpu.vector_load_idx %arg5[%parallel_loop3A_799] : memref<65536xi32, #tpu.memory_space<vmem>>[vector<16xi32>], vector<16xi32>,
        %parallel_loop3A_801 = arith.constant 36864 : i32
        %parallel_loop3A_802 = vector.broadcast %parallel_loop3A_801 : i32 to vector<16xi32>
        %parallel_loop3A_803 = arith.addi %parallel_loop3A_148, %parallel_loop3A_802 : vector<16xi32>
        %parallel_loop3A_804 = tpu.vector_load_idx %arg5[%parallel_loop3A_803] : memref<65536xi32, #tpu.memory_space<vmem>>[vector<16xi32>], vector<16xi32>,
        %parallel_loop3A_805 = vector.bitcast %parallel_loop3A_800 : vector<16xi32> to vector<32xbf16>
        %parallel_loop3A_806 = vector.bitcast %parallel_loop3A_804 : vector<16xi32> to vector<32xbf16>
        %parallel_loop3A_807 = arith.addf %parallel_loop3A_805, %parallel_loop3A_806 : vector<32xbf16>
        %parallel_loop3A_808 = vector.bitcast %parallel_loop3A_807 : vector<32xbf16> to vector<16xi32>
        %parallel_loop3A_809 = arith.constant 16 : i32
        %parallel_loop3A_810 = vector.broadcast %parallel_loop3A_809 : i32 to vector<16xi32>
        %parallel_loop3A_811 = arith.shli %parallel_loop3A_808, %parallel_loop3A_810 : vector<16xi32>
        %parallel_loop3A_812 = vector.bitcast %parallel_loop3A_811 : vector<16xi32> to vector<16xf32>
        %parallel_loop3A_813 = arith.constant -65536 : i32
        %parallel_loop3A_814 = vector.broadcast %parallel_loop3A_813 : i32 to vector<16xi32>
        %parallel_loop3A_815 = arith.andi %parallel_loop3A_808, %parallel_loop3A_814 : vector<16xi32>
        %parallel_loop3A_816 = vector.bitcast %parallel_loop3A_815 : vector<16xi32> to vector<16xf32>
        %parallel_loop3A_817 = arith.constant 16 : i32
        %parallel_loop3A_818 = arith.muli %parallel_loop3A_133, %parallel_loop3A_817 : i32
        %parallel_loop3A_819 = arith.constant 0 : i32
        %parallel_loop3A_820 = arith.constant 36 : i32
        %parallel_loop3A_821 = arith.index_cast %parallel_loop3A_819 : i32 to index
        %parallel_loop3A_822 = arith.index_cast %parallel_loop3A_820 : i32 to index
        %parallel_loop3A_823 = arith.index_cast %parallel_loop3A_818 : i32 to index
        %parallel_loop3A_824 = tpu.vector_load %arg7[%parallel_loop3A_821, %parallel_loop3A_822, %parallel_loop3A_823] {strides = array<i32>} : memref<2x64x256xf32, #tpu.memory_space<vmem>>, vector<16xf32>,
        tpu.vector_store %arg7[%parallel_loop3A_821, %parallel_loop3A_822, %parallel_loop3A_823], %parallel_loop3A_812 {strides = array<i32>} : memref<2x64x256xf32, #tpu.memory_space<vmem>>, vector<16xf32>,
        %parallel_loop3A_825 = arith.constant 16 : i32
        %parallel_loop3A_826 = arith.muli %parallel_loop3A_133, %parallel_loop3A_825 : i32
        %parallel_loop3A_827 = arith.constant 0 : i32
        %parallel_loop3A_828 = arith.constant 37 : i32
        %parallel_loop3A_829 = arith.index_cast %parallel_loop3A_827 : i32 to index
        %parallel_loop3A_830 = arith.index_cast %parallel_loop3A_828 : i32 to index
        %parallel_loop3A_831 = arith.index_cast %parallel_loop3A_826 : i32 to index
        %parallel_loop3A_832 = tpu.vector_load %arg7[%parallel_loop3A_829, %parallel_loop3A_830, %parallel_loop3A_831] {strides = array<i32>} : memref<2x64x256xf32, #tpu.memory_space<vmem>>, vector<16xf32>,
        tpu.vector_store %arg7[%parallel_loop3A_829, %parallel_loop3A_830, %parallel_loop3A_831], %parallel_loop3A_816 {strides = array<i32>} : memref<2x64x256xf32, #tpu.memory_space<vmem>>, vector<16xf32>,
        %parallel_loop3A_833 = arith.constant 38912 : i32
        %parallel_loop3A_834 = vector.broadcast %parallel_loop3A_833 : i32 to vector<16xi32>
        %parallel_loop3A_835 = arith.addi %parallel_loop3A_142, %parallel_loop3A_834 : vector<16xi32>
        %parallel_loop3A_836 = tpu.vector_load_idx %arg5[%parallel_loop3A_835] : memref<65536xi32, #tpu.memory_space<vmem>>[vector<16xi32>], vector<16xi32>,
        %parallel_loop3A_837 = arith.constant 38912 : i32
        %parallel_loop3A_838 = vector.broadcast %parallel_loop3A_837 : i32 to vector<16xi32>
        %parallel_loop3A_839 = arith.addi %parallel_loop3A_148, %parallel_loop3A_838 : vector<16xi32>
        %parallel_loop3A_840 = tpu.vector_load_idx %arg5[%parallel_loop3A_839] : memref<65536xi32, #tpu.memory_space<vmem>>[vector<16xi32>], vector<16xi32>,
        %parallel_loop3A_841 = vector.bitcast %parallel_loop3A_836 : vector<16xi32> to vector<32xbf16>
        %parallel_loop3A_842 = vector.bitcast %parallel_loop3A_840 : vector<16xi32> to vector<32xbf16>
        %parallel_loop3A_843 = arith.addf %parallel_loop3A_841, %parallel_loop3A_842 : vector<32xbf16>
        %parallel_loop3A_844 = vector.bitcast %parallel_loop3A_843 : vector<32xbf16> to vector<16xi32>
        %parallel_loop3A_845 = arith.constant 16 : i32
        %parallel_loop3A_846 = vector.broadcast %parallel_loop3A_845 : i32 to vector<16xi32>
        %parallel_loop3A_847 = arith.shli %parallel_loop3A_844, %parallel_loop3A_846 : vector<16xi32>
        %parallel_loop3A_848 = vector.bitcast %parallel_loop3A_847 : vector<16xi32> to vector<16xf32>
        %parallel_loop3A_849 = arith.constant -65536 : i32
        %parallel_loop3A_850 = vector.broadcast %parallel_loop3A_849 : i32 to vector<16xi32>
        %parallel_loop3A_851 = arith.andi %parallel_loop3A_844, %parallel_loop3A_850 : vector<16xi32>
        %parallel_loop3A_852 = vector.bitcast %parallel_loop3A_851 : vector<16xi32> to vector<16xf32>
        %parallel_loop3A_853 = arith.constant 16 : i32
        %parallel_loop3A_854 = arith.muli %parallel_loop3A_133, %parallel_loop3A_853 : i32
        %parallel_loop3A_855 = arith.constant 0 : i32
        %parallel_loop3A_856 = arith.constant 38 : i32
        %parallel_loop3A_857 = arith.index_cast %parallel_loop3A_855 : i32 to index
        %parallel_loop3A_858 = arith.index_cast %parallel_loop3A_856 : i32 to index
        %parallel_loop3A_859 = arith.index_cast %parallel_loop3A_854 : i32 to index
        %parallel_loop3A_860 = tpu.vector_load %arg7[%parallel_loop3A_857, %parallel_loop3A_858, %parallel_loop3A_859] {strides = array<i32>} : memref<2x64x256xf32, #tpu.memory_space<vmem>>, vector<16xf32>,
        tpu.vector_store %arg7[%parallel_loop3A_857, %parallel_loop3A_858, %parallel_loop3A_859], %parallel_loop3A_848 {strides = array<i32>} : memref<2x64x256xf32, #tpu.memory_space<vmem>>, vector<16xf32>,
        %parallel_loop3A_861 = arith.constant 16 : i32
        %parallel_loop3A_862 = arith.muli %parallel_loop3A_133, %parallel_loop3A_861 : i32
        %parallel_loop3A_863 = arith.constant 0 : i32
        %parallel_loop3A_864 = arith.constant 39 : i32
        %parallel_loop3A_865 = arith.index_cast %parallel_loop3A_863 : i32 to index
        %parallel_loop3A_866 = arith.index_cast %parallel_loop3A_864 : i32 to index
        %parallel_loop3A_867 = arith.index_cast %parallel_loop3A_862 : i32 to index
        %parallel_loop3A_868 = tpu.vector_load %arg7[%parallel_loop3A_865, %parallel_loop3A_866, %parallel_loop3A_867] {strides = array<i32>} : memref<2x64x256xf32, #tpu.memory_space<vmem>>, vector<16xf32>,
        tpu.vector_store %arg7[%parallel_loop3A_865, %parallel_loop3A_866, %parallel_loop3A_867], %parallel_loop3A_852 {strides = array<i32>} : memref<2x64x256xf32, #tpu.memory_space<vmem>>, vector<16xf32>,
        %parallel_loop3A_869 = arith.constant 40960 : i32
        %parallel_loop3A_870 = vector.broadcast %parallel_loop3A_869 : i32 to vector<16xi32>
        %parallel_loop3A_871 = arith.addi %parallel_loop3A_142, %parallel_loop3A_870 : vector<16xi32>
        %parallel_loop3A_872 = tpu.vector_load_idx %arg5[%parallel_loop3A_871] : memref<65536xi32, #tpu.memory_space<vmem>>[vector<16xi32>], vector<16xi32>,
        %parallel_loop3A_873 = arith.constant 40960 : i32
        %parallel_loop3A_874 = vector.broadcast %parallel_loop3A_873 : i32 to vector<16xi32>
        %parallel_loop3A_875 = arith.addi %parallel_loop3A_148, %parallel_loop3A_874 : vector<16xi32>
        %parallel_loop3A_876 = tpu.vector_load_idx %arg5[%parallel_loop3A_875] : memref<65536xi32, #tpu.memory_space<vmem>>[vector<16xi32>], vector<16xi32>,
        %parallel_loop3A_877 = vector.bitcast %parallel_loop3A_872 : vector<16xi32> to vector<32xbf16>
        %parallel_loop3A_878 = vector.bitcast %parallel_loop3A_876 : vector<16xi32> to vector<32xbf16>
        %parallel_loop3A_879 = arith.addf %parallel_loop3A_877, %parallel_loop3A_878 : vector<32xbf16>
        %parallel_loop3A_880 = vector.bitcast %parallel_loop3A_879 : vector<32xbf16> to vector<16xi32>
        %parallel_loop3A_881 = arith.constant 16 : i32
        %parallel_loop3A_882 = vector.broadcast %parallel_loop3A_881 : i32 to vector<16xi32>
        %parallel_loop3A_883 = arith.shli %parallel_loop3A_880, %parallel_loop3A_882 : vector<16xi32>
        %parallel_loop3A_884 = vector.bitcast %parallel_loop3A_883 : vector<16xi32> to vector<16xf32>
        %parallel_loop3A_885 = arith.constant -65536 : i32
        %parallel_loop3A_886 = vector.broadcast %parallel_loop3A_885 : i32 to vector<16xi32>
        %parallel_loop3A_887 = arith.andi %parallel_loop3A_880, %parallel_loop3A_886 : vector<16xi32>
        %parallel_loop3A_888 = vector.bitcast %parallel_loop3A_887 : vector<16xi32> to vector<16xf32>
        %parallel_loop3A_889 = arith.constant 16 : i32
        %parallel_loop3A_890 = arith.muli %parallel_loop3A_133, %parallel_loop3A_889 : i32
        %parallel_loop3A_891 = arith.constant 0 : i32
        %parallel_loop3A_892 = arith.constant 40 : i32
        %parallel_loop3A_893 = arith.index_cast %parallel_loop3A_891 : i32 to index
        %parallel_loop3A_894 = arith.index_cast %parallel_loop3A_892 : i32 to index
        %parallel_loop3A_895 = arith.index_cast %parallel_loop3A_890 : i32 to index
        %parallel_loop3A_896 = tpu.vector_load %arg7[%parallel_loop3A_893, %parallel_loop3A_894, %parallel_loop3A_895] {strides = array<i32>} : memref<2x64x256xf32, #tpu.memory_space<vmem>>, vector<16xf32>,
        tpu.vector_store %arg7[%parallel_loop3A_893, %parallel_loop3A_894, %parallel_loop3A_895], %parallel_loop3A_884 {strides = array<i32>} : memref<2x64x256xf32, #tpu.memory_space<vmem>>, vector<16xf32>,
        %parallel_loop3A_897 = arith.constant 16 : i32
        %parallel_loop3A_898 = arith.muli %parallel_loop3A_133, %parallel_loop3A_897 : i32
        %parallel_loop3A_899 = arith.constant 0 : i32
        %parallel_loop3A_900 = arith.constant 41 : i32
        %parallel_loop3A_901 = arith.index_cast %parallel_loop3A_899 : i32 to index
        %parallel_loop3A_902 = arith.index_cast %parallel_loop3A_900 : i32 to index
        %parallel_loop3A_903 = arith.index_cast %parallel_loop3A_898 : i32 to index
        %parallel_loop3A_904 = tpu.vector_load %arg7[%parallel_loop3A_901, %parallel_loop3A_902, %parallel_loop3A_903] {strides = array<i32>} : memref<2x64x256xf32, #tpu.memory_space<vmem>>, vector<16xf32>,
        tpu.vector_store %arg7[%parallel_loop3A_901, %parallel_loop3A_902, %parallel_loop3A_903], %parallel_loop3A_888 {strides = array<i32>} : memref<2x64x256xf32, #tpu.memory_space<vmem>>, vector<16xf32>,
        %parallel_loop3A_905 = arith.constant 43008 : i32
        %parallel_loop3A_906 = vector.broadcast %parallel_loop3A_905 : i32 to vector<16xi32>
        %parallel_loop3A_907 = arith.addi %parallel_loop3A_142, %parallel_loop3A_906 : vector<16xi32>
        %parallel_loop3A_908 = tpu.vector_load_idx %arg5[%parallel_loop3A_907] : memref<65536xi32, #tpu.memory_space<vmem>>[vector<16xi32>], vector<16xi32>,
        %parallel_loop3A_909 = arith.constant 43008 : i32
        %parallel_loop3A_910 = vector.broadcast %parallel_loop3A_909 : i32 to vector<16xi32>
        %parallel_loop3A_911 = arith.addi %parallel_loop3A_148, %parallel_loop3A_910 : vector<16xi32>
        %parallel_loop3A_912 = tpu.vector_load_idx %arg5[%parallel_loop3A_911] : memref<65536xi32, #tpu.memory_space<vmem>>[vector<16xi32>], vector<16xi32>,
        %parallel_loop3A_913 = vector.bitcast %parallel_loop3A_908 : vector<16xi32> to vector<32xbf16>
        %parallel_loop3A_914 = vector.bitcast %parallel_loop3A_912 : vector<16xi32> to vector<32xbf16>
        %parallel_loop3A_915 = arith.addf %parallel_loop3A_913, %parallel_loop3A_914 : vector<32xbf16>
        %parallel_loop3A_916 = vector.bitcast %parallel_loop3A_915 : vector<32xbf16> to vector<16xi32>
        %parallel_loop3A_917 = arith.constant 16 : i32
        %parallel_loop3A_918 = vector.broadcast %parallel_loop3A_917 : i32 to vector<16xi32>
        %parallel_loop3A_919 = arith.shli %parallel_loop3A_916, %parallel_loop3A_918 : vector<16xi32>
        %parallel_loop3A_920 = vector.bitcast %parallel_loop3A_919 : vector<16xi32> to vector<16xf32>
        %parallel_loop3A_921 = arith.constant -65536 : i32
        %parallel_loop3A_922 = vector.broadcast %parallel_loop3A_921 : i32 to vector<16xi32>
        %parallel_loop3A_923 = arith.andi %parallel_loop3A_916, %parallel_loop3A_922 : vector<16xi32>
        %parallel_loop3A_924 = vector.bitcast %parallel_loop3A_923 : vector<16xi32> to vector<16xf32>
        %parallel_loop3A_925 = arith.constant 16 : i32
        %parallel_loop3A_926 = arith.muli %parallel_loop3A_133, %parallel_loop3A_925 : i32
        %parallel_loop3A_927 = arith.constant 0 : i32
        %parallel_loop3A_928 = arith.constant 42 : i32
        %parallel_loop3A_929 = arith.index_cast %parallel_loop3A_927 : i32 to index
        %parallel_loop3A_930 = arith.index_cast %parallel_loop3A_928 : i32 to index
        %parallel_loop3A_931 = arith.index_cast %parallel_loop3A_926 : i32 to index
        %parallel_loop3A_932 = tpu.vector_load %arg7[%parallel_loop3A_929, %parallel_loop3A_930, %parallel_loop3A_931] {strides = array<i32>} : memref<2x64x256xf32, #tpu.memory_space<vmem>>, vector<16xf32>,
        tpu.vector_store %arg7[%parallel_loop3A_929, %parallel_loop3A_930, %parallel_loop3A_931], %parallel_loop3A_920 {strides = array<i32>} : memref<2x64x256xf32, #tpu.memory_space<vmem>>, vector<16xf32>,
        %parallel_loop3A_933 = arith.constant 16 : i32
        %parallel_loop3A_934 = arith.muli %parallel_loop3A_133, %parallel_loop3A_933 : i32
        %parallel_loop3A_935 = arith.constant 0 : i32
        %parallel_loop3A_936 = arith.constant 43 : i32
        %parallel_loop3A_937 = arith.index_cast %parallel_loop3A_935 : i32 to index
        %parallel_loop3A_938 = arith.index_cast %parallel_loop3A_936 : i32 to index
        %parallel_loop3A_939 = arith.index_cast %parallel_loop3A_934 : i32 to index
        %parallel_loop3A_940 = tpu.vector_load %arg7[%parallel_loop3A_937, %parallel_loop3A_938, %parallel_loop3A_939] {strides = array<i32>} : memref<2x64x256xf32, #tpu.memory_space<vmem>>, vector<16xf32>,
        tpu.vector_store %arg7[%parallel_loop3A_937, %parallel_loop3A_938, %parallel_loop3A_939], %parallel_loop3A_924 {strides = array<i32>} : memref<2x64x256xf32, #tpu.memory_space<vmem>>, vector<16xf32>,
        %parallel_loop3A_941 = arith.constant 45056 : i32
        %parallel_loop3A_942 = vector.broadcast %parallel_loop3A_941 : i32 to vector<16xi32>
        %parallel_loop3A_943 = arith.addi %parallel_loop3A_142, %parallel_loop3A_942 : vector<16xi32>
        %parallel_loop3A_944 = tpu.vector_load_idx %arg5[%parallel_loop3A_943] : memref<65536xi32, #tpu.memory_space<vmem>>[vector<16xi32>], vector<16xi32>,
        %parallel_loop3A_945 = arith.constant 45056 : i32
        %parallel_loop3A_946 = vector.broadcast %parallel_loop3A_945 : i32 to vector<16xi32>
        %parallel_loop3A_947 = arith.addi %parallel_loop3A_148, %parallel_loop3A_946 : vector<16xi32>
        %parallel_loop3A_948 = tpu.vector_load_idx %arg5[%parallel_loop3A_947] : memref<65536xi32, #tpu.memory_space<vmem>>[vector<16xi32>], vector<16xi32>,
        %parallel_loop3A_949 = vector.bitcast %parallel_loop3A_944 : vector<16xi32> to vector<32xbf16>
        %parallel_loop3A_950 = vector.bitcast %parallel_loop3A_948 : vector<16xi32> to vector<32xbf16>
        %parallel_loop3A_951 = arith.addf %parallel_loop3A_949, %parallel_loop3A_950 : vector<32xbf16>
        %parallel_loop3A_952 = vector.bitcast %parallel_loop3A_951 : vector<32xbf16> to vector<16xi32>
        %parallel_loop3A_953 = arith.constant 16 : i32
        %parallel_loop3A_954 = vector.broadcast %parallel_loop3A_953 : i32 to vector<16xi32>
        %parallel_loop3A_955 = arith.shli %parallel_loop3A_952, %parallel_loop3A_954 : vector<16xi32>
        %parallel_loop3A_956 = vector.bitcast %parallel_loop3A_955 : vector<16xi32> to vector<16xf32>
        %parallel_loop3A_957 = arith.constant -65536 : i32
        %parallel_loop3A_958 = vector.broadcast %parallel_loop3A_957 : i32 to vector<16xi32>
        %parallel_loop3A_959 = arith.andi %parallel_loop3A_952, %parallel_loop3A_958 : vector<16xi32>
        %parallel_loop3A_960 = vector.bitcast %parallel_loop3A_959 : vector<16xi32> to vector<16xf32>
        %parallel_loop3A_961 = arith.constant 16 : i32
        %parallel_loop3A_962 = arith.muli %parallel_loop3A_133, %parallel_loop3A_961 : i32
        %parallel_loop3A_963 = arith.constant 0 : i32
        %parallel_loop3A_964 = arith.constant 44 : i32
        %parallel_loop3A_965 = arith.index_cast %parallel_loop3A_963 : i32 to index
        %parallel_loop3A_966 = arith.index_cast %parallel_loop3A_964 : i32 to index
        %parallel_loop3A_967 = arith.index_cast %parallel_loop3A_962 : i32 to index
        %parallel_loop3A_968 = tpu.vector_load %arg7[%parallel_loop3A_965, %parallel_loop3A_966, %parallel_loop3A_967] {strides = array<i32>} : memref<2x64x256xf32, #tpu.memory_space<vmem>>, vector<16xf32>,
        tpu.vector_store %arg7[%parallel_loop3A_965, %parallel_loop3A_966, %parallel_loop3A_967], %parallel_loop3A_956 {strides = array<i32>} : memref<2x64x256xf32, #tpu.memory_space<vmem>>, vector<16xf32>,
        %parallel_loop3A_969 = arith.constant 16 : i32
        %parallel_loop3A_970 = arith.muli %parallel_loop3A_133, %parallel_loop3A_969 : i32
        %parallel_loop3A_971 = arith.constant 0 : i32
        %parallel_loop3A_972 = arith.constant 45 : i32
        %parallel_loop3A_973 = arith.index_cast %parallel_loop3A_971 : i32 to index
        %parallel_loop3A_974 = arith.index_cast %parallel_loop3A_972 : i32 to index
        %parallel_loop3A_975 = arith.index_cast %parallel_loop3A_970 : i32 to index
        %parallel_loop3A_976 = tpu.vector_load %arg7[%parallel_loop3A_973, %parallel_loop3A_974, %parallel_loop3A_975] {strides = array<i32>} : memref<2x64x256xf32, #tpu.memory_space<vmem>>, vector<16xf32>,
        tpu.vector_store %arg7[%parallel_loop3A_973, %parallel_loop3A_974, %parallel_loop3A_975], %parallel_loop3A_960 {strides = array<i32>} : memref<2x64x256xf32, #tpu.memory_space<vmem>>, vector<16xf32>,
        %parallel_loop3A_977 = arith.constant 47104 : i32
        %parallel_loop3A_978 = vector.broadcast %parallel_loop3A_977 : i32 to vector<16xi32>
        %parallel_loop3A_979 = arith.addi %parallel_loop3A_142, %parallel_loop3A_978 : vector<16xi32>
        %parallel_loop3A_980 = tpu.vector_load_idx %arg5[%parallel_loop3A_979] : memref<65536xi32, #tpu.memory_space<vmem>>[vector<16xi32>], vector<16xi32>,
        %parallel_loop3A_981 = arith.constant 47104 : i32
        %parallel_loop3A_982 = vector.broadcast %parallel_loop3A_981 : i32 to vector<16xi32>
        %parallel_loop3A_983 = arith.addi %parallel_loop3A_148, %parallel_loop3A_982 : vector<16xi32>
        %parallel_loop3A_984 = tpu.vector_load_idx %arg5[%parallel_loop3A_983] : memref<65536xi32, #tpu.memory_space<vmem>>[vector<16xi32>], vector<16xi32>,
        %parallel_loop3A_985 = vector.bitcast %parallel_loop3A_980 : vector<16xi32> to vector<32xbf16>
        %parallel_loop3A_986 = vector.bitcast %parallel_loop3A_984 : vector<16xi32> to vector<32xbf16>
        %parallel_loop3A_987 = arith.addf %parallel_loop3A_985, %parallel_loop3A_986 : vector<32xbf16>
        %parallel_loop3A_988 = vector.bitcast %parallel_loop3A_987 : vector<32xbf16> to vector<16xi32>
        %parallel_loop3A_989 = arith.constant 16 : i32
        %parallel_loop3A_990 = vector.broadcast %parallel_loop3A_989 : i32 to vector<16xi32>
        %parallel_loop3A_991 = arith.shli %parallel_loop3A_988, %parallel_loop3A_990 : vector<16xi32>
        %parallel_loop3A_992 = vector.bitcast %parallel_loop3A_991 : vector<16xi32> to vector<16xf32>
        %parallel_loop3A_993 = arith.constant -65536 : i32
        %parallel_loop3A_994 = vector.broadcast %parallel_loop3A_993 : i32 to vector<16xi32>
        %parallel_loop3A_995 = arith.andi %parallel_loop3A_988, %parallel_loop3A_994 : vector<16xi32>
        %parallel_loop3A_996 = vector.bitcast %parallel_loop3A_995 : vector<16xi32> to vector<16xf32>
        %parallel_loop3A_997 = arith.constant 16 : i32
        %parallel_loop3A_998 = arith.muli %parallel_loop3A_133, %parallel_loop3A_997 : i32
        %parallel_loop3A_999 = arith.constant 0 : i32
        %parallel_loop3A_1000 = arith.constant 46 : i32
        %parallel_loop3A_1001 = arith.index_cast %parallel_loop3A_999 : i32 to index
        %parallel_loop3A_1002 = arith.index_cast %parallel_loop3A_1000 : i32 to index
        %parallel_loop3A_1003 = arith.index_cast %parallel_loop3A_998 : i32 to index
        %parallel_loop3A_1004 = tpu.vector_load %arg7[%parallel_loop3A_1001, %parallel_loop3A_1002, %parallel_loop3A_1003] {strides = array<i32>} : memref<2x64x256xf32, #tpu.memory_space<vmem>>, vector<16xf32>,
        tpu.vector_store %arg7[%parallel_loop3A_1001, %parallel_loop3A_1002, %parallel_loop3A_1003], %parallel_loop3A_992 {strides = array<i32>} : memref<2x64x256xf32, #tpu.memory_space<vmem>>, vector<16xf32>,
        %parallel_loop3A_1005 = arith.constant 16 : i32
        %parallel_loop3A_1006 = arith.muli %parallel_loop3A_133, %parallel_loop3A_1005 : i32
        %parallel_loop3A_1007 = arith.constant 0 : i32
        %parallel_loop3A_1008 = arith.constant 47 : i32
        %parallel_loop3A_1009 = arith.index_cast %parallel_loop3A_1007 : i32 to index
        %parallel_loop3A_1010 = arith.index_cast %parallel_loop3A_1008 : i32 to index
        %parallel_loop3A_1011 = arith.index_cast %parallel_loop3A_1006 : i32 to index
        %parallel_loop3A_1012 = tpu.vector_load %arg7[%parallel_loop3A_1009, %parallel_loop3A_1010, %parallel_loop3A_1011] {strides = array<i32>} : memref<2x64x256xf32, #tpu.memory_space<vmem>>, vector<16xf32>,
        tpu.vector_store %arg7[%parallel_loop3A_1009, %parallel_loop3A_1010, %parallel_loop3A_1011], %parallel_loop3A_996 {strides = array<i32>} : memref<2x64x256xf32, #tpu.memory_space<vmem>>, vector<16xf32>,
        %parallel_loop3A_1013 = arith.constant 49152 : i32
        %parallel_loop3A_1014 = vector.broadcast %parallel_loop3A_1013 : i32 to vector<16xi32>
        %parallel_loop3A_1015 = arith.addi %parallel_loop3A_142, %parallel_loop3A_1014 : vector<16xi32>
        %parallel_loop3A_1016 = tpu.vector_load_idx %arg5[%parallel_loop3A_1015] : memref<65536xi32, #tpu.memory_space<vmem>>[vector<16xi32>], vector<16xi32>,
        %parallel_loop3A_1017 = arith.constant 49152 : i32
        %parallel_loop3A_1018 = vector.broadcast %parallel_loop3A_1017 : i32 to vector<16xi32>
        %parallel_loop3A_1019 = arith.addi %parallel_loop3A_148, %parallel_loop3A_1018 : vector<16xi32>
        %parallel_loop3A_1020 = tpu.vector_load_idx %arg5[%parallel_loop3A_1019] : memref<65536xi32, #tpu.memory_space<vmem>>[vector<16xi32>], vector<16xi32>,
        %parallel_loop3A_1021 = vector.bitcast %parallel_loop3A_1016 : vector<16xi32> to vector<32xbf16>
        %parallel_loop3A_1022 = vector.bitcast %parallel_loop3A_1020 : vector<16xi32> to vector<32xbf16>
        %parallel_loop3A_1023 = arith.addf %parallel_loop3A_1021, %parallel_loop3A_1022 : vector<32xbf16>
        %parallel_loop3A_1024 = vector.bitcast %parallel_loop3A_1023 : vector<32xbf16> to vector<16xi32>
        %parallel_loop3A_1025 = arith.constant 16 : i32
        %parallel_loop3A_1026 = vector.broadcast %parallel_loop3A_1025 : i32 to vector<16xi32>
        %parallel_loop3A_1027 = arith.shli %parallel_loop3A_1024, %parallel_loop3A_1026 : vector<16xi32>
        %parallel_loop3A_1028 = vector.bitcast %parallel_loop3A_1027 : vector<16xi32> to vector<16xf32>
        %parallel_loop3A_1029 = arith.constant -65536 : i32
        %parallel_loop3A_1030 = vector.broadcast %parallel_loop3A_1029 : i32 to vector<16xi32>
        %parallel_loop3A_1031 = arith.andi %parallel_loop3A_1024, %parallel_loop3A_1030 : vector<16xi32>
        %parallel_loop3A_1032 = vector.bitcast %parallel_loop3A_1031 : vector<16xi32> to vector<16xf32>
        %parallel_loop3A_1033 = arith.constant 16 : i32
        %parallel_loop3A_1034 = arith.muli %parallel_loop3A_133, %parallel_loop3A_1033 : i32
        %parallel_loop3A_1035 = arith.constant 0 : i32
        %parallel_loop3A_1036 = arith.constant 48 : i32
        %parallel_loop3A_1037 = arith.index_cast %parallel_loop3A_1035 : i32 to index
        %parallel_loop3A_1038 = arith.index_cast %parallel_loop3A_1036 : i32 to index
        %parallel_loop3A_1039 = arith.index_cast %parallel_loop3A_1034 : i32 to index
        %parallel_loop3A_1040 = tpu.vector_load %arg7[%parallel_loop3A_1037, %parallel_loop3A_1038, %parallel_loop3A_1039] {strides = array<i32>} : memref<2x64x256xf32, #tpu.memory_space<vmem>>, vector<16xf32>,
        tpu.vector_store %arg7[%parallel_loop3A_1037, %parallel_loop3A_1038, %parallel_loop3A_1039], %parallel_loop3A_1028 {strides = array<i32>} : memref<2x64x256xf32, #tpu.memory_space<vmem>>, vector<16xf32>,
        %parallel_loop3A_1041 = arith.constant 16 : i32
        %parallel_loop3A_1042 = arith.muli %parallel_loop3A_133, %parallel_loop3A_1041 : i32
        %parallel_loop3A_1043 = arith.constant 0 : i32
        %parallel_loop3A_1044 = arith.constant 49 : i32
        %parallel_loop3A_1045 = arith.index_cast %parallel_loop3A_1043 : i32 to index
        %parallel_loop3A_1046 = arith.index_cast %parallel_loop3A_1044 : i32 to index
        %parallel_loop3A_1047 = arith.index_cast %parallel_loop3A_1042 : i32 to index
        %parallel_loop3A_1048 = tpu.vector_load %arg7[%parallel_loop3A_1045, %parallel_loop3A_1046, %parallel_loop3A_1047] {strides = array<i32>} : memref<2x64x256xf32, #tpu.memory_space<vmem>>, vector<16xf32>,
        tpu.vector_store %arg7[%parallel_loop3A_1045, %parallel_loop3A_1046, %parallel_loop3A_1047], %parallel_loop3A_1032 {strides = array<i32>} : memref<2x64x256xf32, #tpu.memory_space<vmem>>, vector<16xf32>,
        %parallel_loop3A_1049 = arith.constant 51200 : i32
        %parallel_loop3A_1050 = vector.broadcast %parallel_loop3A_1049 : i32 to vector<16xi32>
        %parallel_loop3A_1051 = arith.addi %parallel_loop3A_142, %parallel_loop3A_1050 : vector<16xi32>
        %parallel_loop3A_1052 = tpu.vector_load_idx %arg5[%parallel_loop3A_1051] : memref<65536xi32, #tpu.memory_space<vmem>>[vector<16xi32>], vector<16xi32>,
        %parallel_loop3A_1053 = arith.constant 51200 : i32
        %parallel_loop3A_1054 = vector.broadcast %parallel_loop3A_1053 : i32 to vector<16xi32>
        %parallel_loop3A_1055 = arith.addi %parallel_loop3A_148, %parallel_loop3A_1054 : vector<16xi32>
        %parallel_loop3A_1056 = tpu.vector_load_idx %arg5[%parallel_loop3A_1055] : memref<65536xi32, #tpu.memory_space<vmem>>[vector<16xi32>], vector<16xi32>,
        %parallel_loop3A_1057 = vector.bitcast %parallel_loop3A_1052 : vector<16xi32> to vector<32xbf16>
        %parallel_loop3A_1058 = vector.bitcast %parallel_loop3A_1056 : vector<16xi32> to vector<32xbf16>
        %parallel_loop3A_1059 = arith.addf %parallel_loop3A_1057, %parallel_loop3A_1058 : vector<32xbf16>
        %parallel_loop3A_1060 = vector.bitcast %parallel_loop3A_1059 : vector<32xbf16> to vector<16xi32>
        %parallel_loop3A_1061 = arith.constant 16 : i32
        %parallel_loop3A_1062 = vector.broadcast %parallel_loop3A_1061 : i32 to vector<16xi32>
        %parallel_loop3A_1063 = arith.shli %parallel_loop3A_1060, %parallel_loop3A_1062 : vector<16xi32>
        %parallel_loop3A_1064 = vector.bitcast %parallel_loop3A_1063 : vector<16xi32> to vector<16xf32>
        %parallel_loop3A_1065 = arith.constant -65536 : i32
        %parallel_loop3A_1066 = vector.broadcast %parallel_loop3A_1065 : i32 to vector<16xi32>
        %parallel_loop3A_1067 = arith.andi %parallel_loop3A_1060, %parallel_loop3A_1066 : vector<16xi32>
        %parallel_loop3A_1068 = vector.bitcast %parallel_loop3A_1067 : vector<16xi32> to vector<16xf32>
        %parallel_loop3A_1069 = arith.constant 16 : i32
        %parallel_loop3A_1070 = arith.muli %parallel_loop3A_133, %parallel_loop3A_1069 : i32
        %parallel_loop3A_1071 = arith.constant 0 : i32
        %parallel_loop3A_1072 = arith.constant 50 : i32
        %parallel_loop3A_1073 = arith.index_cast %parallel_loop3A_1071 : i32 to index
        %parallel_loop3A_1074 = arith.index_cast %parallel_loop3A_1072 : i32 to index
        %parallel_loop3A_1075 = arith.index_cast %parallel_loop3A_1070 : i32 to index
        %parallel_loop3A_1076 = tpu.vector_load %arg7[%parallel_loop3A_1073, %parallel_loop3A_1074, %parallel_loop3A_1075] {strides = array<i32>} : memref<2x64x256xf32, #tpu.memory_space<vmem>>, vector<16xf32>,
        tpu.vector_store %arg7[%parallel_loop3A_1073, %parallel_loop3A_1074, %parallel_loop3A_1075], %parallel_loop3A_1064 {strides = array<i32>} : memref<2x64x256xf32, #tpu.memory_space<vmem>>, vector<16xf32>,
        %parallel_loop3A_1077 = arith.constant 16 : i32
        %parallel_loop3A_1078 = arith.muli %parallel_loop3A_133, %parallel_loop3A_1077 : i32
        %parallel_loop3A_1079 = arith.constant 0 : i32
        %parallel_loop3A_1080 = arith.constant 51 : i32
        %parallel_loop3A_1081 = arith.index_cast %parallel_loop3A_1079 : i32 to index
        %parallel_loop3A_1082 = arith.index_cast %parallel_loop3A_1080 : i32 to index
        %parallel_loop3A_1083 = arith.index_cast %parallel_loop3A_1078 : i32 to index
        %parallel_loop3A_1084 = tpu.vector_load %arg7[%parallel_loop3A_1081, %parallel_loop3A_1082, %parallel_loop3A_1083] {strides = array<i32>} : memref<2x64x256xf32, #tpu.memory_space<vmem>>, vector<16xf32>,
        tpu.vector_store %arg7[%parallel_loop3A_1081, %parallel_loop3A_1082, %parallel_loop3A_1083], %parallel_loop3A_1068 {strides = array<i32>} : memref<2x64x256xf32, #tpu.memory_space<vmem>>, vector<16xf32>,
        %parallel_loop3A_1085 = arith.constant 53248 : i32
        %parallel_loop3A_1086 = vector.broadcast %parallel_loop3A_1085 : i32 to vector<16xi32>
        %parallel_loop3A_1087 = arith.addi %parallel_loop3A_142, %parallel_loop3A_1086 : vector<16xi32>
        %parallel_loop3A_1088 = tpu.vector_load_idx %arg5[%parallel_loop3A_1087] : memref<65536xi32, #tpu.memory_space<vmem>>[vector<16xi32>], vector<16xi32>,
        %parallel_loop3A_1089 = arith.constant 53248 : i32
        %parallel_loop3A_1090 = vector.broadcast %parallel_loop3A_1089 : i32 to vector<16xi32>
        %parallel_loop3A_1091 = arith.addi %parallel_loop3A_148, %parallel_loop3A_1090 : vector<16xi32>
        %parallel_loop3A_1092 = tpu.vector_load_idx %arg5[%parallel_loop3A_1091] : memref<65536xi32, #tpu.memory_space<vmem>>[vector<16xi32>], vector<16xi32>,
        %parallel_loop3A_1093 = vector.bitcast %parallel_loop3A_1088 : vector<16xi32> to vector<32xbf16>
        %parallel_loop3A_1094 = vector.bitcast %parallel_loop3A_1092 : vector<16xi32> to vector<32xbf16>
        %parallel_loop3A_1095 = arith.addf %parallel_loop3A_1093, %parallel_loop3A_1094 : vector<32xbf16>
        %parallel_loop3A_1096 = vector.bitcast %parallel_loop3A_1095 : vector<32xbf16> to vector<16xi32>
        %parallel_loop3A_1097 = arith.constant 16 : i32
        %parallel_loop3A_1098 = vector.broadcast %parallel_loop3A_1097 : i32 to vector<16xi32>
        %parallel_loop3A_1099 = arith.shli %parallel_loop3A_1096, %parallel_loop3A_1098 : vector<16xi32>
        %parallel_loop3A_1100 = vector.bitcast %parallel_loop3A_1099 : vector<16xi32> to vector<16xf32>
        %parallel_loop3A_1101 = arith.constant -65536 : i32
        %parallel_loop3A_1102 = vector.broadcast %parallel_loop3A_1101 : i32 to vector<16xi32>
        %parallel_loop3A_1103 = arith.andi %parallel_loop3A_1096, %parallel_loop3A_1102 : vector<16xi32>
        %parallel_loop3A_1104 = vector.bitcast %parallel_loop3A_1103 : vector<16xi32> to vector<16xf32>
        %parallel_loop3A_1105 = arith.constant 16 : i32
        %parallel_loop3A_1106 = arith.muli %parallel_loop3A_133, %parallel_loop3A_1105 : i32
        %parallel_loop3A_1107 = arith.constant 0 : i32
        %parallel_loop3A_1108 = arith.constant 52 : i32
        %parallel_loop3A_1109 = arith.index_cast %parallel_loop3A_1107 : i32 to index
        %parallel_loop3A_1110 = arith.index_cast %parallel_loop3A_1108 : i32 to index
        %parallel_loop3A_1111 = arith.index_cast %parallel_loop3A_1106 : i32 to index
        %parallel_loop3A_1112 = tpu.vector_load %arg7[%parallel_loop3A_1109, %parallel_loop3A_1110, %parallel_loop3A_1111] {strides = array<i32>} : memref<2x64x256xf32, #tpu.memory_space<vmem>>, vector<16xf32>,
        tpu.vector_store %arg7[%parallel_loop3A_1109, %parallel_loop3A_1110, %parallel_loop3A_1111], %parallel_loop3A_1100 {strides = array<i32>} : memref<2x64x256xf32, #tpu.memory_space<vmem>>, vector<16xf32>,
        %parallel_loop3A_1113 = arith.constant 16 : i32
        %parallel_loop3A_1114 = arith.muli %parallel_loop3A_133, %parallel_loop3A_1113 : i32
        %parallel_loop3A_1115 = arith.constant 0 : i32
        %parallel_loop3A_1116 = arith.constant 53 : i32
        %parallel_loop3A_1117 = arith.index_cast %parallel_loop3A_1115 : i32 to index
        %parallel_loop3A_1118 = arith.index_cast %parallel_loop3A_1116 : i32 to index
        %parallel_loop3A_1119 = arith.index_cast %parallel_loop3A_1114 : i32 to index
        %parallel_loop3A_1120 = tpu.vector_load %arg7[%parallel_loop3A_1117, %parallel_loop3A_1118, %parallel_loop3A_1119] {strides = array<i32>} : memref<2x64x256xf32, #tpu.memory_space<vmem>>, vector<16xf32>,
        tpu.vector_store %arg7[%parallel_loop3A_1117, %parallel_loop3A_1118, %parallel_loop3A_1119], %parallel_loop3A_1104 {strides = array<i32>} : memref<2x64x256xf32, #tpu.memory_space<vmem>>, vector<16xf32>,
        %parallel_loop3A_1121 = arith.constant 55296 : i32
        %parallel_loop3A_1122 = vector.broadcast %parallel_loop3A_1121 : i32 to vector<16xi32>
        %parallel_loop3A_1123 = arith.addi %parallel_loop3A_142, %parallel_loop3A_1122 : vector<16xi32>
        %parallel_loop3A_1124 = tpu.vector_load_idx %arg5[%parallel_loop3A_1123] : memref<65536xi32, #tpu.memory_space<vmem>>[vector<16xi32>], vector<16xi32>,
        %parallel_loop3A_1125 = arith.constant 55296 : i32
        %parallel_loop3A_1126 = vector.broadcast %parallel_loop3A_1125 : i32 to vector<16xi32>
        %parallel_loop3A_1127 = arith.addi %parallel_loop3A_148, %parallel_loop3A_1126 : vector<16xi32>
        %parallel_loop3A_1128 = tpu.vector_load_idx %arg5[%parallel_loop3A_1127] : memref<65536xi32, #tpu.memory_space<vmem>>[vector<16xi32>], vector<16xi32>,
        %parallel_loop3A_1129 = vector.bitcast %parallel_loop3A_1124 : vector<16xi32> to vector<32xbf16>
        %parallel_loop3A_1130 = vector.bitcast %parallel_loop3A_1128 : vector<16xi32> to vector<32xbf16>
        %parallel_loop3A_1131 = arith.addf %parallel_loop3A_1129, %parallel_loop3A_1130 : vector<32xbf16>
        %parallel_loop3A_1132 = vector.bitcast %parallel_loop3A_1131 : vector<32xbf16> to vector<16xi32>
        %parallel_loop3A_1133 = arith.constant 16 : i32
        %parallel_loop3A_1134 = vector.broadcast %parallel_loop3A_1133 : i32 to vector<16xi32>
        %parallel_loop3A_1135 = arith.shli %parallel_loop3A_1132, %parallel_loop3A_1134 : vector<16xi32>
        %parallel_loop3A_1136 = vector.bitcast %parallel_loop3A_1135 : vector<16xi32> to vector<16xf32>
        %parallel_loop3A_1137 = arith.constant -65536 : i32
        %parallel_loop3A_1138 = vector.broadcast %parallel_loop3A_1137 : i32 to vector<16xi32>
        %parallel_loop3A_1139 = arith.andi %parallel_loop3A_1132, %parallel_loop3A_1138 : vector<16xi32>
        %parallel_loop3A_1140 = vector.bitcast %parallel_loop3A_1139 : vector<16xi32> to vector<16xf32>
        %parallel_loop3A_1141 = arith.constant 16 : i32
        %parallel_loop3A_1142 = arith.muli %parallel_loop3A_133, %parallel_loop3A_1141 : i32
        %parallel_loop3A_1143 = arith.constant 0 : i32
        %parallel_loop3A_1144 = arith.constant 54 : i32
        %parallel_loop3A_1145 = arith.index_cast %parallel_loop3A_1143 : i32 to index
        %parallel_loop3A_1146 = arith.index_cast %parallel_loop3A_1144 : i32 to index
        %parallel_loop3A_1147 = arith.index_cast %parallel_loop3A_1142 : i32 to index
        %parallel_loop3A_1148 = tpu.vector_load %arg7[%parallel_loop3A_1145, %parallel_loop3A_1146, %parallel_loop3A_1147] {strides = array<i32>} : memref<2x64x256xf32, #tpu.memory_space<vmem>>, vector<16xf32>,
        tpu.vector_store %arg7[%parallel_loop3A_1145, %parallel_loop3A_1146, %parallel_loop3A_1147], %parallel_loop3A_1136 {strides = array<i32>} : memref<2x64x256xf32, #tpu.memory_space<vmem>>, vector<16xf32>,
        %parallel_loop3A_1149 = arith.constant 16 : i32
        %parallel_loop3A_1150 = arith.muli %parallel_loop3A_133, %parallel_loop3A_1149 : i32
        %parallel_loop3A_1151 = arith.constant 0 : i32
        %parallel_loop3A_1152 = arith.constant 55 : i32
        %parallel_loop3A_1153 = arith.index_cast %parallel_loop3A_1151 : i32 to index
        %parallel_loop3A_1154 = arith.index_cast %parallel_loop3A_1152 : i32 to index
        %parallel_loop3A_1155 = arith.index_cast %parallel_loop3A_1150 : i32 to index
        %parallel_loop3A_1156 = tpu.vector_load %arg7[%parallel_loop3A_1153, %parallel_loop3A_1154, %parallel_loop3A_1155] {strides = array<i32>} : memref<2x64x256xf32, #tpu.memory_space<vmem>>, vector<16xf32>,
        tpu.vector_store %arg7[%parallel_loop3A_1153, %parallel_loop3A_1154, %parallel_loop3A_1155], %parallel_loop3A_1140 {strides = array<i32>} : memref<2x64x256xf32, #tpu.memory_space<vmem>>, vector<16xf32>,
        %parallel_loop3A_1157 = arith.constant 57344 : i32
        %parallel_loop3A_1158 = vector.broadcast %parallel_loop3A_1157 : i32 to vector<16xi32>
        %parallel_loop3A_1159 = arith.addi %parallel_loop3A_142, %parallel_loop3A_1158 : vector<16xi32>
        %parallel_loop3A_1160 = tpu.vector_load_idx %arg5[%parallel_loop3A_1159] : memref<65536xi32, #tpu.memory_space<vmem>>[vector<16xi32>], vector<16xi32>,
        %parallel_loop3A_1161 = arith.constant 57344 : i32
        %parallel_loop3A_1162 = vector.broadcast %parallel_loop3A_1161 : i32 to vector<16xi32>
        %parallel_loop3A_1163 = arith.addi %parallel_loop3A_148, %parallel_loop3A_1162 : vector<16xi32>
        %parallel_loop3A_1164 = tpu.vector_load_idx %arg5[%parallel_loop3A_1163] : memref<65536xi32, #tpu.memory_space<vmem>>[vector<16xi32>], vector<16xi32>,
        %parallel_loop3A_1165 = vector.bitcast %parallel_loop3A_1160 : vector<16xi32> to vector<32xbf16>
        %parallel_loop3A_1166 = vector.bitcast %parallel_loop3A_1164 : vector<16xi32> to vector<32xbf16>
        %parallel_loop3A_1167 = arith.addf %parallel_loop3A_1165, %parallel_loop3A_1166 : vector<32xbf16>
        %parallel_loop3A_1168 = vector.bitcast %parallel_loop3A_1167 : vector<32xbf16> to vector<16xi32>
        %parallel_loop3A_1169 = arith.constant 16 : i32
        %parallel_loop3A_1170 = vector.broadcast %parallel_loop3A_1169 : i32 to vector<16xi32>
        %parallel_loop3A_1171 = arith.shli %parallel_loop3A_1168, %parallel_loop3A_1170 : vector<16xi32>
        %parallel_loop3A_1172 = vector.bitcast %parallel_loop3A_1171 : vector<16xi32> to vector<16xf32>
        %parallel_loop3A_1173 = arith.constant -65536 : i32
        %parallel_loop3A_1174 = vector.broadcast %parallel_loop3A_1173 : i32 to vector<16xi32>
        %parallel_loop3A_1175 = arith.andi %parallel_loop3A_1168, %parallel_loop3A_1174 : vector<16xi32>
        %parallel_loop3A_1176 = vector.bitcast %parallel_loop3A_1175 : vector<16xi32> to vector<16xf32>
        %parallel_loop3A_1177 = arith.constant 16 : i32
        %parallel_loop3A_1178 = arith.muli %parallel_loop3A_133, %parallel_loop3A_1177 : i32
        %parallel_loop3A_1179 = arith.constant 0 : i32
        %parallel_loop3A_1180 = arith.constant 56 : i32
        %parallel_loop3A_1181 = arith.index_cast %parallel_loop3A_1179 : i32 to index
        %parallel_loop3A_1182 = arith.index_cast %parallel_loop3A_1180 : i32 to index
        %parallel_loop3A_1183 = arith.index_cast %parallel_loop3A_1178 : i32 to index
        %parallel_loop3A_1184 = tpu.vector_load %arg7[%parallel_loop3A_1181, %parallel_loop3A_1182, %parallel_loop3A_1183] {strides = array<i32>} : memref<2x64x256xf32, #tpu.memory_space<vmem>>, vector<16xf32>,
        tpu.vector_store %arg7[%parallel_loop3A_1181, %parallel_loop3A_1182, %parallel_loop3A_1183], %parallel_loop3A_1172 {strides = array<i32>} : memref<2x64x256xf32, #tpu.memory_space<vmem>>, vector<16xf32>,
        %parallel_loop3A_1185 = arith.constant 16 : i32
        %parallel_loop3A_1186 = arith.muli %parallel_loop3A_133, %parallel_loop3A_1185 : i32
        %parallel_loop3A_1187 = arith.constant 0 : i32
        %parallel_loop3A_1188 = arith.constant 57 : i32
        %parallel_loop3A_1189 = arith.index_cast %parallel_loop3A_1187 : i32 to index
        %parallel_loop3A_1190 = arith.index_cast %parallel_loop3A_1188 : i32 to index
        %parallel_loop3A_1191 = arith.index_cast %parallel_loop3A_1186 : i32 to index
        %parallel_loop3A_1192 = tpu.vector_load %arg7[%parallel_loop3A_1189, %parallel_loop3A_1190, %parallel_loop3A_1191] {strides = array<i32>} : memref<2x64x256xf32, #tpu.memory_space<vmem>>, vector<16xf32>,
        tpu.vector_store %arg7[%parallel_loop3A_1189, %parallel_loop3A_1190, %parallel_loop3A_1191], %parallel_loop3A_1176 {strides = array<i32>} : memref<2x64x256xf32, #tpu.memory_space<vmem>>, vector<16xf32>,
        %parallel_loop3A_1193 = arith.constant 59392 : i32
        %parallel_loop3A_1194 = vector.broadcast %parallel_loop3A_1193 : i32 to vector<16xi32>
        %parallel_loop3A_1195 = arith.addi %parallel_loop3A_142, %parallel_loop3A_1194 : vector<16xi32>
        %parallel_loop3A_1196 = tpu.vector_load_idx %arg5[%parallel_loop3A_1195] : memref<65536xi32, #tpu.memory_space<vmem>>[vector<16xi32>], vector<16xi32>,
        %parallel_loop3A_1197 = arith.constant 59392 : i32
        %parallel_loop3A_1198 = vector.broadcast %parallel_loop3A_1197 : i32 to vector<16xi32>
        %parallel_loop3A_1199 = arith.addi %parallel_loop3A_148, %parallel_loop3A_1198 : vector<16xi32>
        %parallel_loop3A_1200 = tpu.vector_load_idx %arg5[%parallel_loop3A_1199] : memref<65536xi32, #tpu.memory_space<vmem>>[vector<16xi32>], vector<16xi32>,
        %parallel_loop3A_1201 = vector.bitcast %parallel_loop3A_1196 : vector<16xi32> to vector<32xbf16>
        %parallel_loop3A_1202 = vector.bitcast %parallel_loop3A_1200 : vector<16xi32> to vector<32xbf16>
        %parallel_loop3A_1203 = arith.addf %parallel_loop3A_1201, %parallel_loop3A_1202 : vector<32xbf16>
        %parallel_loop3A_1204 = vector.bitcast %parallel_loop3A_1203 : vector<32xbf16> to vector<16xi32>
        %parallel_loop3A_1205 = arith.constant 16 : i32
        %parallel_loop3A_1206 = vector.broadcast %parallel_loop3A_1205 : i32 to vector<16xi32>
        %parallel_loop3A_1207 = arith.shli %parallel_loop3A_1204, %parallel_loop3A_1206 : vector<16xi32>
        %parallel_loop3A_1208 = vector.bitcast %parallel_loop3A_1207 : vector<16xi32> to vector<16xf32>
        %parallel_loop3A_1209 = arith.constant -65536 : i32
        %parallel_loop3A_1210 = vector.broadcast %parallel_loop3A_1209 : i32 to vector<16xi32>
        %parallel_loop3A_1211 = arith.andi %parallel_loop3A_1204, %parallel_loop3A_1210 : vector<16xi32>
        %parallel_loop3A_1212 = vector.bitcast %parallel_loop3A_1211 : vector<16xi32> to vector<16xf32>
        %parallel_loop3A_1213 = arith.constant 16 : i32
        %parallel_loop3A_1214 = arith.muli %parallel_loop3A_133, %parallel_loop3A_1213 : i32
        %parallel_loop3A_1215 = arith.constant 0 : i32
        %parallel_loop3A_1216 = arith.constant 58 : i32
        %parallel_loop3A_1217 = arith.index_cast %parallel_loop3A_1215 : i32 to index
        %parallel_loop3A_1218 = arith.index_cast %parallel_loop3A_1216 : i32 to index
        %parallel_loop3A_1219 = arith.index_cast %parallel_loop3A_1214 : i32 to index
        %parallel_loop3A_1220 = tpu.vector_load %arg7[%parallel_loop3A_1217, %parallel_loop3A_1218, %parallel_loop3A_1219] {strides = array<i32>} : memref<2x64x256xf32, #tpu.memory_space<vmem>>, vector<16xf32>,
        tpu.vector_store %arg7[%parallel_loop3A_1217, %parallel_loop3A_1218, %parallel_loop3A_1219], %parallel_loop3A_1208 {strides = array<i32>} : memref<2x64x256xf32, #tpu.memory_space<vmem>>, vector<16xf32>,
        %parallel_loop3A_1221 = arith.constant 16 : i32
        %parallel_loop3A_1222 = arith.muli %parallel_loop3A_133, %parallel_loop3A_1221 : i32
        %parallel_loop3A_1223 = arith.constant 0 : i32
        %parallel_loop3A_1224 = arith.constant 59 : i32
        %parallel_loop3A_1225 = arith.index_cast %parallel_loop3A_1223 : i32 to index
        %parallel_loop3A_1226 = arith.index_cast %parallel_loop3A_1224 : i32 to index
        %parallel_loop3A_1227 = arith.index_cast %parallel_loop3A_1222 : i32 to index
        %parallel_loop3A_1228 = tpu.vector_load %arg7[%parallel_loop3A_1225, %parallel_loop3A_1226, %parallel_loop3A_1227] {strides = array<i32>} : memref<2x64x256xf32, #tpu.memory_space<vmem>>, vector<16xf32>,
        tpu.vector_store %arg7[%parallel_loop3A_1225, %parallel_loop3A_1226, %parallel_loop3A_1227], %parallel_loop3A_1212 {strides = array<i32>} : memref<2x64x256xf32, #tpu.memory_space<vmem>>, vector<16xf32>,
        %parallel_loop3A_1229 = arith.constant 61440 : i32
        %parallel_loop3A_1230 = vector.broadcast %parallel_loop3A_1229 : i32 to vector<16xi32>
        %parallel_loop3A_1231 = arith.addi %parallel_loop3A_142, %parallel_loop3A_1230 : vector<16xi32>
        %parallel_loop3A_1232 = tpu.vector_load_idx %arg5[%parallel_loop3A_1231] : memref<65536xi32, #tpu.memory_space<vmem>>[vector<16xi32>], vector<16xi32>,
        %parallel_loop3A_1233 = arith.constant 61440 : i32
        %parallel_loop3A_1234 = vector.broadcast %parallel_loop3A_1233 : i32 to vector<16xi32>
        %parallel_loop3A_1235 = arith.addi %parallel_loop3A_148, %parallel_loop3A_1234 : vector<16xi32>
        %parallel_loop3A_1236 = tpu.vector_load_idx %arg5[%parallel_loop3A_1235] : memref<65536xi32, #tpu.memory_space<vmem>>[vector<16xi32>], vector<16xi32>,
        %parallel_loop3A_1237 = vector.bitcast %parallel_loop3A_1232 : vector<16xi32> to vector<32xbf16>
        %parallel_loop3A_1238 = vector.bitcast %parallel_loop3A_1236 : vector<16xi32> to vector<32xbf16>
        %parallel_loop3A_1239 = arith.addf %parallel_loop3A_1237, %parallel_loop3A_1238 : vector<32xbf16>
        %parallel_loop3A_1240 = vector.bitcast %parallel_loop3A_1239 : vector<32xbf16> to vector<16xi32>
        %parallel_loop3A_1241 = arith.constant 16 : i32
        %parallel_loop3A_1242 = vector.broadcast %parallel_loop3A_1241 : i32 to vector<16xi32>
        %parallel_loop3A_1243 = arith.shli %parallel_loop3A_1240, %parallel_loop3A_1242 : vector<16xi32>
        %parallel_loop3A_1244 = vector.bitcast %parallel_loop3A_1243 : vector<16xi32> to vector<16xf32>
        %parallel_loop3A_1245 = arith.constant -65536 : i32
        %parallel_loop3A_1246 = vector.broadcast %parallel_loop3A_1245 : i32 to vector<16xi32>
        %parallel_loop3A_1247 = arith.andi %parallel_loop3A_1240, %parallel_loop3A_1246 : vector<16xi32>
        %parallel_loop3A_1248 = vector.bitcast %parallel_loop3A_1247 : vector<16xi32> to vector<16xf32>
        %parallel_loop3A_1249 = arith.constant 16 : i32
        %parallel_loop3A_1250 = arith.muli %parallel_loop3A_133, %parallel_loop3A_1249 : i32
        %parallel_loop3A_1251 = arith.constant 0 : i32
        %parallel_loop3A_1252 = arith.constant 60 : i32
        %parallel_loop3A_1253 = arith.index_cast %parallel_loop3A_1251 : i32 to index
        %parallel_loop3A_1254 = arith.index_cast %parallel_loop3A_1252 : i32 to index
        %parallel_loop3A_1255 = arith.index_cast %parallel_loop3A_1250 : i32 to index
        %parallel_loop3A_1256 = tpu.vector_load %arg7[%parallel_loop3A_1253, %parallel_loop3A_1254, %parallel_loop3A_1255] {strides = array<i32>} : memref<2x64x256xf32, #tpu.memory_space<vmem>>, vector<16xf32>,
        tpu.vector_store %arg7[%parallel_loop3A_1253, %parallel_loop3A_1254, %parallel_loop3A_1255], %parallel_loop3A_1244 {strides = array<i32>} : memref<2x64x256xf32, #tpu.memory_space<vmem>>, vector<16xf32>,
        %parallel_loop3A_1257 = arith.constant 16 : i32
        %parallel_loop3A_1258 = arith.muli %parallel_loop3A_133, %parallel_loop3A_1257 : i32
        %parallel_loop3A_1259 = arith.constant 0 : i32
        %parallel_loop3A_1260 = arith.constant 61 : i32
        %parallel_loop3A_1261 = arith.index_cast %parallel_loop3A_1259 : i32 to index
        %parallel_loop3A_1262 = arith.index_cast %parallel_loop3A_1260 : i32 to index
        %parallel_loop3A_1263 = arith.index_cast %parallel_loop3A_1258 : i32 to index
        %parallel_loop3A_1264 = tpu.vector_load %arg7[%parallel_loop3A_1261, %parallel_loop3A_1262, %parallel_loop3A_1263] {strides = array<i32>} : memref<2x64x256xf32, #tpu.memory_space<vmem>>, vector<16xf32>,
        tpu.vector_store %arg7[%parallel_loop3A_1261, %parallel_loop3A_1262, %parallel_loop3A_1263], %parallel_loop3A_1248 {strides = array<i32>} : memref<2x64x256xf32, #tpu.memory_space<vmem>>, vector<16xf32>,
        %parallel_loop3A_1265 = arith.constant 63488 : i32
        %parallel_loop3A_1266 = vector.broadcast %parallel_loop3A_1265 : i32 to vector<16xi32>
        %parallel_loop3A_1267 = arith.addi %parallel_loop3A_142, %parallel_loop3A_1266 : vector<16xi32>
        %parallel_loop3A_1268 = tpu.vector_load_idx %arg5[%parallel_loop3A_1267] : memref<65536xi32, #tpu.memory_space<vmem>>[vector<16xi32>], vector<16xi32>,
        %parallel_loop3A_1269 = arith.constant 63488 : i32
        %parallel_loop3A_1270 = vector.broadcast %parallel_loop3A_1269 : i32 to vector<16xi32>
        %parallel_loop3A_1271 = arith.addi %parallel_loop3A_148, %parallel_loop3A_1270 : vector<16xi32>
        %parallel_loop3A_1272 = tpu.vector_load_idx %arg5[%parallel_loop3A_1271] : memref<65536xi32, #tpu.memory_space<vmem>>[vector<16xi32>], vector<16xi32>,
        %parallel_loop3A_1273 = vector.bitcast %parallel_loop3A_1268 : vector<16xi32> to vector<32xbf16>
        %parallel_loop3A_1274 = vector.bitcast %parallel_loop3A_1272 : vector<16xi32> to vector<32xbf16>
        %parallel_loop3A_1275 = arith.addf %parallel_loop3A_1273, %parallel_loop3A_1274 : vector<32xbf16>
        %parallel_loop3A_1276 = vector.bitcast %parallel_loop3A_1275 : vector<32xbf16> to vector<16xi32>
        %parallel_loop3A_1277 = arith.constant 16 : i32
        %parallel_loop3A_1278 = vector.broadcast %parallel_loop3A_1277 : i32 to vector<16xi32>
        %parallel_loop3A_1279 = arith.shli %parallel_loop3A_1276, %parallel_loop3A_1278 : vector<16xi32>
        %parallel_loop3A_1280 = vector.bitcast %parallel_loop3A_1279 : vector<16xi32> to vector<16xf32>
        %parallel_loop3A_1281 = arith.constant -65536 : i32
        %parallel_loop3A_1282 = vector.broadcast %parallel_loop3A_1281 : i32 to vector<16xi32>
        %parallel_loop3A_1283 = arith.andi %parallel_loop3A_1276, %parallel_loop3A_1282 : vector<16xi32>
        %parallel_loop3A_1284 = vector.bitcast %parallel_loop3A_1283 : vector<16xi32> to vector<16xf32>
        %parallel_loop3A_1285 = arith.constant 16 : i32
        %parallel_loop3A_1286 = arith.muli %parallel_loop3A_133, %parallel_loop3A_1285 : i32
        %parallel_loop3A_1287 = arith.constant 0 : i32
        %parallel_loop3A_1288 = arith.constant 62 : i32
        %parallel_loop3A_1289 = arith.index_cast %parallel_loop3A_1287 : i32 to index
        %parallel_loop3A_1290 = arith.index_cast %parallel_loop3A_1288 : i32 to index
        %parallel_loop3A_1291 = arith.index_cast %parallel_loop3A_1286 : i32 to index
        %parallel_loop3A_1292 = tpu.vector_load %arg7[%parallel_loop3A_1289, %parallel_loop3A_1290, %parallel_loop3A_1291] {strides = array<i32>} : memref<2x64x256xf32, #tpu.memory_space<vmem>>, vector<16xf32>,
        tpu.vector_store %arg7[%parallel_loop3A_1289, %parallel_loop3A_1290, %parallel_loop3A_1291], %parallel_loop3A_1280 {strides = array<i32>} : memref<2x64x256xf32, #tpu.memory_space<vmem>>, vector<16xf32>,
        %parallel_loop3A_1293 = arith.constant 16 : i32
        %parallel_loop3A_1294 = arith.muli %parallel_loop3A_133, %parallel_loop3A_1293 : i32
        %parallel_loop3A_1295 = arith.constant 0 : i32
        %parallel_loop3A_1296 = arith.constant 63 : i32
        %parallel_loop3A_1297 = arith.index_cast %parallel_loop3A_1295 : i32 to index
        %parallel_loop3A_1298 = arith.index_cast %parallel_loop3A_1296 : i32 to index
        %parallel_loop3A_1299 = arith.index_cast %parallel_loop3A_1294 : i32 to index
        %parallel_loop3A_1300 = tpu.vector_load %arg7[%parallel_loop3A_1297, %parallel_loop3A_1298, %parallel_loop3A_1299] {strides = array<i32>} : memref<2x64x256xf32, #tpu.memory_space<vmem>>, vector<16xf32>,
        tpu.vector_store %arg7[%parallel_loop3A_1297, %parallel_loop3A_1298, %parallel_loop3A_1299], %parallel_loop3A_1284 {strides = array<i32>} : memref<2x64x256xf32, #tpu.memory_space<vmem>>, vector<16xf32>,
      } {sc.loop_unroll_factor = 4 : i64, sc.parallel_access}
      %mul3A_71 = arith.constant 256 : i32
      %mul3A_72 = arith.muli %mul3A_49, %mul3A_71 : i32
      %add3A_73 = arith.addi %mul3A_2, %mul3A_72 : i32
      %dma_start3A_74 = arith.constant 0 : i32
      %dma_start3A_75 = arith.constant 0 : i32
      %dma_start3A_76 = arith.constant 0 : i32
      %dma_start3A_77 = tpu.memref_slice %arg7[%dma_start3A_74, %dma_start3A_75, %dma_start3A_76] : memref<2x64x256xf32, #tpu.memory_space<vmem>> -> memref<1x64x256xf32, #tpu.memory_space<vmem>>
      %dma_start3A_78 = tpu.memref_squeeze %dma_start3A_77 : memref<1x64x256xf32, #tpu.memory_space<vmem>> -> memref<64x256xf32, #tpu.memory_space<vmem>>
      %dma_start3A_79 = arith.constant 0 : i32
      %dma_start3A_80 = tpu.memref_slice %arg4[%dma_start3A_79, %add3A_73] : memref<64x819200xf32, #tpu.memory_space<hbm>> -> memref<64x256xf32, #tpu.memory_space<hbm>>
      %dma_start3A_81 = arith.constant 0 : i32
      %dma_start3A_82 = tpu.memref_slice %arg4[%dma_start3A_81, %add3A_73] : memref<64x819200xf32, #tpu.memory_space<hbm>> -> memref<64x256xf32, #tpu.memory_space<hbm>>
      %dma_start3A_83 = arith.constant 0 : i32
      %dma_start3A_84 = arith.constant 0 : i32
      %dma_start3A_85 = tpu.memref_slice %arg7[%dma_start3A_74, %dma_start3A_83, %dma_start3A_84] : memref<2x64x256xf32, #tpu.memory_space<vmem>> -> memref<1x64x256xf32, #tpu.memory_space<vmem>>
      %dma_start3A_86 = tpu.memref_squeeze %dma_start3A_85 : memref<1x64x256xf32, #tpu.memory_space<vmem>> -> memref<64x256xf32, #tpu.memory_space<vmem>>
      tpu.enqueue_dma source(%dma_start3A_86 : memref<64x256xf32, #tpu.memory_space<vmem>>) target(%dma_start3A_82 : memref<64x256xf32, #tpu.memory_space<hbm>>) target_semaphore(%arg10 : memref<!tpu.dma_semaphore, #tpu.memory_space<semaphore_mem>>)
      %mul3A_87 = arith.constant 2 : i32
      %mul3A_88 = arith.muli %mul3A_87, %scan3A_47 : i32
      %add3A_89 = arith.constant 1 : i32
      %add3A_90 = arith.addi %mul3A_88, %add3A_89 : i32
      %dma_wait3A_91 = arith.constant 1 : i32
      %dma_wait3A_92 = arith.constant 0 : i32
      %dma_wait3A_93 = tpu.memref_slice %arg6[%dma_wait3A_91, %dma_wait3A_92] : memref<2x256xi32, #tpu.memory_space<vmem>> -> memref<1x256xi32, #tpu.memory_space<vmem>>
      %dma_wait3A_94 = tpu.memref_squeeze %dma_wait3A_93 : memref<1x256xi32, #tpu.memory_space<vmem>> -> memref<256xi32, #tpu.memory_space<vmem>>
      %dma_wait3A_95 = arith.constant 0 : i32
      %dma_wait3A_96 = tpu.memref_slice %arg3[%dma_wait3A_95] : memref<819200xi32, #tpu.memory_space<hbm>> -> memref<256xi32, #tpu.memory_space<hbm>>
      %dma_wait3A_97 = arith.constant 0 : i32
      %dma_wait3A_98 = tpu.memref_slice %arg6[%dma_wait3A_91, %dma_wait3A_97] : memref<2x256xi32, #tpu.memory_space<vmem>> -> memref<1x256xi32, #tpu.memory_space<vmem>>
      %dma_wait3A_99 = tpu.memref_squeeze %dma_wait3A_98 : memref<1x256xi32, #tpu.memory_space<vmem>> -> memref<256xi32, #tpu.memory_space<vmem>>
      %dma_wait3A_100 = arith.constant 0 : i32
      %dma_wait3A_101 = tpu.memref_slice %arg3[%dma_wait3A_100] : memref<819200xi32, #tpu.memory_space<hbm>> -> memref<256xi32, #tpu.memory_space<hbm>>
      tpu.wait_dma2 semaphore(%arg9 : memref<!tpu.dma_semaphore, #tpu.memory_space<semaphore_mem>>) src(%dma_wait3A_101 : memref<256xi32, #tpu.memory_space<hbm>>) dst(%dma_wait3A_99 : memref<256xi32, #tpu.memory_space<vmem>>)
      %add3A_102 = arith.constant 1 : i32
      %add3A_103 = arith.addi %add3A_90, %add3A_102 : i32
      %lt3A_104 = arith.constant 100 : i32
      %lt3A_105 = arith.cmpi slt, %add3A_103, %lt3A_104 : i32
      %convert_element_type3A_106 = arith.extui %lt3A_105 : i1 to i32
      %cond3A_107 = arith.constant 0 : i32
      %cond3A_108 = arith.cmpi ne, %convert_element_type3A_106, %cond3A_107 : i32
      scf.if %cond3A_108 {
        %add3A_133 = arith.constant 1 : i32
        %add3A_134 = arith.addi %add3A_90, %add3A_133 : i32
        %mul3A_135 = arith.constant 256 : i32
        %mul3A_136 = arith.muli %add3A_134, %mul3A_135 : i32
        %add3A_137 = arith.addi %mul3A_2, %mul3A_136 : i32
        %dma_start3A_138 = arith.constant 0 : i32
        %dma_start3A_139 = arith.constant 0 : i32
        %dma_start3A_140 = tpu.memref_slice %arg6[%dma_start3A_138, %dma_start3A_139] : memref<2x256xi32, #tpu.memory_space<vmem>> -> memref<1x256xi32, #tpu.memory_space<vmem>>
        %dma_start3A_141 = tpu.memref_squeeze %dma_start3A_140 : memref<1x256xi32, #tpu.memory_space<vmem>> -> memref<256xi32, #tpu.memory_space<vmem>>
        %dma_start3A_142 = tpu.memref_slice %arg3[%add3A_137] : memref<819200xi32, #tpu.memory_space<hbm>> -> memref<256xi32, #tpu.memory_space<hbm>>
        %dma_start3A_143 = arith.constant 0 : i32
        %dma_start3A_144 = tpu.memref_slice %arg6[%dma_start3A_138, %dma_start3A_143] : memref<2x256xi32, #tpu.memory_space<vmem>> -> memref<1x256xi32, #tpu.memory_space<vmem>>
        %dma_start3A_145 = tpu.memref_squeeze %dma_start3A_144 : memref<1x256xi32, #tpu.memory_space<vmem>> -> memref<256xi32, #tpu.memory_space<vmem>>
        %dma_start3A_146 = tpu.memref_slice %arg3[%add3A_137] : memref<819200xi32, #tpu.memory_space<hbm>> -> memref<256xi32, #tpu.memory_space<hbm>>
        tpu.enqueue_dma source(%dma_start3A_146 : memref<256xi32, #tpu.memory_space<hbm>>) target(%dma_start3A_145 : memref<256xi32, #tpu.memory_space<vmem>>) target_semaphore(%arg8 : memref<!tpu.dma_semaphore, #tpu.memory_space<semaphore_mem>>)
      } else {
      }
      %ge3A_109 = arith.constant 2 : i32
      %ge3A_110 = arith.cmpi sge, %add3A_90, %ge3A_109 : i32
      %convert_element_type3A_111 = arith.extui %ge3A_110 : i1 to i32
      %cond3A_112 = arith.constant 0 : i32
      %cond3A_113 = arith.cmpi ne, %convert_element_type3A_111, %cond3A_112 : i32
      scf.if %cond3A_113 {
        %dma_wait3A_133 = arith.constant 1 : i32
        %dma_wait3A_134 = arith.constant 0 : i32
        %dma_wait3A_135 = arith.constant 0 : i32
        %dma_wait3A_136 = tpu.memref_slice %arg7[%dma_wait3A_133, %dma_wait3A_134, %dma_wait3A_135] : memref<2x64x256xf32, #tpu.memory_space<vmem>> -> memref<1x64x256xf32, #tpu.memory_space<vmem>>
        %dma_wait3A_137 = tpu.memref_squeeze %dma_wait3A_136 : memref<1x64x256xf32, #tpu.memory_space<vmem>> -> memref<64x256xf32, #tpu.memory_space<vmem>>
        %dma_wait3A_138 = arith.constant 0 : i32
        %dma_wait3A_139 = arith.constant 0 : i32
        %dma_wait3A_140 = tpu.memref_slice %arg4[%dma_wait3A_138, %dma_wait3A_139] : memref<64x819200xf32, #tpu.memory_space<hbm>> -> memref<64x256xf32, #tpu.memory_space<hbm>>
        %dma_wait3A_141 = arith.constant 0 : i32
        %dma_wait3A_142 = arith.constant 0 : i32
        %dma_wait3A_143 = tpu.memref_slice %arg4[%dma_wait3A_141, %dma_wait3A_142] : memref<64x819200xf32, #tpu.memory_space<hbm>> -> memref<64x256xf32, #tpu.memory_space<hbm>>
        %dma_wait3A_144 = arith.constant 0 : i32
        %dma_wait3A_145 = arith.constant 0 : i32
        %dma_wait3A_146 = tpu.memref_slice %arg7[%dma_wait3A_133, %dma_wait3A_144, %dma_wait3A_145] : memref<2x64x256xf32, #tpu.memory_space<vmem>> -> memref<1x64x256xf32, #tpu.memory_space<vmem>>
        %dma_wait3A_147 = tpu.memref_squeeze %dma_wait3A_146 : memref<1x64x256xf32, #tpu.memory_space<vmem>> -> memref<64x256xf32, #tpu.memory_space<vmem>>
        tpu.wait_dma2 semaphore(%arg11 : memref<!tpu.dma_semaphore, #tpu.memory_space<semaphore_mem>>) src(%dma_wait3A_147 : memref<64x256xf32, #tpu.memory_space<vmem>>) dst(%dma_wait3A_143 : memref<64x256xf32, #tpu.memory_space<hbm>>)
      } else {
      }
      %parallel_loop3A_114 = arith.constant 0 : i32
      %parallel_loop3A_115 = arith.constant 16 : i32
      %parallel_loop3A_116 = arith.constant 1 : i32
      scf.for %parallel_loop3A_133 = %parallel_loop3A_114 to %parallel_loop3A_115 step %parallel_loop3A_116  : i32 {
        %parallel_loop3A_134 = arith.constant 16 : i32
        %parallel_loop3A_135 = arith.muli %parallel_loop3A_133, %parallel_loop3A_134 : i32
        %parallel_loop3A_136 = arith.constant 1 : i32
        %parallel_loop3A_137 = arith.index_cast %parallel_loop3A_136 : i32 to index
        %parallel_loop3A_138 = arith.index_cast %parallel_loop3A_135 : i32 to index
        %parallel_loop3A_139 = tpu.vector_load %arg6[%parallel_loop3A_137, %parallel_loop3A_138] {strides = array<i32>} : memref<2x256xi32, #tpu.memory_space<vmem>>, vector<16xi32>,
        %parallel_loop3A_140 = arith.constant 1023 : i32
        %parallel_loop3A_141 = vector.broadcast %parallel_loop3A_140 : i32 to vector<16xi32>
        %parallel_loop3A_142 = arith.andi %parallel_loop3A_139, %parallel_loop3A_141 : vector<16xi32>
        %parallel_loop3A_143 = arith.constant 10 : i32
        %parallel_loop3A_144 = vector.broadcast %parallel_loop3A_143 : i32 to vector<16xi32>
        %parallel_loop3A_145 = arith.shrsi %parallel_loop3A_139, %parallel_loop3A_144 : vector<16xi32>
        %parallel_loop3A_146 = arith.constant 1024 : i32
        %parallel_loop3A_147 = vector.broadcast %parallel_loop3A_146 : i32 to vector<16xi32>
        %parallel_loop3A_148 = arith.addi %parallel_loop3A_145, %parallel_loop3A_147 : vector<16xi32>
        %parallel_loop3A_149 = arith.constant 0 : i32
        %parallel_loop3A_150 = vector.broadcast %parallel_loop3A_149 : i32 to vector<16xi32>
        %parallel_loop3A_151 = arith.addi %parallel_loop3A_142, %parallel_loop3A_150 : vector<16xi32>
        %parallel_loop3A_152 = tpu.vector_load_idx %arg5[%parallel_loop3A_151] : memref<65536xi32, #tpu.memory_space<vmem>>[vector<16xi32>], vector<16xi32>,
        %parallel_loop3A_153 = arith.constant 0 : i32
        %parallel_loop3A_154 = vector.broadcast %parallel_loop3A_153 : i32 to vector<16xi32>
        %parallel_loop3A_155 = arith.addi %parallel_loop3A_148, %parallel_loop3A_154 : vector<16xi32>
        %parallel_loop3A_156 = tpu.vector_load_idx %arg5[%parallel_loop3A_155] : memref<65536xi32, #tpu.memory_space<vmem>>[vector<16xi32>], vector<16xi32>,
        %parallel_loop3A_157 = vector.bitcast %parallel_loop3A_152 : vector<16xi32> to vector<32xbf16>
        %parallel_loop3A_158 = vector.bitcast %parallel_loop3A_156 : vector<16xi32> to vector<32xbf16>
        %parallel_loop3A_159 = arith.addf %parallel_loop3A_157, %parallel_loop3A_158 : vector<32xbf16>
        %parallel_loop3A_160 = vector.bitcast %parallel_loop3A_159 : vector<32xbf16> to vector<16xi32>
        %parallel_loop3A_161 = arith.constant 16 : i32
        %parallel_loop3A_162 = vector.broadcast %parallel_loop3A_161 : i32 to vector<16xi32>
        %parallel_loop3A_163 = arith.shli %parallel_loop3A_160, %parallel_loop3A_162 : vector<16xi32>
        %parallel_loop3A_164 = vector.bitcast %parallel_loop3A_163 : vector<16xi32> to vector<16xf32>
        %parallel_loop3A_165 = arith.constant -65536 : i32
        %parallel_loop3A_166 = vector.broadcast %parallel_loop3A_165 : i32 to vector<16xi32>
        %parallel_loop3A_167 = arith.andi %parallel_loop3A_160, %parallel_loop3A_166 : vector<16xi32>
        %parallel_loop3A_168 = vector.bitcast %parallel_loop3A_167 : vector<16xi32> to vector<16xf32>
        %parallel_loop3A_169 = arith.constant 16 : i32
        %parallel_loop3A_170 = arith.muli %parallel_loop3A_133, %parallel_loop3A_169 : i32
        %parallel_loop3A_171 = arith.constant 1 : i32
        %parallel_loop3A_172 = arith.constant 0 : i32
        %parallel_loop3A_173 = arith.index_cast %parallel_loop3A_171 : i32 to index
        %parallel_loop3A_174 = arith.index_cast %parallel_loop3A_172 : i32 to index
        %parallel_loop3A_175 = arith.index_cast %parallel_loop3A_170 : i32 to index
        %parallel_loop3A_176 = tpu.vector_load %arg7[%parallel_loop3A_173, %parallel_loop3A_174, %parallel_loop3A_175] {strides = array<i32>} : memref<2x64x256xf32, #tpu.memory_space<vmem>>, vector<16xf32>,
        tpu.vector_store %arg7[%parallel_loop3A_173, %parallel_loop3A_174, %parallel_loop3A_175], %parallel_loop3A_164 {strides = array<i32>} : memref<2x64x256xf32, #tpu.memory_space<vmem>>, vector<16xf32>,
        %parallel_loop3A_177 = arith.constant 16 : i32
        %parallel_loop3A_178 = arith.muli %parallel_loop3A_133, %parallel_loop3A_177 : i32
        %parallel_loop3A_179 = arith.constant 1 : i32
        %parallel_loop3A_180 = arith.constant 1 : i32
        %parallel_loop3A_181 = arith.index_cast %parallel_loop3A_179 : i32 to index
        %parallel_loop3A_182 = arith.index_cast %parallel_loop3A_180 : i32 to index
        %parallel_loop3A_183 = arith.index_cast %parallel_loop3A_178 : i32 to index
        %parallel_loop3A_184 = tpu.vector_load %arg7[%parallel_loop3A_181, %parallel_loop3A_182, %parallel_loop3A_183] {strides = array<i32>} : memref<2x64x256xf32, #tpu.memory_space<vmem>>, vector<16xf32>,
        tpu.vector_store %arg7[%parallel_loop3A_181, %parallel_loop3A_182, %parallel_loop3A_183], %parallel_loop3A_168 {strides = array<i32>} : memref<2x64x256xf32, #tpu.memory_space<vmem>>, vector<16xf32>,
        %parallel_loop3A_185 = arith.constant 2048 : i32
        %parallel_loop3A_186 = vector.broadcast %parallel_loop3A_185 : i32 to vector<16xi32>
        %parallel_loop3A_187 = arith.addi %parallel_loop3A_142, %parallel_loop3A_186 : vector<16xi32>
        %parallel_loop3A_188 = tpu.vector_load_idx %arg5[%parallel_loop3A_187] : memref<65536xi32, #tpu.memory_space<vmem>>[vector<16xi32>], vector<16xi32>,
        %parallel_loop3A_189 = arith.constant 2048 : i32
        %parallel_loop3A_190 = vector.broadcast %parallel_loop3A_189 : i32 to vector<16xi32>
        %parallel_loop3A_191 = arith.addi %parallel_loop3A_148, %parallel_loop3A_190 : vector<16xi32>
        %parallel_loop3A_192 = tpu.vector_load_idx %arg5[%parallel_loop3A_191] : memref<65536xi32, #tpu.memory_space<vmem>>[vector<16xi32>], vector<16xi32>,
        %parallel_loop3A_193 = vector.bitcast %parallel_loop3A_188 : vector<16xi32> to vector<32xbf16>
        %parallel_loop3A_194 = vector.bitcast %parallel_loop3A_192 : vector<16xi32> to vector<32xbf16>
        %parallel_loop3A_195 = arith.addf %parallel_loop3A_193, %parallel_loop3A_194 : vector<32xbf16>
        %parallel_loop3A_196 = vector.bitcast %parallel_loop3A_195 : vector<32xbf16> to vector<16xi32>
        %parallel_loop3A_197 = arith.constant 16 : i32
        %parallel_loop3A_198 = vector.broadcast %parallel_loop3A_197 : i32 to vector<16xi32>
        %parallel_loop3A_199 = arith.shli %parallel_loop3A_196, %parallel_loop3A_198 : vector<16xi32>
        %parallel_loop3A_200 = vector.bitcast %parallel_loop3A_199 : vector<16xi32> to vector<16xf32>
        %parallel_loop3A_201 = arith.constant -65536 : i32
        %parallel_loop3A_202 = vector.broadcast %parallel_loop3A_201 : i32 to vector<16xi32>
        %parallel_loop3A_203 = arith.andi %parallel_loop3A_196, %parallel_loop3A_202 : vector<16xi32>
        %parallel_loop3A_204 = vector.bitcast %parallel_loop3A_203 : vector<16xi32> to vector<16xf32>
        %parallel_loop3A_205 = arith.constant 16 : i32
        %parallel_loop3A_206 = arith.muli %parallel_loop3A_133, %parallel_loop3A_205 : i32
        %parallel_loop3A_207 = arith.constant 1 : i32
        %parallel_loop3A_208 = arith.constant 2 : i32
        %parallel_loop3A_209 = arith.index_cast %parallel_loop3A_207 : i32 to index
        %parallel_loop3A_210 = arith.index_cast %parallel_loop3A_208 : i32 to index
        %parallel_loop3A_211 = arith.index_cast %parallel_loop3A_206 : i32 to index
        %parallel_loop3A_212 = tpu.vector_load %arg7[%parallel_loop3A_209, %parallel_loop3A_210, %parallel_loop3A_211] {strides = array<i32>} : memref<2x64x256xf32, #tpu.memory_space<vmem>>, vector<16xf32>,
        tpu.vector_store %arg7[%parallel_loop3A_209, %parallel_loop3A_210, %parallel_loop3A_211], %parallel_loop3A_200 {strides = array<i32>} : memref<2x64x256xf32, #tpu.memory_space<vmem>>, vector<16xf32>,
        %parallel_loop3A_213 = arith.constant 16 : i32
        %parallel_loop3A_214 = arith.muli %parallel_loop3A_133, %parallel_loop3A_213 : i32
        %parallel_loop3A_215 = arith.constant 1 : i32
        %parallel_loop3A_216 = arith.constant 3 : i32
        %parallel_loop3A_217 = arith.index_cast %parallel_loop3A_215 : i32 to index
        %parallel_loop3A_218 = arith.index_cast %parallel_loop3A_216 : i32 to index
        %parallel_loop3A_219 = arith.index_cast %parallel_loop3A_214 : i32 to index
        %parallel_loop3A_220 = tpu.vector_load %arg7[%parallel_loop3A_217, %parallel_loop3A_218, %parallel_loop3A_219] {strides = array<i32>} : memref<2x64x256xf32, #tpu.memory_space<vmem>>, vector<16xf32>,
        tpu.vector_store %arg7[%parallel_loop3A_217, %parallel_loop3A_218, %parallel_loop3A_219], %parallel_loop3A_204 {strides = array<i32>} : memref<2x64x256xf32, #tpu.memory_space<vmem>>, vector<16xf32>,
        %parallel_loop3A_221 = arith.constant 4096 : i32
        %parallel_loop3A_222 = vector.broadcast %parallel_loop3A_221 : i32 to vector<16xi32>
        %parallel_loop3A_223 = arith.addi %parallel_loop3A_142, %parallel_loop3A_222 : vector<16xi32>
        %parallel_loop3A_224 = tpu.vector_load_idx %arg5[%parallel_loop3A_223] : memref<65536xi32, #tpu.memory_space<vmem>>[vector<16xi32>], vector<16xi32>,
        %parallel_loop3A_225 = arith.constant 4096 : i32
        %parallel_loop3A_226 = vector.broadcast %parallel_loop3A_225 : i32 to vector<16xi32>
        %parallel_loop3A_227 = arith.addi %parallel_loop3A_148, %parallel_loop3A_226 : vector<16xi32>
        %parallel_loop3A_228 = tpu.vector_load_idx %arg5[%parallel_loop3A_227] : memref<65536xi32, #tpu.memory_space<vmem>>[vector<16xi32>], vector<16xi32>,
        %parallel_loop3A_229 = vector.bitcast %parallel_loop3A_224 : vector<16xi32> to vector<32xbf16>
        %parallel_loop3A_230 = vector.bitcast %parallel_loop3A_228 : vector<16xi32> to vector<32xbf16>
        %parallel_loop3A_231 = arith.addf %parallel_loop3A_229, %parallel_loop3A_230 : vector<32xbf16>
        %parallel_loop3A_232 = vector.bitcast %parallel_loop3A_231 : vector<32xbf16> to vector<16xi32>
        %parallel_loop3A_233 = arith.constant 16 : i32
        %parallel_loop3A_234 = vector.broadcast %parallel_loop3A_233 : i32 to vector<16xi32>
        %parallel_loop3A_235 = arith.shli %parallel_loop3A_232, %parallel_loop3A_234 : vector<16xi32>
        %parallel_loop3A_236 = vector.bitcast %parallel_loop3A_235 : vector<16xi32> to vector<16xf32>
        %parallel_loop3A_237 = arith.constant -65536 : i32
        %parallel_loop3A_238 = vector.broadcast %parallel_loop3A_237 : i32 to vector<16xi32>
        %parallel_loop3A_239 = arith.andi %parallel_loop3A_232, %parallel_loop3A_238 : vector<16xi32>
        %parallel_loop3A_240 = vector.bitcast %parallel_loop3A_239 : vector<16xi32> to vector<16xf32>
        %parallel_loop3A_241 = arith.constant 16 : i32
        %parallel_loop3A_242 = arith.muli %parallel_loop3A_133, %parallel_loop3A_241 : i32
        %parallel_loop3A_243 = arith.constant 1 : i32
        %parallel_loop3A_244 = arith.constant 4 : i32
        %parallel_loop3A_245 = arith.index_cast %parallel_loop3A_243 : i32 to index
        %parallel_loop3A_246 = arith.index_cast %parallel_loop3A_244 : i32 to index
        %parallel_loop3A_247 = arith.index_cast %parallel_loop3A_242 : i32 to index
        %parallel_loop3A_248 = tpu.vector_load %arg7[%parallel_loop3A_245, %parallel_loop3A_246, %parallel_loop3A_247] {strides = array<i32>} : memref<2x64x256xf32, #tpu.memory_space<vmem>>, vector<16xf32>,
        tpu.vector_store %arg7[%parallel_loop3A_245, %parallel_loop3A_246, %parallel_loop3A_247], %parallel_loop3A_236 {strides = array<i32>} : memref<2x64x256xf32, #tpu.memory_space<vmem>>, vector<16xf32>,
        %parallel_loop3A_249 = arith.constant 16 : i32
        %parallel_loop3A_250 = arith.muli %parallel_loop3A_133, %parallel_loop3A_249 : i32
        %parallel_loop3A_251 = arith.constant 1 : i32
        %parallel_loop3A_252 = arith.constant 5 : i32
        %parallel_loop3A_253 = arith.index_cast %parallel_loop3A_251 : i32 to index
        %parallel_loop3A_254 = arith.index_cast %parallel_loop3A_252 : i32 to index
        %parallel_loop3A_255 = arith.index_cast %parallel_loop3A_250 : i32 to index
        %parallel_loop3A_256 = tpu.vector_load %arg7[%parallel_loop3A_253, %parallel_loop3A_254, %parallel_loop3A_255] {strides = array<i32>} : memref<2x64x256xf32, #tpu.memory_space<vmem>>, vector<16xf32>,
        tpu.vector_store %arg7[%parallel_loop3A_253, %parallel_loop3A_254, %parallel_loop3A_255], %parallel_loop3A_240 {strides = array<i32>} : memref<2x64x256xf32, #tpu.memory_space<vmem>>, vector<16xf32>,
        %parallel_loop3A_257 = arith.constant 6144 : i32
        %parallel_loop3A_258 = vector.broadcast %parallel_loop3A_257 : i32 to vector<16xi32>
        %parallel_loop3A_259 = arith.addi %parallel_loop3A_142, %parallel_loop3A_258 : vector<16xi32>
        %parallel_loop3A_260 = tpu.vector_load_idx %arg5[%parallel_loop3A_259] : memref<65536xi32, #tpu.memory_space<vmem>>[vector<16xi32>], vector<16xi32>,
        %parallel_loop3A_261 = arith.constant 6144 : i32
        %parallel_loop3A_262 = vector.broadcast %parallel_loop3A_261 : i32 to vector<16xi32>
        %parallel_loop3A_263 = arith.addi %parallel_loop3A_148, %parallel_loop3A_262 : vector<16xi32>
        %parallel_loop3A_264 = tpu.vector_load_idx %arg5[%parallel_loop3A_263] : memref<65536xi32, #tpu.memory_space<vmem>>[vector<16xi32>], vector<16xi32>,
        %parallel_loop3A_265 = vector.bitcast %parallel_loop3A_260 : vector<16xi32> to vector<32xbf16>
        %parallel_loop3A_266 = vector.bitcast %parallel_loop3A_264 : vector<16xi32> to vector<32xbf16>
        %parallel_loop3A_267 = arith.addf %parallel_loop3A_265, %parallel_loop3A_266 : vector<32xbf16>
        %parallel_loop3A_268 = vector.bitcast %parallel_loop3A_267 : vector<32xbf16> to vector<16xi32>
        %parallel_loop3A_269 = arith.constant 16 : i32
        %parallel_loop3A_270 = vector.broadcast %parallel_loop3A_269 : i32 to vector<16xi32>
        %parallel_loop3A_271 = arith.shli %parallel_loop3A_268, %parallel_loop3A_270 : vector<16xi32>
        %parallel_loop3A_272 = vector.bitcast %parallel_loop3A_271 : vector<16xi32> to vector<16xf32>
        %parallel_loop3A_273 = arith.constant -65536 : i32
        %parallel_loop3A_274 = vector.broadcast %parallel_loop3A_273 : i32 to vector<16xi32>
        %parallel_loop3A_275 = arith.andi %parallel_loop3A_268, %parallel_loop3A_274 : vector<16xi32>
        %parallel_loop3A_276 = vector.bitcast %parallel_loop3A_275 : vector<16xi32> to vector<16xf32>
        %parallel_loop3A_277 = arith.constant 16 : i32
        %parallel_loop3A_278 = arith.muli %parallel_loop3A_133, %parallel_loop3A_277 : i32
        %parallel_loop3A_279 = arith.constant 1 : i32
        %parallel_loop3A_280 = arith.constant 6 : i32
        %parallel_loop3A_281 = arith.index_cast %parallel_loop3A_279 : i32 to index
        %parallel_loop3A_282 = arith.index_cast %parallel_loop3A_280 : i32 to index
        %parallel_loop3A_283 = arith.index_cast %parallel_loop3A_278 : i32 to index
        %parallel_loop3A_284 = tpu.vector_load %arg7[%parallel_loop3A_281, %parallel_loop3A_282, %parallel_loop3A_283] {strides = array<i32>} : memref<2x64x256xf32, #tpu.memory_space<vmem>>, vector<16xf32>,
        tpu.vector_store %arg7[%parallel_loop3A_281, %parallel_loop3A_282, %parallel_loop3A_283], %parallel_loop3A_272 {strides = array<i32>} : memref<2x64x256xf32, #tpu.memory_space<vmem>>, vector<16xf32>,
        %parallel_loop3A_285 = arith.constant 16 : i32
        %parallel_loop3A_286 = arith.muli %parallel_loop3A_133, %parallel_loop3A_285 : i32
        %parallel_loop3A_287 = arith.constant 1 : i32
        %parallel_loop3A_288 = arith.constant 7 : i32
        %parallel_loop3A_289 = arith.index_cast %parallel_loop3A_287 : i32 to index
        %parallel_loop3A_290 = arith.index_cast %parallel_loop3A_288 : i32 to index
        %parallel_loop3A_291 = arith.index_cast %parallel_loop3A_286 : i32 to index
        %parallel_loop3A_292 = tpu.vector_load %arg7[%parallel_loop3A_289, %parallel_loop3A_290, %parallel_loop3A_291] {strides = array<i32>} : memref<2x64x256xf32, #tpu.memory_space<vmem>>, vector<16xf32>,
        tpu.vector_store %arg7[%parallel_loop3A_289, %parallel_loop3A_290, %parallel_loop3A_291], %parallel_loop3A_276 {strides = array<i32>} : memref<2x64x256xf32, #tpu.memory_space<vmem>>, vector<16xf32>,
        %parallel_loop3A_293 = arith.constant 8192 : i32
        %parallel_loop3A_294 = vector.broadcast %parallel_loop3A_293 : i32 to vector<16xi32>
        %parallel_loop3A_295 = arith.addi %parallel_loop3A_142, %parallel_loop3A_294 : vector<16xi32>
        %parallel_loop3A_296 = tpu.vector_load_idx %arg5[%parallel_loop3A_295] : memref<65536xi32, #tpu.memory_space<vmem>>[vector<16xi32>], vector<16xi32>,
        %parallel_loop3A_297 = arith.constant 8192 : i32
        %parallel_loop3A_298 = vector.broadcast %parallel_loop3A_297 : i32 to vector<16xi32>
        %parallel_loop3A_299 = arith.addi %parallel_loop3A_148, %parallel_loop3A_298 : vector<16xi32>
        %parallel_loop3A_300 = tpu.vector_load_idx %arg5[%parallel_loop3A_299] : memref<65536xi32, #tpu.memory_space<vmem>>[vector<16xi32>], vector<16xi32>,
        %parallel_loop3A_301 = vector.bitcast %parallel_loop3A_296 : vector<16xi32> to vector<32xbf16>
        %parallel_loop3A_302 = vector.bitcast %parallel_loop3A_300 : vector<16xi32> to vector<32xbf16>
        %parallel_loop3A_303 = arith.addf %parallel_loop3A_301, %parallel_loop3A_302 : vector<32xbf16>
        %parallel_loop3A_304 = vector.bitcast %parallel_loop3A_303 : vector<32xbf16> to vector<16xi32>
        %parallel_loop3A_305 = arith.constant 16 : i32
        %parallel_loop3A_306 = vector.broadcast %parallel_loop3A_305 : i32 to vector<16xi32>
        %parallel_loop3A_307 = arith.shli %parallel_loop3A_304, %parallel_loop3A_306 : vector<16xi32>
        %parallel_loop3A_308 = vector.bitcast %parallel_loop3A_307 : vector<16xi32> to vector<16xf32>
        %parallel_loop3A_309 = arith.constant -65536 : i32
        %parallel_loop3A_310 = vector.broadcast %parallel_loop3A_309 : i32 to vector<16xi32>
        %parallel_loop3A_311 = arith.andi %parallel_loop3A_304, %parallel_loop3A_310 : vector<16xi32>
        %parallel_loop3A_312 = vector.bitcast %parallel_loop3A_311 : vector<16xi32> to vector<16xf32>
        %parallel_loop3A_313 = arith.constant 16 : i32
        %parallel_loop3A_314 = arith.muli %parallel_loop3A_133, %parallel_loop3A_313 : i32
        %parallel_loop3A_315 = arith.constant 1 : i32
        %parallel_loop3A_316 = arith.constant 8 : i32
        %parallel_loop3A_317 = arith.index_cast %parallel_loop3A_315 : i32 to index
        %parallel_loop3A_318 = arith.index_cast %parallel_loop3A_316 : i32 to index
        %parallel_loop3A_319 = arith.index_cast %parallel_loop3A_314 : i32 to index
        %parallel_loop3A_320 = tpu.vector_load %arg7[%parallel_loop3A_317, %parallel_loop3A_318, %parallel_loop3A_319] {strides = array<i32>} : memref<2x64x256xf32, #tpu.memory_space<vmem>>, vector<16xf32>,
        tpu.vector_store %arg7[%parallel_loop3A_317, %parallel_loop3A_318, %parallel_loop3A_319], %parallel_loop3A_308 {strides = array<i32>} : memref<2x64x256xf32, #tpu.memory_space<vmem>>, vector<16xf32>,
        %parallel_loop3A_321 = arith.constant 16 : i32
        %parallel_loop3A_322 = arith.muli %parallel_loop3A_133, %parallel_loop3A_321 : i32
        %parallel_loop3A_323 = arith.constant 1 : i32
        %parallel_loop3A_324 = arith.constant 9 : i32
        %parallel_loop3A_325 = arith.index_cast %parallel_loop3A_323 : i32 to index
        %parallel_loop3A_326 = arith.index_cast %parallel_loop3A_324 : i32 to index
        %parallel_loop3A_327 = arith.index_cast %parallel_loop3A_322 : i32 to index
        %parallel_loop3A_328 = tpu.vector_load %arg7[%parallel_loop3A_325, %parallel_loop3A_326, %parallel_loop3A_327] {strides = array<i32>} : memref<2x64x256xf32, #tpu.memory_space<vmem>>, vector<16xf32>,
        tpu.vector_store %arg7[%parallel_loop3A_325, %parallel_loop3A_326, %parallel_loop3A_327], %parallel_loop3A_312 {strides = array<i32>} : memref<2x64x256xf32, #tpu.memory_space<vmem>>, vector<16xf32>,
        %parallel_loop3A_329 = arith.constant 10240 : i32
        %parallel_loop3A_330 = vector.broadcast %parallel_loop3A_329 : i32 to vector<16xi32>
        %parallel_loop3A_331 = arith.addi %parallel_loop3A_142, %parallel_loop3A_330 : vector<16xi32>
        %parallel_loop3A_332 = tpu.vector_load_idx %arg5[%parallel_loop3A_331] : memref<65536xi32, #tpu.memory_space<vmem>>[vector<16xi32>], vector<16xi32>,
        %parallel_loop3A_333 = arith.constant 10240 : i32
        %parallel_loop3A_334 = vector.broadcast %parallel_loop3A_333 : i32 to vector<16xi32>
        %parallel_loop3A_335 = arith.addi %parallel_loop3A_148, %parallel_loop3A_334 : vector<16xi32>
        %parallel_loop3A_336 = tpu.vector_load_idx %arg5[%parallel_loop3A_335] : memref<65536xi32, #tpu.memory_space<vmem>>[vector<16xi32>], vector<16xi32>,
        %parallel_loop3A_337 = vector.bitcast %parallel_loop3A_332 : vector<16xi32> to vector<32xbf16>
        %parallel_loop3A_338 = vector.bitcast %parallel_loop3A_336 : vector<16xi32> to vector<32xbf16>
        %parallel_loop3A_339 = arith.addf %parallel_loop3A_337, %parallel_loop3A_338 : vector<32xbf16>
        %parallel_loop3A_340 = vector.bitcast %parallel_loop3A_339 : vector<32xbf16> to vector<16xi32>
        %parallel_loop3A_341 = arith.constant 16 : i32
        %parallel_loop3A_342 = vector.broadcast %parallel_loop3A_341 : i32 to vector<16xi32>
        %parallel_loop3A_343 = arith.shli %parallel_loop3A_340, %parallel_loop3A_342 : vector<16xi32>
        %parallel_loop3A_344 = vector.bitcast %parallel_loop3A_343 : vector<16xi32> to vector<16xf32>
        %parallel_loop3A_345 = arith.constant -65536 : i32
        %parallel_loop3A_346 = vector.broadcast %parallel_loop3A_345 : i32 to vector<16xi32>
        %parallel_loop3A_347 = arith.andi %parallel_loop3A_340, %parallel_loop3A_346 : vector<16xi32>
        %parallel_loop3A_348 = vector.bitcast %parallel_loop3A_347 : vector<16xi32> to vector<16xf32>
        %parallel_loop3A_349 = arith.constant 16 : i32
        %parallel_loop3A_350 = arith.muli %parallel_loop3A_133, %parallel_loop3A_349 : i32
        %parallel_loop3A_351 = arith.constant 1 : i32
        %parallel_loop3A_352 = arith.constant 10 : i32
        %parallel_loop3A_353 = arith.index_cast %parallel_loop3A_351 : i32 to index
        %parallel_loop3A_354 = arith.index_cast %parallel_loop3A_352 : i32 to index
        %parallel_loop3A_355 = arith.index_cast %parallel_loop3A_350 : i32 to index
        %parallel_loop3A_356 = tpu.vector_load %arg7[%parallel_loop3A_353, %parallel_loop3A_354, %parallel_loop3A_355] {strides = array<i32>} : memref<2x64x256xf32, #tpu.memory_space<vmem>>, vector<16xf32>,
        tpu.vector_store %arg7[%parallel_loop3A_353, %parallel_loop3A_354, %parallel_loop3A_355], %parallel_loop3A_344 {strides = array<i32>} : memref<2x64x256xf32, #tpu.memory_space<vmem>>, vector<16xf32>,
        %parallel_loop3A_357 = arith.constant 16 : i32
        %parallel_loop3A_358 = arith.muli %parallel_loop3A_133, %parallel_loop3A_357 : i32
        %parallel_loop3A_359 = arith.constant 1 : i32
        %parallel_loop3A_360 = arith.constant 11 : i32
        %parallel_loop3A_361 = arith.index_cast %parallel_loop3A_359 : i32 to index
        %parallel_loop3A_362 = arith.index_cast %parallel_loop3A_360 : i32 to index
        %parallel_loop3A_363 = arith.index_cast %parallel_loop3A_358 : i32 to index
        %parallel_loop3A_364 = tpu.vector_load %arg7[%parallel_loop3A_361, %parallel_loop3A_362, %parallel_loop3A_363] {strides = array<i32>} : memref<2x64x256xf32, #tpu.memory_space<vmem>>, vector<16xf32>,
        tpu.vector_store %arg7[%parallel_loop3A_361, %parallel_loop3A_362, %parallel_loop3A_363], %parallel_loop3A_348 {strides = array<i32>} : memref<2x64x256xf32, #tpu.memory_space<vmem>>, vector<16xf32>,
        %parallel_loop3A_365 = arith.constant 12288 : i32
        %parallel_loop3A_366 = vector.broadcast %parallel_loop3A_365 : i32 to vector<16xi32>
        %parallel_loop3A_367 = arith.addi %parallel_loop3A_142, %parallel_loop3A_366 : vector<16xi32>
        %parallel_loop3A_368 = tpu.vector_load_idx %arg5[%parallel_loop3A_367] : memref<65536xi32, #tpu.memory_space<vmem>>[vector<16xi32>], vector<16xi32>,
        %parallel_loop3A_369 = arith.constant 12288 : i32
        %parallel_loop3A_370 = vector.broadcast %parallel_loop3A_369 : i32 to vector<16xi32>
        %parallel_loop3A_371 = arith.addi %parallel_loop3A_148, %parallel_loop3A_370 : vector<16xi32>
        %parallel_loop3A_372 = tpu.vector_load_idx %arg5[%parallel_loop3A_371] : memref<65536xi32, #tpu.memory_space<vmem>>[vector<16xi32>], vector<16xi32>,
        %parallel_loop3A_373 = vector.bitcast %parallel_loop3A_368 : vector<16xi32> to vector<32xbf16>
        %parallel_loop3A_374 = vector.bitcast %parallel_loop3A_372 : vector<16xi32> to vector<32xbf16>
        %parallel_loop3A_375 = arith.addf %parallel_loop3A_373, %parallel_loop3A_374 : vector<32xbf16>
        %parallel_loop3A_376 = vector.bitcast %parallel_loop3A_375 : vector<32xbf16> to vector<16xi32>
        %parallel_loop3A_377 = arith.constant 16 : i32
        %parallel_loop3A_378 = vector.broadcast %parallel_loop3A_377 : i32 to vector<16xi32>
        %parallel_loop3A_379 = arith.shli %parallel_loop3A_376, %parallel_loop3A_378 : vector<16xi32>
        %parallel_loop3A_380 = vector.bitcast %parallel_loop3A_379 : vector<16xi32> to vector<16xf32>
        %parallel_loop3A_381 = arith.constant -65536 : i32
        %parallel_loop3A_382 = vector.broadcast %parallel_loop3A_381 : i32 to vector<16xi32>
        %parallel_loop3A_383 = arith.andi %parallel_loop3A_376, %parallel_loop3A_382 : vector<16xi32>
        %parallel_loop3A_384 = vector.bitcast %parallel_loop3A_383 : vector<16xi32> to vector<16xf32>
        %parallel_loop3A_385 = arith.constant 16 : i32
        %parallel_loop3A_386 = arith.muli %parallel_loop3A_133, %parallel_loop3A_385 : i32
        %parallel_loop3A_387 = arith.constant 1 : i32
        %parallel_loop3A_388 = arith.constant 12 : i32
        %parallel_loop3A_389 = arith.index_cast %parallel_loop3A_387 : i32 to index
        %parallel_loop3A_390 = arith.index_cast %parallel_loop3A_388 : i32 to index
        %parallel_loop3A_391 = arith.index_cast %parallel_loop3A_386 : i32 to index
        %parallel_loop3A_392 = tpu.vector_load %arg7[%parallel_loop3A_389, %parallel_loop3A_390, %parallel_loop3A_391] {strides = array<i32>} : memref<2x64x256xf32, #tpu.memory_space<vmem>>, vector<16xf32>,
        tpu.vector_store %arg7[%parallel_loop3A_389, %parallel_loop3A_390, %parallel_loop3A_391], %parallel_loop3A_380 {strides = array<i32>} : memref<2x64x256xf32, #tpu.memory_space<vmem>>, vector<16xf32>,
        %parallel_loop3A_393 = arith.constant 16 : i32
        %parallel_loop3A_394 = arith.muli %parallel_loop3A_133, %parallel_loop3A_393 : i32
        %parallel_loop3A_395 = arith.constant 1 : i32
        %parallel_loop3A_396 = arith.constant 13 : i32
        %parallel_loop3A_397 = arith.index_cast %parallel_loop3A_395 : i32 to index
        %parallel_loop3A_398 = arith.index_cast %parallel_loop3A_396 : i32 to index
        %parallel_loop3A_399 = arith.index_cast %parallel_loop3A_394 : i32 to index
        %parallel_loop3A_400 = tpu.vector_load %arg7[%parallel_loop3A_397, %parallel_loop3A_398, %parallel_loop3A_399] {strides = array<i32>} : memref<2x64x256xf32, #tpu.memory_space<vmem>>, vector<16xf32>,
        tpu.vector_store %arg7[%parallel_loop3A_397, %parallel_loop3A_398, %parallel_loop3A_399], %parallel_loop3A_384 {strides = array<i32>} : memref<2x64x256xf32, #tpu.memory_space<vmem>>, vector<16xf32>,
        %parallel_loop3A_401 = arith.constant 14336 : i32
        %parallel_loop3A_402 = vector.broadcast %parallel_loop3A_401 : i32 to vector<16xi32>
        %parallel_loop3A_403 = arith.addi %parallel_loop3A_142, %parallel_loop3A_402 : vector<16xi32>
        %parallel_loop3A_404 = tpu.vector_load_idx %arg5[%parallel_loop3A_403] : memref<65536xi32, #tpu.memory_space<vmem>>[vector<16xi32>], vector<16xi32>,
        %parallel_loop3A_405 = arith.constant 14336 : i32
        %parallel_loop3A_406 = vector.broadcast %parallel_loop3A_405 : i32 to vector<16xi32>
        %parallel_loop3A_407 = arith.addi %parallel_loop3A_148, %parallel_loop3A_406 : vector<16xi32>
        %parallel_loop3A_408 = tpu.vector_load_idx %arg5[%parallel_loop3A_407] : memref<65536xi32, #tpu.memory_space<vmem>>[vector<16xi32>], vector<16xi32>,
        %parallel_loop3A_409 = vector.bitcast %parallel_loop3A_404 : vector<16xi32> to vector<32xbf16>
        %parallel_loop3A_410 = vector.bitcast %parallel_loop3A_408 : vector<16xi32> to vector<32xbf16>
        %parallel_loop3A_411 = arith.addf %parallel_loop3A_409, %parallel_loop3A_410 : vector<32xbf16>
        %parallel_loop3A_412 = vector.bitcast %parallel_loop3A_411 : vector<32xbf16> to vector<16xi32>
        %parallel_loop3A_413 = arith.constant 16 : i32
        %parallel_loop3A_414 = vector.broadcast %parallel_loop3A_413 : i32 to vector<16xi32>
        %parallel_loop3A_415 = arith.shli %parallel_loop3A_412, %parallel_loop3A_414 : vector<16xi32>
        %parallel_loop3A_416 = vector.bitcast %parallel_loop3A_415 : vector<16xi32> to vector<16xf32>
        %parallel_loop3A_417 = arith.constant -65536 : i32
        %parallel_loop3A_418 = vector.broadcast %parallel_loop3A_417 : i32 to vector<16xi32>
        %parallel_loop3A_419 = arith.andi %parallel_loop3A_412, %parallel_loop3A_418 : vector<16xi32>
        %parallel_loop3A_420 = vector.bitcast %parallel_loop3A_419 : vector<16xi32> to vector<16xf32>
        %parallel_loop3A_421 = arith.constant 16 : i32
        %parallel_loop3A_422 = arith.muli %parallel_loop3A_133, %parallel_loop3A_421 : i32
        %parallel_loop3A_423 = arith.constant 1 : i32
        %parallel_loop3A_424 = arith.constant 14 : i32
        %parallel_loop3A_425 = arith.index_cast %parallel_loop3A_423 : i32 to index
        %parallel_loop3A_426 = arith.index_cast %parallel_loop3A_424 : i32 to index
        %parallel_loop3A_427 = arith.index_cast %parallel_loop3A_422 : i32 to index
        %parallel_loop3A_428 = tpu.vector_load %arg7[%parallel_loop3A_425, %parallel_loop3A_426, %parallel_loop3A_427] {strides = array<i32>} : memref<2x64x256xf32, #tpu.memory_space<vmem>>, vector<16xf32>,
        tpu.vector_store %arg7[%parallel_loop3A_425, %parallel_loop3A_426, %parallel_loop3A_427], %parallel_loop3A_416 {strides = array<i32>} : memref<2x64x256xf32, #tpu.memory_space<vmem>>, vector<16xf32>,
        %parallel_loop3A_429 = arith.constant 16 : i32
        %parallel_loop3A_430 = arith.muli %parallel_loop3A_133, %parallel_loop3A_429 : i32
        %parallel_loop3A_431 = arith.constant 1 : i32
        %parallel_loop3A_432 = arith.constant 15 : i32
        %parallel_loop3A_433 = arith.index_cast %parallel_loop3A_431 : i32 to index
        %parallel_loop3A_434 = arith.index_cast %parallel_loop3A_432 : i32 to index
        %parallel_loop3A_435 = arith.index_cast %parallel_loop3A_430 : i32 to index
        %parallel_loop3A_436 = tpu.vector_load %arg7[%parallel_loop3A_433, %parallel_loop3A_434, %parallel_loop3A_435] {strides = array<i32>} : memref<2x64x256xf32, #tpu.memory_space<vmem>>, vector<16xf32>,
        tpu.vector_store %arg7[%parallel_loop3A_433, %parallel_loop3A_434, %parallel_loop3A_435], %parallel_loop3A_420 {strides = array<i32>} : memref<2x64x256xf32, #tpu.memory_space<vmem>>, vector<16xf32>,
        %parallel_loop3A_437 = arith.constant 16384 : i32
        %parallel_loop3A_438 = vector.broadcast %parallel_loop3A_437 : i32 to vector<16xi32>
        %parallel_loop3A_439 = arith.addi %parallel_loop3A_142, %parallel_loop3A_438 : vector<16xi32>
        %parallel_loop3A_440 = tpu.vector_load_idx %arg5[%parallel_loop3A_439] : memref<65536xi32, #tpu.memory_space<vmem>>[vector<16xi32>], vector<16xi32>,
        %parallel_loop3A_441 = arith.constant 16384 : i32
        %parallel_loop3A_442 = vector.broadcast %parallel_loop3A_441 : i32 to vector<16xi32>
        %parallel_loop3A_443 = arith.addi %parallel_loop3A_148, %parallel_loop3A_442 : vector<16xi32>
        %parallel_loop3A_444 = tpu.vector_load_idx %arg5[%parallel_loop3A_443] : memref<65536xi32, #tpu.memory_space<vmem>>[vector<16xi32>], vector<16xi32>,
        %parallel_loop3A_445 = vector.bitcast %parallel_loop3A_440 : vector<16xi32> to vector<32xbf16>
        %parallel_loop3A_446 = vector.bitcast %parallel_loop3A_444 : vector<16xi32> to vector<32xbf16>
        %parallel_loop3A_447 = arith.addf %parallel_loop3A_445, %parallel_loop3A_446 : vector<32xbf16>
        %parallel_loop3A_448 = vector.bitcast %parallel_loop3A_447 : vector<32xbf16> to vector<16xi32>
        %parallel_loop3A_449 = arith.constant 16 : i32
        %parallel_loop3A_450 = vector.broadcast %parallel_loop3A_449 : i32 to vector<16xi32>
        %parallel_loop3A_451 = arith.shli %parallel_loop3A_448, %parallel_loop3A_450 : vector<16xi32>
        %parallel_loop3A_452 = vector.bitcast %parallel_loop3A_451 : vector<16xi32> to vector<16xf32>
        %parallel_loop3A_453 = arith.constant -65536 : i32
        %parallel_loop3A_454 = vector.broadcast %parallel_loop3A_453 : i32 to vector<16xi32>
        %parallel_loop3A_455 = arith.andi %parallel_loop3A_448, %parallel_loop3A_454 : vector<16xi32>
        %parallel_loop3A_456 = vector.bitcast %parallel_loop3A_455 : vector<16xi32> to vector<16xf32>
        %parallel_loop3A_457 = arith.constant 16 : i32
        %parallel_loop3A_458 = arith.muli %parallel_loop3A_133, %parallel_loop3A_457 : i32
        %parallel_loop3A_459 = arith.constant 1 : i32
        %parallel_loop3A_460 = arith.constant 16 : i32
        %parallel_loop3A_461 = arith.index_cast %parallel_loop3A_459 : i32 to index
        %parallel_loop3A_462 = arith.index_cast %parallel_loop3A_460 : i32 to index
        %parallel_loop3A_463 = arith.index_cast %parallel_loop3A_458 : i32 to index
        %parallel_loop3A_464 = tpu.vector_load %arg7[%parallel_loop3A_461, %parallel_loop3A_462, %parallel_loop3A_463] {strides = array<i32>} : memref<2x64x256xf32, #tpu.memory_space<vmem>>, vector<16xf32>,
        tpu.vector_store %arg7[%parallel_loop3A_461, %parallel_loop3A_462, %parallel_loop3A_463], %parallel_loop3A_452 {strides = array<i32>} : memref<2x64x256xf32, #tpu.memory_space<vmem>>, vector<16xf32>,
        %parallel_loop3A_465 = arith.constant 16 : i32
        %parallel_loop3A_466 = arith.muli %parallel_loop3A_133, %parallel_loop3A_465 : i32
        %parallel_loop3A_467 = arith.constant 1 : i32
        %parallel_loop3A_468 = arith.constant 17 : i32
        %parallel_loop3A_469 = arith.index_cast %parallel_loop3A_467 : i32 to index
        %parallel_loop3A_470 = arith.index_cast %parallel_loop3A_468 : i32 to index
        %parallel_loop3A_471 = arith.index_cast %parallel_loop3A_466 : i32 to index
        %parallel_loop3A_472 = tpu.vector_load %arg7[%parallel_loop3A_469, %parallel_loop3A_470, %parallel_loop3A_471] {strides = array<i32>} : memref<2x64x256xf32, #tpu.memory_space<vmem>>, vector<16xf32>,
        tpu.vector_store %arg7[%parallel_loop3A_469, %parallel_loop3A_470, %parallel_loop3A_471], %parallel_loop3A_456 {strides = array<i32>} : memref<2x64x256xf32, #tpu.memory_space<vmem>>, vector<16xf32>,
        %parallel_loop3A_473 = arith.constant 18432 : i32
        %parallel_loop3A_474 = vector.broadcast %parallel_loop3A_473 : i32 to vector<16xi32>
        %parallel_loop3A_475 = arith.addi %parallel_loop3A_142, %parallel_loop3A_474 : vector<16xi32>
        %parallel_loop3A_476 = tpu.vector_load_idx %arg5[%parallel_loop3A_475] : memref<65536xi32, #tpu.memory_space<vmem>>[vector<16xi32>], vector<16xi32>,
        %parallel_loop3A_477 = arith.constant 18432 : i32
        %parallel_loop3A_478 = vector.broadcast %parallel_loop3A_477 : i32 to vector<16xi32>
        %parallel_loop3A_479 = arith.addi %parallel_loop3A_148, %parallel_loop3A_478 : vector<16xi32>
        %parallel_loop3A_480 = tpu.vector_load_idx %arg5[%parallel_loop3A_479] : memref<65536xi32, #tpu.memory_space<vmem>>[vector<16xi32>], vector<16xi32>,
        %parallel_loop3A_481 = vector.bitcast %parallel_loop3A_476 : vector<16xi32> to vector<32xbf16>
        %parallel_loop3A_482 = vector.bitcast %parallel_loop3A_480 : vector<16xi32> to vector<32xbf16>
        %parallel_loop3A_483 = arith.addf %parallel_loop3A_481, %parallel_loop3A_482 : vector<32xbf16>
        %parallel_loop3A_484 = vector.bitcast %parallel_loop3A_483 : vector<32xbf16> to vector<16xi32>
        %parallel_loop3A_485 = arith.constant 16 : i32
        %parallel_loop3A_486 = vector.broadcast %parallel_loop3A_485 : i32 to vector<16xi32>
        %parallel_loop3A_487 = arith.shli %parallel_loop3A_484, %parallel_loop3A_486 : vector<16xi32>
        %parallel_loop3A_488 = vector.bitcast %parallel_loop3A_487 : vector<16xi32> to vector<16xf32>
        %parallel_loop3A_489 = arith.constant -65536 : i32
        %parallel_loop3A_490 = vector.broadcast %parallel_loop3A_489 : i32 to vector<16xi32>
        %parallel_loop3A_491 = arith.andi %parallel_loop3A_484, %parallel_loop3A_490 : vector<16xi32>
        %parallel_loop3A_492 = vector.bitcast %parallel_loop3A_491 : vector<16xi32> to vector<16xf32>
        %parallel_loop3A_493 = arith.constant 16 : i32
        %parallel_loop3A_494 = arith.muli %parallel_loop3A_133, %parallel_loop3A_493 : i32
        %parallel_loop3A_495 = arith.constant 1 : i32
        %parallel_loop3A_496 = arith.constant 18 : i32
        %parallel_loop3A_497 = arith.index_cast %parallel_loop3A_495 : i32 to index
        %parallel_loop3A_498 = arith.index_cast %parallel_loop3A_496 : i32 to index
        %parallel_loop3A_499 = arith.index_cast %parallel_loop3A_494 : i32 to index
        %parallel_loop3A_500 = tpu.vector_load %arg7[%parallel_loop3A_497, %parallel_loop3A_498, %parallel_loop3A_499] {strides = array<i32>} : memref<2x64x256xf32, #tpu.memory_space<vmem>>, vector<16xf32>,
        tpu.vector_store %arg7[%parallel_loop3A_497, %parallel_loop3A_498, %parallel_loop3A_499], %parallel_loop3A_488 {strides = array<i32>} : memref<2x64x256xf32, #tpu.memory_space<vmem>>, vector<16xf32>,
        %parallel_loop3A_501 = arith.constant 16 : i32
        %parallel_loop3A_502 = arith.muli %parallel_loop3A_133, %parallel_loop3A_501 : i32
        %parallel_loop3A_503 = arith.constant 1 : i32
        %parallel_loop3A_504 = arith.constant 19 : i32
        %parallel_loop3A_505 = arith.index_cast %parallel_loop3A_503 : i32 to index
        %parallel_loop3A_506 = arith.index_cast %parallel_loop3A_504 : i32 to index
        %parallel_loop3A_507 = arith.index_cast %parallel_loop3A_502 : i32 to index
        %parallel_loop3A_508 = tpu.vector_load %arg7[%parallel_loop3A_505, %parallel_loop3A_506, %parallel_loop3A_507] {strides = array<i32>} : memref<2x64x256xf32, #tpu.memory_space<vmem>>, vector<16xf32>,
        tpu.vector_store %arg7[%parallel_loop3A_505, %parallel_loop3A_506, %parallel_loop3A_507], %parallel_loop3A_492 {strides = array<i32>} : memref<2x64x256xf32, #tpu.memory_space<vmem>>, vector<16xf32>,
        %parallel_loop3A_509 = arith.constant 20480 : i32
        %parallel_loop3A_510 = vector.broadcast %parallel_loop3A_509 : i32 to vector<16xi32>
        %parallel_loop3A_511 = arith.addi %parallel_loop3A_142, %parallel_loop3A_510 : vector<16xi32>
        %parallel_loop3A_512 = tpu.vector_load_idx %arg5[%parallel_loop3A_511] : memref<65536xi32, #tpu.memory_space<vmem>>[vector<16xi32>], vector<16xi32>,
        %parallel_loop3A_513 = arith.constant 20480 : i32
        %parallel_loop3A_514 = vector.broadcast %parallel_loop3A_513 : i32 to vector<16xi32>
        %parallel_loop3A_515 = arith.addi %parallel_loop3A_148, %parallel_loop3A_514 : vector<16xi32>
        %parallel_loop3A_516 = tpu.vector_load_idx %arg5[%parallel_loop3A_515] : memref<65536xi32, #tpu.memory_space<vmem>>[vector<16xi32>], vector<16xi32>,
        %parallel_loop3A_517 = vector.bitcast %parallel_loop3A_512 : vector<16xi32> to vector<32xbf16>
        %parallel_loop3A_518 = vector.bitcast %parallel_loop3A_516 : vector<16xi32> to vector<32xbf16>
        %parallel_loop3A_519 = arith.addf %parallel_loop3A_517, %parallel_loop3A_518 : vector<32xbf16>
        %parallel_loop3A_520 = vector.bitcast %parallel_loop3A_519 : vector<32xbf16> to vector<16xi32>
        %parallel_loop3A_521 = arith.constant 16 : i32
        %parallel_loop3A_522 = vector.broadcast %parallel_loop3A_521 : i32 to vector<16xi32>
        %parallel_loop3A_523 = arith.shli %parallel_loop3A_520, %parallel_loop3A_522 : vector<16xi32>
        %parallel_loop3A_524 = vector.bitcast %parallel_loop3A_523 : vector<16xi32> to vector<16xf32>
        %parallel_loop3A_525 = arith.constant -65536 : i32
        %parallel_loop3A_526 = vector.broadcast %parallel_loop3A_525 : i32 to vector<16xi32>
        %parallel_loop3A_527 = arith.andi %parallel_loop3A_520, %parallel_loop3A_526 : vector<16xi32>
        %parallel_loop3A_528 = vector.bitcast %parallel_loop3A_527 : vector<16xi32> to vector<16xf32>
        %parallel_loop3A_529 = arith.constant 16 : i32
        %parallel_loop3A_530 = arith.muli %parallel_loop3A_133, %parallel_loop3A_529 : i32
        %parallel_loop3A_531 = arith.constant 1 : i32
        %parallel_loop3A_532 = arith.constant 20 : i32
        %parallel_loop3A_533 = arith.index_cast %parallel_loop3A_531 : i32 to index
        %parallel_loop3A_534 = arith.index_cast %parallel_loop3A_532 : i32 to index
        %parallel_loop3A_535 = arith.index_cast %parallel_loop3A_530 : i32 to index
        %parallel_loop3A_536 = tpu.vector_load %arg7[%parallel_loop3A_533, %parallel_loop3A_534, %parallel_loop3A_535] {strides = array<i32>} : memref<2x64x256xf32, #tpu.memory_space<vmem>>, vector<16xf32>,
        tpu.vector_store %arg7[%parallel_loop3A_533, %parallel_loop3A_534, %parallel_loop3A_535], %parallel_loop3A_524 {strides = array<i32>} : memref<2x64x256xf32, #tpu.memory_space<vmem>>, vector<16xf32>,
        %parallel_loop3A_537 = arith.constant 16 : i32
        %parallel_loop3A_538 = arith.muli %parallel_loop3A_133, %parallel_loop3A_537 : i32
        %parallel_loop3A_539 = arith.constant 1 : i32
        %parallel_loop3A_540 = arith.constant 21 : i32
        %parallel_loop3A_541 = arith.index_cast %parallel_loop3A_539 : i32 to index
        %parallel_loop3A_542 = arith.index_cast %parallel_loop3A_540 : i32 to index
        %parallel_loop3A_543 = arith.index_cast %parallel_loop3A_538 : i32 to index
        %parallel_loop3A_544 = tpu.vector_load %arg7[%parallel_loop3A_541, %parallel_loop3A_542, %parallel_loop3A_543] {strides = array<i32>} : memref<2x64x256xf32, #tpu.memory_space<vmem>>, vector<16xf32>,
        tpu.vector_store %arg7[%parallel_loop3A_541, %parallel_loop3A_542, %parallel_loop3A_543], %parallel_loop3A_528 {strides = array<i32>} : memref<2x64x256xf32, #tpu.memory_space<vmem>>, vector<16xf32>,
        %parallel_loop3A_545 = arith.constant 22528 : i32
        %parallel_loop3A_546 = vector.broadcast %parallel_loop3A_545 : i32 to vector<16xi32>
        %parallel_loop3A_547 = arith.addi %parallel_loop3A_142, %parallel_loop3A_546 : vector<16xi32>
        %parallel_loop3A_548 = tpu.vector_load_idx %arg5[%parallel_loop3A_547] : memref<65536xi32, #tpu.memory_space<vmem>>[vector<16xi32>], vector<16xi32>,
        %parallel_loop3A_549 = arith.constant 22528 : i32
        %parallel_loop3A_550 = vector.broadcast %parallel_loop3A_549 : i32 to vector<16xi32>
        %parallel_loop3A_551 = arith.addi %parallel_loop3A_148, %parallel_loop3A_550 : vector<16xi32>
        %parallel_loop3A_552 = tpu.vector_load_idx %arg5[%parallel_loop3A_551] : memref<65536xi32, #tpu.memory_space<vmem>>[vector<16xi32>], vector<16xi32>,
        %parallel_loop3A_553 = vector.bitcast %parallel_loop3A_548 : vector<16xi32> to vector<32xbf16>
        %parallel_loop3A_554 = vector.bitcast %parallel_loop3A_552 : vector<16xi32> to vector<32xbf16>
        %parallel_loop3A_555 = arith.addf %parallel_loop3A_553, %parallel_loop3A_554 : vector<32xbf16>
        %parallel_loop3A_556 = vector.bitcast %parallel_loop3A_555 : vector<32xbf16> to vector<16xi32>
        %parallel_loop3A_557 = arith.constant 16 : i32
        %parallel_loop3A_558 = vector.broadcast %parallel_loop3A_557 : i32 to vector<16xi32>
        %parallel_loop3A_559 = arith.shli %parallel_loop3A_556, %parallel_loop3A_558 : vector<16xi32>
        %parallel_loop3A_560 = vector.bitcast %parallel_loop3A_559 : vector<16xi32> to vector<16xf32>
        %parallel_loop3A_561 = arith.constant -65536 : i32
        %parallel_loop3A_562 = vector.broadcast %parallel_loop3A_561 : i32 to vector<16xi32>
        %parallel_loop3A_563 = arith.andi %parallel_loop3A_556, %parallel_loop3A_562 : vector<16xi32>
        %parallel_loop3A_564 = vector.bitcast %parallel_loop3A_563 : vector<16xi32> to vector<16xf32>
        %parallel_loop3A_565 = arith.constant 16 : i32
        %parallel_loop3A_566 = arith.muli %parallel_loop3A_133, %parallel_loop3A_565 : i32
        %parallel_loop3A_567 = arith.constant 1 : i32
        %parallel_loop3A_568 = arith.constant 22 : i32
        %parallel_loop3A_569 = arith.index_cast %parallel_loop3A_567 : i32 to index
        %parallel_loop3A_570 = arith.index_cast %parallel_loop3A_568 : i32 to index
        %parallel_loop3A_571 = arith.index_cast %parallel_loop3A_566 : i32 to index
        %parallel_loop3A_572 = tpu.vector_load %arg7[%parallel_loop3A_569, %parallel_loop3A_570, %parallel_loop3A_571] {strides = array<i32>} : memref<2x64x256xf32, #tpu.memory_space<vmem>>, vector<16xf32>,
        tpu.vector_store %arg7[%parallel_loop3A_569, %parallel_loop3A_570, %parallel_loop3A_571], %parallel_loop3A_560 {strides = array<i32>} : memref<2x64x256xf32, #tpu.memory_space<vmem>>, vector<16xf32>,
        %parallel_loop3A_573 = arith.constant 16 : i32
        %parallel_loop3A_574 = arith.muli %parallel_loop3A_133, %parallel_loop3A_573 : i32
        %parallel_loop3A_575 = arith.constant 1 : i32
        %parallel_loop3A_576 = arith.constant 23 : i32
        %parallel_loop3A_577 = arith.index_cast %parallel_loop3A_575 : i32 to index
        %parallel_loop3A_578 = arith.index_cast %parallel_loop3A_576 : i32 to index
        %parallel_loop3A_579 = arith.index_cast %parallel_loop3A_574 : i32 to index
        %parallel_loop3A_580 = tpu.vector_load %arg7[%parallel_loop3A_577, %parallel_loop3A_578, %parallel_loop3A_579] {strides = array<i32>} : memref<2x64x256xf32, #tpu.memory_space<vmem>>, vector<16xf32>,
        tpu.vector_store %arg7[%parallel_loop3A_577, %parallel_loop3A_578, %parallel_loop3A_579], %parallel_loop3A_564 {strides = array<i32>} : memref<2x64x256xf32, #tpu.memory_space<vmem>>, vector<16xf32>,
        %parallel_loop3A_581 = arith.constant 24576 : i32
        %parallel_loop3A_582 = vector.broadcast %parallel_loop3A_581 : i32 to vector<16xi32>
        %parallel_loop3A_583 = arith.addi %parallel_loop3A_142, %parallel_loop3A_582 : vector<16xi32>
        %parallel_loop3A_584 = tpu.vector_load_idx %arg5[%parallel_loop3A_583] : memref<65536xi32, #tpu.memory_space<vmem>>[vector<16xi32>], vector<16xi32>,
        %parallel_loop3A_585 = arith.constant 24576 : i32
        %parallel_loop3A_586 = vector.broadcast %parallel_loop3A_585 : i32 to vector<16xi32>
        %parallel_loop3A_587 = arith.addi %parallel_loop3A_148, %parallel_loop3A_586 : vector<16xi32>
        %parallel_loop3A_588 = tpu.vector_load_idx %arg5[%parallel_loop3A_587] : memref<65536xi32, #tpu.memory_space<vmem>>[vector<16xi32>], vector<16xi32>,
        %parallel_loop3A_589 = vector.bitcast %parallel_loop3A_584 : vector<16xi32> to vector<32xbf16>
        %parallel_loop3A_590 = vector.bitcast %parallel_loop3A_588 : vector<16xi32> to vector<32xbf16>
        %parallel_loop3A_591 = arith.addf %parallel_loop3A_589, %parallel_loop3A_590 : vector<32xbf16>
        %parallel_loop3A_592 = vector.bitcast %parallel_loop3A_591 : vector<32xbf16> to vector<16xi32>
        %parallel_loop3A_593 = arith.constant 16 : i32
        %parallel_loop3A_594 = vector.broadcast %parallel_loop3A_593 : i32 to vector<16xi32>
        %parallel_loop3A_595 = arith.shli %parallel_loop3A_592, %parallel_loop3A_594 : vector<16xi32>
        %parallel_loop3A_596 = vector.bitcast %parallel_loop3A_595 : vector<16xi32> to vector<16xf32>
        %parallel_loop3A_597 = arith.constant -65536 : i32
        %parallel_loop3A_598 = vector.broadcast %parallel_loop3A_597 : i32 to vector<16xi32>
        %parallel_loop3A_599 = arith.andi %parallel_loop3A_592, %parallel_loop3A_598 : vector<16xi32>
        %parallel_loop3A_600 = vector.bitcast %parallel_loop3A_599 : vector<16xi32> to vector<16xf32>
        %parallel_loop3A_601 = arith.constant 16 : i32
        %parallel_loop3A_602 = arith.muli %parallel_loop3A_133, %parallel_loop3A_601 : i32
        %parallel_loop3A_603 = arith.constant 1 : i32
        %parallel_loop3A_604 = arith.constant 24 : i32
        %parallel_loop3A_605 = arith.index_cast %parallel_loop3A_603 : i32 to index
        %parallel_loop3A_606 = arith.index_cast %parallel_loop3A_604 : i32 to index
        %parallel_loop3A_607 = arith.index_cast %parallel_loop3A_602 : i32 to index
        %parallel_loop3A_608 = tpu.vector_load %arg7[%parallel_loop3A_605, %parallel_loop3A_606, %parallel_loop3A_607] {strides = array<i32>} : memref<2x64x256xf32, #tpu.memory_space<vmem>>, vector<16xf32>,
        tpu.vector_store %arg7[%parallel_loop3A_605, %parallel_loop3A_606, %parallel_loop3A_607], %parallel_loop3A_596 {strides = array<i32>} : memref<2x64x256xf32, #tpu.memory_space<vmem>>, vector<16xf32>,
        %parallel_loop3A_609 = arith.constant 16 : i32
        %parallel_loop3A_610 = arith.muli %parallel_loop3A_133, %parallel_loop3A_609 : i32
        %parallel_loop3A_611 = arith.constant 1 : i32
        %parallel_loop3A_612 = arith.constant 25 : i32
        %parallel_loop3A_613 = arith.index_cast %parallel_loop3A_611 : i32 to index
        %parallel_loop3A_614 = arith.index_cast %parallel_loop3A_612 : i32 to index
        %parallel_loop3A_615 = arith.index_cast %parallel_loop3A_610 : i32 to index
        %parallel_loop3A_616 = tpu.vector_load %arg7[%parallel_loop3A_613, %parallel_loop3A_614, %parallel_loop3A_615] {strides = array<i32>} : memref<2x64x256xf32, #tpu.memory_space<vmem>>, vector<16xf32>,
        tpu.vector_store %arg7[%parallel_loop3A_613, %parallel_loop3A_614, %parallel_loop3A_615], %parallel_loop3A_600 {strides = array<i32>} : memref<2x64x256xf32, #tpu.memory_space<vmem>>, vector<16xf32>,
        %parallel_loop3A_617 = arith.constant 26624 : i32
        %parallel_loop3A_618 = vector.broadcast %parallel_loop3A_617 : i32 to vector<16xi32>
        %parallel_loop3A_619 = arith.addi %parallel_loop3A_142, %parallel_loop3A_618 : vector<16xi32>
        %parallel_loop3A_620 = tpu.vector_load_idx %arg5[%parallel_loop3A_619] : memref<65536xi32, #tpu.memory_space<vmem>>[vector<16xi32>], vector<16xi32>,
        %parallel_loop3A_621 = arith.constant 26624 : i32
        %parallel_loop3A_622 = vector.broadcast %parallel_loop3A_621 : i32 to vector<16xi32>
        %parallel_loop3A_623 = arith.addi %parallel_loop3A_148, %parallel_loop3A_622 : vector<16xi32>
        %parallel_loop3A_624 = tpu.vector_load_idx %arg5[%parallel_loop3A_623] : memref<65536xi32, #tpu.memory_space<vmem>>[vector<16xi32>], vector<16xi32>,
        %parallel_loop3A_625 = vector.bitcast %parallel_loop3A_620 : vector<16xi32> to vector<32xbf16>
        %parallel_loop3A_626 = vector.bitcast %parallel_loop3A_624 : vector<16xi32> to vector<32xbf16>
        %parallel_loop3A_627 = arith.addf %parallel_loop3A_625, %parallel_loop3A_626 : vector<32xbf16>
        %parallel_loop3A_628 = vector.bitcast %parallel_loop3A_627 : vector<32xbf16> to vector<16xi32>
        %parallel_loop3A_629 = arith.constant 16 : i32
        %parallel_loop3A_630 = vector.broadcast %parallel_loop3A_629 : i32 to vector<16xi32>
        %parallel_loop3A_631 = arith.shli %parallel_loop3A_628, %parallel_loop3A_630 : vector<16xi32>
        %parallel_loop3A_632 = vector.bitcast %parallel_loop3A_631 : vector<16xi32> to vector<16xf32>
        %parallel_loop3A_633 = arith.constant -65536 : i32
        %parallel_loop3A_634 = vector.broadcast %parallel_loop3A_633 : i32 to vector<16xi32>
        %parallel_loop3A_635 = arith.andi %parallel_loop3A_628, %parallel_loop3A_634 : vector<16xi32>
        %parallel_loop3A_636 = vector.bitcast %parallel_loop3A_635 : vector<16xi32> to vector<16xf32>
        %parallel_loop3A_637 = arith.constant 16 : i32
        %parallel_loop3A_638 = arith.muli %parallel_loop3A_133, %parallel_loop3A_637 : i32
        %parallel_loop3A_639 = arith.constant 1 : i32
        %parallel_loop3A_640 = arith.constant 26 : i32
        %parallel_loop3A_641 = arith.index_cast %parallel_loop3A_639 : i32 to index
        %parallel_loop3A_642 = arith.index_cast %parallel_loop3A_640 : i32 to index
        %parallel_loop3A_643 = arith.index_cast %parallel_loop3A_638 : i32 to index
        %parallel_loop3A_644 = tpu.vector_load %arg7[%parallel_loop3A_641, %parallel_loop3A_642, %parallel_loop3A_643] {strides = array<i32>} : memref<2x64x256xf32, #tpu.memory_space<vmem>>, vector<16xf32>,
        tpu.vector_store %arg7[%parallel_loop3A_641, %parallel_loop3A_642, %parallel_loop3A_643], %parallel_loop3A_632 {strides = array<i32>} : memref<2x64x256xf32, #tpu.memory_space<vmem>>, vector<16xf32>,
        %parallel_loop3A_645 = arith.constant 16 : i32
        %parallel_loop3A_646 = arith.muli %parallel_loop3A_133, %parallel_loop3A_645 : i32
        %parallel_loop3A_647 = arith.constant 1 : i32
        %parallel_loop3A_648 = arith.constant 27 : i32
        %parallel_loop3A_649 = arith.index_cast %parallel_loop3A_647 : i32 to index
        %parallel_loop3A_650 = arith.index_cast %parallel_loop3A_648 : i32 to index
        %parallel_loop3A_651 = arith.index_cast %parallel_loop3A_646 : i32 to index
        %parallel_loop3A_652 = tpu.vector_load %arg7[%parallel_loop3A_649, %parallel_loop3A_650, %parallel_loop3A_651] {strides = array<i32>} : memref<2x64x256xf32, #tpu.memory_space<vmem>>, vector<16xf32>,
        tpu.vector_store %arg7[%parallel_loop3A_649, %parallel_loop3A_650, %parallel_loop3A_651], %parallel_loop3A_636 {strides = array<i32>} : memref<2x64x256xf32, #tpu.memory_space<vmem>>, vector<16xf32>,
        %parallel_loop3A_653 = arith.constant 28672 : i32
        %parallel_loop3A_654 = vector.broadcast %parallel_loop3A_653 : i32 to vector<16xi32>
        %parallel_loop3A_655 = arith.addi %parallel_loop3A_142, %parallel_loop3A_654 : vector<16xi32>
        %parallel_loop3A_656 = tpu.vector_load_idx %arg5[%parallel_loop3A_655] : memref<65536xi32, #tpu.memory_space<vmem>>[vector<16xi32>], vector<16xi32>,
        %parallel_loop3A_657 = arith.constant 28672 : i32
        %parallel_loop3A_658 = vector.broadcast %parallel_loop3A_657 : i32 to vector<16xi32>
        %parallel_loop3A_659 = arith.addi %parallel_loop3A_148, %parallel_loop3A_658 : vector<16xi32>
        %parallel_loop3A_660 = tpu.vector_load_idx %arg5[%parallel_loop3A_659] : memref<65536xi32, #tpu.memory_space<vmem>>[vector<16xi32>], vector<16xi32>,
        %parallel_loop3A_661 = vector.bitcast %parallel_loop3A_656 : vector<16xi32> to vector<32xbf16>
        %parallel_loop3A_662 = vector.bitcast %parallel_loop3A_660 : vector<16xi32> to vector<32xbf16>
        %parallel_loop3A_663 = arith.addf %parallel_loop3A_661, %parallel_loop3A_662 : vector<32xbf16>
        %parallel_loop3A_664 = vector.bitcast %parallel_loop3A_663 : vector<32xbf16> to vector<16xi32>
        %parallel_loop3A_665 = arith.constant 16 : i32
        %parallel_loop3A_666 = vector.broadcast %parallel_loop3A_665 : i32 to vector<16xi32>
        %parallel_loop3A_667 = arith.shli %parallel_loop3A_664, %parallel_loop3A_666 : vector<16xi32>
        %parallel_loop3A_668 = vector.bitcast %parallel_loop3A_667 : vector<16xi32> to vector<16xf32>
        %parallel_loop3A_669 = arith.constant -65536 : i32
        %parallel_loop3A_670 = vector.broadcast %parallel_loop3A_669 : i32 to vector<16xi32>
        %parallel_loop3A_671 = arith.andi %parallel_loop3A_664, %parallel_loop3A_670 : vector<16xi32>
        %parallel_loop3A_672 = vector.bitcast %parallel_loop3A_671 : vector<16xi32> to vector<16xf32>
        %parallel_loop3A_673 = arith.constant 16 : i32
        %parallel_loop3A_674 = arith.muli %parallel_loop3A_133, %parallel_loop3A_673 : i32
        %parallel_loop3A_675 = arith.constant 1 : i32
        %parallel_loop3A_676 = arith.constant 28 : i32
        %parallel_loop3A_677 = arith.index_cast %parallel_loop3A_675 : i32 to index
        %parallel_loop3A_678 = arith.index_cast %parallel_loop3A_676 : i32 to index
        %parallel_loop3A_679 = arith.index_cast %parallel_loop3A_674 : i32 to index
        %parallel_loop3A_680 = tpu.vector_load %arg7[%parallel_loop3A_677, %parallel_loop3A_678, %parallel_loop3A_679] {strides = array<i32>} : memref<2x64x256xf32, #tpu.memory_space<vmem>>, vector<16xf32>,
        tpu.vector_store %arg7[%parallel_loop3A_677, %parallel_loop3A_678, %parallel_loop3A_679], %parallel_loop3A_668 {strides = array<i32>} : memref<2x64x256xf32, #tpu.memory_space<vmem>>, vector<16xf32>,
        %parallel_loop3A_681 = arith.constant 16 : i32
        %parallel_loop3A_682 = arith.muli %parallel_loop3A_133, %parallel_loop3A_681 : i32
        %parallel_loop3A_683 = arith.constant 1 : i32
        %parallel_loop3A_684 = arith.constant 29 : i32
        %parallel_loop3A_685 = arith.index_cast %parallel_loop3A_683 : i32 to index
        %parallel_loop3A_686 = arith.index_cast %parallel_loop3A_684 : i32 to index
        %parallel_loop3A_687 = arith.index_cast %parallel_loop3A_682 : i32 to index
        %parallel_loop3A_688 = tpu.vector_load %arg7[%parallel_loop3A_685, %parallel_loop3A_686, %parallel_loop3A_687] {strides = array<i32>} : memref<2x64x256xf32, #tpu.memory_space<vmem>>, vector<16xf32>,
        tpu.vector_store %arg7[%parallel_loop3A_685, %parallel_loop3A_686, %parallel_loop3A_687], %parallel_loop3A_672 {strides = array<i32>} : memref<2x64x256xf32, #tpu.memory_space<vmem>>, vector<16xf32>,
        %parallel_loop3A_689 = arith.constant 30720 : i32
        %parallel_loop3A_690 = vector.broadcast %parallel_loop3A_689 : i32 to vector<16xi32>
        %parallel_loop3A_691 = arith.addi %parallel_loop3A_142, %parallel_loop3A_690 : vector<16xi32>
        %parallel_loop3A_692 = tpu.vector_load_idx %arg5[%parallel_loop3A_691] : memref<65536xi32, #tpu.memory_space<vmem>>[vector<16xi32>], vector<16xi32>,
        %parallel_loop3A_693 = arith.constant 30720 : i32
        %parallel_loop3A_694 = vector.broadcast %parallel_loop3A_693 : i32 to vector<16xi32>
        %parallel_loop3A_695 = arith.addi %parallel_loop3A_148, %parallel_loop3A_694 : vector<16xi32>
        %parallel_loop3A_696 = tpu.vector_load_idx %arg5[%parallel_loop3A_695] : memref<65536xi32, #tpu.memory_space<vmem>>[vector<16xi32>], vector<16xi32>,
        %parallel_loop3A_697 = vector.bitcast %parallel_loop3A_692 : vector<16xi32> to vector<32xbf16>
        %parallel_loop3A_698 = vector.bitcast %parallel_loop3A_696 : vector<16xi32> to vector<32xbf16>
        %parallel_loop3A_699 = arith.addf %parallel_loop3A_697, %parallel_loop3A_698 : vector<32xbf16>
        %parallel_loop3A_700 = vector.bitcast %parallel_loop3A_699 : vector<32xbf16> to vector<16xi32>
        %parallel_loop3A_701 = arith.constant 16 : i32
        %parallel_loop3A_702 = vector.broadcast %parallel_loop3A_701 : i32 to vector<16xi32>
        %parallel_loop3A_703 = arith.shli %parallel_loop3A_700, %parallel_loop3A_702 : vector<16xi32>
        %parallel_loop3A_704 = vector.bitcast %parallel_loop3A_703 : vector<16xi32> to vector<16xf32>
        %parallel_loop3A_705 = arith.constant -65536 : i32
        %parallel_loop3A_706 = vector.broadcast %parallel_loop3A_705 : i32 to vector<16xi32>
        %parallel_loop3A_707 = arith.andi %parallel_loop3A_700, %parallel_loop3A_706 : vector<16xi32>
        %parallel_loop3A_708 = vector.bitcast %parallel_loop3A_707 : vector<16xi32> to vector<16xf32>
        %parallel_loop3A_709 = arith.constant 16 : i32
        %parallel_loop3A_710 = arith.muli %parallel_loop3A_133, %parallel_loop3A_709 : i32
        %parallel_loop3A_711 = arith.constant 1 : i32
        %parallel_loop3A_712 = arith.constant 30 : i32
        %parallel_loop3A_713 = arith.index_cast %parallel_loop3A_711 : i32 to index
        %parallel_loop3A_714 = arith.index_cast %parallel_loop3A_712 : i32 to index
        %parallel_loop3A_715 = arith.index_cast %parallel_loop3A_710 : i32 to index
        %parallel_loop3A_716 = tpu.vector_load %arg7[%parallel_loop3A_713, %parallel_loop3A_714, %parallel_loop3A_715] {strides = array<i32>} : memref<2x64x256xf32, #tpu.memory_space<vmem>>, vector<16xf32>,
        tpu.vector_store %arg7[%parallel_loop3A_713, %parallel_loop3A_714, %parallel_loop3A_715], %parallel_loop3A_704 {strides = array<i32>} : memref<2x64x256xf32, #tpu.memory_space<vmem>>, vector<16xf32>,
        %parallel_loop3A_717 = arith.constant 16 : i32
        %parallel_loop3A_718 = arith.muli %parallel_loop3A_133, %parallel_loop3A_717 : i32
        %parallel_loop3A_719 = arith.constant 1 : i32
        %parallel_loop3A_720 = arith.constant 31 : i32
        %parallel_loop3A_721 = arith.index_cast %parallel_loop3A_719 : i32 to index
        %parallel_loop3A_722 = arith.index_cast %parallel_loop3A_720 : i32 to index
        %parallel_loop3A_723 = arith.index_cast %parallel_loop3A_718 : i32 to index
        %parallel_loop3A_724 = tpu.vector_load %arg7[%parallel_loop3A_721, %parallel_loop3A_722, %parallel_loop3A_723] {strides = array<i32>} : memref<2x64x256xf32, #tpu.memory_space<vmem>>, vector<16xf32>,
        tpu.vector_store %arg7[%parallel_loop3A_721, %parallel_loop3A_722, %parallel_loop3A_723], %parallel_loop3A_708 {strides = array<i32>} : memref<2x64x256xf32, #tpu.memory_space<vmem>>, vector<16xf32>,
        %parallel_loop3A_725 = arith.constant 32768 : i32
        %parallel_loop3A_726 = vector.broadcast %parallel_loop3A_725 : i32 to vector<16xi32>
        %parallel_loop3A_727 = arith.addi %parallel_loop3A_142, %parallel_loop3A_726 : vector<16xi32>
        %parallel_loop3A_728 = tpu.vector_load_idx %arg5[%parallel_loop3A_727] : memref<65536xi32, #tpu.memory_space<vmem>>[vector<16xi32>], vector<16xi32>,
        %parallel_loop3A_729 = arith.constant 32768 : i32
        %parallel_loop3A_730 = vector.broadcast %parallel_loop3A_729 : i32 to vector<16xi32>
        %parallel_loop3A_731 = arith.addi %parallel_loop3A_148, %parallel_loop3A_730 : vector<16xi32>
        %parallel_loop3A_732 = tpu.vector_load_idx %arg5[%parallel_loop3A_731] : memref<65536xi32, #tpu.memory_space<vmem>>[vector<16xi32>], vector<16xi32>,
        %parallel_loop3A_733 = vector.bitcast %parallel_loop3A_728 : vector<16xi32> to vector<32xbf16>
        %parallel_loop3A_734 = vector.bitcast %parallel_loop3A_732 : vector<16xi32> to vector<32xbf16>
        %parallel_loop3A_735 = arith.addf %parallel_loop3A_733, %parallel_loop3A_734 : vector<32xbf16>
        %parallel_loop3A_736 = vector.bitcast %parallel_loop3A_735 : vector<32xbf16> to vector<16xi32>
        %parallel_loop3A_737 = arith.constant 16 : i32
        %parallel_loop3A_738 = vector.broadcast %parallel_loop3A_737 : i32 to vector<16xi32>
        %parallel_loop3A_739 = arith.shli %parallel_loop3A_736, %parallel_loop3A_738 : vector<16xi32>
        %parallel_loop3A_740 = vector.bitcast %parallel_loop3A_739 : vector<16xi32> to vector<16xf32>
        %parallel_loop3A_741 = arith.constant -65536 : i32
        %parallel_loop3A_742 = vector.broadcast %parallel_loop3A_741 : i32 to vector<16xi32>
        %parallel_loop3A_743 = arith.andi %parallel_loop3A_736, %parallel_loop3A_742 : vector<16xi32>
        %parallel_loop3A_744 = vector.bitcast %parallel_loop3A_743 : vector<16xi32> to vector<16xf32>
        %parallel_loop3A_745 = arith.constant 16 : i32
        %parallel_loop3A_746 = arith.muli %parallel_loop3A_133, %parallel_loop3A_745 : i32
        %parallel_loop3A_747 = arith.constant 1 : i32
        %parallel_loop3A_748 = arith.constant 32 : i32
        %parallel_loop3A_749 = arith.index_cast %parallel_loop3A_747 : i32 to index
        %parallel_loop3A_750 = arith.index_cast %parallel_loop3A_748 : i32 to index
        %parallel_loop3A_751 = arith.index_cast %parallel_loop3A_746 : i32 to index
        %parallel_loop3A_752 = tpu.vector_load %arg7[%parallel_loop3A_749, %parallel_loop3A_750, %parallel_loop3A_751] {strides = array<i32>} : memref<2x64x256xf32, #tpu.memory_space<vmem>>, vector<16xf32>,
        tpu.vector_store %arg7[%parallel_loop3A_749, %parallel_loop3A_750, %parallel_loop3A_751], %parallel_loop3A_740 {strides = array<i32>} : memref<2x64x256xf32, #tpu.memory_space<vmem>>, vector<16xf32>,
        %parallel_loop3A_753 = arith.constant 16 : i32
        %parallel_loop3A_754 = arith.muli %parallel_loop3A_133, %parallel_loop3A_753 : i32
        %parallel_loop3A_755 = arith.constant 1 : i32
        %parallel_loop3A_756 = arith.constant 33 : i32
        %parallel_loop3A_757 = arith.index_cast %parallel_loop3A_755 : i32 to index
        %parallel_loop3A_758 = arith.index_cast %parallel_loop3A_756 : i32 to index
        %parallel_loop3A_759 = arith.index_cast %parallel_loop3A_754 : i32 to index
        %parallel_loop3A_760 = tpu.vector_load %arg7[%parallel_loop3A_757, %parallel_loop3A_758, %parallel_loop3A_759] {strides = array<i32>} : memref<2x64x256xf32, #tpu.memory_space<vmem>>, vector<16xf32>,
        tpu.vector_store %arg7[%parallel_loop3A_757, %parallel_loop3A_758, %parallel_loop3A_759], %parallel_loop3A_744 {strides = array<i32>} : memref<2x64x256xf32, #tpu.memory_space<vmem>>, vector<16xf32>,
        %parallel_loop3A_761 = arith.constant 34816 : i32
        %parallel_loop3A_762 = vector.broadcast %parallel_loop3A_761 : i32 to vector<16xi32>
        %parallel_loop3A_763 = arith.addi %parallel_loop3A_142, %parallel_loop3A_762 : vector<16xi32>
        %parallel_loop3A_764 = tpu.vector_load_idx %arg5[%parallel_loop3A_763] : memref<65536xi32, #tpu.memory_space<vmem>>[vector<16xi32>], vector<16xi32>,
        %parallel_loop3A_765 = arith.constant 34816 : i32
        %parallel_loop3A_766 = vector.broadcast %parallel_loop3A_765 : i32 to vector<16xi32>
        %parallel_loop3A_767 = arith.addi %parallel_loop3A_148, %parallel_loop3A_766 : vector<16xi32>
        %parallel_loop3A_768 = tpu.vector_load_idx %arg5[%parallel_loop3A_767] : memref<65536xi32, #tpu.memory_space<vmem>>[vector<16xi32>], vector<16xi32>,
        %parallel_loop3A_769 = vector.bitcast %parallel_loop3A_764 : vector<16xi32> to vector<32xbf16>
        %parallel_loop3A_770 = vector.bitcast %parallel_loop3A_768 : vector<16xi32> to vector<32xbf16>
        %parallel_loop3A_771 = arith.addf %parallel_loop3A_769, %parallel_loop3A_770 : vector<32xbf16>
        %parallel_loop3A_772 = vector.bitcast %parallel_loop3A_771 : vector<32xbf16> to vector<16xi32>
        %parallel_loop3A_773 = arith.constant 16 : i32
        %parallel_loop3A_774 = vector.broadcast %parallel_loop3A_773 : i32 to vector<16xi32>
        %parallel_loop3A_775 = arith.shli %parallel_loop3A_772, %parallel_loop3A_774 : vector<16xi32>
        %parallel_loop3A_776 = vector.bitcast %parallel_loop3A_775 : vector<16xi32> to vector<16xf32>
        %parallel_loop3A_777 = arith.constant -65536 : i32
        %parallel_loop3A_778 = vector.broadcast %parallel_loop3A_777 : i32 to vector<16xi32>
        %parallel_loop3A_779 = arith.andi %parallel_loop3A_772, %parallel_loop3A_778 : vector<16xi32>
        %parallel_loop3A_780 = vector.bitcast %parallel_loop3A_779 : vector<16xi32> to vector<16xf32>
        %parallel_loop3A_781 = arith.constant 16 : i32
        %parallel_loop3A_782 = arith.muli %parallel_loop3A_133, %parallel_loop3A_781 : i32
        %parallel_loop3A_783 = arith.constant 1 : i32
        %parallel_loop3A_784 = arith.constant 34 : i32
        %parallel_loop3A_785 = arith.index_cast %parallel_loop3A_783 : i32 to index
        %parallel_loop3A_786 = arith.index_cast %parallel_loop3A_784 : i32 to index
        %parallel_loop3A_787 = arith.index_cast %parallel_loop3A_782 : i32 to index
        %parallel_loop3A_788 = tpu.vector_load %arg7[%parallel_loop3A_785, %parallel_loop3A_786, %parallel_loop3A_787] {strides = array<i32>} : memref<2x64x256xf32, #tpu.memory_space<vmem>>, vector<16xf32>,
        tpu.vector_store %arg7[%parallel_loop3A_785, %parallel_loop3A_786, %parallel_loop3A_787], %parallel_loop3A_776 {strides = array<i32>} : memref<2x64x256xf32, #tpu.memory_space<vmem>>, vector<16xf32>,
        %parallel_loop3A_789 = arith.constant 16 : i32
        %parallel_loop3A_790 = arith.muli %parallel_loop3A_133, %parallel_loop3A_789 : i32
        %parallel_loop3A_791 = arith.constant 1 : i32
        %parallel_loop3A_792 = arith.constant 35 : i32
        %parallel_loop3A_793 = arith.index_cast %parallel_loop3A_791 : i32 to index
        %parallel_loop3A_794 = arith.index_cast %parallel_loop3A_792 : i32 to index
        %parallel_loop3A_795 = arith.index_cast %parallel_loop3A_790 : i32 to index
        %parallel_loop3A_796 = tpu.vector_load %arg7[%parallel_loop3A_793, %parallel_loop3A_794, %parallel_loop3A_795] {strides = array<i32>} : memref<2x64x256xf32, #tpu.memory_space<vmem>>, vector<16xf32>,
        tpu.vector_store %arg7[%parallel_loop3A_793, %parallel_loop3A_794, %parallel_loop3A_795], %parallel_loop3A_780 {strides = array<i32>} : memref<2x64x256xf32, #tpu.memory_space<vmem>>, vector<16xf32>,
        %parallel_loop3A_797 = arith.constant 36864 : i32
        %parallel_loop3A_798 = vector.broadcast %parallel_loop3A_797 : i32 to vector<16xi32>
        %parallel_loop3A_799 = arith.addi %parallel_loop3A_142, %parallel_loop3A_798 : vector<16xi32>
        %parallel_loop3A_800 = tpu.vector_load_idx %arg5[%parallel_loop3A_799] : memref<65536xi32, #tpu.memory_space<vmem>>[vector<16xi32>], vector<16xi32>,
        %parallel_loop3A_801 = arith.constant 36864 : i32
        %parallel_loop3A_802 = vector.broadcast %parallel_loop3A_801 : i32 to vector<16xi32>
        %parallel_loop3A_803 = arith.addi %parallel_loop3A_148, %parallel_loop3A_802 : vector<16xi32>
        %parallel_loop3A_804 = tpu.vector_load_idx %arg5[%parallel_loop3A_803] : memref<65536xi32, #tpu.memory_space<vmem>>[vector<16xi32>], vector<16xi32>,
        %parallel_loop3A_805 = vector.bitcast %parallel_loop3A_800 : vector<16xi32> to vector<32xbf16>
        %parallel_loop3A_806 = vector.bitcast %parallel_loop3A_804 : vector<16xi32> to vector<32xbf16>
        %parallel_loop3A_807 = arith.addf %parallel_loop3A_805, %parallel_loop3A_806 : vector<32xbf16>
        %parallel_loop3A_808 = vector.bitcast %parallel_loop3A_807 : vector<32xbf16> to vector<16xi32>
        %parallel_loop3A_809 = arith.constant 16 : i32
        %parallel_loop3A_810 = vector.broadcast %parallel_loop3A_809 : i32 to vector<16xi32>
        %parallel_loop3A_811 = arith.shli %parallel_loop3A_808, %parallel_loop3A_810 : vector<16xi32>
        %parallel_loop3A_812 = vector.bitcast %parallel_loop3A_811 : vector<16xi32> to vector<16xf32>
        %parallel_loop3A_813 = arith.constant -65536 : i32
        %parallel_loop3A_814 = vector.broadcast %parallel_loop3A_813 : i32 to vector<16xi32>
        %parallel_loop3A_815 = arith.andi %parallel_loop3A_808, %parallel_loop3A_814 : vector<16xi32>
        %parallel_loop3A_816 = vector.bitcast %parallel_loop3A_815 : vector<16xi32> to vector<16xf32>
        %parallel_loop3A_817 = arith.constant 16 : i32
        %parallel_loop3A_818 = arith.muli %parallel_loop3A_133, %parallel_loop3A_817 : i32
        %parallel_loop3A_819 = arith.constant 1 : i32
        %parallel_loop3A_820 = arith.constant 36 : i32
        %parallel_loop3A_821 = arith.index_cast %parallel_loop3A_819 : i32 to index
        %parallel_loop3A_822 = arith.index_cast %parallel_loop3A_820 : i32 to index
        %parallel_loop3A_823 = arith.index_cast %parallel_loop3A_818 : i32 to index
        %parallel_loop3A_824 = tpu.vector_load %arg7[%parallel_loop3A_821, %parallel_loop3A_822, %parallel_loop3A_823] {strides = array<i32>} : memref<2x64x256xf32, #tpu.memory_space<vmem>>, vector<16xf32>,
        tpu.vector_store %arg7[%parallel_loop3A_821, %parallel_loop3A_822, %parallel_loop3A_823], %parallel_loop3A_812 {strides = array<i32>} : memref<2x64x256xf32, #tpu.memory_space<vmem>>, vector<16xf32>,
        %parallel_loop3A_825 = arith.constant 16 : i32
        %parallel_loop3A_826 = arith.muli %parallel_loop3A_133, %parallel_loop3A_825 : i32
        %parallel_loop3A_827 = arith.constant 1 : i32
        %parallel_loop3A_828 = arith.constant 37 : i32
        %parallel_loop3A_829 = arith.index_cast %parallel_loop3A_827 : i32 to index
        %parallel_loop3A_830 = arith.index_cast %parallel_loop3A_828 : i32 to index
        %parallel_loop3A_831 = arith.index_cast %parallel_loop3A_826 : i32 to index
        %parallel_loop3A_832 = tpu.vector_load %arg7[%parallel_loop3A_829, %parallel_loop3A_830, %parallel_loop3A_831] {strides = array<i32>} : memref<2x64x256xf32, #tpu.memory_space<vmem>>, vector<16xf32>,
        tpu.vector_store %arg7[%parallel_loop3A_829, %parallel_loop3A_830, %parallel_loop3A_831], %parallel_loop3A_816 {strides = array<i32>} : memref<2x64x256xf32, #tpu.memory_space<vmem>>, vector<16xf32>,
        %parallel_loop3A_833 = arith.constant 38912 : i32
        %parallel_loop3A_834 = vector.broadcast %parallel_loop3A_833 : i32 to vector<16xi32>
        %parallel_loop3A_835 = arith.addi %parallel_loop3A_142, %parallel_loop3A_834 : vector<16xi32>
        %parallel_loop3A_836 = tpu.vector_load_idx %arg5[%parallel_loop3A_835] : memref<65536xi32, #tpu.memory_space<vmem>>[vector<16xi32>], vector<16xi32>,
        %parallel_loop3A_837 = arith.constant 38912 : i32
        %parallel_loop3A_838 = vector.broadcast %parallel_loop3A_837 : i32 to vector<16xi32>
        %parallel_loop3A_839 = arith.addi %parallel_loop3A_148, %parallel_loop3A_838 : vector<16xi32>
        %parallel_loop3A_840 = tpu.vector_load_idx %arg5[%parallel_loop3A_839] : memref<65536xi32, #tpu.memory_space<vmem>>[vector<16xi32>], vector<16xi32>,
        %parallel_loop3A_841 = vector.bitcast %parallel_loop3A_836 : vector<16xi32> to vector<32xbf16>
        %parallel_loop3A_842 = vector.bitcast %parallel_loop3A_840 : vector<16xi32> to vector<32xbf16>
        %parallel_loop3A_843 = arith.addf %parallel_loop3A_841, %parallel_loop3A_842 : vector<32xbf16>
        %parallel_loop3A_844 = vector.bitcast %parallel_loop3A_843 : vector<32xbf16> to vector<16xi32>
        %parallel_loop3A_845 = arith.constant 16 : i32
        %parallel_loop3A_846 = vector.broadcast %parallel_loop3A_845 : i32 to vector<16xi32>
        %parallel_loop3A_847 = arith.shli %parallel_loop3A_844, %parallel_loop3A_846 : vector<16xi32>
        %parallel_loop3A_848 = vector.bitcast %parallel_loop3A_847 : vector<16xi32> to vector<16xf32>
        %parallel_loop3A_849 = arith.constant -65536 : i32
        %parallel_loop3A_850 = vector.broadcast %parallel_loop3A_849 : i32 to vector<16xi32>
        %parallel_loop3A_851 = arith.andi %parallel_loop3A_844, %parallel_loop3A_850 : vector<16xi32>
        %parallel_loop3A_852 = vector.bitcast %parallel_loop3A_851 : vector<16xi32> to vector<16xf32>
        %parallel_loop3A_853 = arith.constant 16 : i32
        %parallel_loop3A_854 = arith.muli %parallel_loop3A_133, %parallel_loop3A_853 : i32
        %parallel_loop3A_855 = arith.constant 1 : i32
        %parallel_loop3A_856 = arith.constant 38 : i32
        %parallel_loop3A_857 = arith.index_cast %parallel_loop3A_855 : i32 to index
        %parallel_loop3A_858 = arith.index_cast %parallel_loop3A_856 : i32 to index
        %parallel_loop3A_859 = arith.index_cast %parallel_loop3A_854 : i32 to index
        %parallel_loop3A_860 = tpu.vector_load %arg7[%parallel_loop3A_857, %parallel_loop3A_858, %parallel_loop3A_859] {strides = array<i32>} : memref<2x64x256xf32, #tpu.memory_space<vmem>>, vector<16xf32>,
        tpu.vector_store %arg7[%parallel_loop3A_857, %parallel_loop3A_858, %parallel_loop3A_859], %parallel_loop3A_848 {strides = array<i32>} : memref<2x64x256xf32, #tpu.memory_space<vmem>>, vector<16xf32>,
        %parallel_loop3A_861 = arith.constant 16 : i32
        %parallel_loop3A_862 = arith.muli %parallel_loop3A_133, %parallel_loop3A_861 : i32
        %parallel_loop3A_863 = arith.constant 1 : i32
        %parallel_loop3A_864 = arith.constant 39 : i32
        %parallel_loop3A_865 = arith.index_cast %parallel_loop3A_863 : i32 to index
        %parallel_loop3A_866 = arith.index_cast %parallel_loop3A_864 : i32 to index
        %parallel_loop3A_867 = arith.index_cast %parallel_loop3A_862 : i32 to index
        %parallel_loop3A_868 = tpu.vector_load %arg7[%parallel_loop3A_865, %parallel_loop3A_866, %parallel_loop3A_867] {strides = array<i32>} : memref<2x64x256xf32, #tpu.memory_space<vmem>>, vector<16xf32>,
        tpu.vector_store %arg7[%parallel_loop3A_865, %parallel_loop3A_866, %parallel_loop3A_867], %parallel_loop3A_852 {strides = array<i32>} : memref<2x64x256xf32, #tpu.memory_space<vmem>>, vector<16xf32>,
        %parallel_loop3A_869 = arith.constant 40960 : i32
        %parallel_loop3A_870 = vector.broadcast %parallel_loop3A_869 : i32 to vector<16xi32>
        %parallel_loop3A_871 = arith.addi %parallel_loop3A_142, %parallel_loop3A_870 : vector<16xi32>
        %parallel_loop3A_872 = tpu.vector_load_idx %arg5[%parallel_loop3A_871] : memref<65536xi32, #tpu.memory_space<vmem>>[vector<16xi32>], vector<16xi32>,
        %parallel_loop3A_873 = arith.constant 40960 : i32
        %parallel_loop3A_874 = vector.broadcast %parallel_loop3A_873 : i32 to vector<16xi32>
        %parallel_loop3A_875 = arith.addi %parallel_loop3A_148, %parallel_loop3A_874 : vector<16xi32>
        %parallel_loop3A_876 = tpu.vector_load_idx %arg5[%parallel_loop3A_875] : memref<65536xi32, #tpu.memory_space<vmem>>[vector<16xi32>], vector<16xi32>,
        %parallel_loop3A_877 = vector.bitcast %parallel_loop3A_872 : vector<16xi32> to vector<32xbf16>
        %parallel_loop3A_878 = vector.bitcast %parallel_loop3A_876 : vector<16xi32> to vector<32xbf16>
        %parallel_loop3A_879 = arith.addf %parallel_loop3A_877, %parallel_loop3A_878 : vector<32xbf16>
        %parallel_loop3A_880 = vector.bitcast %parallel_loop3A_879 : vector<32xbf16> to vector<16xi32>
        %parallel_loop3A_881 = arith.constant 16 : i32
        %parallel_loop3A_882 = vector.broadcast %parallel_loop3A_881 : i32 to vector<16xi32>
        %parallel_loop3A_883 = arith.shli %parallel_loop3A_880, %parallel_loop3A_882 : vector<16xi32>
        %parallel_loop3A_884 = vector.bitcast %parallel_loop3A_883 : vector<16xi32> to vector<16xf32>
        %parallel_loop3A_885 = arith.constant -65536 : i32
        %parallel_loop3A_886 = vector.broadcast %parallel_loop3A_885 : i32 to vector<16xi32>
        %parallel_loop3A_887 = arith.andi %parallel_loop3A_880, %parallel_loop3A_886 : vector<16xi32>
        %parallel_loop3A_888 = vector.bitcast %parallel_loop3A_887 : vector<16xi32> to vector<16xf32>
        %parallel_loop3A_889 = arith.constant 16 : i32
        %parallel_loop3A_890 = arith.muli %parallel_loop3A_133, %parallel_loop3A_889 : i32
        %parallel_loop3A_891 = arith.constant 1 : i32
        %parallel_loop3A_892 = arith.constant 40 : i32
        %parallel_loop3A_893 = arith.index_cast %parallel_loop3A_891 : i32 to index
        %parallel_loop3A_894 = arith.index_cast %parallel_loop3A_892 : i32 to index
        %parallel_loop3A_895 = arith.index_cast %parallel_loop3A_890 : i32 to index
        %parallel_loop3A_896 = tpu.vector_load %arg7[%parallel_loop3A_893, %parallel_loop3A_894, %parallel_loop3A_895] {strides = array<i32>} : memref<2x64x256xf32, #tpu.memory_space<vmem>>, vector<16xf32>,
        tpu.vector_store %arg7[%parallel_loop3A_893, %parallel_loop3A_894, %parallel_loop3A_895], %parallel_loop3A_884 {strides = array<i32>} : memref<2x64x256xf32, #tpu.memory_space<vmem>>, vector<16xf32>,
        %parallel_loop3A_897 = arith.constant 16 : i32
        %parallel_loop3A_898 = arith.muli %parallel_loop3A_133, %parallel_loop3A_897 : i32
        %parallel_loop3A_899 = arith.constant 1 : i32
        %parallel_loop3A_900 = arith.constant 41 : i32
        %parallel_loop3A_901 = arith.index_cast %parallel_loop3A_899 : i32 to index
        %parallel_loop3A_902 = arith.index_cast %parallel_loop3A_900 : i32 to index
        %parallel_loop3A_903 = arith.index_cast %parallel_loop3A_898 : i32 to index
        %parallel_loop3A_904 = tpu.vector_load %arg7[%parallel_loop3A_901, %parallel_loop3A_902, %parallel_loop3A_903] {strides = array<i32>} : memref<2x64x256xf32, #tpu.memory_space<vmem>>, vector<16xf32>,
        tpu.vector_store %arg7[%parallel_loop3A_901, %parallel_loop3A_902, %parallel_loop3A_903], %parallel_loop3A_888 {strides = array<i32>} : memref<2x64x256xf32, #tpu.memory_space<vmem>>, vector<16xf32>,
        %parallel_loop3A_905 = arith.constant 43008 : i32
        %parallel_loop3A_906 = vector.broadcast %parallel_loop3A_905 : i32 to vector<16xi32>
        %parallel_loop3A_907 = arith.addi %parallel_loop3A_142, %parallel_loop3A_906 : vector<16xi32>
        %parallel_loop3A_908 = tpu.vector_load_idx %arg5[%parallel_loop3A_907] : memref<65536xi32, #tpu.memory_space<vmem>>[vector<16xi32>], vector<16xi32>,
        %parallel_loop3A_909 = arith.constant 43008 : i32
        %parallel_loop3A_910 = vector.broadcast %parallel_loop3A_909 : i32 to vector<16xi32>
        %parallel_loop3A_911 = arith.addi %parallel_loop3A_148, %parallel_loop3A_910 : vector<16xi32>
        %parallel_loop3A_912 = tpu.vector_load_idx %arg5[%parallel_loop3A_911] : memref<65536xi32, #tpu.memory_space<vmem>>[vector<16xi32>], vector<16xi32>,
        %parallel_loop3A_913 = vector.bitcast %parallel_loop3A_908 : vector<16xi32> to vector<32xbf16>
        %parallel_loop3A_914 = vector.bitcast %parallel_loop3A_912 : vector<16xi32> to vector<32xbf16>
        %parallel_loop3A_915 = arith.addf %parallel_loop3A_913, %parallel_loop3A_914 : vector<32xbf16>
        %parallel_loop3A_916 = vector.bitcast %parallel_loop3A_915 : vector<32xbf16> to vector<16xi32>
        %parallel_loop3A_917 = arith.constant 16 : i32
        %parallel_loop3A_918 = vector.broadcast %parallel_loop3A_917 : i32 to vector<16xi32>
        %parallel_loop3A_919 = arith.shli %parallel_loop3A_916, %parallel_loop3A_918 : vector<16xi32>
        %parallel_loop3A_920 = vector.bitcast %parallel_loop3A_919 : vector<16xi32> to vector<16xf32>
        %parallel_loop3A_921 = arith.constant -65536 : i32
        %parallel_loop3A_922 = vector.broadcast %parallel_loop3A_921 : i32 to vector<16xi32>
        %parallel_loop3A_923 = arith.andi %parallel_loop3A_916, %parallel_loop3A_922 : vector<16xi32>
        %parallel_loop3A_924 = vector.bitcast %parallel_loop3A_923 : vector<16xi32> to vector<16xf32>
        %parallel_loop3A_925 = arith.constant 16 : i32
        %parallel_loop3A_926 = arith.muli %parallel_loop3A_133, %parallel_loop3A_925 : i32
        %parallel_loop3A_927 = arith.constant 1 : i32
        %parallel_loop3A_928 = arith.constant 42 : i32
        %parallel_loop3A_929 = arith.index_cast %parallel_loop3A_927 : i32 to index
        %parallel_loop3A_930 = arith.index_cast %parallel_loop3A_928 : i32 to index
        %parallel_loop3A_931 = arith.index_cast %parallel_loop3A_926 : i32 to index
        %parallel_loop3A_932 = tpu.vector_load %arg7[%parallel_loop3A_929, %parallel_loop3A_930, %parallel_loop3A_931] {strides = array<i32>} : memref<2x64x256xf32, #tpu.memory_space<vmem>>, vector<16xf32>,
        tpu.vector_store %arg7[%parallel_loop3A_929, %parallel_loop3A_930, %parallel_loop3A_931], %parallel_loop3A_920 {strides = array<i32>} : memref<2x64x256xf32, #tpu.memory_space<vmem>>, vector<16xf32>,
        %parallel_loop3A_933 = arith.constant 16 : i32
        %parallel_loop3A_934 = arith.muli %parallel_loop3A_133, %parallel_loop3A_933 : i32
        %parallel_loop3A_935 = arith.constant 1 : i32
        %parallel_loop3A_936 = arith.constant 43 : i32
        %parallel_loop3A_937 = arith.index_cast %parallel_loop3A_935 : i32 to index
        %parallel_loop3A_938 = arith.index_cast %parallel_loop3A_936 : i32 to index
        %parallel_loop3A_939 = arith.index_cast %parallel_loop3A_934 : i32 to index
        %parallel_loop3A_940 = tpu.vector_load %arg7[%parallel_loop3A_937, %parallel_loop3A_938, %parallel_loop3A_939] {strides = array<i32>} : memref<2x64x256xf32, #tpu.memory_space<vmem>>, vector<16xf32>,
        tpu.vector_store %arg7[%parallel_loop3A_937, %parallel_loop3A_938, %parallel_loop3A_939], %parallel_loop3A_924 {strides = array<i32>} : memref<2x64x256xf32, #tpu.memory_space<vmem>>, vector<16xf32>,
        %parallel_loop3A_941 = arith.constant 45056 : i32
        %parallel_loop3A_942 = vector.broadcast %parallel_loop3A_941 : i32 to vector<16xi32>
        %parallel_loop3A_943 = arith.addi %parallel_loop3A_142, %parallel_loop3A_942 : vector<16xi32>
        %parallel_loop3A_944 = tpu.vector_load_idx %arg5[%parallel_loop3A_943] : memref<65536xi32, #tpu.memory_space<vmem>>[vector<16xi32>], vector<16xi32>,
        %parallel_loop3A_945 = arith.constant 45056 : i32
        %parallel_loop3A_946 = vector.broadcast %parallel_loop3A_945 : i32 to vector<16xi32>
        %parallel_loop3A_947 = arith.addi %parallel_loop3A_148, %parallel_loop3A_946 : vector<16xi32>
        %parallel_loop3A_948 = tpu.vector_load_idx %arg5[%parallel_loop3A_947] : memref<65536xi32, #tpu.memory_space<vmem>>[vector<16xi32>], vector<16xi32>,
        %parallel_loop3A_949 = vector.bitcast %parallel_loop3A_944 : vector<16xi32> to vector<32xbf16>
        %parallel_loop3A_950 = vector.bitcast %parallel_loop3A_948 : vector<16xi32> to vector<32xbf16>
        %parallel_loop3A_951 = arith.addf %parallel_loop3A_949, %parallel_loop3A_950 : vector<32xbf16>
        %parallel_loop3A_952 = vector.bitcast %parallel_loop3A_951 : vector<32xbf16> to vector<16xi32>
        %parallel_loop3A_953 = arith.constant 16 : i32
        %parallel_loop3A_954 = vector.broadcast %parallel_loop3A_953 : i32 to vector<16xi32>
        %parallel_loop3A_955 = arith.shli %parallel_loop3A_952, %parallel_loop3A_954 : vector<16xi32>
        %parallel_loop3A_956 = vector.bitcast %parallel_loop3A_955 : vector<16xi32> to vector<16xf32>
        %parallel_loop3A_957 = arith.constant -65536 : i32
        %parallel_loop3A_958 = vector.broadcast %parallel_loop3A_957 : i32 to vector<16xi32>
        %parallel_loop3A_959 = arith.andi %parallel_loop3A_952, %parallel_loop3A_958 : vector<16xi32>
        %parallel_loop3A_960 = vector.bitcast %parallel_loop3A_959 : vector<16xi32> to vector<16xf32>
        %parallel_loop3A_961 = arith.constant 16 : i32
        %parallel_loop3A_962 = arith.muli %parallel_loop3A_133, %parallel_loop3A_961 : i32
        %parallel_loop3A_963 = arith.constant 1 : i32
        %parallel_loop3A_964 = arith.constant 44 : i32
        %parallel_loop3A_965 = arith.index_cast %parallel_loop3A_963 : i32 to index
        %parallel_loop3A_966 = arith.index_cast %parallel_loop3A_964 : i32 to index
        %parallel_loop3A_967 = arith.index_cast %parallel_loop3A_962 : i32 to index
        %parallel_loop3A_968 = tpu.vector_load %arg7[%parallel_loop3A_965, %parallel_loop3A_966, %parallel_loop3A_967] {strides = array<i32>} : memref<2x64x256xf32, #tpu.memory_space<vmem>>, vector<16xf32>,
        tpu.vector_store %arg7[%parallel_loop3A_965, %parallel_loop3A_966, %parallel_loop3A_967], %parallel_loop3A_956 {strides = array<i32>} : memref<2x64x256xf32, #tpu.memory_space<vmem>>, vector<16xf32>,
        %parallel_loop3A_969 = arith.constant 16 : i32
        %parallel_loop3A_970 = arith.muli %parallel_loop3A_133, %parallel_loop3A_969 : i32
        %parallel_loop3A_971 = arith.constant 1 : i32
        %parallel_loop3A_972 = arith.constant 45 : i32
        %parallel_loop3A_973 = arith.index_cast %parallel_loop3A_971 : i32 to index
        %parallel_loop3A_974 = arith.index_cast %parallel_loop3A_972 : i32 to index
        %parallel_loop3A_975 = arith.index_cast %parallel_loop3A_970 : i32 to index
        %parallel_loop3A_976 = tpu.vector_load %arg7[%parallel_loop3A_973, %parallel_loop3A_974, %parallel_loop3A_975] {strides = array<i32>} : memref<2x64x256xf32, #tpu.memory_space<vmem>>, vector<16xf32>,
        tpu.vector_store %arg7[%parallel_loop3A_973, %parallel_loop3A_974, %parallel_loop3A_975], %parallel_loop3A_960 {strides = array<i32>} : memref<2x64x256xf32, #tpu.memory_space<vmem>>, vector<16xf32>,
        %parallel_loop3A_977 = arith.constant 47104 : i32
        %parallel_loop3A_978 = vector.broadcast %parallel_loop3A_977 : i32 to vector<16xi32>
        %parallel_loop3A_979 = arith.addi %parallel_loop3A_142, %parallel_loop3A_978 : vector<16xi32>
        %parallel_loop3A_980 = tpu.vector_load_idx %arg5[%parallel_loop3A_979] : memref<65536xi32, #tpu.memory_space<vmem>>[vector<16xi32>], vector<16xi32>,
        %parallel_loop3A_981 = arith.constant 47104 : i32
        %parallel_loop3A_982 = vector.broadcast %parallel_loop3A_981 : i32 to vector<16xi32>
        %parallel_loop3A_983 = arith.addi %parallel_loop3A_148, %parallel_loop3A_982 : vector<16xi32>
        %parallel_loop3A_984 = tpu.vector_load_idx %arg5[%parallel_loop3A_983] : memref<65536xi32, #tpu.memory_space<vmem>>[vector<16xi32>], vector<16xi32>,
        %parallel_loop3A_985 = vector.bitcast %parallel_loop3A_980 : vector<16xi32> to vector<32xbf16>
        %parallel_loop3A_986 = vector.bitcast %parallel_loop3A_984 : vector<16xi32> to vector<32xbf16>
        %parallel_loop3A_987 = arith.addf %parallel_loop3A_985, %parallel_loop3A_986 : vector<32xbf16>
        %parallel_loop3A_988 = vector.bitcast %parallel_loop3A_987 : vector<32xbf16> to vector<16xi32>
        %parallel_loop3A_989 = arith.constant 16 : i32
        %parallel_loop3A_990 = vector.broadcast %parallel_loop3A_989 : i32 to vector<16xi32>
        %parallel_loop3A_991 = arith.shli %parallel_loop3A_988, %parallel_loop3A_990 : vector<16xi32>
        %parallel_loop3A_992 = vector.bitcast %parallel_loop3A_991 : vector<16xi32> to vector<16xf32>
        %parallel_loop3A_993 = arith.constant -65536 : i32
        %parallel_loop3A_994 = vector.broadcast %parallel_loop3A_993 : i32 to vector<16xi32>
        %parallel_loop3A_995 = arith.andi %parallel_loop3A_988, %parallel_loop3A_994 : vector<16xi32>
        %parallel_loop3A_996 = vector.bitcast %parallel_loop3A_995 : vector<16xi32> to vector<16xf32>
        %parallel_loop3A_997 = arith.constant 16 : i32
        %parallel_loop3A_998 = arith.muli %parallel_loop3A_133, %parallel_loop3A_997 : i32
        %parallel_loop3A_999 = arith.constant 1 : i32
        %parallel_loop3A_1000 = arith.constant 46 : i32
        %parallel_loop3A_1001 = arith.index_cast %parallel_loop3A_999 : i32 to index
        %parallel_loop3A_1002 = arith.index_cast %parallel_loop3A_1000 : i32 to index
        %parallel_loop3A_1003 = arith.index_cast %parallel_loop3A_998 : i32 to index
        %parallel_loop3A_1004 = tpu.vector_load %arg7[%parallel_loop3A_1001, %parallel_loop3A_1002, %parallel_loop3A_1003] {strides = array<i32>} : memref<2x64x256xf32, #tpu.memory_space<vmem>>, vector<16xf32>,
        tpu.vector_store %arg7[%parallel_loop3A_1001, %parallel_loop3A_1002, %parallel_loop3A_1003], %parallel_loop3A_992 {strides = array<i32>} : memref<2x64x256xf32, #tpu.memory_space<vmem>>, vector<16xf32>,
        %parallel_loop3A_1005 = arith.constant 16 : i32
        %parallel_loop3A_1006 = arith.muli %parallel_loop3A_133, %parallel_loop3A_1005 : i32
        %parallel_loop3A_1007 = arith.constant 1 : i32
        %parallel_loop3A_1008 = arith.constant 47 : i32
        %parallel_loop3A_1009 = arith.index_cast %parallel_loop3A_1007 : i32 to index
        %parallel_loop3A_1010 = arith.index_cast %parallel_loop3A_1008 : i32 to index
        %parallel_loop3A_1011 = arith.index_cast %parallel_loop3A_1006 : i32 to index
        %parallel_loop3A_1012 = tpu.vector_load %arg7[%parallel_loop3A_1009, %parallel_loop3A_1010, %parallel_loop3A_1011] {strides = array<i32>} : memref<2x64x256xf32, #tpu.memory_space<vmem>>, vector<16xf32>,
        tpu.vector_store %arg7[%parallel_loop3A_1009, %parallel_loop3A_1010, %parallel_loop3A_1011], %parallel_loop3A_996 {strides = array<i32>} : memref<2x64x256xf32, #tpu.memory_space<vmem>>, vector<16xf32>,
        %parallel_loop3A_1013 = arith.constant 49152 : i32
        %parallel_loop3A_1014 = vector.broadcast %parallel_loop3A_1013 : i32 to vector<16xi32>
        %parallel_loop3A_1015 = arith.addi %parallel_loop3A_142, %parallel_loop3A_1014 : vector<16xi32>
        %parallel_loop3A_1016 = tpu.vector_load_idx %arg5[%parallel_loop3A_1015] : memref<65536xi32, #tpu.memory_space<vmem>>[vector<16xi32>], vector<16xi32>,
        %parallel_loop3A_1017 = arith.constant 49152 : i32
        %parallel_loop3A_1018 = vector.broadcast %parallel_loop3A_1017 : i32 to vector<16xi32>
        %parallel_loop3A_1019 = arith.addi %parallel_loop3A_148, %parallel_loop3A_1018 : vector<16xi32>
        %parallel_loop3A_1020 = tpu.vector_load_idx %arg5[%parallel_loop3A_1019] : memref<65536xi32, #tpu.memory_space<vmem>>[vector<16xi32>], vector<16xi32>,
        %parallel_loop3A_1021 = vector.bitcast %parallel_loop3A_1016 : vector<16xi32> to vector<32xbf16>
        %parallel_loop3A_1022 = vector.bitcast %parallel_loop3A_1020 : vector<16xi32> to vector<32xbf16>
        %parallel_loop3A_1023 = arith.addf %parallel_loop3A_1021, %parallel_loop3A_1022 : vector<32xbf16>
        %parallel_loop3A_1024 = vector.bitcast %parallel_loop3A_1023 : vector<32xbf16> to vector<16xi32>
        %parallel_loop3A_1025 = arith.constant 16 : i32
        %parallel_loop3A_1026 = vector.broadcast %parallel_loop3A_1025 : i32 to vector<16xi32>
        %parallel_loop3A_1027 = arith.shli %parallel_loop3A_1024, %parallel_loop3A_1026 : vector<16xi32>
        %parallel_loop3A_1028 = vector.bitcast %parallel_loop3A_1027 : vector<16xi32> to vector<16xf32>
        %parallel_loop3A_1029 = arith.constant -65536 : i32
        %parallel_loop3A_1030 = vector.broadcast %parallel_loop3A_1029 : i32 to vector<16xi32>
        %parallel_loop3A_1031 = arith.andi %parallel_loop3A_1024, %parallel_loop3A_1030 : vector<16xi32>
        %parallel_loop3A_1032 = vector.bitcast %parallel_loop3A_1031 : vector<16xi32> to vector<16xf32>
        %parallel_loop3A_1033 = arith.constant 16 : i32
        %parallel_loop3A_1034 = arith.muli %parallel_loop3A_133, %parallel_loop3A_1033 : i32
        %parallel_loop3A_1035 = arith.constant 1 : i32
        %parallel_loop3A_1036 = arith.constant 48 : i32
        %parallel_loop3A_1037 = arith.index_cast %parallel_loop3A_1035 : i32 to index
        %parallel_loop3A_1038 = arith.index_cast %parallel_loop3A_1036 : i32 to index
        %parallel_loop3A_1039 = arith.index_cast %parallel_loop3A_1034 : i32 to index
        %parallel_loop3A_1040 = tpu.vector_load %arg7[%parallel_loop3A_1037, %parallel_loop3A_1038, %parallel_loop3A_1039] {strides = array<i32>} : memref<2x64x256xf32, #tpu.memory_space<vmem>>, vector<16xf32>,
        tpu.vector_store %arg7[%parallel_loop3A_1037, %parallel_loop3A_1038, %parallel_loop3A_1039], %parallel_loop3A_1028 {strides = array<i32>} : memref<2x64x256xf32, #tpu.memory_space<vmem>>, vector<16xf32>,
        %parallel_loop3A_1041 = arith.constant 16 : i32
        %parallel_loop3A_1042 = arith.muli %parallel_loop3A_133, %parallel_loop3A_1041 : i32
        %parallel_loop3A_1043 = arith.constant 1 : i32
        %parallel_loop3A_1044 = arith.constant 49 : i32
        %parallel_loop3A_1045 = arith.index_cast %parallel_loop3A_1043 : i32 to index
        %parallel_loop3A_1046 = arith.index_cast %parallel_loop3A_1044 : i32 to index
        %parallel_loop3A_1047 = arith.index_cast %parallel_loop3A_1042 : i32 to index
        %parallel_loop3A_1048 = tpu.vector_load %arg7[%parallel_loop3A_1045, %parallel_loop3A_1046, %parallel_loop3A_1047] {strides = array<i32>} : memref<2x64x256xf32, #tpu.memory_space<vmem>>, vector<16xf32>,
        tpu.vector_store %arg7[%parallel_loop3A_1045, %parallel_loop3A_1046, %parallel_loop3A_1047], %parallel_loop3A_1032 {strides = array<i32>} : memref<2x64x256xf32, #tpu.memory_space<vmem>>, vector<16xf32>,
        %parallel_loop3A_1049 = arith.constant 51200 : i32
        %parallel_loop3A_1050 = vector.broadcast %parallel_loop3A_1049 : i32 to vector<16xi32>
        %parallel_loop3A_1051 = arith.addi %parallel_loop3A_142, %parallel_loop3A_1050 : vector<16xi32>
        %parallel_loop3A_1052 = tpu.vector_load_idx %arg5[%parallel_loop3A_1051] : memref<65536xi32, #tpu.memory_space<vmem>>[vector<16xi32>], vector<16xi32>,
        %parallel_loop3A_1053 = arith.constant 51200 : i32
        %parallel_loop3A_1054 = vector.broadcast %parallel_loop3A_1053 : i32 to vector<16xi32>
        %parallel_loop3A_1055 = arith.addi %parallel_loop3A_148, %parallel_loop3A_1054 : vector<16xi32>
        %parallel_loop3A_1056 = tpu.vector_load_idx %arg5[%parallel_loop3A_1055] : memref<65536xi32, #tpu.memory_space<vmem>>[vector<16xi32>], vector<16xi32>,
        %parallel_loop3A_1057 = vector.bitcast %parallel_loop3A_1052 : vector<16xi32> to vector<32xbf16>
        %parallel_loop3A_1058 = vector.bitcast %parallel_loop3A_1056 : vector<16xi32> to vector<32xbf16>
        %parallel_loop3A_1059 = arith.addf %parallel_loop3A_1057, %parallel_loop3A_1058 : vector<32xbf16>
        %parallel_loop3A_1060 = vector.bitcast %parallel_loop3A_1059 : vector<32xbf16> to vector<16xi32>
        %parallel_loop3A_1061 = arith.constant 16 : i32
        %parallel_loop3A_1062 = vector.broadcast %parallel_loop3A_1061 : i32 to vector<16xi32>
        %parallel_loop3A_1063 = arith.shli %parallel_loop3A_1060, %parallel_loop3A_1062 : vector<16xi32>
        %parallel_loop3A_1064 = vector.bitcast %parallel_loop3A_1063 : vector<16xi32> to vector<16xf32>
        %parallel_loop3A_1065 = arith.constant -65536 : i32
        %parallel_loop3A_1066 = vector.broadcast %parallel_loop3A_1065 : i32 to vector<16xi32>
        %parallel_loop3A_1067 = arith.andi %parallel_loop3A_1060, %parallel_loop3A_1066 : vector<16xi32>
        %parallel_loop3A_1068 = vector.bitcast %parallel_loop3A_1067 : vector<16xi32> to vector<16xf32>
        %parallel_loop3A_1069 = arith.constant 16 : i32
        %parallel_loop3A_1070 = arith.muli %parallel_loop3A_133, %parallel_loop3A_1069 : i32
        %parallel_loop3A_1071 = arith.constant 1 : i32
        %parallel_loop3A_1072 = arith.constant 50 : i32
        %parallel_loop3A_1073 = arith.index_cast %parallel_loop3A_1071 : i32 to index
        %parallel_loop3A_1074 = arith.index_cast %parallel_loop3A_1072 : i32 to index
        %parallel_loop3A_1075 = arith.index_cast %parallel_loop3A_1070 : i32 to index
        %parallel_loop3A_1076 = tpu.vector_load %arg7[%parallel_loop3A_1073, %parallel_loop3A_1074, %parallel_loop3A_1075] {strides = array<i32>} : memref<2x64x256xf32, #tpu.memory_space<vmem>>, vector<16xf32>,
        tpu.vector_store %arg7[%parallel_loop3A_1073, %parallel_loop3A_1074, %parallel_loop3A_1075], %parallel_loop3A_1064 {strides = array<i32>} : memref<2x64x256xf32, #tpu.memory_space<vmem>>, vector<16xf32>,
        %parallel_loop3A_1077 = arith.constant 16 : i32
        %parallel_loop3A_1078 = arith.muli %parallel_loop3A_133, %parallel_loop3A_1077 : i32
        %parallel_loop3A_1079 = arith.constant 1 : i32
        %parallel_loop3A_1080 = arith.constant 51 : i32
        %parallel_loop3A_1081 = arith.index_cast %parallel_loop3A_1079 : i32 to index
        %parallel_loop3A_1082 = arith.index_cast %parallel_loop3A_1080 : i32 to index
        %parallel_loop3A_1083 = arith.index_cast %parallel_loop3A_1078 : i32 to index
        %parallel_loop3A_1084 = tpu.vector_load %arg7[%parallel_loop3A_1081, %parallel_loop3A_1082, %parallel_loop3A_1083] {strides = array<i32>} : memref<2x64x256xf32, #tpu.memory_space<vmem>>, vector<16xf32>,
        tpu.vector_store %arg7[%parallel_loop3A_1081, %parallel_loop3A_1082, %parallel_loop3A_1083], %parallel_loop3A_1068 {strides = array<i32>} : memref<2x64x256xf32, #tpu.memory_space<vmem>>, vector<16xf32>,
        %parallel_loop3A_1085 = arith.constant 53248 : i32
        %parallel_loop3A_1086 = vector.broadcast %parallel_loop3A_1085 : i32 to vector<16xi32>
        %parallel_loop3A_1087 = arith.addi %parallel_loop3A_142, %parallel_loop3A_1086 : vector<16xi32>
        %parallel_loop3A_1088 = tpu.vector_load_idx %arg5[%parallel_loop3A_1087] : memref<65536xi32, #tpu.memory_space<vmem>>[vector<16xi32>], vector<16xi32>,
        %parallel_loop3A_1089 = arith.constant 53248 : i32
        %parallel_loop3A_1090 = vector.broadcast %parallel_loop3A_1089 : i32 to vector<16xi32>
        %parallel_loop3A_1091 = arith.addi %parallel_loop3A_148, %parallel_loop3A_1090 : vector<16xi32>
        %parallel_loop3A_1092 = tpu.vector_load_idx %arg5[%parallel_loop3A_1091] : memref<65536xi32, #tpu.memory_space<vmem>>[vector<16xi32>], vector<16xi32>,
        %parallel_loop3A_1093 = vector.bitcast %parallel_loop3A_1088 : vector<16xi32> to vector<32xbf16>
        %parallel_loop3A_1094 = vector.bitcast %parallel_loop3A_1092 : vector<16xi32> to vector<32xbf16>
        %parallel_loop3A_1095 = arith.addf %parallel_loop3A_1093, %parallel_loop3A_1094 : vector<32xbf16>
        %parallel_loop3A_1096 = vector.bitcast %parallel_loop3A_1095 : vector<32xbf16> to vector<16xi32>
        %parallel_loop3A_1097 = arith.constant 16 : i32
        %parallel_loop3A_1098 = vector.broadcast %parallel_loop3A_1097 : i32 to vector<16xi32>
        %parallel_loop3A_1099 = arith.shli %parallel_loop3A_1096, %parallel_loop3A_1098 : vector<16xi32>
        %parallel_loop3A_1100 = vector.bitcast %parallel_loop3A_1099 : vector<16xi32> to vector<16xf32>
        %parallel_loop3A_1101 = arith.constant -65536 : i32
        %parallel_loop3A_1102 = vector.broadcast %parallel_loop3A_1101 : i32 to vector<16xi32>
        %parallel_loop3A_1103 = arith.andi %parallel_loop3A_1096, %parallel_loop3A_1102 : vector<16xi32>
        %parallel_loop3A_1104 = vector.bitcast %parallel_loop3A_1103 : vector<16xi32> to vector<16xf32>
        %parallel_loop3A_1105 = arith.constant 16 : i32
        %parallel_loop3A_1106 = arith.muli %parallel_loop3A_133, %parallel_loop3A_1105 : i32
        %parallel_loop3A_1107 = arith.constant 1 : i32
        %parallel_loop3A_1108 = arith.constant 52 : i32
        %parallel_loop3A_1109 = arith.index_cast %parallel_loop3A_1107 : i32 to index
        %parallel_loop3A_1110 = arith.index_cast %parallel_loop3A_1108 : i32 to index
        %parallel_loop3A_1111 = arith.index_cast %parallel_loop3A_1106 : i32 to index
        %parallel_loop3A_1112 = tpu.vector_load %arg7[%parallel_loop3A_1109, %parallel_loop3A_1110, %parallel_loop3A_1111] {strides = array<i32>} : memref<2x64x256xf32, #tpu.memory_space<vmem>>, vector<16xf32>,
        tpu.vector_store %arg7[%parallel_loop3A_1109, %parallel_loop3A_1110, %parallel_loop3A_1111], %parallel_loop3A_1100 {strides = array<i32>} : memref<2x64x256xf32, #tpu.memory_space<vmem>>, vector<16xf32>,
        %parallel_loop3A_1113 = arith.constant 16 : i32
        %parallel_loop3A_1114 = arith.muli %parallel_loop3A_133, %parallel_loop3A_1113 : i32
        %parallel_loop3A_1115 = arith.constant 1 : i32
        %parallel_loop3A_1116 = arith.constant 53 : i32
        %parallel_loop3A_1117 = arith.index_cast %parallel_loop3A_1115 : i32 to index
        %parallel_loop3A_1118 = arith.index_cast %parallel_loop3A_1116 : i32 to index
        %parallel_loop3A_1119 = arith.index_cast %parallel_loop3A_1114 : i32 to index
        %parallel_loop3A_1120 = tpu.vector_load %arg7[%parallel_loop3A_1117, %parallel_loop3A_1118, %parallel_loop3A_1119] {strides = array<i32>} : memref<2x64x256xf32, #tpu.memory_space<vmem>>, vector<16xf32>,
        tpu.vector_store %arg7[%parallel_loop3A_1117, %parallel_loop3A_1118, %parallel_loop3A_1119], %parallel_loop3A_1104 {strides = array<i32>} : memref<2x64x256xf32, #tpu.memory_space<vmem>>, vector<16xf32>,
        %parallel_loop3A_1121 = arith.constant 55296 : i32
        %parallel_loop3A_1122 = vector.broadcast %parallel_loop3A_1121 : i32 to vector<16xi32>
        %parallel_loop3A_1123 = arith.addi %parallel_loop3A_142, %parallel_loop3A_1122 : vector<16xi32>
        %parallel_loop3A_1124 = tpu.vector_load_idx %arg5[%parallel_loop3A_1123] : memref<65536xi32, #tpu.memory_space<vmem>>[vector<16xi32>], vector<16xi32>,
        %parallel_loop3A_1125 = arith.constant 55296 : i32
        %parallel_loop3A_1126 = vector.broadcast %parallel_loop3A_1125 : i32 to vector<16xi32>
        %parallel_loop3A_1127 = arith.addi %parallel_loop3A_148, %parallel_loop3A_1126 : vector<16xi32>
        %parallel_loop3A_1128 = tpu.vector_load_idx %arg5[%parallel_loop3A_1127] : memref<65536xi32, #tpu.memory_space<vmem>>[vector<16xi32>], vector<16xi32>,
        %parallel_loop3A_1129 = vector.bitcast %parallel_loop3A_1124 : vector<16xi32> to vector<32xbf16>
        %parallel_loop3A_1130 = vector.bitcast %parallel_loop3A_1128 : vector<16xi32> to vector<32xbf16>
        %parallel_loop3A_1131 = arith.addf %parallel_loop3A_1129, %parallel_loop3A_1130 : vector<32xbf16>
        %parallel_loop3A_1132 = vector.bitcast %parallel_loop3A_1131 : vector<32xbf16> to vector<16xi32>
        %parallel_loop3A_1133 = arith.constant 16 : i32
        %parallel_loop3A_1134 = vector.broadcast %parallel_loop3A_1133 : i32 to vector<16xi32>
        %parallel_loop3A_1135 = arith.shli %parallel_loop3A_1132, %parallel_loop3A_1134 : vector<16xi32>
        %parallel_loop3A_1136 = vector.bitcast %parallel_loop3A_1135 : vector<16xi32> to vector<16xf32>
        %parallel_loop3A_1137 = arith.constant -65536 : i32
        %parallel_loop3A_1138 = vector.broadcast %parallel_loop3A_1137 : i32 to vector<16xi32>
        %parallel_loop3A_1139 = arith.andi %parallel_loop3A_1132, %parallel_loop3A_1138 : vector<16xi32>
        %parallel_loop3A_1140 = vector.bitcast %parallel_loop3A_1139 : vector<16xi32> to vector<16xf32>
        %parallel_loop3A_1141 = arith.constant 16 : i32
        %parallel_loop3A_1142 = arith.muli %parallel_loop3A_133, %parallel_loop3A_1141 : i32
        %parallel_loop3A_1143 = arith.constant 1 : i32
        %parallel_loop3A_1144 = arith.constant 54 : i32
        %parallel_loop3A_1145 = arith.index_cast %parallel_loop3A_1143 : i32 to index
        %parallel_loop3A_1146 = arith.index_cast %parallel_loop3A_1144 : i32 to index
        %parallel_loop3A_1147 = arith.index_cast %parallel_loop3A_1142 : i32 to index
        %parallel_loop3A_1148 = tpu.vector_load %arg7[%parallel_loop3A_1145, %parallel_loop3A_1146, %parallel_loop3A_1147] {strides = array<i32>} : memref<2x64x256xf32, #tpu.memory_space<vmem>>, vector<16xf32>,
        tpu.vector_store %arg7[%parallel_loop3A_1145, %parallel_loop3A_1146, %parallel_loop3A_1147], %parallel_loop3A_1136 {strides = array<i32>} : memref<2x64x256xf32, #tpu.memory_space<vmem>>, vector<16xf32>,
        %parallel_loop3A_1149 = arith.constant 16 : i32
        %parallel_loop3A_1150 = arith.muli %parallel_loop3A_133, %parallel_loop3A_1149 : i32
        %parallel_loop3A_1151 = arith.constant 1 : i32
        %parallel_loop3A_1152 = arith.constant 55 : i32
        %parallel_loop3A_1153 = arith.index_cast %parallel_loop3A_1151 : i32 to index
        %parallel_loop3A_1154 = arith.index_cast %parallel_loop3A_1152 : i32 to index
        %parallel_loop3A_1155 = arith.index_cast %parallel_loop3A_1150 : i32 to index
        %parallel_loop3A_1156 = tpu.vector_load %arg7[%parallel_loop3A_1153, %parallel_loop3A_1154, %parallel_loop3A_1155] {strides = array<i32>} : memref<2x64x256xf32, #tpu.memory_space<vmem>>, vector<16xf32>,
        tpu.vector_store %arg7[%parallel_loop3A_1153, %parallel_loop3A_1154, %parallel_loop3A_1155], %parallel_loop3A_1140 {strides = array<i32>} : memref<2x64x256xf32, #tpu.memory_space<vmem>>, vector<16xf32>,
        %parallel_loop3A_1157 = arith.constant 57344 : i32
        %parallel_loop3A_1158 = vector.broadcast %parallel_loop3A_1157 : i32 to vector<16xi32>
        %parallel_loop3A_1159 = arith.addi %parallel_loop3A_142, %parallel_loop3A_1158 : vector<16xi32>
        %parallel_loop3A_1160 = tpu.vector_load_idx %arg5[%parallel_loop3A_1159] : memref<65536xi32, #tpu.memory_space<vmem>>[vector<16xi32>], vector<16xi32>,
        %parallel_loop3A_1161 = arith.constant 57344 : i32
        %parallel_loop3A_1162 = vector.broadcast %parallel_loop3A_1161 : i32 to vector<16xi32>
        %parallel_loop3A_1163 = arith.addi %parallel_loop3A_148, %parallel_loop3A_1162 : vector<16xi32>
        %parallel_loop3A_1164 = tpu.vector_load_idx %arg5[%parallel_loop3A_1163] : memref<65536xi32, #tpu.memory_space<vmem>>[vector<16xi32>], vector<16xi32>,
        %parallel_loop3A_1165 = vector.bitcast %parallel_loop3A_1160 : vector<16xi32> to vector<32xbf16>
        %parallel_loop3A_1166 = vector.bitcast %parallel_loop3A_1164 : vector<16xi32> to vector<32xbf16>
        %parallel_loop3A_1167 = arith.addf %parallel_loop3A_1165, %parallel_loop3A_1166 : vector<32xbf16>
        %parallel_loop3A_1168 = vector.bitcast %parallel_loop3A_1167 : vector<32xbf16> to vector<16xi32>
        %parallel_loop3A_1169 = arith.constant 16 : i32
        %parallel_loop3A_1170 = vector.broadcast %parallel_loop3A_1169 : i32 to vector<16xi32>
        %parallel_loop3A_1171 = arith.shli %parallel_loop3A_1168, %parallel_loop3A_1170 : vector<16xi32>
        %parallel_loop3A_1172 = vector.bitcast %parallel_loop3A_1171 : vector<16xi32> to vector<16xf32>
        %parallel_loop3A_1173 = arith.constant -65536 : i32
        %parallel_loop3A_1174 = vector.broadcast %parallel_loop3A_1173 : i32 to vector<16xi32>
        %parallel_loop3A_1175 = arith.andi %parallel_loop3A_1168, %parallel_loop3A_1174 : vector<16xi32>
        %parallel_loop3A_1176 = vector.bitcast %parallel_loop3A_1175 : vector<16xi32> to vector<16xf32>
        %parallel_loop3A_1177 = arith.constant 16 : i32
        %parallel_loop3A_1178 = arith.muli %parallel_loop3A_133, %parallel_loop3A_1177 : i32
        %parallel_loop3A_1179 = arith.constant 1 : i32
        %parallel_loop3A_1180 = arith.constant 56 : i32
        %parallel_loop3A_1181 = arith.index_cast %parallel_loop3A_1179 : i32 to index
        %parallel_loop3A_1182 = arith.index_cast %parallel_loop3A_1180 : i32 to index
        %parallel_loop3A_1183 = arith.index_cast %parallel_loop3A_1178 : i32 to index
        %parallel_loop3A_1184 = tpu.vector_load %arg7[%parallel_loop3A_1181, %parallel_loop3A_1182, %parallel_loop3A_1183] {strides = array<i32>} : memref<2x64x256xf32, #tpu.memory_space<vmem>>, vector<16xf32>,
        tpu.vector_store %arg7[%parallel_loop3A_1181, %parallel_loop3A_1182, %parallel_loop3A_1183], %parallel_loop3A_1172 {strides = array<i32>} : memref<2x64x256xf32, #tpu.memory_space<vmem>>, vector<16xf32>,
        %parallel_loop3A_1185 = arith.constant 16 : i32
        %parallel_loop3A_1186 = arith.muli %parallel_loop3A_133, %parallel_loop3A_1185 : i32
        %parallel_loop3A_1187 = arith.constant 1 : i32
        %parallel_loop3A_1188 = arith.constant 57 : i32
        %parallel_loop3A_1189 = arith.index_cast %parallel_loop3A_1187 : i32 to index
        %parallel_loop3A_1190 = arith.index_cast %parallel_loop3A_1188 : i32 to index
        %parallel_loop3A_1191 = arith.index_cast %parallel_loop3A_1186 : i32 to index
        %parallel_loop3A_1192 = tpu.vector_load %arg7[%parallel_loop3A_1189, %parallel_loop3A_1190, %parallel_loop3A_1191] {strides = array<i32>} : memref<2x64x256xf32, #tpu.memory_space<vmem>>, vector<16xf32>,
        tpu.vector_store %arg7[%parallel_loop3A_1189, %parallel_loop3A_1190, %parallel_loop3A_1191], %parallel_loop3A_1176 {strides = array<i32>} : memref<2x64x256xf32, #tpu.memory_space<vmem>>, vector<16xf32>,
        %parallel_loop3A_1193 = arith.constant 59392 : i32
        %parallel_loop3A_1194 = vector.broadcast %parallel_loop3A_1193 : i32 to vector<16xi32>
        %parallel_loop3A_1195 = arith.addi %parallel_loop3A_142, %parallel_loop3A_1194 : vector<16xi32>
        %parallel_loop3A_1196 = tpu.vector_load_idx %arg5[%parallel_loop3A_1195] : memref<65536xi32, #tpu.memory_space<vmem>>[vector<16xi32>], vector<16xi32>,
        %parallel_loop3A_1197 = arith.constant 59392 : i32
        %parallel_loop3A_1198 = vector.broadcast %parallel_loop3A_1197 : i32 to vector<16xi32>
        %parallel_loop3A_1199 = arith.addi %parallel_loop3A_148, %parallel_loop3A_1198 : vector<16xi32>
        %parallel_loop3A_1200 = tpu.vector_load_idx %arg5[%parallel_loop3A_1199] : memref<65536xi32, #tpu.memory_space<vmem>>[vector<16xi32>], vector<16xi32>,
        %parallel_loop3A_1201 = vector.bitcast %parallel_loop3A_1196 : vector<16xi32> to vector<32xbf16>
        %parallel_loop3A_1202 = vector.bitcast %parallel_loop3A_1200 : vector<16xi32> to vector<32xbf16>
        %parallel_loop3A_1203 = arith.addf %parallel_loop3A_1201, %parallel_loop3A_1202 : vector<32xbf16>
        %parallel_loop3A_1204 = vector.bitcast %parallel_loop3A_1203 : vector<32xbf16> to vector<16xi32>
        %parallel_loop3A_1205 = arith.constant 16 : i32
        %parallel_loop3A_1206 = vector.broadcast %parallel_loop3A_1205 : i32 to vector<16xi32>
        %parallel_loop3A_1207 = arith.shli %parallel_loop3A_1204, %parallel_loop3A_1206 : vector<16xi32>
        %parallel_loop3A_1208 = vector.bitcast %parallel_loop3A_1207 : vector<16xi32> to vector<16xf32>
        %parallel_loop3A_1209 = arith.constant -65536 : i32
        %parallel_loop3A_1210 = vector.broadcast %parallel_loop3A_1209 : i32 to vector<16xi32>
        %parallel_loop3A_1211 = arith.andi %parallel_loop3A_1204, %parallel_loop3A_1210 : vector<16xi32>
        %parallel_loop3A_1212 = vector.bitcast %parallel_loop3A_1211 : vector<16xi32> to vector<16xf32>
        %parallel_loop3A_1213 = arith.constant 16 : i32
        %parallel_loop3A_1214 = arith.muli %parallel_loop3A_133, %parallel_loop3A_1213 : i32
        %parallel_loop3A_1215 = arith.constant 1 : i32
        %parallel_loop3A_1216 = arith.constant 58 : i32
        %parallel_loop3A_1217 = arith.index_cast %parallel_loop3A_1215 : i32 to index
        %parallel_loop3A_1218 = arith.index_cast %parallel_loop3A_1216 : i32 to index
        %parallel_loop3A_1219 = arith.index_cast %parallel_loop3A_1214 : i32 to index
        %parallel_loop3A_1220 = tpu.vector_load %arg7[%parallel_loop3A_1217, %parallel_loop3A_1218, %parallel_loop3A_1219] {strides = array<i32>} : memref<2x64x256xf32, #tpu.memory_space<vmem>>, vector<16xf32>,
        tpu.vector_store %arg7[%parallel_loop3A_1217, %parallel_loop3A_1218, %parallel_loop3A_1219], %parallel_loop3A_1208 {strides = array<i32>} : memref<2x64x256xf32, #tpu.memory_space<vmem>>, vector<16xf32>,
        %parallel_loop3A_1221 = arith.constant 16 : i32
        %parallel_loop3A_1222 = arith.muli %parallel_loop3A_133, %parallel_loop3A_1221 : i32
        %parallel_loop3A_1223 = arith.constant 1 : i32
        %parallel_loop3A_1224 = arith.constant 59 : i32
        %parallel_loop3A_1225 = arith.index_cast %parallel_loop3A_1223 : i32 to index
        %parallel_loop3A_1226 = arith.index_cast %parallel_loop3A_1224 : i32 to index
        %parallel_loop3A_1227 = arith.index_cast %parallel_loop3A_1222 : i32 to index
        %parallel_loop3A_1228 = tpu.vector_load %arg7[%parallel_loop3A_1225, %parallel_loop3A_1226, %parallel_loop3A_1227] {strides = array<i32>} : memref<2x64x256xf32, #tpu.memory_space<vmem>>, vector<16xf32>,
        tpu.vector_store %arg7[%parallel_loop3A_1225, %parallel_loop3A_1226, %parallel_loop3A_1227], %parallel_loop3A_1212 {strides = array<i32>} : memref<2x64x256xf32, #tpu.memory_space<vmem>>, vector<16xf32>,
        %parallel_loop3A_1229 = arith.constant 61440 : i32
        %parallel_loop3A_1230 = vector.broadcast %parallel_loop3A_1229 : i32 to vector<16xi32>
        %parallel_loop3A_1231 = arith.addi %parallel_loop3A_142, %parallel_loop3A_1230 : vector<16xi32>
        %parallel_loop3A_1232 = tpu.vector_load_idx %arg5[%parallel_loop3A_1231] : memref<65536xi32, #tpu.memory_space<vmem>>[vector<16xi32>], vector<16xi32>,
        %parallel_loop3A_1233 = arith.constant 61440 : i32
        %parallel_loop3A_1234 = vector.broadcast %parallel_loop3A_1233 : i32 to vector<16xi32>
        %parallel_loop3A_1235 = arith.addi %parallel_loop3A_148, %parallel_loop3A_1234 : vector<16xi32>
        %parallel_loop3A_1236 = tpu.vector_load_idx %arg5[%parallel_loop3A_1235] : memref<65536xi32, #tpu.memory_space<vmem>>[vector<16xi32>], vector<16xi32>,
        %parallel_loop3A_1237 = vector.bitcast %parallel_loop3A_1232 : vector<16xi32> to vector<32xbf16>
        %parallel_loop3A_1238 = vector.bitcast %parallel_loop3A_1236 : vector<16xi32> to vector<32xbf16>
        %parallel_loop3A_1239 = arith.addf %parallel_loop3A_1237, %parallel_loop3A_1238 : vector<32xbf16>
        %parallel_loop3A_1240 = vector.bitcast %parallel_loop3A_1239 : vector<32xbf16> to vector<16xi32>
        %parallel_loop3A_1241 = arith.constant 16 : i32
        %parallel_loop3A_1242 = vector.broadcast %parallel_loop3A_1241 : i32 to vector<16xi32>
        %parallel_loop3A_1243 = arith.shli %parallel_loop3A_1240, %parallel_loop3A_1242 : vector<16xi32>
        %parallel_loop3A_1244 = vector.bitcast %parallel_loop3A_1243 : vector<16xi32> to vector<16xf32>
        %parallel_loop3A_1245 = arith.constant -65536 : i32
        %parallel_loop3A_1246 = vector.broadcast %parallel_loop3A_1245 : i32 to vector<16xi32>
        %parallel_loop3A_1247 = arith.andi %parallel_loop3A_1240, %parallel_loop3A_1246 : vector<16xi32>
        %parallel_loop3A_1248 = vector.bitcast %parallel_loop3A_1247 : vector<16xi32> to vector<16xf32>
        %parallel_loop3A_1249 = arith.constant 16 : i32
        %parallel_loop3A_1250 = arith.muli %parallel_loop3A_133, %parallel_loop3A_1249 : i32
        %parallel_loop3A_1251 = arith.constant 1 : i32
        %parallel_loop3A_1252 = arith.constant 60 : i32
        %parallel_loop3A_1253 = arith.index_cast %parallel_loop3A_1251 : i32 to index
        %parallel_loop3A_1254 = arith.index_cast %parallel_loop3A_1252 : i32 to index
        %parallel_loop3A_1255 = arith.index_cast %parallel_loop3A_1250 : i32 to index
        %parallel_loop3A_1256 = tpu.vector_load %arg7[%parallel_loop3A_1253, %parallel_loop3A_1254, %parallel_loop3A_1255] {strides = array<i32>} : memref<2x64x256xf32, #tpu.memory_space<vmem>>, vector<16xf32>,
        tpu.vector_store %arg7[%parallel_loop3A_1253, %parallel_loop3A_1254, %parallel_loop3A_1255], %parallel_loop3A_1244 {strides = array<i32>} : memref<2x64x256xf32, #tpu.memory_space<vmem>>, vector<16xf32>,
        %parallel_loop3A_1257 = arith.constant 16 : i32
        %parallel_loop3A_1258 = arith.muli %parallel_loop3A_133, %parallel_loop3A_1257 : i32
        %parallel_loop3A_1259 = arith.constant 1 : i32
        %parallel_loop3A_1260 = arith.constant 61 : i32
        %parallel_loop3A_1261 = arith.index_cast %parallel_loop3A_1259 : i32 to index
        %parallel_loop3A_1262 = arith.index_cast %parallel_loop3A_1260 : i32 to index
        %parallel_loop3A_1263 = arith.index_cast %parallel_loop3A_1258 : i32 to index
        %parallel_loop3A_1264 = tpu.vector_load %arg7[%parallel_loop3A_1261, %parallel_loop3A_1262, %parallel_loop3A_1263] {strides = array<i32>} : memref<2x64x256xf32, #tpu.memory_space<vmem>>, vector<16xf32>,
        tpu.vector_store %arg7[%parallel_loop3A_1261, %parallel_loop3A_1262, %parallel_loop3A_1263], %parallel_loop3A_1248 {strides = array<i32>} : memref<2x64x256xf32, #tpu.memory_space<vmem>>, vector<16xf32>,
        %parallel_loop3A_1265 = arith.constant 63488 : i32
        %parallel_loop3A_1266 = vector.broadcast %parallel_loop3A_1265 : i32 to vector<16xi32>
        %parallel_loop3A_1267 = arith.addi %parallel_loop3A_142, %parallel_loop3A_1266 : vector<16xi32>
        %parallel_loop3A_1268 = tpu.vector_load_idx %arg5[%parallel_loop3A_1267] : memref<65536xi32, #tpu.memory_space<vmem>>[vector<16xi32>], vector<16xi32>,
        %parallel_loop3A_1269 = arith.constant 63488 : i32
        %parallel_loop3A_1270 = vector.broadcast %parallel_loop3A_1269 : i32 to vector<16xi32>
        %parallel_loop3A_1271 = arith.addi %parallel_loop3A_148, %parallel_loop3A_1270 : vector<16xi32>
        %parallel_loop3A_1272 = tpu.vector_load_idx %arg5[%parallel_loop3A_1271] : memref<65536xi32, #tpu.memory_space<vmem>>[vector<16xi32>], vector<16xi32>,
        %parallel_loop3A_1273 = vector.bitcast %parallel_loop3A_1268 : vector<16xi32> to vector<32xbf16>
        %parallel_loop3A_1274 = vector.bitcast %parallel_loop3A_1272 : vector<16xi32> to vector<32xbf16>
        %parallel_loop3A_1275 = arith.addf %parallel_loop3A_1273, %parallel_loop3A_1274 : vector<32xbf16>
        %parallel_loop3A_1276 = vector.bitcast %parallel_loop3A_1275 : vector<32xbf16> to vector<16xi32>
        %parallel_loop3A_1277 = arith.constant 16 : i32
        %parallel_loop3A_1278 = vector.broadcast %parallel_loop3A_1277 : i32 to vector<16xi32>
        %parallel_loop3A_1279 = arith.shli %parallel_loop3A_1276, %parallel_loop3A_1278 : vector<16xi32>
        %parallel_loop3A_1280 = vector.bitcast %parallel_loop3A_1279 : vector<16xi32> to vector<16xf32>
        %parallel_loop3A_1281 = arith.constant -65536 : i32
        %parallel_loop3A_1282 = vector.broadcast %parallel_loop3A_1281 : i32 to vector<16xi32>
        %parallel_loop3A_1283 = arith.andi %parallel_loop3A_1276, %parallel_loop3A_1282 : vector<16xi32>
        %parallel_loop3A_1284 = vector.bitcast %parallel_loop3A_1283 : vector<16xi32> to vector<16xf32>
        %parallel_loop3A_1285 = arith.constant 16 : i32
        %parallel_loop3A_1286 = arith.muli %parallel_loop3A_133, %parallel_loop3A_1285 : i32
        %parallel_loop3A_1287 = arith.constant 1 : i32
        %parallel_loop3A_1288 = arith.constant 62 : i32
        %parallel_loop3A_1289 = arith.index_cast %parallel_loop3A_1287 : i32 to index
        %parallel_loop3A_1290 = arith.index_cast %parallel_loop3A_1288 : i32 to index
        %parallel_loop3A_1291 = arith.index_cast %parallel_loop3A_1286 : i32 to index
        %parallel_loop3A_1292 = tpu.vector_load %arg7[%parallel_loop3A_1289, %parallel_loop3A_1290, %parallel_loop3A_1291] {strides = array<i32>} : memref<2x64x256xf32, #tpu.memory_space<vmem>>, vector<16xf32>,
        tpu.vector_store %arg7[%parallel_loop3A_1289, %parallel_loop3A_1290, %parallel_loop3A_1291], %parallel_loop3A_1280 {strides = array<i32>} : memref<2x64x256xf32, #tpu.memory_space<vmem>>, vector<16xf32>,
        %parallel_loop3A_1293 = arith.constant 16 : i32
        %parallel_loop3A_1294 = arith.muli %parallel_loop3A_133, %parallel_loop3A_1293 : i32
        %parallel_loop3A_1295 = arith.constant 1 : i32
        %parallel_loop3A_1296 = arith.constant 63 : i32
        %parallel_loop3A_1297 = arith.index_cast %parallel_loop3A_1295 : i32 to index
        %parallel_loop3A_1298 = arith.index_cast %parallel_loop3A_1296 : i32 to index
        %parallel_loop3A_1299 = arith.index_cast %parallel_loop3A_1294 : i32 to index
        %parallel_loop3A_1300 = tpu.vector_load %arg7[%parallel_loop3A_1297, %parallel_loop3A_1298, %parallel_loop3A_1299] {strides = array<i32>} : memref<2x64x256xf32, #tpu.memory_space<vmem>>, vector<16xf32>,
        tpu.vector_store %arg7[%parallel_loop3A_1297, %parallel_loop3A_1298, %parallel_loop3A_1299], %parallel_loop3A_1284 {strides = array<i32>} : memref<2x64x256xf32, #tpu.memory_space<vmem>>, vector<16xf32>,
      } {sc.loop_unroll_factor = 4 : i64, sc.parallel_access}
      %mul3A_117 = arith.constant 256 : i32
      %mul3A_118 = arith.muli %add3A_90, %mul3A_117 : i32
      %add3A_119 = arith.addi %mul3A_2, %mul3A_118 : i32
      %dma_start3A_120 = arith.constant 1 : i32
      %dma_start3A_121 = arith.constant 0 : i32
      %dma_start3A_122 = arith.constant 0 : i32
      %dma_start3A_123 = tpu.memref_slice %arg7[%dma_start3A_120, %dma_start3A_121, %dma_start3A_122] : memref<2x64x256xf32, #tpu.memory_space<vmem>> -> memref<1x64x256xf32, #tpu.memory_space<vmem>>
      %dma_start3A_124 = tpu.memref_squeeze %dma_start3A_123 : memref<1x64x256xf32, #tpu.memory_space<vmem>> -> memref<64x256xf32, #tpu.memory_space<vmem>>
      %dma_start3A_125 = arith.constant 0 : i32
      %dma_start3A_126 = tpu.memref_slice %arg4[%dma_start3A_125, %add3A_119] : memref<64x819200xf32, #tpu.memory_space<hbm>> -> memref<64x256xf32, #tpu.memory_space<hbm>>
      %dma_start3A_127 = arith.constant 0 : i32
      %dma_start3A_128 = tpu.memref_slice %arg4[%dma_start3A_127, %add3A_119] : memref<64x819200xf32, #tpu.memory_space<hbm>> -> memref<64x256xf32, #tpu.memory_space<hbm>>
      %dma_start3A_129 = arith.constant 0 : i32
      %dma_start3A_130 = arith.constant 0 : i32
      %dma_start3A_131 = tpu.memref_slice %arg7[%dma_start3A_120, %dma_start3A_129, %dma_start3A_130] : memref<2x64x256xf32, #tpu.memory_space<vmem>> -> memref<1x64x256xf32, #tpu.memory_space<vmem>>
      %dma_start3A_132 = tpu.memref_squeeze %dma_start3A_131 : memref<1x64x256xf32, #tpu.memory_space<vmem>> -> memref<64x256xf32, #tpu.memory_space<vmem>>
      tpu.enqueue_dma source(%dma_start3A_132 : memref<64x256xf32, #tpu.memory_space<vmem>>) target(%dma_start3A_128 : memref<64x256xf32, #tpu.memory_space<hbm>>) target_semaphore(%arg11 : memref<!tpu.dma_semaphore, #tpu.memory_space<semaphore_mem>>)
    }
    %scan3A_17 = arith.constant 50 : i32
    %dma_wait3A = arith.constant 0 : i32
    %dma_wait3A_18 = arith.constant 0 : i32
    %dma_wait3A_19 = arith.constant 0 : i32
    %dma_wait3A_20 = tpu.memref_slice %arg7[%dma_wait3A, %dma_wait3A_18, %dma_wait3A_19] : memref<2x64x256xf32, #tpu.memory_space<vmem>> -> memref<1x64x256xf32, #tpu.memory_space<vmem>>
    %dma_wait3A_21 = tpu.memref_squeeze %dma_wait3A_20 : memref<1x64x256xf32, #tpu.memory_space<vmem>> -> memref<64x256xf32, #tpu.memory_space<vmem>>
    %dma_wait3A_22 = arith.constant 0 : i32
    %dma_wait3A_23 = arith.constant 0 : i32
    %dma_wait3A_24 = tpu.memref_slice %arg4[%dma_wait3A_22, %dma_wait3A_23] : memref<64x819200xf32, #tpu.memory_space<hbm>> -> memref<64x256xf32, #tpu.memory_space<hbm>>
    %dma_wait3A_25 = arith.constant 0 : i32
    %dma_wait3A_26 = arith.constant 0 : i32
    %dma_wait3A_27 = tpu.memref_slice %arg4[%dma_wait3A_25, %dma_wait3A_26] : memref<64x819200xf32, #tpu.memory_space<hbm>> -> memref<64x256xf32, #tpu.memory_space<hbm>>
    %dma_wait3A_28 = arith.constant 0 : i32
    %dma_wait3A_29 = arith.constant 0 : i32
    %dma_wait3A_30 = tpu.memref_slice %arg7[%dma_wait3A, %dma_wait3A_28, %dma_wait3A_29] : memref<2x64x256xf32, #tpu.memory_space<vmem>> -> memref<1x64x256xf32, #tpu.memory_space<vmem>>
    %dma_wait3A_31 = tpu.memref_squeeze %dma_wait3A_30 : memref<1x64x256xf32, #tpu.memory_space<vmem>> -> memref<64x256xf32, #tpu.memory_space<vmem>>
    tpu.wait_dma2 semaphore(%arg10 : memref<!tpu.dma_semaphore, #tpu.memory_space<semaphore_mem>>) src(%dma_wait3A_31 : memref<64x256xf32, #tpu.memory_space<vmem>>) dst(%dma_wait3A_27 : memref<64x256xf32, #tpu.memory_space<hbm>>)
    %dma_wait3A_32 = arith.constant 1 : i32
    %dma_wait3A_33 = arith.constant 0 : i32
    %dma_wait3A_34 = arith.constant 0 : i32
    %dma_wait3A_35 = tpu.memref_slice %arg7[%dma_wait3A_32, %dma_wait3A_33, %dma_wait3A_34] : memref<2x64x256xf32, #tpu.memory_space<vmem>> -> memref<1x64x256xf32, #tpu.memory_space<vmem>>
    %dma_wait3A_36 = tpu.memref_squeeze %dma_wait3A_35 : memref<1x64x256xf32, #tpu.memory_space<vmem>> -> memref<64x256xf32, #tpu.memory_space<vmem>>
    %dma_wait3A_37 = arith.constant 0 : i32
    %dma_wait3A_38 = arith.constant 0 : i32
    %dma_wait3A_39 = tpu.memref_slice %arg4[%dma_wait3A_37, %dma_wait3A_38] : memref<64x819200xf32, #tpu.memory_space<hbm>> -> memref<64x256xf32, #tpu.memory_space<hbm>>
    %dma_wait3A_40 = arith.constant 0 : i32
    %dma_wait3A_41 = arith.constant 0 : i32
    %dma_wait3A_42 = tpu.memref_slice %arg4[%dma_wait3A_40, %dma_wait3A_41] : memref<64x819200xf32, #tpu.memory_space<hbm>> -> memref<64x256xf32, #tpu.memory_space<hbm>>
    %dma_wait3A_43 = arith.constant 0 : i32
    %dma_wait3A_44 = arith.constant 0 : i32
    %dma_wait3A_45 = tpu.memref_slice %arg7[%dma_wait3A_32, %dma_wait3A_43, %dma_wait3A_44] : memref<2x64x256xf32, #tpu.memory_space<vmem>> -> memref<1x64x256xf32, #tpu.memory_space<vmem>>
    %dma_wait3A_46 = tpu.memref_squeeze %dma_wait3A_45 : memref<1x64x256xf32, #tpu.memory_space<vmem>> -> memref<64x256xf32, #tpu.memory_space<vmem>>
    tpu.wait_dma2 semaphore(%arg11 : memref<!tpu.dma_semaphore, #tpu.memory_space<semaphore_mem>>) src(%dma_wait3A_46 : memref<64x256xf32, #tpu.memory_space<vmem>>) dst(%dma_wait3A_42 : memref<64x256xf32, #tpu.memory_space<hbm>>)
    return
  }
}

module attributes {stable_mosaic.version = 14 : i64} {
  func.func @_combine_tables_body(%arg0: memref<21x64xf32, #tpu.memory_space<vmem>>, %arg1: memref<64x2048xf32, #tpu.memory_space<vmem>>) attributes {dimension_semantics = [], scalar_prefetch = 0 : i64, scratch_operands = 0 : i64, tpu.core_type = #tpu.core_type<tc>} {
    %iota3A = tpu.iota {dimensions = array<i32: 0>} : vector<21x2048xi32>
    %iota3A_0 = tpu.iota {dimensions = array<i32: 1>} : vector<21x2048xi32>
    %shift_right_arithmetic3A = arith.constant 10 : i32
    %shift_right_arithmetic3A_1 = vector.broadcast %shift_right_arithmetic3A : i32 to vector<21x2048xi32>
    %shift_right_arithmetic3A_2 = arith.shrsi %iota3A_0, %shift_right_arithmetic3A_1 : vector<21x2048xi32>
    %and3A = arith.constant 1023 : i32
    %and3A_3 = vector.broadcast %and3A : i32 to vector<21x2048xi32>
    %and3A_4 = arith.andi %iota3A_0, %and3A_3 : vector<21x2048xi32>
    %mul3A = arith.constant 10 : i32
    %mul3A_5 = vector.broadcast %mul3A : i32 to vector<21x2048xi32>
    %mul3A_6 = arith.muli %shift_right_arithmetic3A_2, %mul3A_5 : vector<21x2048xi32>
    %sub3A = arith.subi %iota3A, %mul3A_6 : vector<21x2048xi32>
    %ge3A = arith.constant 0 : i32
    %ge3A_7 = vector.broadcast %ge3A : i32 to vector<21x2048xi32>
    %ge3A_8 = arith.cmpi sge, %sub3A, %ge3A_7 : vector<21x2048xi32>
    %lt3A = arith.constant 10 : i32
    %lt3A_9 = vector.broadcast %lt3A : i32 to vector<21x2048xi32>
    %lt3A_10 = arith.cmpi slt, %sub3A, %lt3A_9 : vector<21x2048xi32>
    %and3A_11 = arith.andi %ge3A_8, %lt3A_10 : vector<21x2048xi1>
    %max3A = arith.constant 0 : i32
    %max3A_12 = vector.broadcast %max3A : i32 to vector<21x2048xi32>
    %max3A_13 = arith.maxsi %sub3A, %max3A_12 : vector<21x2048xi32>
    %shift_right_arithmetic3A_14 = arith.shrsi %and3A_4, %max3A_13 : vector<21x2048xi32>
    %and3A_15 = arith.constant 1 : i32
    %and3A_16 = vector.broadcast %and3A_15 : i32 to vector<21x2048xi32>
    %and3A_17 = arith.andi %shift_right_arithmetic3A_14, %and3A_16 : vector<21x2048xi32>
    %jit3A = arith.constant 0 : i32
    %broadcast_in_dim3A = vector.broadcast %jit3A : i32 to vector<21x2048xi32>
    %select_n3A = arith.select %and3A_11, %and3A_17, %broadcast_in_dim3A : vector<21x2048xi1>, vector<21x2048xi32>
    %get3A = arith.constant 0 : index
    %get3A_18 = arith.constant 0 : index
    %get3A_19 = vector.load %arg0[%get3A, %get3A_18] : memref<21x64xf32, #tpu.memory_space<vmem>>, vector<21x64xf32>
    %convert_element_type3A = arith.sitofp %select_n3A : vector<21x2048xi32> to vector<21x2048xf32>
    %dot_general3A = arith.constant dense<0.000000e+00> : vector<64x2048xf32>
    %dot_general3A_20 = tpu.matmul %get3A_19, %convert_element_type3A, %dot_general3A {dimension_numbers = #tpu.dot_dimension_numbers<[0], [0], [1], [1], [0, 1, 1, 1], [], []>, transpose_lhs_hint = false} : vector<21x64xf32>, vector<21x2048xf32>, vector<64x2048xf32> -> vector<64x2048xf32>
    %swap3A = arith.constant 0 : index
    %swap3A_21 = arith.constant 0 : index
    %swap3A_22 = vector.load %arg1[%swap3A, %swap3A_21] : memref<64x2048xf32, #tpu.memory_space<vmem>>, vector<64x2048xf32>
    tpu.vector_store %arg1[%swap3A, %swap3A_21], %dot_general3A_20 {strides = array<i32>} : memref<64x2048xf32, #tpu.memory_space<vmem>>, vector<64x2048xf32>,
    return
  }
}

</mosaic_0001>

<sc_bundles>
// kernel: kernel.4.cloned.1.call-start
scs
__scs_entry_jumppad:
0x0: {  	(pc) =	sbr.rel $0x88, $3  }
0x1: {  	(tag) =	ssettag $0x0;
	lr =	simm.s32 $0x1  }
0x2: {  	[smem:$0x3F9F] =	sst lr;
	_ =	strace $0xD0000000  }
0x3: {  	_ = 	snop  }
0x4: {  	_ = 	snop  }
0x5: {  	_ = 	snop  }
0x6: {  	_ = 	snop  }
0x7: {  	_ = 	snop  }
__scs_overlays_trampoline_lowered:
0x8: {  	[smem:$0x3FAE] =	sst s0  }
0x9: {  	[smem:$0x3FAF] =	sst s1  }
0xa: {  	[smem:$0x3FB0] =	sst s2  }
0xb: {  	[smem:$0x3FB1] =	sst s3  }
0xc: {  	[smem:$0x3FB2] =	sst s4  }
0xd: {  	[smem:$0x3FB3] =	sst s5  }
0xe: {  	[smem:$0x3FB4] =	sst s6  }
0xf: {  	[smem:$0x3FB5] =	sst s7  }
0x10: {  	[smem:$0x3FB6] =	sst s8  }
0x11: {  	[smem:$0x3FB7] =	sst s9;
	s0 =	simm.s32 @!p0 $0x0  }
0x12: {  	s1 =	sld [smem:$0x3F9D];
	s0 =	simm.s32 @p0 $0x1  }
0x13: {  	[smem:$0x3FB8] =	sst s0;
	s0 =	simm.s32 @!p1 $0x0  }
0x14: {  	s2 =	sld [smem:$0x3F9C];
	s0 =	simm.s32 @p1 $0x1  }
0x15: {  	[smem:$0x3FB9] =	sst s0;
	s0 =	simm.s32 @!p2 $0x0  }
0x16: {  	s3 =	sld [smem:$0x3FDB];
	s0 =	simm.s32 @p2 $0x1  }
0x17: {  	s4 =	simm.s32 $0x1BF5;
	[smem:$0x3FBB] =	sst s0  }
0x18: {  	s0 =	sld [smem:$0x3F9E];
	_ =	swait.ge [sflag:s4], $0x0  }
0x19: {  	s7 =	sld [smem:$0x3F9F]  }
0x1a: {  	s8 =	sadd.s32 $0xFFFFE003, lr  }
0x1b: {  	s9 =	sadd.s32 $0xFFFFFEF7, lr;
	s5 =	simm.s32 $0xFFFFFFFF;
	p2 =	slt.u32 s8, $0xFFFFF086  }
0x1c: {  	p1 =	slt.u32 s9, $0xF7A;
	s5 =	simm.s32 @!p2 $0x0  }
0x1d: {  	s5 =	simm.s32 @p1 $0x1;
	p0 =	seq.s32 s7, s2  }
0x1e: {  	s7 =	smul.u32 @!p0 $0xF7A, s2;
	p2 =	seq.s32 @!p0 s5, $0x0  }
0x1f: {  	s9 =	smul.u32 $0xF7A, s1;
	s8 =	simm.s32 @!p0 $0x1BF5;
	p2 =	por !p2, p0  }
0x20: {  	[sflag:s8] =	ssyncset.s32 @!p0 $0xFFFFF086;
	s6 =	sadd.s32 @!p0 s3, s7;
	s7 =	simm.s32 @!p0 $0x108  }
0x21: {  	s3 =	sadd.s32 s3, s9;
	s6 =	sadd.s32 @!p0 $0x88, s6;
	s7 =	simm.s32 @p2 $0x1082  }
0x22: {  	[simem:s7], [sflag:s8] =	dma.local @!p0 [hbm:s6], $0xF7A  }
0x23: {  	s9 =	sor.u32 $0xD0000000, s2;
	s6 =	simm.s32 $0x108;
	_ =	swait.ge @!p0 [sflag:s8], $0x0  }
0x24: {  	s3 =	sadd.s32 $0x88, s3;
	s6 =	simm.s32 @!p1 $0x1082;
	[sflag:s4] =	ssyncset.s32 $0xFFFFF086  }
0x25: {  	[simem:s6], [sflag:s4] =	dma.local [hbm:s3], $0xF7A  }
0x26: {  	[smem:$0x3F9F] =	sst s1;
	(tag) =	ssettag s2;
	_ =	strace s9  }
0x27: {  	s1 =	sld [smem:$0x3FAF]  }
0x28: {  	s2 =	sld [smem:$0x3FB0]  }
0x29: {  	s4 =	sld [smem:$0x3FB2]  }
0x2a: {  	p0 =	seq.s32 s5, $0x0;
	s5 =	sld [smem:$0x3FB3]  }
0x2b: {  	s6 =	sld [smem:$0x3FB4]  }
0x2c: {  	s7 =	sld [smem:$0x3FB5]  }
0x2d: {  	s3 =	simm.s32 $0x108;
	s8 =	sld [smem:$0x3FB6]  }
0x2e: {  	s3 =	simm.s32 @!p0 $0x1082;
	s9 =	sld [smem:$0x3FB7]  }
0x2f: {  	lr =	sadd.s32 s0, s3;
	s0 =	sld [smem:$0x3FAE]  }
0x30: {  	s3 =	sld [smem:$0x3FB1]  }
0x31: {  	[smem:$0x3FBA] =	sst s10  }
0x32: {  	s10 =	sld [smem:$0x3FB8];
	_ =	sdelay $0x3  }
0x33: {  	p0 =	seq.s32 s10, $0x1;
	s10 =	sld [smem:$0x3FBA];
	_ =	sdelay $0x3  }
0x34: {  	[smem:$0x3FBA] =	sst s10  }
0x35: {  	s10 =	sld [smem:$0x3FB9];
	_ =	sdelay $0x3  }
0x36: {  	p1 =	seq.s32 s10, $0x1;
	s10 =	sld [smem:$0x3FBA];
	_ =	sdelay $0x3  }
0x37: {  	[smem:$0x3FBA] =	sst s10  }
0x38: {  	s10 =	sld [smem:$0x3FBB]  }
0x39: {  	_ = 	snop;
	(pc) =	sbr.ind lr, $3  }
0x3a: {  	_ = 	snop  }
0x3b: {  	_ = 	snop  }
0x3c: {  	p2 =	seq.s32 s10, $0x1;
	s10 =	sld [smem:$0x3FBA]  }
0x3d: {  	_ =	shalt  }
0x3e: {  	_ =	shalt  }
0x3f: {  	_ =	shalt  }
0x40: {  	_ =	shalt  }
0x41: {  	_ =	shalt  }
0x42: {  	_ =	shalt  }
0x43: {  	_ =	shalt  }
0x44: {  	_ =	shalt  }
0x45: {  	_ =	shalt  }
0x46: {  	_ =	shalt  }
0x47: {  	_ =	shalt  }
0x48: {  	_ =	shalt  }
0x49: {  	_ =	shalt  }
0x4a: {  	_ =	shalt  }
0x4b: {  	_ =	shalt  }
0x4c: {  	_ =	shalt  }
0x4d: {  	_ =	shalt  }
0x4e: {  	_ =	shalt  }
0x4f: {  	_ =	shalt  }
0x50: {  	_ =	shalt  }
0x51: {  	_ =	shalt  }
0x52: {  	_ =	shalt  }
0x53: {  	_ =	shalt  }
0x54: {  	_ =	shalt  }
0x55: {  	_ =	shalt  }
0x56: {  	_ =	shalt  }
0x57: {  	_ =	shalt  }
0x58: {  	_ =	shalt  }
0x59: {  	_ =	shalt  }
0x5a: {  	_ =	shalt  }
0x5b: {  	_ =	shalt  }
0x5c: {  	_ =	shalt  }
0x5d: {  	_ =	shalt  }
0x5e: {  	_ =	shalt  }
0x5f: {  	_ =	shalt  }
0x60: {  	_ =	shalt  }
0x61: {  	_ =	shalt  }
0x62: {  	_ =	shalt  }
0x63: {  	_ =	shalt  }
0x64: {  	_ =	shalt  }
0x65: {  	_ =	shalt  }
0x66: {  	_ =	shalt  }
0x67: {  	_ =	shalt  }
0x68: {  	_ =	shalt  }
0x69: {  	_ =	shalt  }
0x6a: {  	_ =	shalt  }
0x6b: {  	_ =	shalt  }
0x6c: {  	_ =	shalt  }
0x6d: {  	_ =	shalt  }
0x6e: {  	_ =	shalt  }
0x6f: {  	_ =	shalt  }
0x70: {  	_ =	shalt  }
0x71: {  	_ =	shalt  }
0x72: {  	_ =	shalt  }
0x73: {  	_ =	shalt  }
0x74: {  	_ =	shalt  }
0x75: {  	_ =	shalt  }
0x76: {  	_ =	shalt  }
0x77: {  	_ =	shalt  }
0x78: {  	_ =	shalt  }
0x79: {  	_ =	shalt  }
0x7a: {  	_ =	shalt  }
0x7b: {  	_ =	shalt  }
0x7c: {  	_ =	shalt  }
0x7d: {  	_ =	shalt  }
0x7e: {  	_ =	shalt  }
0x7f: {  	_ =	shalt  }
0x80: {  	_ =	shalt  }
0x81: {  	_ =	shalt  }
0x82: {  	_ =	shalt  }
0x83: {  	_ =	shalt  }
0x84: {  	_ =	shalt  }
0x85: {  	_ =	shalt  }
0x86: {  	_ =	shalt  }
0x87: {  	_ =	shalt  }
.Lfunc_end0:
.L_simem_size_0:
called_computation_lowered:
.L_overlay_start_0:
0x88: {  	s2 =	sld [smem:$0x3FD9]  }
0x89: {  	s3 =	sld [smem:$0x3FFE];
	_ =	sdelay $0x1  }
0x8a: {  	s1 =	srdreg.scid  }
0x8b: {  	s0 =	sand.u32 $0x1, s1  }
0x8c: {  	s17 =	sshll.u32 s0, $0xA;
	s2 =	sadd.s32 s3, s2  }
0x8d: {  	s2 =	sadd.s32 s2, s17  }
0x8e: {  	[smem:$0x3FC6] =	sst s2  }
0x8f: {  	_ = 	snop  }
0x90: {  	s2 =	sld [smem:$0x3FD0];
	(tm) =	ssettm $0x1  }
0x91: {  	s18 =	sld [smem:$0x3FFB];
	_ =	sdelay $0x3  }
0x92: {  	_ =	strace s18  }
0x93: {  	s3 =	sld [smem:$0x3FFC];
	_ =	sdelay $0x3  }
0x94: {  	_ =	strace s3  }
0x95: {  	s3 =	sld [smem:$0x3FFD];
	_ =	sdelay $0x3  }
0x96: {  	_ =	strace s3  }
0x97: {  	_ =	strace $0x8FFFFFFF  }
0x98: {  	s19 =	sld [smem:$0x3FDB];
	_ =	sdelay $0x1  }
0x99: {  	s4 =	simm.s32 $_scs_section_size  }
0x9a: {  	s5 =	simm.s32 $_size__tile_overlayer_lowered;
	s6 =	simm.s32 $_tile_overlayer_lowered  }
0x9b: {  	s22 =	simm.s32 $0x1BFF;
	s21 =	sshll.u32 s6, $0x1;
	s3 =	sadd.s32 s4, s19  }
0x9c: {  	s7 =	simm.s32 $0x0;
	s20 =	sshll.u32 s5, $0x1;
	s5 =	sadd.s32 s21, s3  }
0x9d: {  	[timem:s7], [sflag:s22] =	dma.local [hbm:s5], s20  }
0x9e: {  	_ =	swait.ge [sflag:s22], s20  }
0x9f: {  	s4 =	ssub.s32 $0x0, s20;
	[sflag:s22] =	ssyncset.done $0x0  }
0xa0: {  	[sflag:s22] =	ssyncadd.s32 s4;
	_ =	sdelay $0x1  }
0xa1: {  	s23 =	simm.s32 $0x1B8B  }
0xa2: {  	_ =	swait.ge [sflag:s23], $0x1  }
0xa3: {  	[sflag:s23] =	ssyncset.done $0x0  }
0xa4: {  	s25 =	simm.s32 $0x1B8E;
	s24 =	sld [smem:$0x3FFE];
	[sflag:s23] =	ssyncadd.s32 $0xFFFFFFFF  }
0xa5: {  	s26 =	simm.s32 $execute0_lowered;
	[smem:$0x3FD2] =	sst s25  }
0xa6: {  	s5 =	sshll.u32 s26, $0x1;
	_ =	strace $0x80000046;
	[dreg:$0x1] =	wrdreg $0xFFFFFFFF  }
0xa7: {  	s28 =	simm.s32 $_size_execute0_lowered;
	s3 =	sadd.s32 s3, s5;
	[dreg:$0x0] =	wrdreg $0x0  }
0xa8: {  	s5 =	sshll.u32 s28, $0x1;
	[dreg:$0x2] =	wrdreg s3  }
0xa9: {  	[dreg:$0x3] =	wrdreg s5  }
0xaa: {  	[dreg:$0x4] =	wrdreg $0xC0  }
0xab: {  	_ =	task [dreg:s7], $0x5FFFF  }
0xac: {  	[dreg:$0x1] =	wrdreg $0xFFFFFFFF  }
0xad: {  	[dreg:$0x0] =	wrdreg $0x60  }
0xae: {  	[dreg:$0x2] =	wrdreg s24  }
0xaf: {  	[dreg:$0x3] =	wrdreg s2  }
0xb0: {  	[dreg:$0x4] =	wrdreg $0x9  }
0xb1: {  	_ =	task.clear_ibuf [dreg:s7], $0x5FFFF;
	_ =	strace $0x90000046  }
0xb2: {  	s29 =	simm.s32 $0x9;
	_ =	strace $0x80000048  }
0xb3: {  	_ =	swait.ge [sflag:s29], $0x1  }
0xb4: {  	[sflag:s29] =	ssyncadd.s32 $0xFFFFFFFF  }
0xb5: {  	_ =	strace $0x90000048  }
0xb6: {  	_ =	sfence  }
0xb7: {  	s30 =	sld [smem:$0x0];
	_ =	sdelay $0x2  }
0xb8: {  	s31 =	sshll.u32 s1, $0xD;
	s1 =	sshrl.u32 s1, $0x2  }
0xb9: {  	s3 =	sand.u32 $0x4000, s31;
	s1 =	sadd.s32 s1, s30  }
0xba: {  	s0 =	sor.u32 s3, s0;
	s1 =	sshll.u32 s1, $0x11  }
0xbb: {  	s0 =	sor.u32 s1, s0  }
0xbc: {  	s0 =	sadd.s32 $0x8F2B, s0  }
0xbd: {  	[sflag:s0] =	ssyncadd.remote.s32 $0x1  }
0xbe: {  	_ =	sfence.sel $0xFFFF  }
0xbf: {  	[dreg:$0x0] =	wrdreg $0xFFFFFFFF;
	(pc) =	sbr.abs _section_cstart, $3  }
0xc0: {  	[dreg:$0x1] =	wrdreg $0xFFFFFFFF  }
0xc1: {  	_ =	task.clear_ibuf [dreg:s7], $0x2FFFF;
	_ =	strace $0x9FFFFFFF  }
0xc2: {  	(tm) =	ssettm $0x7FFFFFFF  }
0xc3: {  	_ =	shalt  }
tec
execute0_lowered:
.L_overlay_start_1:
0x0: {  	(tag) =	ssettag $0x1  }
0x1: {  	s0 =	rddreg [dreg:$0x0]  }
0x2: {  	s1 =	srdreg.scid;
	s3 =	stileid.u32  }
0x3: {  	s2 =	rddreg [dreg:$0x1];
	s15 =	simm.s32 $0x1;
	s18 =	simm.s32 $0x800  }
0x4: {  	s19 =	simm.s32 $0x640000;
	s21 =	simm.s32 $0x2;
	s22 =	simm.s32 $0x14200  }
0x5: {  	s1 =	sand.u32 $0x1, s1;
	s4 =	sshll.u32 s3, $0x1;
	s3 =	simm.s32 $0x0  }
0x6: {  	s5 =	sadd.s32 $0x2400, s0;
	s6 =	sor.u32 s1, s4;
	s1 =	ssub.s32 $0x2, s1  }
0x7: {  	[smem:$0x7FF] =	sst s3;
	s4 =	smul.u32 $0x6400, s6;
	s7 =	sshrl.u32 s1, $0x1  }
0x8: {  	s0 =	sadd.s32 $0x400, s0;
	_ =	strace $0x80000047;
	s29 =	ssub.s32 s1, s7  }
0x9: {  	[dreg:$0x3] =	wrdreg s0;
	s8 =	sshrl.u32 s4, $0x3;
	s0 =	smax.u32 s29, $0x1  }
0xa: {  	s24 =	simm.s32 $0x4;
	s30 =	sadd.s32 s5, s8;
	[dreg:$0x5] =	wrdreg s0  }
0xb: {  	s1 =	simm.s32 $0x0;
	[dreg:$0x4] =	wrdreg s30;
	s31 =	sadd.s32 $0x10, s30  }
0xc: {  	s9 =	sor.u32 $0x200, s4;
	s8 =	smul.u32 $0x32000, s6;
	[dreg:$0x6] =	wrdreg s31  }
.LBB2_1:
0xd: {  	[dreg:$0x7] =	wrdreg s1  }
0xe: {  	s0 =	rddreg [dreg:$0x3];
	s26 =	simm.s32 $0x5  }
0xf: {  	[tilespmem:s3], [sflag:$0x5] =	stream.linear.gather [hbm4b:s0+s3], $0x10000, $0x38;
	[tilespmem:$0x18200] =	vst v63  }
0x10: {  	_ =	swait.ge [sflag:s26], $0x10000  }
0x11: {  	[sflag:s26] =	ssyncset.done $0x0  }
0x12: {  	s29 =	simm.s32 $0x10000;
	s28 =	rddreg [dreg:$0x4];
	[sflag:s26] =	ssyncadd.s32 $0xFFFF0000  }
0x13: {  	[tilespmem:s29], [sflag:$0x1] =	stream.linear.gather [hbm4b:s28+s3], $0x80, $0x38;
	[tilespmem:$0x18200] =	vst v63  }
0x14: {  	s31 =	simm.s32 $0x10100;
	s30 =	rddreg [dreg:$0x6];
	s26 =	simm.s32 $0x0  }
0x15: {  	[tilespmem:s31], [sflag:$0x1] =	stream.linear.gather [hbm4b:s30+s3], $0x80, $0x38;
	[tilespmem:$0x18200] =	vst v63  }
.LBB2_2:
0x16: {  	s28 =	sshllo.u32 s26, $0x1  }
0x17: {  	s0 =	sshll.u32 s28, $0x8  }
0x18: {  	_ =	swait.ge [sflag:s15], $0x100;
	s0 =	sadd.s32 s4, s0  }
0x19: {  	[sflag:s15] =	ssyncset.done $0x0;
	s0 =	sshrl.u32 s0, $0x3  }
0x1a: {  	s1 =	simm.s32 $0x10080;
	[sflag:s15] =	ssyncadd.s32 $0xFFFFFF00;
	s0 =	sadd.s32 s5, s0  }
0x1b: {  	[tilespmem:s1], [sflag:$0x2] =	stream.linear.gather [hbm4b:s0+s3], $0x80, $0x38;
	[tilespmem:$0x18200] =	vst v63  }
0x1c: {  	s31 =	simm.s32 $0x10180;
	p0 =	seq.s32 s26, $0x0;
	s0 =	sadd.s32 $0x10, s0  }
0x1d: {  	[tilespmem:s31], [sflag:$0x2] =	stream.linear.gather [hbm4b:s0+s3], $0x80, $0x38;
	[tilespmem:$0x18200] =	vst v63  }
0x1e: {  	s0 =	simm.s32 @!p0 $0x3  }
0x1f: {  	_ =	swait.ge @!p0 [sflag:s0], $0x4000  }
0x20: {  	s29 =	simm.s32 $0x0;
	[sflag:s0] =	ssyncset.done @!p0 $0x0  }
0x21: {  	s1 =	simm.s32 $0x0;
	[sflag:s0] =	ssyncadd.s32 @!p0 $0xFFFFC000;
	s0 =	simm.s32 $0xFFFFFFFC  }
.LBB2_3:
0x22: {  	s31 =	sand.u32 $0x400, s1  }
0x23: {  	s6 =	sshrl.u32 s31, $0x2  }
0x24: {  	s30 =	sand.u32 $0x40, s29;
	s7 =	sor.u32 $0x10000, s6  }
0x25: {  	s6 =	sor.u32 s30, s7  }
0x26: {  	v1 =	vld [tilespmem:s6+$0x0];
	_ =	sdelay $0x4  }
0x27: {  	v0 =	vshra.s32 v1, $0xA;
	v1 =	vand.u32 $0x3FF, v1  }
0x28: {  	v2 =	vadd.s32 $0x400, v0;
	_ =	sdelay $0x3  }
0x29: {  	v3 =	vld.idx.msk [tilespmem:v1+s3+$0x0], $0xffff  }
0x2a: {  	v2 =	vld.idx.msk [tilespmem:v2+s3+$0x0], $0xffff;
	_ =	sdelay $0x4  }
0x2b: {  	v8 =	vor.u32 $0x800, v1;
	v2 =	vadd.bf16 v2, v3  }
0x2c: {  	s11 =	sor.u32 $0x10200, s31;
	v4 =	vadd.s32 $0xC00, v0  }
0x2d: {  	s17 =	sor.u32 s30, s11;
	v5 =	vshll.u32 v2, $0x10  }
0x2e: {  	v2 =	vand.u32 $0xFFFF0000, v2;
	[tilespmem:s17+$0x0] =	vst v5  }
0x2f: {  	[tilespmem:s17+$0x80] =	vst v2  }
0x30: {  	v2 =	vld.idx.msk [tilespmem:v8+s3+$0x0], $0xffff  }
0x31: {  	v9 =	vld.idx.msk [tilespmem:v4+s3+$0x0], $0xffff;
	_ =	sdelay $0x4  }
0x32: {  	v10 =	vor.u32 $0x1000, v1;
	v2 =	vadd.bf16 v9, v2  }
0x33: {  	v11 =	vadd.s32 $0x1400, v0  }
0x34: {  	v12 =	vshll.u32 v2, $0x10  }
0x35: {  	v2 =	vand.u32 $0xFFFF0000, v2;
	[tilespmem:s17+$0x100] =	vst v12  }
0x36: {  	[tilespmem:s17+$0x180] =	vst v2  }
0x37: {  	v2 =	vld.idx.msk [tilespmem:v10+s3+$0x0], $0xffff  }
0x38: {  	v13 =	vld.idx.msk [tilespmem:v11+s3+$0x0], $0xffff;
	_ =	sdelay $0x4  }
0x39: {  	v14 =	vor.u32 $0x1800, v1;
	v2 =	vadd.bf16 v13, v2  }
0x3a: {  	v15 =	vadd.s32 $0x1C00, v0  }
0x3b: {  	v16 =	vshll.u32 v2, $0x10  }
0x3c: {  	v2 =	vand.u32 $0xFFFF0000, v2;
	[tilespmem:s17+$0x200] =	vst v16  }
0x3d: {  	[tilespmem:s17+$0x280] =	vst v2  }
0x3e: {  	v2 =	vld.idx.msk [tilespmem:v14+s3+$0x0], $0xffff  }
0x3f: {  	v17 =	vld.idx.msk [tilespmem:v15+s3+$0x0], $0xffff;
	_ =	sdelay $0x4  }
0x40: {  	v2 =	vadd.bf16 v17, v2;
	_ =	sdelay $0x1  }
0x41: {  	v3 =	vshll.u32 v2, $0x10  }
0x42: {  	s14 =	sor.u32 $0x10, s30;
	v2 =	vand.u32 $0xFFFF0000, v2;
	[tilespmem:s17+$0x300] =	vst v3  }
0x43: {  	s20 =	sor.u32 s14, s7;
	[tilespmem:s17+$0x380] =	vst v2  }
0x44: {  	s12 =	sor.u32 $0x20, s30;
	v2 =	vld [tilespmem:s20+$0x0]  }
0x45: {  	s23 =	sor.u32 s12, s7  }
0x46: {  	s6 =	sor.u32 $0x30, s30;
	v18 =	vld [tilespmem:s23+$0x0]  }
0x47: {  	s7 =	sor.u32 s6, s7  }
0x48: {  	v8 =	vld [tilespmem:s7+$0x0]  }
0x49: {  	v6 =	vshra.s32 v2, $0xA;
	v7 =	vand.u32 $0x3FF, v2  }
0x4a: {  	v9 =	vadd.s32 $0x400, v6  }
0x4b: {  	v4 =	vshra.s32 v18, $0xA;
	v5 =	vand.u32 $0x3FF, v18  }
0x4c: {  	v10 =	vadd.s32 $0x400, v4  }
0x4d: {  	v2 =	vshra.s32 v8, $0xA;
	v3 =	vand.u32 $0x3FF, v8  }
0x4e: {  	v11 =	vadd.s32 $0x400, v2;
	v19 =	vld.idx.msk [tilespmem:v7+s3+$0x0], $0xffff  }
0x4f: {  	v9 =	vld.idx.msk [tilespmem:v9+s3+$0x0], $0xffff  }
0x50: {  	v12 =	vld.idx.msk [tilespmem:v5+s3+$0x0], $0xffff  }
0x51: {  	v10 =	vld.idx.msk [tilespmem:v10+s3+$0x0], $0xffff  }
0x52: {  	v13 =	vld.idx.msk [tilespmem:v3+s3+$0x0], $0xffff  }
0x53: {  	v11 =	vld.idx.msk [tilespmem:v11+s3+$0x0], $0xffff  }
0x54: {  	v20 =	vor.u32 $0x800, v7;
	v8 =	vadd.bf16 v9, v19  }
0x55: {  	v14 =	vadd.s32 $0xC00, v6  }
0x56: {  	s10 =	sor.u32 s14, s11;
	v21 =	vor.u32 $0x800, v5;
	v10 =	vadd.bf16 v10, v12;
	v15 =	vshll.u32 v8, $0x10  }
0x57: {  	v22 =	vadd.s32 $0xC00, v4;
	v8 =	vand.u32 $0xFFFF0000, v8;
	[tilespmem:s10+$0x0] =	vst v15  }
0x58: {  	s25 =	sor.u32 s12, s11;
	v24 =	vor.u32 $0x800, v3;
	v11 =	vadd.bf16 v11, v13;
	v23 =	vshll.u32 v10, $0x10;
	[tilespmem:s10+$0x80] =	vst v8  }
0x59: {  	v25 =	vadd.s32 $0xC00, v2;
	v10 =	vand.u32 $0xFFFF0000, v10;
	[tilespmem:s25+$0x0] =	vst v23;
	v9 =	vld.idx.msk [tilespmem:v20+s3+$0x0], $0xffff  }
0x5a: {  	s11 =	sor.u32 s6, s11;
	v26 =	vshll.u32 v11, $0x10;
	[tilespmem:s25+$0x80] =	vst v10;
	v14 =	vld.idx.msk [tilespmem:v14+s3+$0x0], $0xffff  }
0x5b: {  	v11 =	vand.u32 $0xFFFF0000, v11;
	[tilespmem:s11+$0x0] =	vst v26;
	v12 =	vld.idx.msk [tilespmem:v21+s3+$0x0], $0xffff  }
0x5c: {  	[tilespmem:s11+$0x80] =	vst v11;
	v27 =	vld.idx.msk [tilespmem:v22+s3+$0x0], $0xffff  }
0x5d: {  	v11 =	vld.idx.msk [tilespmem:v24+s3+$0x0], $0xffff  }
0x5e: {  	v8 =	vld.idx.msk [tilespmem:v25+s3+$0x0], $0xffff  }
0x5f: {  	v28 =	vor.u32 $0x1000, v7;
	v9 =	vadd.bf16 v14, v9  }
0x60: {  	v29 =	vadd.s32 $0x1400, v6  }
0x61: {  	v31 =	vor.u32 $0x1000, v5;
	v10 =	vadd.bf16 v27, v12;
	v30 =	vshll.u32 v9, $0x10  }
0x62: {  	v32 =	vadd.s32 $0x1400, v4;
	v9 =	vand.u32 $0xFFFF0000, v9;
	[tilespmem:s10+$0x100] =	vst v30  }
0x63: {  	v34 =	vor.u32 $0x1000, v3;
	v8 =	vadd.bf16 v8, v11;
	v33 =	vshll.u32 v10, $0x10;
	[tilespmem:s10+$0x180] =	vst v9  }
0x64: {  	v35 =	vadd.s32 $0x1400, v2;
	v10 =	vand.u32 $0xFFFF0000, v10;
	[tilespmem:s25+$0x100] =	vst v33;
	v13 =	vld.idx.msk [tilespmem:v28+s3+$0x0], $0xffff  }
0x65: {  	v36 =	vshll.u32 v8, $0x10;
	[tilespmem:s25+$0x180] =	vst v10;
	v14 =	vld.idx.msk [tilespmem:v29+s3+$0x0], $0xffff  }
0x66: {  	v8 =	vand.u32 $0xFFFF0000, v8;
	[tilespmem:s11+$0x100] =	vst v36;
	v12 =	vld.idx.msk [tilespmem:v31+s3+$0x0], $0xffff  }
0x67: {  	[tilespmem:s11+$0x180] =	vst v8;
	v37 =	vld.idx.msk [tilespmem:v32+s3+$0x0], $0xffff  }
0x68: {  	v8 =	vld.idx.msk [tilespmem:v34+s3+$0x0], $0xffff  }
0x69: {  	v9 =	vld.idx.msk [tilespmem:v35+s3+$0x0], $0xffff  }
0x6a: {  	v39 =	vor.u32 $0x1800, v7;
	v38 =	vadd.bf16 v14, v13  }
0x6b: {  	v40 =	vadd.s32 $0x1C00, v6  }
0x6c: {  	v42 =	vor.u32 $0x1800, v5;
	v10 =	vadd.bf16 v37, v12;
	v41 =	vshll.u32 v38, $0x10  }
0x6d: {  	v43 =	vadd.s32 $0x1C00, v4;
	v11 =	vand.u32 $0xFFFF0000, v38;
	[tilespmem:s10+$0x200] =	vst v41  }
0x6e: {  	v45 =	vor.u32 $0x1800, v3;
	v8 =	vadd.bf16 v9, v8;
	v44 =	vshll.u32 v10, $0x10;
	[tilespmem:s10+$0x280] =	vst v11  }
0x6f: {  	v46 =	vadd.s32 $0x1C00, v2;
	v10 =	vand.u32 $0xFFFF0000, v10;
	[tilespmem:s25+$0x200] =	vst v44;
	v13 =	vld.idx.msk [tilespmem:v39+s3+$0x0], $0xffff  }
0x70: {  	v47 =	vshll.u32 v8, $0x10;
	[tilespmem:s25+$0x280] =	vst v10;
	v14 =	vld.idx.msk [tilespmem:v40+s3+$0x0], $0xffff  }
0x71: {  	v8 =	vand.u32 $0xFFFF0000, v8;
	[tilespmem:s11+$0x200] =	vst v47;
	v12 =	vld.idx.msk [tilespmem:v42+s3+$0x0], $0xffff  }
0x72: {  	[tilespmem:s11+$0x280] =	vst v8;
	v48 =	vld.idx.msk [tilespmem:v43+s3+$0x0], $0xffff  }
0x73: {  	v50 =	vadd.s32 $0x2400, v0;
	v9 =	vld.idx.msk [tilespmem:v45+s3+$0x0], $0xffff  }
0x74: {  	v49 =	vor.u32 $0x2000, v1;
	v11 =	vld.idx.msk [tilespmem:v46+s3+$0x0], $0xffff  }
0x75: {  	v51 =	vor.u32 $0x2000, v7;
	v13 =	vadd.bf16 v14, v13  }
0x76: {  	v16 =	vadd.s32 $0x2400, v6  }
0x77: {  	v52 =	vor.u32 $0x2000, v5;
	v10 =	vadd.bf16 v48, v12;
	v17 =	vshll.u32 v13, $0x10  }
0x78: {  	v53 =	vadd.s32 $0x2400, v4;
	v15 =	vld.idx.msk [tilespmem:v50+s3+$0x0], $0xffff;
	v13 =	vand.u32 $0xFFFF0000, v13;
	[tilespmem:s10+$0x300] =	vst v17  }
0x79: {  	v55 =	vor.u32 $0x2000, v3;
	v8 =	vld.idx.msk [tilespmem:v49+s3+$0x0], $0xffff;
	v9 =	vadd.bf16 v11, v9;
	v54 =	vshll.u32 v10, $0x10;
	[tilespmem:s10+$0x380] =	vst v13  }
0x7a: {  	v56 =	vadd.s32 $0x2400, v2;
	v10 =	vand.u32 $0xFFFF0000, v10;
	[tilespmem:s25+$0x300] =	vst v54;
	v14 =	vld.idx.msk [tilespmem:v51+s3+$0x0], $0xffff  }
0x7b: {  	v57 =	vshll.u32 v9, $0x10;
	[tilespmem:s25+$0x380] =	vst v10;
	v16 =	vld.idx.msk [tilespmem:v16+s3+$0x0], $0xffff  }
0x7c: {  	v9 =	vand.u32 $0xFFFF0000, v9;
	[tilespmem:s11+$0x300] =	vst v57;
	v12 =	vld.idx.msk [tilespmem:v52+s3+$0x0], $0xffff  }
0x7d: {  	[tilespmem:s11+$0x380] =	vst v9;
	v58 =	vld.idx.msk [tilespmem:v53+s3+$0x0], $0xffff  }
0x7e: {  	v59 =	vor.u32 $0x2800, v1;
	v8 =	vadd.bf16 v15, v8;
	v11 =	vld.idx.msk [tilespmem:v55+s3+$0x0], $0xffff  }
0x7f: {  	v60 =	vadd.s32 $0x2C00, v0;
	s7 =	sor.u32 $0x10A00, s31;
	v13 =	vld.idx.msk [tilespmem:v56+s3+$0x0], $0xffff  }
0x80: {  	s13 =	sor.u32 $0x10A80, s31;
	v62 =	vor.u32 $0x2800, v7;
	v61 =	vshll.u32 v8, $0x10;
	s11 =	sor.u32 s30, s7;
	v14 =	vadd.bf16 v16, v14  }
0x81: {  	s16 =	sor.u32 s30, s13;
	v63 =	vadd.s32 $0x2C00, v6;
	v8 =	vand.u32 $0xFFFF0000, v8;
	[tilespmem:s11+$0x0] =	vst v61  }
0x82: {  	s17 =	sor.u32 s14, s7;
	v21 =	vor.u32 $0x2800, v5;
	[tilespmem:s16+$0x0] =	vst v8;
	v10 =	vadd.bf16 v58, v12;
	v20 =	vshll.u32 v14, $0x10  }
0x83: {  	s20 =	sor.u32 s14, s13;
	v22 =	vadd.s32 $0x2C00, v4;
	v9 =	vld.idx.msk [tilespmem:v59+s3+$0x0], $0xffff;
	v14 =	vand.u32 $0xFFFF0000, v14;
	[tilespmem:s17+$0x0] =	vst v20  }
0x84: {  	s23 =	sor.u32 s12, s7;
	v24 =	vor.u32 $0x2800, v3;
	v15 =	vld.idx.msk [tilespmem:v60+s3+$0x0], $0xffff;
	v11 =	vadd.bf16 v13, v11;
	v23 =	vshll.u32 v10, $0x10;
	[tilespmem:s20+$0x0] =	vst v14  }
0x85: {  	v25 =	vadd.s32 $0x2C00, v2;
	s25 =	sor.u32 s12, s13;
	v10 =	vand.u32 $0xFFFF0000, v10;
	[tilespmem:s23+$0x0] =	vst v23;
	v16 =	vld.idx.msk [tilespmem:v62+s3+$0x0], $0xffff  }
0x86: {  	s7 =	sor.u32 s6, s7;
	v26 =	vshll.u32 v11, $0x10;
	[tilespmem:s25+$0x0] =	vst v10;
	v17 =	vld.idx.msk [tilespmem:v63+s3+$0x0], $0xffff  }
0x87: {  	s10 =	sor.u32 s6, s13;
	v11 =	vand.u32 $0xFFFF0000, v11;
	[tilespmem:s7+$0x0] =	vst v26;
	v12 =	vld.idx.msk [tilespmem:v21+s3+$0x0], $0xffff  }
0x88: {  	[tilespmem:s10+$0x0] =	vst v11;
	v8 =	vld.idx.msk [tilespmem:v22+s3+$0x0], $0xffff  }
0x89: {  	v27 =	vor.u32 $0x3000, v1;
	v9 =	vadd.bf16 v15, v9;
	v11 =	vld.idx.msk [tilespmem:v24+s3+$0x0], $0xffff  }
0x8a: {  	v28 =	vadd.s32 $0x3400, v0;
	s7 =	sor.u32 $0x10B00, s31;
	v14 =	vld.idx.msk [tilespmem:v25+s3+$0x0], $0xffff  }
0x8b: {  	v29 =	vor.u32 $0x3000, v7;
	s13 =	sor.u32 $0x10B80, s31;
	v15 =	vshll.u32 v9, $0x10;
	s11 =	sor.u32 s30, s7;
	v16 =	vadd.bf16 v17, v16  }
0x8c: {  	v30 =	vadd.s32 $0x3400, v6;
	s16 =	sor.u32 s30, s13;
	v9 =	vand.u32 $0xFFFF0000, v9;
	[tilespmem:s11+$0x0] =	vst v15  }
0x8d: {  	v32 =	vor.u32 $0x3000, v5;
	s17 =	sor.u32 s14, s7;
	[tilespmem:s16+$0x0] =	vst v9;
	v8 =	vadd.bf16 v8, v12;
	v31 =	vshll.u32 v16, $0x10  }
0x8e: {  	v33 =	vadd.s32 $0x3400, v4;
	s20 =	sor.u32 s14, s13;
	v10 =	vld.idx.msk [tilespmem:v27+s3+$0x0], $0xffff;
	v16 =	vand.u32 $0xFFFF0000, v16;
	[tilespmem:s17+$0x0] =	vst v31  }
0x8f: {  	v35 =	vor.u32 $0x3000, v3;
	s23 =	sor.u32 s12, s7;
	v13 =	vld.idx.msk [tilespmem:v28+s3+$0x0], $0xffff;
	v11 =	vadd.bf16 v14, v11;
	v34 =	vshll.u32 v8, $0x10;
	[tilespmem:s20+$0x0] =	vst v16  }
0x90: {  	v36 =	vadd.s32 $0x3400, v2;
	s25 =	sor.u32 s12, s13;
	v8 =	vand.u32 $0xFFFF0000, v8;
	[tilespmem:s23+$0x0] =	vst v34;
	v17 =	vld.idx.msk [tilespmem:v29+s3+$0x0], $0xffff  }
0x91: {  	s7 =	sor.u32 s6, s7;
	v37 =	vshll.u32 v11, $0x10;
	[tilespmem:s25+$0x0] =	vst v8;
	v15 =	vld.idx.msk [tilespmem:v30+s3+$0x0], $0xffff  }
0x92: {  	s10 =	sor.u32 s6, s13;
	v11 =	vand.u32 $0xFFFF0000, v11;
	[tilespmem:s7+$0x0] =	vst v37;
	v12 =	vld.idx.msk [tilespmem:v32+s3+$0x0], $0xffff  }
0x93: {  	[tilespmem:s10+$0x0] =	vst v11;
	v38 =	vld.idx.msk [tilespmem:v33+s3+$0x0], $0xffff  }
0x94: {  	v40 =	vor.u32 $0x3800, v1;
	v39 =	vadd.bf16 v13, v10;
	v11 =	vld.idx.msk [tilespmem:v35+s3+$0x0], $0xffff  }
0x95: {  	v41 =	vadd.s32 $0x3C00, v0;
	s7 =	sadd.s32 $0x10C00, s31;
	v42 =	vld.idx.msk [tilespmem:v36+s3+$0x0], $0xffff  }
0x96: {  	v44 =	vor.u32 $0x3800, v7;
	s13 =	sadd.s32 $0x10C80, s31;
	v43 =	vshll.u32 v39, $0x10;
	s11 =	sor.u32 s30, s7;
	v15 =	vadd.bf16 v15, v17  }
0x97: {  	v45 =	vadd.s32 $0x3C00, v6;
	s16 =	sor.u32 s30, s13;
	v9 =	vand.u32 $0xFFFF0000, v39;
	[tilespmem:s11+$0x0] =	vst v43  }
0x98: {  	v47 =	vor.u32 $0x3800, v5;
	s17 =	sor.u32 s14, s7;
	[tilespmem:s16+$0x0] =	vst v9;
	v8 =	vadd.bf16 v38, v12;
	v46 =	vshll.u32 v15, $0x10  }
0x99: {  	v48 =	vadd.s32 $0x3C00, v4;
	s20 =	sor.u32 s14, s13;
	v10 =	vld.idx.msk [tilespmem:v40+s3+$0x0], $0xffff;
	v15 =	vand.u32 $0xFFFF0000, v15;
	[tilespmem:s17+$0x0] =	vst v46  }
0x9a: {  	v50 =	vor.u32 $0x3800, v3;
	s23 =	sor.u32 s12, s7;
	v13 =	vld.idx.msk [tilespmem:v41+s3+$0x0], $0xffff;
	v11 =	vadd.bf16 v42, v11;
	v49 =	vshll.u32 v8, $0x10;
	[tilespmem:s20+$0x0] =	vst v15  }
0x9b: {  	v51 =	vadd.s32 $0x3C00, v2;
	s25 =	sor.u32 s12, s13;
	v8 =	vand.u32 $0xFFFF0000, v8;
	[tilespmem:s23+$0x0] =	vst v49;
	v17 =	vld.idx.msk [tilespmem:v44+s3+$0x0], $0xffff  }
0x9c: {  	s7 =	sor.u32 s6, s7;
	v52 =	vshll.u32 v11, $0x10;
	[tilespmem:s25+$0x0] =	vst v8;
	v16 =	vld.idx.msk [tilespmem:v45+s3+$0x0], $0xffff  }
0x9d: {  	s10 =	sor.u32 s6, s13;
	v11 =	vand.u32 $0xFFFF0000, v11;
	[tilespmem:s7+$0x0] =	vst v52;
	v12 =	vld.idx.msk [tilespmem:v47+s3+$0x0], $0xffff  }
0x9e: {  	[tilespmem:s10+$0x0] =	vst v11;
	v53 =	vld.idx.msk [tilespmem:v48+s3+$0x0], $0xffff  }
0x9f: {  	v55 =	vor.u32 $0x4000, v1;
	v54 =	vadd.bf16 v13, v10;
	v11 =	vld.idx.msk [tilespmem:v50+s3+$0x0], $0xffff  }
0xa0: {  	v56 =	vadd.s32 $0x4400, v0;
	s7 =	sadd.s32 $0x10D00, s31;
	v57 =	vld.idx.msk [tilespmem:v51+s3+$0x0], $0xffff  }
0xa1: {  	v59 =	vor.u32 $0x4000, v7;
	s13 =	sadd.s32 $0x10D80, s31;
	v58 =	vshll.u32 v54, $0x10;
	s11 =	sor.u32 s30, s7;
	v16 =	vadd.bf16 v16, v17  }
0xa2: {  	v60 =	vadd.s32 $0x4400, v6;
	s16 =	sor.u32 s30, s13;
	v9 =	vand.u32 $0xFFFF0000, v54;
	[tilespmem:s11+$0x0] =	vst v58  }
0xa3: {  	v62 =	vor.u32 $0x4000, v5;
	s17 =	sor.u32 s14, s7;
	[tilespmem:s16+$0x0] =	vst v9;
	v8 =	vadd.bf16 v53, v12;
	v61 =	vshll.u32 v16, $0x10  }
0xa4: {  	v63 =	vadd.s32 $0x4400, v4;
	s20 =	sor.u32 s14, s13;
	v10 =	vld.idx.msk [tilespmem:v55+s3+$0x0], $0xffff;
	v16 =	vand.u32 $0xFFFF0000, v16;
	[tilespmem:s17+$0x0] =	vst v61  }
0xa5: {  	v21 =	vor.u32 $0x4000, v3;
	s23 =	sor.u32 s12, s7;
	v13 =	vld.idx.msk [tilespmem:v56+s3+$0x0], $0xffff;
	v11 =	vadd.bf16 v57, v11;
	v20 =	vshll.u32 v8, $0x10;
	[tilespmem:s20+$0x0] =	vst v16  }
0xa6: {  	v22 =	vadd.s32 $0x4400, v2;
	s25 =	sor.u32 s12, s13;
	v8 =	vand.u32 $0xFFFF0000, v8;
	[tilespmem:s23+$0x0] =	vst v20;
	v17 =	vld.idx.msk [tilespmem:v59+s3+$0x0], $0xffff  }
0xa7: {  	s7 =	sor.u32 s6, s7;
	v23 =	vshll.u32 v11, $0x10;
	[tilespmem:s25+$0x0] =	vst v8;
	v15 =	vld.idx.msk [tilespmem:v60+s3+$0x0], $0xffff  }
0xa8: {  	s10 =	sor.u32 s6, s13;
	v11 =	vand.u32 $0xFFFF0000, v11;
	[tilespmem:s7+$0x0] =	vst v23;
	v12 =	vld.idx.msk [tilespmem:v62+s3+$0x0], $0xffff  }
0xa9: {  	[tilespmem:s10+$0x0] =	vst v11;
	v24 =	vld.idx.msk [tilespmem:v63+s3+$0x0], $0xffff  }
0xaa: {  	v26 =	vor.u32 $0x4800, v1;
	v25 =	vadd.bf16 v13, v10;
	v11 =	vld.idx.msk [tilespmem:v21+s3+$0x0], $0xffff  }
0xab: {  	v27 =	vadd.s32 $0x4C00, v0;
	s7 =	sor.u32 $0x11200, s31;
	v28 =	vld.idx.msk [tilespmem:v22+s3+$0x0], $0xffff  }
0xac: {  	v30 =	vor.u32 $0x4800, v7;
	s13 =	sor.u32 $0x11280, s31;
	v29 =	vshll.u32 v25, $0x10;
	s11 =	sor.u32 s30, s7;
	v15 =	vadd.bf16 v15, v17  }
0xad: {  	v31 =	vadd.s32 $0x4C00, v6;
	s16 =	sor.u32 s30, s13;
	v9 =	vand.u32 $0xFFFF0000, v25;
	[tilespmem:s11+$0x0] =	vst v29  }
0xae: {  	v33 =	vor.u32 $0x4800, v5;
	s17 =	sor.u32 s14, s7;
	[tilespmem:s16+$0x0] =	vst v9;
	v8 =	vadd.bf16 v24, v12;
	v32 =	vshll.u32 v15, $0x10  }
0xaf: {  	v34 =	vadd.s32 $0x4C00, v4;
	s20 =	sor.u32 s14, s13;
	v10 =	vld.idx.msk [tilespmem:v26+s3+$0x0], $0xffff;
	v15 =	vand.u32 $0xFFFF0000, v15;
	[tilespmem:s17+$0x0] =	vst v32  }
0xb0: {  	v36 =	vor.u32 $0x4800, v3;
	s23 =	sor.u32 s12, s7;
	v13 =	vld.idx.msk [tilespmem:v27+s3+$0x0], $0xffff;
	v11 =	vadd.bf16 v28, v11;
	v35 =	vshll.u32 v8, $0x10;
	[tilespmem:s20+$0x0] =	vst v15  }
0xb1: {  	v37 =	vadd.s32 $0x4C00, v2;
	s25 =	sor.u32 s12, s13;
	v8 =	vand.u32 $0xFFFF0000, v8;
	[tilespmem:s23+$0x0] =	vst v35;
	v17 =	vld.idx.msk [tilespmem:v30+s3+$0x0], $0xffff  }
0xb2: {  	s7 =	sor.u32 s6, s7;
	v38 =	vshll.u32 v11, $0x10;
	[tilespmem:s25+$0x0] =	vst v8;
	v16 =	vld.idx.msk [tilespmem:v31+s3+$0x0], $0xffff  }
0xb3: {  	s10 =	sor.u32 s6, s13;
	v11 =	vand.u32 $0xFFFF0000, v11;
	[tilespmem:s7+$0x0] =	vst v38;
	v12 =	vld.idx.msk [tilespmem:v33+s3+$0x0], $0xffff  }
0xb4: {  	[tilespmem:s10+$0x0] =	vst v11;
	v39 =	vld.idx.msk [tilespmem:v34+s3+$0x0], $0xffff  }
0xb5: {  	v41 =	vor.u32 $0x5000, v1;
	v40 =	vadd.bf16 v13, v10;
	v11 =	vld.idx.msk [tilespmem:v36+s3+$0x0], $0xffff  }
0xb6: {  	v42 =	vadd.s32 $0x5400, v0;
	s7 =	sor.u32 $0x11300, s31;
	v43 =	vld.idx.msk [tilespmem:v37+s3+$0x0], $0xffff  }
0xb7: {  	v45 =	vor.u32 $0x5000, v7;
	s13 =	sor.u32 $0x11380, s31;
	v44 =	vshll.u32 v40, $0x10;
	s11 =	sor.u32 s30, s7;
	v16 =	vadd.bf16 v16, v17  }
0xb8: {  	v46 =	vadd.s32 $0x5400, v6;
	s16 =	sor.u32 s30, s13;
	v9 =	vand.u32 $0xFFFF0000, v40;
	[tilespmem:s11+$0x0] =	vst v44  }
0xb9: {  	v48 =	vor.u32 $0x5000, v5;
	s17 =	sor.u32 s14, s7;
	[tilespmem:s16+$0x0] =	vst v9;
	v8 =	vadd.bf16 v39, v12;
	v47 =	vshll.u32 v16, $0x10  }
0xba: {  	v49 =	vadd.s32 $0x5400, v4;
	s20 =	sor.u32 s14, s13;
	v10 =	vld.idx.msk [tilespmem:v41+s3+$0x0], $0xffff;
	v16 =	vand.u32 $0xFFFF0000, v16;
	[tilespmem:s17+$0x0] =	vst v47  }
0xbb: {  	v51 =	vor.u32 $0x5000, v3;
	s23 =	sor.u32 s12, s7;
	v13 =	vld.idx.msk [tilespmem:v42+s3+$0x0], $0xffff;
	v11 =	vadd.bf16 v43, v11;
	v50 =	vshll.u32 v8, $0x10;
	[tilespmem:s20+$0x0] =	vst v16  }
0xbc: {  	v52 =	vadd.s32 $0x5400, v2;
	s25 =	sor.u32 s12, s13;
	v8 =	vand.u32 $0xFFFF0000, v8;
	[tilespmem:s23+$0x0] =	vst v50;
	v17 =	vld.idx.msk [tilespmem:v45+s3+$0x0], $0xffff  }
0xbd: {  	s7 =	sor.u32 s6, s7;
	v53 =	vshll.u32 v11, $0x10;
	[tilespmem:s25+$0x0] =	vst v8;
	v15 =	vld.idx.msk [tilespmem:v46+s3+$0x0], $0xffff  }
0xbe: {  	s10 =	sor.u32 s6, s13;
	v11 =	vand.u32 $0xFFFF0000, v11;
	[tilespmem:s7+$0x0] =	vst v53;
	v12 =	vld.idx.msk [tilespmem:v48+s3+$0x0], $0xffff  }
0xbf: {  	[tilespmem:s10+$0x0] =	vst v11;
	v54 =	vld.idx.msk [tilespmem:v49+s3+$0x0], $0xffff  }
0xc0: {  	v56 =	vor.u32 $0x5800, v1;
	v55 =	vadd.bf16 v13, v10;
	v11 =	vld.idx.msk [tilespmem:v51+s3+$0x0], $0xffff  }
0xc1: {  	v57 =	vadd.s32 $0x5C00, v0;
	s7 =	sadd.s32 $0x11400, s31;
	v58 =	vld.idx.msk [tilespmem:v52+s3+$0x0], $0xffff  }
0xc2: {  	v60 =	vor.u32 $0x5800, v7;
	s13 =	sadd.s32 $0x11480, s31;
	v59 =	vshll.u32 v55, $0x10;
	s11 =	sor.u32 s30, s7;
	v15 =	vadd.bf16 v15, v17  }
0xc3: {  	v61 =	vadd.s32 $0x5C00, v6;
	s16 =	sor.u32 s30, s13;
	v9 =	vand.u32 $0xFFFF0000, v55;
	[tilespmem:s11+$0x0] =	vst v59  }
0xc4: {  	v63 =	vor.u32 $0x5800, v5;
	s17 =	sor.u32 s14, s7;
	[tilespmem:s16+$0x0] =	vst v9;
	v8 =	vadd.bf16 v54, v12;
	v62 =	vshll.u32 v15, $0x10  }
0xc5: {  	v20 =	vadd.s32 $0x5C00, v4;
	s20 =	sor.u32 s14, s13;
	v10 =	vld.idx.msk [tilespmem:v56+s3+$0x0], $0xffff;
	v15 =	vand.u32 $0xFFFF0000, v15;
	[tilespmem:s17+$0x0] =	vst v62  }
0xc6: {  	v22 =	vor.u32 $0x5800, v3;
	s23 =	sor.u32 s12, s7;
	v13 =	vld.idx.msk [tilespmem:v57+s3+$0x0], $0xffff;
	v11 =	vadd.bf16 v58, v11;
	v21 =	vshll.u32 v8, $0x10;
	[tilespmem:s20+$0x0] =	vst v15  }
0xc7: {  	v23 =	vadd.s32 $0x5C00, v2;
	s25 =	sor.u32 s12, s13;
	v8 =	vand.u32 $0xFFFF0000, v8;
	[tilespmem:s23+$0x0] =	vst v21;
	v17 =	vld.idx.msk [tilespmem:v60+s3+$0x0], $0xffff  }
0xc8: {  	s7 =	sor.u32 s6, s7;
	v24 =	vshll.u32 v11, $0x10;
	[tilespmem:s25+$0x0] =	vst v8;
	v16 =	vld.idx.msk [tilespmem:v61+s3+$0x0], $0xffff  }
0xc9: {  	s10 =	sor.u32 s6, s13;
	v11 =	vand.u32 $0xFFFF0000, v11;
	[tilespmem:s7+$0x0] =	vst v24;
	v12 =	vld.idx.msk [tilespmem:v63+s3+$0x0], $0xffff  }
0xca: {  	[tilespmem:s10+$0x0] =	vst v11;
	v25 =	vld.idx.msk [tilespmem:v20+s3+$0x0], $0xffff  }
0xcb: {  	v27 =	vor.u32 $0x6000, v1;
	v26 =	vadd.bf16 v13, v10;
	v11 =	vld.idx.msk [tilespmem:v22+s3+$0x0], $0xffff  }
0xcc: {  	v28 =	vadd.s32 $0x6400, v0;
	s7 =	sadd.s32 $0x11500, s31;
	v29 =	vld.idx.msk [tilespmem:v23+s3+$0x0], $0xffff  }
0xcd: {  	v31 =	vor.u32 $0x6000, v7;
	s13 =	sadd.s32 $0x11580, s31;
	v30 =	vshll.u32 v26, $0x10;
	s11 =	sor.u32 s30, s7;
	v16 =	vadd.bf16 v16, v17  }
0xce: {  	v32 =	vadd.s32 $0x6400, v6;
	s16 =	sor.u32 s30, s13;
	v9 =	vand.u32 $0xFFFF0000, v26;
	[tilespmem:s11+$0x0] =	vst v30  }
0xcf: {  	v34 =	vor.u32 $0x6000, v5;
	s17 =	sor.u32 s14, s7;
	[tilespmem:s16+$0x0] =	vst v9;
	v8 =	vadd.bf16 v25, v12;
	v33 =	vshll.u32 v16, $0x10  }
0xd0: {  	v35 =	vadd.s32 $0x6400, v4;
	s20 =	sor.u32 s14, s13;
	v10 =	vld.idx.msk [tilespmem:v27+s3+$0x0], $0xffff;
	v16 =	vand.u32 $0xFFFF0000, v16;
	[tilespmem:s17+$0x0] =	vst v33  }
0xd1: {  	v37 =	vor.u32 $0x6000, v3;
	s23 =	sor.u32 s12, s7;
	v13 =	vld.idx.msk [tilespmem:v28+s3+$0x0], $0xffff;
	v11 =	vadd.bf16 v29, v11;
	v36 =	vshll.u32 v8, $0x10;
	[tilespmem:s20+$0x0] =	vst v16  }
0xd2: {  	v38 =	vadd.s32 $0x6400, v2;
	s25 =	sor.u32 s12, s13;
	v8 =	vand.u32 $0xFFFF0000, v8;
	[tilespmem:s23+$0x0] =	vst v36;
	v17 =	vld.idx.msk [tilespmem:v31+s3+$0x0], $0xffff  }
0xd3: {  	s7 =	sor.u32 s6, s7;
	v39 =	vshll.u32 v11, $0x10;
	[tilespmem:s25+$0x0] =	vst v8;
	v15 =	vld.idx.msk [tilespmem:v32+s3+$0x0], $0xffff  }
0xd4: {  	s10 =	sor.u32 s6, s13;
	v11 =	vand.u32 $0xFFFF0000, v11;
	[tilespmem:s7+$0x0] =	vst v39;
	v12 =	vld.idx.msk [tilespmem:v34+s3+$0x0], $0xffff  }
0xd5: {  	[tilespmem:s10+$0x0] =	vst v11;
	v40 =	vld.idx.msk [tilespmem:v35+s3+$0x0], $0xffff  }
0xd6: {  	v42 =	vor.u32 $0x6800, v1;
	v41 =	vadd.bf16 v13, v10;
	v11 =	vld.idx.msk [tilespmem:v37+s3+$0x0], $0xffff  }
0xd7: {  	v43 =	vadd.s32 $0x6C00, v0;
	s7 =	sor.u32 $0x11A00, s31;
	v44 =	vld.idx.msk [tilespmem:v38+s3+$0x0], $0xffff  }
0xd8: {  	v46 =	vor.u32 $0x6800, v7;
	s13 =	sor.u32 $0x11A80, s31;
	v45 =	vshll.u32 v41, $0x10;
	s11 =	sor.u32 s30, s7;
	v15 =	vadd.bf16 v15, v17  }
0xd9: {  	v47 =	vadd.s32 $0x6C00, v6;
	s16 =	sor.u32 s30, s13;
	v9 =	vand.u32 $0xFFFF0000, v41;
	[tilespmem:s11+$0x0] =	vst v45  }
0xda: {  	v49 =	vor.u32 $0x6800, v5;
	s17 =	sor.u32 s14, s7;
	[tilespmem:s16+$0x0] =	vst v9;
	v8 =	vadd.bf16 v40, v12;
	v48 =	vshll.u32 v15, $0x10  }
0xdb: {  	v50 =	vadd.s32 $0x6C00, v4;
	s20 =	sor.u32 s14, s13;
	v10 =	vld.idx.msk [tilespmem:v42+s3+$0x0], $0xffff;
	v15 =	vand.u32 $0xFFFF0000, v15;
	[tilespmem:s17+$0x0] =	vst v48  }
0xdc: {  	v52 =	vor.u32 $0x6800, v3;
	s23 =	sor.u32 s12, s7;
	v13 =	vld.idx.msk [tilespmem:v43+s3+$0x0], $0xffff;
	v11 =	vadd.bf16 v44, v11;
	v51 =	vshll.u32 v8, $0x10;
	[tilespmem:s20+$0x0] =	vst v15  }
0xdd: {  	v53 =	vadd.s32 $0x6C00, v2;
	s25 =	sor.u32 s12, s13;
	v8 =	vand.u32 $0xFFFF0000, v8;
	[tilespmem:s23+$0x0] =	vst v51;
	v17 =	vld.idx.msk [tilespmem:v46+s3+$0x0], $0xffff  }
0xde: {  	s7 =	sor.u32 s6, s7;
	v54 =	vshll.u32 v11, $0x10;
	[tilespmem:s25+$0x0] =	vst v8;
	v16 =	vld.idx.msk [tilespmem:v47+s3+$0x0], $0xffff  }
0xdf: {  	s10 =	sor.u32 s6, s13;
	v11 =	vand.u32 $0xFFFF0000, v11;
	[tilespmem:s7+$0x0] =	vst v54;
	v12 =	vld.idx.msk [tilespmem:v49+s3+$0x0], $0xffff  }
0xe0: {  	[tilespmem:s10+$0x0] =	vst v11;
	v55 =	vld.idx.msk [tilespmem:v50+s3+$0x0], $0xffff  }
0xe1: {  	v57 =	vor.u32 $0x7000, v1;
	v56 =	vadd.bf16 v13, v10;
	v11 =	vld.idx.msk [tilespmem:v52+s3+$0x0], $0xffff  }
0xe2: {  	v58 =	vadd.s32 $0x7400, v0;
	s7 =	sor.u32 $0x11B00, s31;
	v59 =	vld.idx.msk [tilespmem:v53+s3+$0x0], $0xffff  }
0xe3: {  	v61 =	vor.u32 $0x7000, v7;
	s13 =	sor.u32 $0x11B80, s31;
	v60 =	vshll.u32 v56, $0x10;
	s11 =	sor.u32 s30, s7;
	v16 =	vadd.bf16 v16, v17  }
0xe4: {  	v62 =	vadd.s32 $0x7400, v6;
	s16 =	sor.u32 s30, s13;
	v9 =	vand.u32 $0xFFFF0000, v56;
	[tilespmem:s11+$0x0] =	vst v60  }
0xe5: {  	v20 =	vor.u32 $0x7000, v5;
	s17 =	sor.u32 s14, s7;
	[tilespmem:s16+$0x0] =	vst v9;
	v8 =	vadd.bf16 v55, v12;
	v63 =	vshll.u32 v16, $0x10  }
0xe6: {  	v21 =	vadd.s32 $0x7400, v4;
	s20 =	sor.u32 s14, s13;
	v10 =	vld.idx.msk [tilespmem:v57+s3+$0x0], $0xffff;
	v16 =	vand.u32 $0xFFFF0000, v16;
	[tilespmem:s17+$0x0] =	vst v63  }
0xe7: {  	v23 =	vor.u32 $0x7000, v3;
	s23 =	sor.u32 s12, s7;
	v13 =	vld.idx.msk [tilespmem:v58+s3+$0x0], $0xffff;
	v11 =	vadd.bf16 v59, v11;
	v22 =	vshll.u32 v8, $0x10;
	[tilespmem:s20+$0x0] =	vst v16  }
0xe8: {  	v24 =	vadd.s32 $0x7400, v2;
	s25 =	sor.u32 s12, s13;
	v8 =	vand.u32 $0xFFFF0000, v8;
	[tilespmem:s23+$0x0] =	vst v22;
	v17 =	vld.idx.msk [tilespmem:v61+s3+$0x0], $0xffff  }
0xe9: {  	s7 =	sor.u32 s6, s7;
	v25 =	vshll.u32 v11, $0x10;
	[tilespmem:s25+$0x0] =	vst v8;
	v15 =	vld.idx.msk [tilespmem:v62+s3+$0x0], $0xffff  }
0xea: {  	s10 =	sor.u32 s6, s13;
	v11 =	vand.u32 $0xFFFF0000, v11;
	[tilespmem:s7+$0x0] =	vst v25;
	v12 =	vld.idx.msk [tilespmem:v20+s3+$0x0], $0xffff  }
0xeb: {  	[tilespmem:s10+$0x0] =	vst v11;
	v26 =	vld.idx.msk [tilespmem:v21+s3+$0x0], $0xffff  }
0xec: {  	v28 =	vor.u32 $0x7800, v1;
	v27 =	vadd.bf16 v13, v10;
	v11 =	vld.idx.msk [tilespmem:v23+s3+$0x0], $0xffff  }
0xed: {  	v29 =	vadd.s32 $0x7C00, v0;
	s7 =	sadd.s32 $0x11C00, s31;
	v30 =	vld.idx.msk [tilespmem:v24+s3+$0x0], $0xffff  }
0xee: {  	v32 =	vor.u32 $0x7800, v7;
	s13 =	sadd.s32 $0x11C80, s31;
	v31 =	vshll.u32 v27, $0x10;
	s11 =	sor.u32 s30, s7;
	v15 =	vadd.bf16 v15, v17  }
0xef: {  	v33 =	vadd.s32 $0x7C00, v6;
	s16 =	sor.u32 s30, s13;
	v9 =	vand.u32 $0xFFFF0000, v27;
	[tilespmem:s11+$0x0] =	vst v31  }
0xf0: {  	v35 =	vor.u32 $0x7800, v5;
	s17 =	sor.u32 s14, s7;
	[tilespmem:s16+$0x0] =	vst v9;
	v8 =	vadd.bf16 v26, v12;
	v34 =	vshll.u32 v15, $0x10  }
0xf1: {  	v36 =	vadd.s32 $0x7C00, v4;
	s20 =	sor.u32 s14, s13;
	v10 =	vld.idx.msk [tilespmem:v28+s3+$0x0], $0xffff;
	v15 =	vand.u32 $0xFFFF0000, v15;
	[tilespmem:s17+$0x0] =	vst v34  }
0xf2: {  	v38 =	vor.u32 $0x7800, v3;
	s23 =	sor.u32 s12, s7;
	v13 =	vld.idx.msk [tilespmem:v29+s3+$0x0], $0xffff;
	v11 =	vadd.bf16 v30, v11;
	v37 =	vshll.u32 v8, $0x10;
	[tilespmem:s20+$0x0] =	vst v15  }
0xf3: {  	v39 =	vadd.s32 $0x7C00, v2;
	s25 =	sor.u32 s12, s13;
	v8 =	vand.u32 $0xFFFF0000, v8;
	[tilespmem:s23+$0x0] =	vst v37;
	v17 =	vld.idx.msk [tilespmem:v32+s3+$0x0], $0xffff  }
0xf4: {  	s7 =	sor.u32 s6, s7;
	v40 =	vshll.u32 v11, $0x10;
	[tilespmem:s25+$0x0] =	vst v8;
	v16 =	vld.idx.msk [tilespmem:v33+s3+$0x0], $0xffff  }
0xf5: {  	s10 =	sor.u32 s6, s13;
	v11 =	vand.u32 $0xFFFF0000, v11;
	[tilespmem:s7+$0x0] =	vst v40;
	v12 =	vld.idx.msk [tilespmem:v35+s3+$0x0], $0xffff  }
0xf6: {  	[tilespmem:s10+$0x0] =	vst v11;
	v41 =	vld.idx.msk [tilespmem:v36+s3+$0x0], $0xffff  }
0xf7: {  	v43 =	vor.u32 $0x8000, v1;
	v42 =	vadd.bf16 v13, v10;
	v11 =	vld.idx.msk [tilespmem:v38+s3+$0x0], $0xffff  }
0xf8: {  	v44 =	vadd.s32 $0x8400, v0;
	s7 =	sadd.s32 $0x11D00, s31;
	v45 =	vld.idx.msk [tilespmem:v39+s3+$0x0], $0xffff  }
0xf9: {  	v47 =	vor.u32 $0x8000, v7;
	s13 =	sadd.s32 $0x11D80, s31;
	v46 =	vshll.u32 v42, $0x10;
	s11 =	sor.u32 s30, s7;
	v16 =	vadd.bf16 v16, v17  }
0xfa: {  	v48 =	vadd.s32 $0x8400, v6;
	s16 =	sor.u32 s30, s13;
	v9 =	vand.u32 $0xFFFF0000, v42;
	[tilespmem:s11+$0x0] =	vst v46  }
0xfb: {  	v50 =	vor.u32 $0x8000, v5;
	s17 =	sor.u32 s14, s7;
	[tilespmem:s16+$0x0] =	vst v9;
	v8 =	vadd.bf16 v41, v12;
	v49 =	vshll.u32 v16, $0x10  }
0xfc: {  	v51 =	vadd.s32 $0x8400, v4;
	s20 =	sor.u32 s14, s13;
	v10 =	vld.idx.msk [tilespmem:v43+s3+$0x0], $0xffff;
	v16 =	vand.u32 $0xFFFF0000, v16;
	[tilespmem:s17+$0x0] =	vst v49  }
0xfd: {  	v53 =	vor.u32 $0x8000, v3;
	s23 =	sor.u32 s12, s7;
	v13 =	vld.idx.msk [tilespmem:v44+s3+$0x0], $0xffff;
	v11 =	vadd.bf16 v45, v11;
	v52 =	vshll.u32 v8, $0x10;
	[tilespmem:s20+$0x0] =	vst v16  }
0xfe: {  	v54 =	vadd.s32 $0x8400, v2;
	s25 =	sor.u32 s12, s13;
	v8 =	vand.u32 $0xFFFF0000, v8;
	[tilespmem:s23+$0x0] =	vst v52;
	v17 =	vld.idx.msk [tilespmem:v47+s3+$0x0], $0xffff  }
0xff: {  	s7 =	sor.u32 s6, s7;
	v55 =	vshll.u32 v11, $0x10;
	[tilespmem:s25+$0x0] =	vst v8;
	v15 =	vld.idx.msk [tilespmem:v48+s3+$0x0], $0xffff  }
0x100: {  	s10 =	sor.u32 s6, s13;
	v11 =	vand.u32 $0xFFFF0000, v11;
	[tilespmem:s7+$0x0] =	vst v55;
	v12 =	vld.idx.msk [tilespmem:v50+s3+$0x0], $0xffff  }
0x101: {  	[tilespmem:s10+$0x0] =	vst v11;
	v56 =	vld.idx.msk [tilespmem:v51+s3+$0x0], $0xffff  }
0x102: {  	v58 =	vor.u32 $0x8800, v1;
	v57 =	vadd.bf16 v13, v10;
	v11 =	vld.idx.msk [tilespmem:v53+s3+$0x0], $0xffff  }
0x103: {  	v59 =	vadd.s32 $0x8C00, v0;
	s7 =	sor.u32 $0x12200, s31;
	v60 =	vld.idx.msk [tilespmem:v54+s3+$0x0], $0xffff  }
0x104: {  	v62 =	vor.u32 $0x8800, v7;
	s13 =	sor.u32 $0x12280, s31;
	v61 =	vshll.u32 v57, $0x10;
	s11 =	sor.u32 s30, s7;
	v15 =	vadd.bf16 v15, v17  }
0x105: {  	v63 =	vadd.s32 $0x8C00, v6;
	s16 =	sor.u32 s30, s13;
	v9 =	vand.u32 $0xFFFF0000, v57;
	[tilespmem:s11+$0x0] =	vst v61  }
0x106: {  	v21 =	vor.u32 $0x8800, v5;
	s17 =	sor.u32 s14, s7;
	[tilespmem:s16+$0x0] =	vst v9;
	v8 =	vadd.bf16 v56, v12;
	v20 =	vshll.u32 v15, $0x10  }
0x107: {  	v22 =	vadd.s32 $0x8C00, v4;
	s20 =	sor.u32 s14, s13;
	v10 =	vld.idx.msk [tilespmem:v58+s3+$0x0], $0xffff;
	v15 =	vand.u32 $0xFFFF0000, v15;
	[tilespmem:s17+$0x0] =	vst v20  }
0x108: {  	v24 =	vor.u32 $0x8800, v3;
	s23 =	sor.u32 s12, s7;
	v13 =	vld.idx.msk [tilespmem:v59+s3+$0x0], $0xffff;
	v11 =	vadd.bf16 v60, v11;
	v23 =	vshll.u32 v8, $0x10;
	[tilespmem:s20+$0x0] =	vst v15  }
0x109: {  	v25 =	vadd.s32 $0x8C00, v2;
	s25 =	sor.u32 s12, s13;
	v8 =	vand.u32 $0xFFFF0000, v8;
	[tilespmem:s23+$0x0] =	vst v23;
	v17 =	vld.idx.msk [tilespmem:v62+s3+$0x0], $0xffff  }
0x10a: {  	s7 =	sor.u32 s6, s7;
	v26 =	vshll.u32 v11, $0x10;
	[tilespmem:s25+$0x0] =	vst v8;
	v16 =	vld.idx.msk [tilespmem:v63+s3+$0x0], $0xffff  }
0x10b: {  	s10 =	sor.u32 s6, s13;
	v11 =	vand.u32 $0xFFFF0000, v11;
	[tilespmem:s7+$0x0] =	vst v26;
	v12 =	vld.idx.msk [tilespmem:v21+s3+$0x0], $0xffff  }
0x10c: {  	[tilespmem:s10+$0x0] =	vst v11;
	v27 =	vld.idx.msk [tilespmem:v22+s3+$0x0], $0xffff  }
0x10d: {  	v29 =	vor.u32 $0x9000, v1;
	v28 =	vadd.bf16 v13, v10;
	v11 =	vld.idx.msk [tilespmem:v24+s3+$0x0], $0xffff  }
0x10e: {  	v30 =	vadd.s32 $0x9400, v0;
	s7 =	sor.u32 $0x12300, s31;
	v31 =	vld.idx.msk [tilespmem:v25+s3+$0x0], $0xffff  }
0x10f: {  	v33 =	vor.u32 $0x9000, v7;
	s13 =	sor.u32 $0x12380, s31;
	v32 =	vshll.u32 v28, $0x10;
	s11 =	sor.u32 s30, s7;
	v16 =	vadd.bf16 v16, v17  }
0x110: {  	v34 =	vadd.s32 $0x9400, v6;
	s16 =	sor.u32 s30, s13;
	v9 =	vand.u32 $0xFFFF0000, v28;
	[tilespmem:s11+$0x0] =	vst v32  }
0x111: {  	v36 =	vor.u32 $0x9000, v5;
	s17 =	sor.u32 s14, s7;
	[tilespmem:s16+$0x0] =	vst v9;
	v8 =	vadd.bf16 v27, v12;
	v35 =	vshll.u32 v16, $0x10  }
0x112: {  	v37 =	vadd.s32 $0x9400, v4;
	s20 =	sor.u32 s14, s13;
	v10 =	vld.idx.msk [tilespmem:v29+s3+$0x0], $0xffff;
	v16 =	vand.u32 $0xFFFF0000, v16;
	[tilespmem:s17+$0x0] =	vst v35  }
0x113: {  	v39 =	vor.u32 $0x9000, v3;
	s23 =	sor.u32 s12, s7;
	v13 =	vld.idx.msk [tilespmem:v30+s3+$0x0], $0xffff;
	v11 =	vadd.bf16 v31, v11;
	v38 =	vshll.u32 v8, $0x10;
	[tilespmem:s20+$0x0] =	vst v16  }
0x114: {  	v40 =	vadd.s32 $0x9400, v2;
	s25 =	sor.u32 s12, s13;
	v8 =	vand.u32 $0xFFFF0000, v8;
	[tilespmem:s23+$0x0] =	vst v38;
	v17 =	vld.idx.msk [tilespmem:v33+s3+$0x0], $0xffff  }
0x115: {  	s7 =	sor.u32 s6, s7;
	v41 =	vshll.u32 v11, $0x10;
	[tilespmem:s25+$0x0] =	vst v8;
	v15 =	vld.idx.msk [tilespmem:v34+s3+$0x0], $0xffff  }
0x116: {  	s10 =	sor.u32 s6, s13;
	v11 =	vand.u32 $0xFFFF0000, v11;
	[tilespmem:s7+$0x0] =	vst v41;
	v12 =	vld.idx.msk [tilespmem:v36+s3+$0x0], $0xffff  }
0x117: {  	[tilespmem:s10+$0x0] =	vst v11;
	v42 =	vld.idx.msk [tilespmem:v37+s3+$0x0], $0xffff  }
0x118: {  	v44 =	vor.u32 $0x9800, v1;
	v43 =	vadd.bf16 v13, v10;
	v11 =	vld.idx.msk [tilespmem:v39+s3+$0x0], $0xffff  }
0x119: {  	v45 =	vadd.s32 $0x9C00, v0;
	s7 =	sadd.s32 $0x12400, s31;
	v46 =	vld.idx.msk [tilespmem:v40+s3+$0x0], $0xffff  }
0x11a: {  	v48 =	vor.u32 $0x9800, v7;
	s13 =	sadd.s32 $0x12480, s31;
	v47 =	vshll.u32 v43, $0x10;
	s11 =	sor.u32 s30, s7;
	v15 =	vadd.bf16 v15, v17  }
0x11b: {  	v49 =	vadd.s32 $0x9C00, v6;
	s16 =	sor.u32 s30, s13;
	v9 =	vand.u32 $0xFFFF0000, v43;
	[tilespmem:s11+$0x0] =	vst v47  }
0x11c: {  	v51 =	vor.u32 $0x9800, v5;
	s17 =	sor.u32 s14, s7;
	[tilespmem:s16+$0x0] =	vst v9;
	v8 =	vadd.bf16 v42, v12;
	v50 =	vshll.u32 v15, $0x10  }
0x11d: {  	v52 =	vadd.s32 $0x9C00, v4;
	s20 =	sor.u32 s14, s13;
	v10 =	vld.idx.msk [tilespmem:v44+s3+$0x0], $0xffff;
	v15 =	vand.u32 $0xFFFF0000, v15;
	[tilespmem:s17+$0x0] =	vst v50  }
0x11e: {  	v54 =	vor.u32 $0x9800, v3;
	s23 =	sor.u32 s12, s7;
	v13 =	vld.idx.msk [tilespmem:v45+s3+$0x0], $0xffff;
	v11 =	vadd.bf16 v46, v11;
	v53 =	vshll.u32 v8, $0x10;
	[tilespmem:s20+$0x0] =	vst v15  }
0x11f: {  	v55 =	vadd.s32 $0x9C00, v2;
	s25 =	sor.u32 s12, s13;
	v8 =	vand.u32 $0xFFFF0000, v8;
	[tilespmem:s23+$0x0] =	vst v53;
	v17 =	vld.idx.msk [tilespmem:v48+s3+$0x0], $0xffff  }
0x120: {  	s7 =	sor.u32 s6, s7;
	v56 =	vshll.u32 v11, $0x10;
	[tilespmem:s25+$0x0] =	vst v8;
	v16 =	vld.idx.msk [tilespmem:v49+s3+$0x0], $0xffff  }
0x121: {  	s10 =	sor.u32 s6, s13;
	v11 =	vand.u32 $0xFFFF0000, v11;
	[tilespmem:s7+$0x0] =	vst v56;
	v12 =	vld.idx.msk [tilespmem:v51+s3+$0x0], $0xffff  }
0x122: {  	[tilespmem:s10+$0x0] =	vst v11;
	v57 =	vld.idx.msk [tilespmem:v52+s3+$0x0], $0xffff  }
0x123: {  	v59 =	vor.u32 $0xA000, v1;
	v58 =	vadd.bf16 v13, v10;
	v11 =	vld.idx.msk [tilespmem:v54+s3+$0x0], $0xffff  }
0x124: {  	v60 =	vadd.s32 $0xA400, v0;
	s7 =	sadd.s32 $0x12500, s31;
	v61 =	vld.idx.msk [tilespmem:v55+s3+$0x0], $0xffff  }
0x125: {  	v63 =	vor.u32 $0xA000, v7;
	s13 =	sadd.s32 $0x12580, s31;
	v62 =	vshll.u32 v58, $0x10;
	s11 =	sor.u32 s30, s7;
	v16 =	vadd.bf16 v16, v17  }
0x126: {  	v20 =	vadd.s32 $0xA400, v6;
	s16 =	sor.u32 s30, s13;
	v9 =	vand.u32 $0xFFFF0000, v58;
	[tilespmem:s11+$0x0] =	vst v62  }
0x127: {  	v22 =	vor.u32 $0xA000, v5;
	s17 =	sor.u32 s14, s7;
	[tilespmem:s16+$0x0] =	vst v9;
	v8 =	vadd.bf16 v57, v12;
	v21 =	vshll.u32 v16, $0x10  }
0x128: {  	v23 =	vadd.s32 $0xA400, v4;
	s20 =	sor.u32 s14, s13;
	v10 =	vld.idx.msk [tilespmem:v59+s3+$0x0], $0xffff;
	v16 =	vand.u32 $0xFFFF0000, v16;
	[tilespmem:s17+$0x0] =	vst v21  }
0x129: {  	v25 =	vor.u32 $0xA000, v3;
	s23 =	sor.u32 s12, s7;
	v13 =	vld.idx.msk [tilespmem:v60+s3+$0x0], $0xffff;
	v11 =	vadd.bf16 v61, v11;
	v24 =	vshll.u32 v8, $0x10;
	[tilespmem:s20+$0x0] =	vst v16  }
0x12a: {  	v26 =	vadd.s32 $0xA400, v2;
	s25 =	sor.u32 s12, s13;
	v8 =	vand.u32 $0xFFFF0000, v8;
	[tilespmem:s23+$0x0] =	vst v24;
	v17 =	vld.idx.msk [tilespmem:v63+s3+$0x0], $0xffff  }
0x12b: {  	s7 =	sor.u32 s6, s7;
	v27 =	vshll.u32 v11, $0x10;
	[tilespmem:s25+$0x0] =	vst v8;
	v15 =	vld.idx.msk [tilespmem:v20+s3+$0x0], $0xffff  }
0x12c: {  	s10 =	sor.u32 s6, s13;
	v11 =	vand.u32 $0xFFFF0000, v11;
	[tilespmem:s7+$0x0] =	vst v27;
	v12 =	vld.idx.msk [tilespmem:v22+s3+$0x0], $0xffff  }
0x12d: {  	[tilespmem:s10+$0x0] =	vst v11;
	v28 =	vld.idx.msk [tilespmem:v23+s3+$0x0], $0xffff  }
0x12e: {  	v30 =	vor.u32 $0xA800, v1;
	v29 =	vadd.bf16 v13, v10;
	v11 =	vld.idx.msk [tilespmem:v25+s3+$0x0], $0xffff  }
0x12f: {  	v31 =	vadd.s32 $0xAC00, v0;
	s7 =	sor.u32 $0x12A00, s31;
	v32 =	vld.idx.msk [tilespmem:v26+s3+$0x0], $0xffff  }
0x130: {  	v34 =	vor.u32 $0xA800, v7;
	s13 =	sor.u32 $0x12A80, s31;
	v33 =	vshll.u32 v29, $0x10;
	s11 =	sor.u32 s30, s7;
	v15 =	vadd.bf16 v15, v17  }
0x131: {  	v35 =	vadd.s32 $0xAC00, v6;
	s16 =	sor.u32 s30, s13;
	v9 =	vand.u32 $0xFFFF0000, v29;
	[tilespmem:s11+$0x0] =	vst v33  }
0x132: {  	v37 =	vor.u32 $0xA800, v5;
	s17 =	sor.u32 s14, s7;
	[tilespmem:s16+$0x0] =	vst v9;
	v8 =	vadd.bf16 v28, v12;
	v36 =	vshll.u32 v15, $0x10  }
0x133: {  	v38 =	vadd.s32 $0xAC00, v4;
	s20 =	sor.u32 s14, s13;
	v10 =	vld.idx.msk [tilespmem:v30+s3+$0x0], $0xffff;
	v15 =	vand.u32 $0xFFFF0000, v15;
	[tilespmem:s17+$0x0] =	vst v36  }
0x134: {  	v40 =	vor.u32 $0xA800, v3;
	s23 =	sor.u32 s12, s7;
	v13 =	vld.idx.msk [tilespmem:v31+s3+$0x0], $0xffff;
	v11 =	vadd.bf16 v32, v11;
	v39 =	vshll.u32 v8, $0x10;
	[tilespmem:s20+$0x0] =	vst v15  }
0x135: {  	v41 =	vadd.s32 $0xAC00, v2;
	s25 =	sor.u32 s12, s13;
	v8 =	vand.u32 $0xFFFF0000, v8;
	[tilespmem:s23+$0x0] =	vst v39;
	v17 =	vld.idx.msk [tilespmem:v34+s3+$0x0], $0xffff  }
0x136: {  	s7 =	sor.u32 s6, s7;
	v42 =	vshll.u32 v11, $0x10;
	[tilespmem:s25+$0x0] =	vst v8;
	v16 =	vld.idx.msk [tilespmem:v35+s3+$0x0], $0xffff  }
0x137: {  	s10 =	sor.u32 s6, s13;
	v11 =	vand.u32 $0xFFFF0000, v11;
	[tilespmem:s7+$0x0] =	vst v42;
	v12 =	vld.idx.msk [tilespmem:v37+s3+$0x0], $0xffff  }
0x138: {  	[tilespmem:s10+$0x0] =	vst v11;
	v43 =	vld.idx.msk [tilespmem:v38+s3+$0x0], $0xffff  }
0x139: {  	v45 =	vor.u32 $0xB000, v1;
	v44 =	vadd.bf16 v13, v10;
	v11 =	vld.idx.msk [tilespmem:v40+s3+$0x0], $0xffff  }
0x13a: {  	v46 =	vadd.s32 $0xB400, v0;
	s7 =	sor.u32 $0x12B00, s31;
	v47 =	vld.idx.msk [tilespmem:v41+s3+$0x0], $0xffff  }
0x13b: {  	v49 =	vor.u32 $0xB000, v7;
	s13 =	sor.u32 $0x12B80, s31;
	v48 =	vshll.u32 v44, $0x10;
	s11 =	sor.u32 s30, s7;
	v16 =	vadd.bf16 v16, v17  }
0x13c: {  	v50 =	vadd.s32 $0xB400, v6;
	s16 =	sor.u32 s30, s13;
	v9 =	vand.u32 $0xFFFF0000, v44;
	[tilespmem:s11+$0x0] =	vst v48  }
0x13d: {  	v52 =	vor.u32 $0xB000, v5;
	s17 =	sor.u32 s14, s7;
	[tilespmem:s16+$0x0] =	vst v9;
	v8 =	vadd.bf16 v43, v12;
	v51 =	vshll.u32 v16, $0x10  }
0x13e: {  	v53 =	vadd.s32 $0xB400, v4;
	s20 =	sor.u32 s14, s13;
	v10 =	vld.idx.msk [tilespmem:v45+s3+$0x0], $0xffff;
	v16 =	vand.u32 $0xFFFF0000, v16;
	[tilespmem:s17+$0x0] =	vst v51  }
0x13f: {  	v55 =	vor.u32 $0xB000, v3;
	s23 =	sor.u32 s12, s7;
	v13 =	vld.idx.msk [tilespmem:v46+s3+$0x0], $0xffff;
	v11 =	vadd.bf16 v47, v11;
	v54 =	vshll.u32 v8, $0x10;
	[tilespmem:s20+$0x0] =	vst v16  }
0x140: {  	v56 =	vadd.s32 $0xB400, v2;
	s25 =	sor.u32 s12, s13;
	v8 =	vand.u32 $0xFFFF0000, v8;
	[tilespmem:s23+$0x0] =	vst v54;
	v17 =	vld.idx.msk [tilespmem:v49+s3+$0x0], $0xffff  }
0x141: {  	s7 =	sor.u32 s6, s7;
	v57 =	vshll.u32 v11, $0x10;
	[tilespmem:s25+$0x0] =	vst v8;
	v15 =	vld.idx.msk [tilespmem:v50+s3+$0x0], $0xffff  }
0x142: {  	s10 =	sor.u32 s6, s13;
	v11 =	vand.u32 $0xFFFF0000, v11;
	[tilespmem:s7+$0x0] =	vst v57;
	v12 =	vld.idx.msk [tilespmem:v52+s3+$0x0], $0xffff  }
0x143: {  	[tilespmem:s10+$0x0] =	vst v11;
	v58 =	vld.idx.msk [tilespmem:v53+s3+$0x0], $0xffff  }
0x144: {  	v60 =	vor.u32 $0xB800, v1;
	v59 =	vadd.bf16 v13, v10;
	v11 =	vld.idx.msk [tilespmem:v55+s3+$0x0], $0xffff  }
0x145: {  	v61 =	vadd.s32 $0xBC00, v0;
	s7 =	sadd.s32 $0x12C00, s31;
	v62 =	vld.idx.msk [tilespmem:v56+s3+$0x0], $0xffff  }
0x146: {  	v20 =	vor.u32 $0xB800, v7;
	s13 =	sadd.s32 $0x12C80, s31;
	v63 =	vshll.u32 v59, $0x10;
	s11 =	sor.u32 s30, s7;
	v15 =	vadd.bf16 v15, v17  }
0x147: {  	v21 =	vadd.s32 $0xBC00, v6;
	s16 =	sor.u32 s30, s13;
	v9 =	vand.u32 $0xFFFF0000, v59;
	[tilespmem:s11+$0x0] =	vst v63  }
0x148: {  	v23 =	vor.u32 $0xB800, v5;
	s17 =	sor.u32 s14, s7;
	[tilespmem:s16+$0x0] =	vst v9;
	v8 =	vadd.bf16 v58, v12;
	v22 =	vshll.u32 v15, $0x10  }
0x149: {  	v24 =	vadd.s32 $0xBC00, v4;
	s20 =	sor.u32 s14, s13;
	v10 =	vld.idx.msk [tilespmem:v60+s3+$0x0], $0xffff;
	v15 =	vand.u32 $0xFFFF0000, v15;
	[tilespmem:s17+$0x0] =	vst v22  }
0x14a: {  	v26 =	vor.u32 $0xB800, v3;
	s23 =	sor.u32 s12, s7;
	v13 =	vld.idx.msk [tilespmem:v61+s3+$0x0], $0xffff;
	v11 =	vadd.bf16 v62, v11;
	v25 =	vshll.u32 v8, $0x10;
	[tilespmem:s20+$0x0] =	vst v15  }
0x14b: {  	v27 =	vadd.s32 $0xBC00, v2;
	s25 =	sor.u32 s12, s13;
	v8 =	vand.u32 $0xFFFF0000, v8;
	[tilespmem:s23+$0x0] =	vst v25;
	v17 =	vld.idx.msk [tilespmem:v20+s3+$0x0], $0xffff  }
0x14c: {  	s7 =	sor.u32 s6, s7;
	v28 =	vshll.u32 v11, $0x10;
	[tilespmem:s25+$0x0] =	vst v8;
	v16 =	vld.idx.msk [tilespmem:v21+s3+$0x0], $0xffff  }
0x14d: {  	s10 =	sor.u32 s6, s13;
	v11 =	vand.u32 $0xFFFF0000, v11;
	[tilespmem:s7+$0x0] =	vst v28;
	v12 =	vld.idx.msk [tilespmem:v23+s3+$0x0], $0xffff  }
0x14e: {  	[tilespmem:s10+$0x0] =	vst v11;
	v29 =	vld.idx.msk [tilespmem:v24+s3+$0x0], $0xffff  }
0x14f: {  	v31 =	vor.u32 $0xC000, v1;
	v30 =	vadd.bf16 v13, v10;
	v11 =	vld.idx.msk [tilespmem:v26+s3+$0x0], $0xffff  }
0x150: {  	v32 =	vadd.s32 $0xC400, v0;
	s7 =	sadd.s32 $0x12D00, s31;
	v33 =	vld.idx.msk [tilespmem:v27+s3+$0x0], $0xffff  }
0x151: {  	v35 =	vor.u32 $0xC000, v7;
	s13 =	sadd.s32 $0x12D80, s31;
	v34 =	vshll.u32 v30, $0x10;
	s11 =	sor.u32 s30, s7;
	v16 =	vadd.bf16 v16, v17  }
0x152: {  	v36 =	vadd.s32 $0xC400, v6;
	s16 =	sor.u32 s30, s13;
	v9 =	vand.u32 $0xFFFF0000, v30;
	[tilespmem:s11+$0x0] =	vst v34  }
0x153: {  	v38 =	vor.u32 $0xC000, v5;
	s17 =	sor.u32 s14, s7;
	[tilespmem:s16+$0x0] =	vst v9;
	v8 =	vadd.bf16 v29, v12;
	v37 =	vshll.u32 v16, $0x10  }
0x154: {  	v39 =	vadd.s32 $0xC400, v4;
	s20 =	sor.u32 s14, s13;
	v10 =	vld.idx.msk [tilespmem:v31+s3+$0x0], $0xffff;
	v16 =	vand.u32 $0xFFFF0000, v16;
	[tilespmem:s17+$0x0] =	vst v37  }
0x155: {  	v41 =	vor.u32 $0xC000, v3;
	s23 =	sor.u32 s12, s7;
	v13 =	vld.idx.msk [tilespmem:v32+s3+$0x0], $0xffff;
	v11 =	vadd.bf16 v33, v11;
	v40 =	vshll.u32 v8, $0x10;
	[tilespmem:s20+$0x0] =	vst v16  }
0x156: {  	v42 =	vadd.s32 $0xC400, v2;
	s25 =	sor.u32 s12, s13;
	v8 =	vand.u32 $0xFFFF0000, v8;
	[tilespmem:s23+$0x0] =	vst v40;
	v17 =	vld.idx.msk [tilespmem:v35+s3+$0x0], $0xffff  }
0x157: {  	s7 =	sor.u32 s6, s7;
	v43 =	vshll.u32 v11, $0x10;
	[tilespmem:s25+$0x0] =	vst v8;
	v15 =	vld.idx.msk [tilespmem:v36+s3+$0x0], $0xffff  }
0x158: {  	s10 =	sor.u32 s6, s13;
	v11 =	vand.u32 $0xFFFF0000, v11;
	[tilespmem:s7+$0x0] =	vst v43;
	v12 =	vld.idx.msk [tilespmem:v38+s3+$0x0], $0xffff  }
0x159: {  	[tilespmem:s10+$0x0] =	vst v11;
	v44 =	vld.idx.msk [tilespmem:v39+s3+$0x0], $0xffff  }
0x15a: {  	v46 =	vor.u32 $0xC800, v1;
	v45 =	vadd.bf16 v13, v10;
	v11 =	vld.idx.msk [tilespmem:v41+s3+$0x0], $0xffff  }
0x15b: {  	v47 =	vadd.s32 $0xCC00, v0;
	s7 =	sor.u32 $0x13200, s31;
	v48 =	vld.idx.msk [tilespmem:v42+s3+$0x0], $0xffff  }
0x15c: {  	v50 =	vor.u32 $0xC800, v7;
	s13 =	sor.u32 $0x13280, s31;
	v49 =	vshll.u32 v45, $0x10;
	s11 =	sor.u32 s30, s7;
	v15 =	vadd.bf16 v15, v17  }
0x15d: {  	v51 =	vadd.s32 $0xCC00, v6;
	s16 =	sor.u32 s30, s13;
	v9 =	vand.u32 $0xFFFF0000, v45;
	[tilespmem:s11+$0x0] =	vst v49  }
0x15e: {  	v53 =	vor.u32 $0xC800, v5;
	s17 =	sor.u32 s14, s7;
	[tilespmem:s16+$0x0] =	vst v9;
	v8 =	vadd.bf16 v44, v12;
	v52 =	vshll.u32 v15, $0x10  }
0x15f: {  	v54 =	vadd.s32 $0xCC00, v4;
	s20 =	sor.u32 s14, s13;
	v10 =	vld.idx.msk [tilespmem:v46+s3+$0x0], $0xffff;
	v15 =	vand.u32 $0xFFFF0000, v15;
	[tilespmem:s17+$0x0] =	vst v52  }
0x160: {  	v56 =	vor.u32 $0xC800, v3;
	s23 =	sor.u32 s12, s7;
	v13 =	vld.idx.msk [tilespmem:v47+s3+$0x0], $0xffff;
	v11 =	vadd.bf16 v48, v11;
	v55 =	vshll.u32 v8, $0x10;
	[tilespmem:s20+$0x0] =	vst v15  }
0x161: {  	v57 =	vadd.s32 $0xCC00, v2;
	s25 =	sor.u32 s12, s13;
	v8 =	vand.u32 $0xFFFF0000, v8;
	[tilespmem:s23+$0x0] =	vst v55;
	v17 =	vld.idx.msk [tilespmem:v50+s3+$0x0], $0xffff  }
0x162: {  	s7 =	sor.u32 s6, s7;
	v58 =	vshll.u32 v11, $0x10;
	[tilespmem:s25+$0x0] =	vst v8;
	v16 =	vld.idx.msk [tilespmem:v51+s3+$0x0], $0xffff  }
0x163: {  	s10 =	sor.u32 s6, s13;
	v11 =	vand.u32 $0xFFFF0000, v11;
	[tilespmem:s7+$0x0] =	vst v58;
	v12 =	vld.idx.msk [tilespmem:v53+s3+$0x0], $0xffff  }
0x164: {  	[tilespmem:s10+$0x0] =	vst v11;
	v59 =	vld.idx.msk [tilespmem:v54+s3+$0x0], $0xffff  }
0x165: {  	v61 =	vor.u32 $0xD000, v1;
	v60 =	vadd.bf16 v13, v10;
	v11 =	vld.idx.msk [tilespmem:v56+s3+$0x0], $0xffff  }
0x166: {  	v62 =	vadd.s32 $0xD400, v0;
	s7 =	sor.u32 $0x13300, s31;
	v63 =	vld.idx.msk [tilespmem:v57+s3+$0x0], $0xffff  }
0x167: {  	v21 =	vor.u32 $0xD000, v7;
	s13 =	sor.u32 $0x13380, s31;
	v20 =	vshll.u32 v60, $0x10;
	s11 =	sor.u32 s30, s7;
	v16 =	vadd.bf16 v16, v17  }
0x168: {  	v22 =	vadd.s32 $0xD400, v6;
	s16 =	sor.u32 s30, s13;
	v9 =	vand.u32 $0xFFFF0000, v60;
	[tilespmem:s11+$0x0] =	vst v20  }
0x169: {  	v24 =	vor.u32 $0xD000, v5;
	s17 =	sor.u32 s14, s7;
	[tilespmem:s16+$0x0] =	vst v9;
	v8 =	vadd.bf16 v59, v12;
	v23 =	vshll.u32 v16, $0x10  }
0x16a: {  	v25 =	vadd.s32 $0xD400, v4;
	s20 =	sor.u32 s14, s13;
	v10 =	vld.idx.msk [tilespmem:v61+s3+$0x0], $0xffff;
	v16 =	vand.u32 $0xFFFF0000, v16;
	[tilespmem:s17+$0x0] =	vst v23  }
0x16b: {  	v27 =	vor.u32 $0xD000, v3;
	s23 =	sor.u32 s12, s7;
	v13 =	vld.idx.msk [tilespmem:v62+s3+$0x0], $0xffff;
	v11 =	vadd.bf16 v63, v11;
	v26 =	vshll.u32 v8, $0x10;
	[tilespmem:s20+$0x0] =	vst v16  }
0x16c: {  	v28 =	vadd.s32 $0xD400, v2;
	s25 =	sor.u32 s12, s13;
	v8 =	vand.u32 $0xFFFF0000, v8;
	[tilespmem:s23+$0x0] =	vst v26;
	v17 =	vld.idx.msk [tilespmem:v21+s3+$0x0], $0xffff  }
0x16d: {  	s7 =	sor.u32 s6, s7;
	v29 =	vshll.u32 v11, $0x10;
	[tilespmem:s25+$0x0] =	vst v8;
	v15 =	vld.idx.msk [tilespmem:v22+s3+$0x0], $0xffff  }
0x16e: {  	s10 =	sor.u32 s6, s13;
	v11 =	vand.u32 $0xFFFF0000, v11;
	[tilespmem:s7+$0x0] =	vst v29;
	v12 =	vld.idx.msk [tilespmem:v24+s3+$0x0], $0xffff  }
0x16f: {  	[tilespmem:s10+$0x0] =	vst v11;
	v30 =	vld.idx.msk [tilespmem:v25+s3+$0x0], $0xffff  }
0x170: {  	v32 =	vor.u32 $0xD800, v1;
	v31 =	vadd.bf16 v13, v10;
	v11 =	vld.idx.msk [tilespmem:v27+s3+$0x0], $0xffff  }
0x171: {  	v33 =	vadd.s32 $0xDC00, v0;
	s7 =	sadd.s32 $0x13400, s31;
	v34 =	vld.idx.msk [tilespmem:v28+s3+$0x0], $0xffff  }
0x172: {  	v36 =	vor.u32 $0xD800, v7;
	s13 =	sadd.s32 $0x13480, s31;
	v35 =	vshll.u32 v31, $0x10;
	s11 =	sor.u32 s30, s7;
	v15 =	vadd.bf16 v15, v17  }
0x173: {  	v37 =	vadd.s32 $0xDC00, v6;
	s16 =	sor.u32 s30, s13;
	v9 =	vand.u32 $0xFFFF0000, v31;
	[tilespmem:s11+$0x0] =	vst v35  }
0x174: {  	v39 =	vor.u32 $0xD800, v5;
	s17 =	sor.u32 s14, s7;
	[tilespmem:s16+$0x0] =	vst v9;
	v8 =	vadd.bf16 v30, v12;
	v38 =	vshll.u32 v15, $0x10  }
0x175: {  	v40 =	vadd.s32 $0xDC00, v4;
	s20 =	sor.u32 s14, s13;
	v10 =	vld.idx.msk [tilespmem:v32+s3+$0x0], $0xffff;
	v15 =	vand.u32 $0xFFFF0000, v15;
	[tilespmem:s17+$0x0] =	vst v38  }
0x176: {  	v42 =	vor.u32 $0xD800, v3;
	s23 =	sor.u32 s12, s7;
	v13 =	vld.idx.msk [tilespmem:v33+s3+$0x0], $0xffff;
	v11 =	vadd.bf16 v34, v11;
	v41 =	vshll.u32 v8, $0x10;
	[tilespmem:s20+$0x0] =	vst v15  }
0x177: {  	v43 =	vadd.s32 $0xDC00, v2;
	s25 =	sor.u32 s12, s13;
	v8 =	vand.u32 $0xFFFF0000, v8;
	[tilespmem:s23+$0x0] =	vst v41;
	v17 =	vld.idx.msk [tilespmem:v36+s3+$0x0], $0xffff  }
0x178: {  	s7 =	sor.u32 s6, s7;
	v44 =	vshll.u32 v11, $0x10;
	[tilespmem:s25+$0x0] =	vst v8;
	v16 =	vld.idx.msk [tilespmem:v37+s3+$0x0], $0xffff  }
0x179: {  	s10 =	sor.u32 s6, s13;
	v11 =	vand.u32 $0xFFFF0000, v11;
	[tilespmem:s7+$0x0] =	vst v44;
	v12 =	vld.idx.msk [tilespmem:v39+s3+$0x0], $0xffff  }
0x17a: {  	[tilespmem:s10+$0x0] =	vst v11;
	v45 =	vld.idx.msk [tilespmem:v40+s3+$0x0], $0xffff  }
0x17b: {  	v47 =	vor.u32 $0xE000, v1;
	v46 =	vadd.bf16 v13, v10;
	v11 =	vld.idx.msk [tilespmem:v42+s3+$0x0], $0xffff  }
0x17c: {  	v48 =	vadd.s32 $0xE400, v0;
	s7 =	sadd.s32 $0x13500, s31;
	v49 =	vld.idx.msk [tilespmem:v43+s3+$0x0], $0xffff  }
0x17d: {  	v51 =	vor.u32 $0xE000, v7;
	s13 =	sadd.s32 $0x13580, s31;
	v50 =	vshll.u32 v46, $0x10;
	s11 =	sor.u32 s30, s7;
	v16 =	vadd.bf16 v16, v17  }
0x17e: {  	v52 =	vadd.s32 $0xE400, v6;
	s16 =	sor.u32 s30, s13;
	v9 =	vand.u32 $0xFFFF0000, v46;
	[tilespmem:s11+$0x0] =	vst v50  }
0x17f: {  	v54 =	vor.u32 $0xE000, v5;
	s17 =	sor.u32 s14, s7;
	[tilespmem:s16+$0x0] =	vst v9;
	v8 =	vadd.bf16 v45, v12;
	v53 =	vshll.u32 v16, $0x10  }
0x180: {  	v55 =	vadd.s32 $0xE400, v4;
	s20 =	sor.u32 s14, s13;
	v10 =	vld.idx.msk [tilespmem:v47+s3+$0x0], $0xffff;
	v16 =	vand.u32 $0xFFFF0000, v16;
	[tilespmem:s17+$0x0] =	vst v53  }
0x181: {  	v57 =	vor.u32 $0xE000, v3;
	s23 =	sor.u32 s12, s7;
	v13 =	vld.idx.msk [tilespmem:v48+s3+$0x0], $0xffff;
	v11 =	vadd.bf16 v49, v11;
	v56 =	vshll.u32 v8, $0x10;
	[tilespmem:s20+$0x0] =	vst v16  }
0x182: {  	v58 =	vadd.s32 $0xE400, v2;
	s25 =	sor.u32 s12, s13;
	v8 =	vand.u32 $0xFFFF0000, v8;
	[tilespmem:s23+$0x0] =	vst v56;
	v17 =	vld.idx.msk [tilespmem:v51+s3+$0x0], $0xffff  }
0x183: {  	s7 =	sor.u32 s6, s7;
	v59 =	vshll.u32 v11, $0x10;
	[tilespmem:s25+$0x0] =	vst v8;
	v15 =	vld.idx.msk [tilespmem:v52+s3+$0x0], $0xffff  }
0x184: {  	s10 =	sor.u32 s6, s13;
	v11 =	vand.u32 $0xFFFF0000, v11;
	[tilespmem:s7+$0x0] =	vst v59;
	v12 =	vld.idx.msk [tilespmem:v54+s3+$0x0], $0xffff  }
0x185: {  	[tilespmem:s10+$0x0] =	vst v11;
	v60 =	vld.idx.msk [tilespmem:v55+s3+$0x0], $0xffff  }
0x186: {  	v62 =	vor.u32 $0xE800, v1;
	v61 =	vadd.bf16 v13, v10;
	v11 =	vld.idx.msk [tilespmem:v57+s3+$0x0], $0xffff  }
0x187: {  	v63 =	vadd.s32 $0xEC00, v0;
	s7 =	sor.u32 $0x13A00, s31;
	v20 =	vld.idx.msk [tilespmem:v58+s3+$0x0], $0xffff  }
0x188: {  	v22 =	vor.u32 $0xE800, v7;
	s13 =	sor.u32 $0x13A80, s31;
	v21 =	vshll.u32 v61, $0x10;
	s11 =	sor.u32 s30, s7;
	v15 =	vadd.bf16 v15, v17  }
0x189: {  	v23 =	vadd.s32 $0xEC00, v6;
	s16 =	sor.u32 s30, s13;
	v9 =	vand.u32 $0xFFFF0000, v61;
	[tilespmem:s11+$0x0] =	vst v21  }
0x18a: {  	v25 =	vor.u32 $0xE800, v5;
	s17 =	sor.u32 s14, s7;
	[tilespmem:s16+$0x0] =	vst v9;
	v8 =	vadd.bf16 v60, v12;
	v24 =	vshll.u32 v15, $0x10  }
0x18b: {  	v26 =	vadd.s32 $0xEC00, v4;
	s20 =	sor.u32 s14, s13;
	v10 =	vld.idx.msk [tilespmem:v62+s3+$0x0], $0xffff;
	v15 =	vand.u32 $0xFFFF0000, v15;
	[tilespmem:s17+$0x0] =	vst v24  }
0x18c: {  	v28 =	vor.u32 $0xE800, v3;
	s23 =	sor.u32 s12, s7;
	v13 =	vld.idx.msk [tilespmem:v63+s3+$0x0], $0xffff;
	v11 =	vadd.bf16 v20, v11;
	v27 =	vshll.u32 v8, $0x10;
	[tilespmem:s20+$0x0] =	vst v15  }
0x18d: {  	v29 =	vadd.s32 $0xEC00, v2;
	s25 =	sor.u32 s12, s13;
	v8 =	vand.u32 $0xFFFF0000, v8;
	[tilespmem:s23+$0x0] =	vst v27;
	v17 =	vld.idx.msk [tilespmem:v22+s3+$0x0], $0xffff  }
0x18e: {  	s7 =	sor.u32 s6, s7;
	v30 =	vshll.u32 v11, $0x10;
	[tilespmem:s25+$0x0] =	vst v8;
	v16 =	vld.idx.msk [tilespmem:v23+s3+$0x0], $0xffff  }
0x18f: {  	s10 =	sor.u32 s6, s13;
	v11 =	vand.u32 $0xFFFF0000, v11;
	[tilespmem:s7+$0x0] =	vst v30;
	v12 =	vld.idx.msk [tilespmem:v25+s3+$0x0], $0xffff  }
0x190: {  	[tilespmem:s10+$0x0] =	vst v11;
	v31 =	vld.idx.msk [tilespmem:v26+s3+$0x0], $0xffff  }
0x191: {  	v33 =	vor.u32 $0xF000, v1;
	v32 =	vadd.bf16 v13, v10;
	v11 =	vld.idx.msk [tilespmem:v28+s3+$0x0], $0xffff  }
0x192: {  	v34 =	vadd.s32 $0xF400, v0;
	s7 =	sor.u32 $0x13B00, s31;
	v35 =	vld.idx.msk [tilespmem:v29+s3+$0x0], $0xffff  }
0x193: {  	v37 =	vor.u32 $0xF000, v7;
	s13 =	sor.u32 $0x13B80, s31;
	v36 =	vshll.u32 v32, $0x10;
	s11 =	sor.u32 s30, s7;
	v16 =	vadd.bf16 v16, v17  }
0x194: {  	v38 =	vadd.s32 $0xF400, v6;
	s16 =	sor.u32 s30, s13;
	v9 =	vand.u32 $0xFFFF0000, v32;
	[tilespmem:s11+$0x0] =	vst v36  }
0x195: {  	v40 =	vor.u32 $0xF000, v5;
	s17 =	sor.u32 s14, s7;
	[tilespmem:s16+$0x0] =	vst v9;
	v8 =	vadd.bf16 v31, v12;
	v39 =	vshll.u32 v16, $0x10  }
0x196: {  	v41 =	vadd.s32 $0xF400, v4;
	s20 =	sor.u32 s14, s13;
	v10 =	vld.idx.msk [tilespmem:v33+s3+$0x0], $0xffff;
	v16 =	vand.u32 $0xFFFF0000, v16;
	[tilespmem:s17+$0x0] =	vst v39  }
0x197: {  	v43 =	vor.u32 $0xF000, v3;
	s23 =	sor.u32 s12, s7;
	v13 =	vld.idx.msk [tilespmem:v34+s3+$0x0], $0xffff;
	v11 =	vadd.bf16 v35, v11;
	v42 =	vshll.u32 v8, $0x10;
	[tilespmem:s20+$0x0] =	vst v16  }
0x198: {  	v44 =	vadd.s32 $0xF400, v2;
	s25 =	sor.u32 s12, s13;
	v8 =	vand.u32 $0xFFFF0000, v8;
	[tilespmem:s23+$0x0] =	vst v42;
	v17 =	vld.idx.msk [tilespmem:v37+s3+$0x0], $0xffff  }
0x199: {  	s7 =	sor.u32 s6, s7;
	v45 =	vshll.u32 v11, $0x10;
	[tilespmem:s25+$0x0] =	vst v8;
	v15 =	vld.idx.msk [tilespmem:v38+s3+$0x0], $0xffff  }
0x19a: {  	s10 =	sor.u32 s6, s13;
	v11 =	vand.u32 $0xFFFF0000, v11;
	[tilespmem:s7+$0x0] =	vst v45;
	v46 =	vld.idx.msk [tilespmem:v40+s3+$0x0], $0xffff  }
0x19b: {  	[tilespmem:s10+$0x0] =	vst v11;
	v9 =	vld.idx.msk [tilespmem:v41+s3+$0x0], $0xffff  }
0x19c: {  	v1 =	vor.u32 $0xF800, v1;
	v10 =	vadd.bf16 v13, v10;
	v11 =	vld.idx.msk [tilespmem:v43+s3+$0x0], $0xffff  }
0x19d: {  	v0 =	vadd.s32 $0xFC00, v0;
	s7 =	sadd.s32 $0x13C00, s31;
	v47 =	vld.idx.msk [tilespmem:v44+s3+$0x0], $0xffff  }
0x19e: {  	v7 =	vor.u32 $0xF800, v7;
	s13 =	sadd.s32 $0x13C80, s31;
	v49 =	vshll.u32 v10, $0x10;
	s11 =	sor.u32 s30, s7;
	v48 =	vadd.bf16 v15, v17  }
0x19f: {  	v6 =	vadd.s32 $0xFC00, v6;
	s16 =	sor.u32 s30, s13;
	v10 =	vand.u32 $0xFFFF0000, v10;
	[tilespmem:s11+$0x0] =	vst v49  }
0x1a0: {  	v5 =	vor.u32 $0xF800, v5;
	s17 =	sor.u32 s14, s7;
	[tilespmem:s16+$0x0] =	vst v10;
	v8 =	vadd.bf16 v9, v46;
	v50 =	vshll.u32 v48, $0x10  }
0x1a1: {  	v4 =	vadd.s32 $0xFC00, v4;
	s20 =	sor.u32 s14, s13;
	v1 =	vld.idx.msk [tilespmem:v1+s3+$0x0], $0xffff;
	v51 =	vand.u32 $0xFFFF0000, v48;
	[tilespmem:s17+$0x0] =	vst v50  }
0x1a2: {  	v3 =	vor.u32 $0xF800, v3;
	s23 =	sor.u32 s12, s7;
	v0 =	vld.idx.msk [tilespmem:v0+s3+$0x0], $0xffff;
	v52 =	vadd.bf16 v47, v11;
	v53 =	vshll.u32 v8, $0x10;
	[tilespmem:s20+$0x0] =	vst v51  }
0x1a3: {  	v2 =	vadd.s32 $0xFC00, v2;
	s25 =	sor.u32 s12, s13;
	v8 =	vand.u32 $0xFFFF0000, v8;
	[tilespmem:s23+$0x0] =	vst v53;
	v7 =	vld.idx.msk [tilespmem:v7+s3+$0x0], $0xffff  }
0x1a4: {  	s7 =	sor.u32 s6, s7;
	v54 =	vshll.u32 v52, $0x10;
	[tilespmem:s25+$0x0] =	vst v8;
	v6 =	vld.idx.msk [tilespmem:v6+s3+$0x0], $0xffff  }
0x1a5: {  	s11 =	sor.u32 s6, s13;
	v55 =	vand.u32 $0xFFFF0000, v52;
	[tilespmem:s7+$0x0] =	vst v54;
	v5 =	vld.idx.msk [tilespmem:v5+s3+$0x0], $0xffff  }
0x1a6: {  	[tilespmem:s11+$0x0] =	vst v55;
	v4 =	vld.idx.msk [tilespmem:v4+s3+$0x0], $0xffff  }
0x1a7: {  	v56 =	vld.idx.msk [tilespmem:v3+s3+$0x0], $0xffff  }
0x1a8: {  	v2 =	vld.idx.msk [tilespmem:v2+s3+$0x0], $0xffff  }
0x1a9: {  	v0 =	vadd.bf16 v0, v1  }
0x1aa: {  	s13 =	sadd.s32 $0x13D00, s31  }
0x1ab: {  	s16 =	sor.u32 s30, s13;
	s17 =	sadd.s32 $0x13D80, s31;
	v58 =	vshll.u32 v0, $0x10;
	v57 =	vadd.bf16 v6, v7  }
0x1ac: {  	v0 =	vand.u32 $0xFFFF0000, v0;
	s20 =	sor.u32 s30, s17;
	[tilespmem:s16+$0x0] =	vst v58;
	v59 =	vadd.bf16 v4, v5  }
0x1ad: {  	s0 =	sadd.s32 $0x4, s0;
	s23 =	sor.u32 s14, s13;
	[tilespmem:s20+$0x0] =	vst v0;
	v1 =	vadd.bf16 v2, v56;
	v60 =	vshll.u32 v57, $0x10  }
0x1ae: {  	p0 =	slt.u32 s0, $0xC;
	s30 =	sor.u32 s12, s13;
	v61 =	vshll.u32 v59, $0x10;
	[tilespmem:s23+$0x0] =	vst v60  }
.Ltmp0:
0x1af: {  	s7 =	sor.u32 s6, s13;
	v62 =	vshll.u32 v1, $0x10;
	[tilespmem:s30+$0x0] =	vst v61;
	(pc) =	sbr.rel @p0 .LBB2_3-.Ltmp0, $4  }
0x1b0: {  	s25 =	sor.u32 s14, s17;
	v3 =	vand.u32 $0xFFFF0000, v57;
	[tilespmem:s7+$0x0] =	vst v62  }
0x1b1: {  	s31 =	sor.u32 s12, s17;
	v0 =	vand.u32 $0xFFFF0000, v59;
	[tilespmem:s25+$0x0] =	vst v3  }
0x1b2: {  	s6 =	sor.u32 s6, s17;
	v63 =	vand.u32 $0xFFFF0000, v1;
	[tilespmem:s31+$0x0] =	vst v0  }
0x1b3: {  	s29 =	sadd.s32 $0x40, s29;
	s1 =	sadd.s32 $0x200, s1;
	[tilespmem:s6+$0x0] =	vst v63  }
0x1b4: {  	s0 =	sshll.u32 s26, $0xC  }
0x1b5: {  	s0 =	sadd.s32 s8, s0  }
0x1b6: {  	s0 =	sshrl.u32 s0, $0x3  }
0x1b7: {  	s1 =	simm.s32 $0x10200;
	p0 =	seq.s32 s26, $0x31;
	s0 =	sadd.s32 s2, s0  }
0x1b8: {  	[hbm4b:s0+s18] =	stream.strided.scatter [tilespmem:s1], [sflag:$0x3], $0x4000, s19, s18, $0x38;
	[tilespmem:$0x18200] =	vst v63  }
0x1b9: {  	s0 =	sshll.u32 @!p0 s26, $0x9  }
0x1ba: {  	_ =	swait.ge [sflag:s21], $0x100;
	s0 =	sadd.s32 @!p0 s0, s9  }
0x1bb: {  	s6 =	simm.s32 @!p0 $0x10000;
	[sflag:s21] =	ssyncset.done $0x0;
	s0 =	sshrl.u32 @!p0 s0, $0x3  }
0x1bc: {  	s1 =	simm.s32 @!p0 $0x0;
	[sflag:s21] =	ssyncadd.s32 $0xFFFFFF00;
	s0 =	sadd.s32 @!p0 s5, s0  }
0x1bd: {  	[tilespmem:s6], [sflag:$0x1] =	stream.linear.gather @!p0 [hbm4b:s0+s1], $0x80, $0x38;
	[tilespmem:$0x18200] =	vst v63  }
0x1be: {  	p1 =	seq.s32 @!p0 s26, $0x0;
	s0 =	sadd.s32 @!p0 $0x10, s0;
	s6 =	simm.s32 @!p0 $0x10100  }
0x1bf: {  	[tilespmem:s6], [sflag:$0x1] =	stream.linear.gather @!p0 [hbm4b:s0+s1], $0x80, $0x38;
	[tilespmem:$0x18200] =	vst v63  }
0x1c0: {  	p0 =	por p0, !p1  }
0x1c1: {  	_ =	swait.ge @p0 [sflag:s24], $0x4000  }
0x1c2: {  	s29 =	simm.s32 $0xFFFFFFFC;
	[sflag:s24] =	ssyncset.done @p0 $0x0  }
0x1c3: {  	s30 =	simm.s32 $0x0;
	s31 =	simm.s32 $0x0;
	[sflag:s24] =	ssyncadd.s32 @p0 $0xFFFFC000  }
.LBB2_5:
0x1c4: {  	s0 =	sand.u32 $0x400, s30  }
0x1c5: {  	s6 =	sshrl.u32 s0, $0x2  }
0x1c6: {  	s1 =	sand.u32 $0x40, s31;
	s20 =	sor.u32 $0x10000, s6  }
0x1c7: {  	s6 =	sor.u32 s1, s20  }
0x1c8: {  	v1 =	vld [tilespmem:s6+$0x80];
	_ =	sdelay $0x4  }
0x1c9: {  	v0 =	vshra.s32 v1, $0xA;
	v1 =	vand.u32 $0x3FF, v1  }
0x1ca: {  	v2 =	vadd.s32 $0x400, v0;
	_ =	sdelay $0x3  }
0x1cb: {  	v3 =	vld.idx.msk [tilespmem:v1+s3+$0x0], $0xffff  }
0x1cc: {  	v2 =	vld.idx.msk [tilespmem:v2+s3+$0x0], $0xffff;
	_ =	sdelay $0x4  }
0x1cd: {  	v51 =	vor.u32 $0x800, v1;
	v2 =	vadd.bf16 v2, v3  }
0x1ce: {  	s16 =	sor.u32 $0x14200, s0;
	v4 =	vadd.s32 $0xC00, v0  }
0x1cf: {  	s17 =	sor.u32 $0x14280, s0;
	s10 =	sor.u32 s1, s16;
	v5 =	vshll.u32 v2, $0x10  }
0x1d0: {  	s11 =	sor.u32 s1, s17;
	v2 =	vand.u32 $0xFFFF0000, v2;
	[tilespmem:s10+$0x0] =	vst v5  }
0x1d1: {  	[tilespmem:s11+$0x0] =	vst v2  }
0x1d2: {  	v2 =	vld.idx.msk [tilespmem:v51+s3+$0x0], $0xffff  }
0x1d3: {  	v52 =	vld.idx.msk [tilespmem:v4+s3+$0x0], $0xffff;
	_ =	sdelay $0x4  }
0x1d4: {  	v53 =	vor.u32 $0x1000, v1;
	v2 =	vadd.bf16 v52, v2  }
0x1d5: {  	s23 =	sor.u32 $0x14300, s0;
	v54 =	vadd.s32 $0x1400, v0  }
0x1d6: {  	s25 =	sor.u32 $0x14380, s0;
	s12 =	sor.u32 s1, s23;
	v55 =	vshll.u32 v2, $0x10  }
0x1d7: {  	s13 =	sor.u32 s1, s25;
	v2 =	vand.u32 $0xFFFF0000, v2;
	[tilespmem:s12+$0x0] =	vst v55  }
0x1d8: {  	[tilespmem:s13+$0x0] =	vst v2  }
0x1d9: {  	v2 =	vld.idx.msk [tilespmem:v53+s3+$0x0], $0xffff  }
0x1da: {  	v56 =	vld.idx.msk [tilespmem:v54+s3+$0x0], $0xffff;
	_ =	sdelay $0x4  }
0x1db: {  	v57 =	vor.u32 $0x1800, v1;
	v2 =	vadd.bf16 v56, v2  }
0x1dc: {  	s7 =	sadd.s32 $0x14400, s0;
	v58 =	vadd.s32 $0x1C00, v0  }
0x1dd: {  	s14 =	sor.u32 s1, s7;
	s11 =	sadd.s32 $0x14480, s0;
	v59 =	vshll.u32 v2, $0x10  }
0x1de: {  	s10 =	sor.u32 s1, s11;
	v2 =	vand.u32 $0xFFFF0000, v2;
	[tilespmem:s14+$0x0] =	vst v59  }
0x1df: {  	[tilespmem:s10+$0x0] =	vst v2  }
0x1e0: {  	v2 =	vld.idx.msk [tilespmem:v57+s3+$0x0], $0xffff  }
0x1e1: {  	v60 =	vld.idx.msk [tilespmem:v58+s3+$0x0], $0xffff;
	_ =	sdelay $0x4  }
0x1e2: {  	v2 =	vadd.bf16 v60, v2  }
0x1e3: {  	s13 =	sadd.s32 $0x14500, s0  }
0x1e4: {  	s12 =	sor.u32 s1, s13;
	s10 =	sadd.s32 $0x14580, s0;
	v3 =	vshll.u32 v2, $0x10  }
0x1e5: {  	s6 =	sor.u32 $0x10, s1;
	v2 =	vand.u32 $0xFFFF0000, v2;
	[tilespmem:s12+$0x0] =	vst v3;
	s12 =	sor.u32 s1, s10  }
0x1e6: {  	s14 =	sor.u32 s6, s20;
	[tilespmem:s12+$0x0] =	vst v2  }
0x1e7: {  	v2 =	vld [tilespmem:s14+$0x80];
	s14 =	sor.u32 $0x20, s1  }
0x1e8: {  	s12 =	sor.u32 s14, s20  }
0x1e9: {  	v61 =	vld [tilespmem:s12+$0x80];
	s12 =	sor.u32 $0x30, s1  }
0x1ea: {  	s20 =	sor.u32 s12, s20  }
0x1eb: {  	v8 =	vld [tilespmem:s20+$0x80]  }
0x1ec: {  	v6 =	vshra.s32 v2, $0xA;
	v7 =	vand.u32 $0x3FF, v2  }
0x1ed: {  	v9 =	vadd.s32 $0x400, v6  }
0x1ee: {  	v4 =	vshra.s32 v61, $0xA;
	v5 =	vand.u32 $0x3FF, v61  }
0x1ef: {  	v10 =	vadd.s32 $0x400, v4  }
0x1f0: {  	v2 =	vshra.s32 v8, $0xA;
	v3 =	vand.u32 $0x3FF, v8  }
0x1f1: {  	v62 =	vld.idx.msk [tilespmem:v7+s3+$0x0], $0xffff;
	v11 =	vadd.s32 $0x400, v2  }
0x1f2: {  	v9 =	vld.idx.msk [tilespmem:v9+s3+$0x0], $0xffff  }
0x1f3: {  	v12 =	vld.idx.msk [tilespmem:v5+s3+$0x0], $0xffff  }
0x1f4: {  	v10 =	vld.idx.msk [tilespmem:v10+s3+$0x0], $0xffff  }
0x1f5: {  	v13 =	vld.idx.msk [tilespmem:v3+s3+$0x0], $0xffff  }
0x1f6: {  	v11 =	vld.idx.msk [tilespmem:v11+s3+$0x0], $0xffff  }
0x1f7: {  	v63 =	vor.u32 $0x800, v7;
	v8 =	vadd.bf16 v9, v62  }
0x1f8: {  	v14 =	vadd.s32 $0xC00, v6  }
0x1f9: {  	s20 =	sor.u32 s6, s16;
	v18 =	vor.u32 $0x800, v5;
	v15 =	vshll.u32 v8, $0x10;
	v10 =	vadd.bf16 v10, v12  }
0x1fa: {  	v19 =	vadd.s32 $0xC00, v4;
	v8 =	vand.u32 $0xFFFF0000, v8;
	[tilespmem:s20+$0x0] =	vst v15;
	s20 =	sor.u32 s6, s17  }
0x1fb: {  	v21 =	vor.u32 $0x800, v3;
	[tilespmem:s20+$0x0] =	vst v8;
	v20 =	vshll.u32 v10, $0x10;
	s20 =	sor.u32 s14, s16;
	v11 =	vadd.bf16 v11, v13  }
0x1fc: {  	v22 =	vadd.s32 $0xC00, v2;
	v10 =	vand.u32 $0xFFFF0000, v10;
	v9 =	vld.idx.msk [tilespmem:v63+s3+$0x0], $0xffff;
	[tilespmem:s20+$0x0] =	vst v20;
	s20 =	sor.u32 s14, s17  }
0x1fd: {  	s16 =	sor.u32 s12, s16;
	v23 =	vld.idx.msk [tilespmem:v14+s3+$0x0], $0xffff;
	[tilespmem:s20+$0x0] =	vst v10;
	v24 =	vshll.u32 v11, $0x10  }
0x1fe: {  	v11 =	vand.u32 $0xFFFF0000, v11;
	s20 =	sor.u32 s12, s17;
	[tilespmem:s16+$0x0] =	vst v24;
	v12 =	vld.idx.msk [tilespmem:v18+s3+$0x0], $0xffff  }
0x1ff: {  	v25 =	vld.idx.msk [tilespmem:v19+s3+$0x0], $0xffff;
	[tilespmem:s20+$0x0] =	vst v11  }
0x200: {  	v11 =	vld.idx.msk [tilespmem:v21+s3+$0x0], $0xffff  }
0x201: {  	v8 =	vld.idx.msk [tilespmem:v22+s3+$0x0], $0xffff  }
0x202: {  	v26 =	vor.u32 $0x1000, v7;
	v9 =	vadd.bf16 v23, v9  }
0x203: {  	v27 =	vadd.s32 $0x1400, v6  }
0x204: {  	v29 =	vor.u32 $0x1000, v5;
	s17 =	sor.u32 s6, s23;
	v28 =	vshll.u32 v9, $0x10;
	v12 =	vadd.bf16 v25, v12  }
0x205: {  	v30 =	vadd.s32 $0x1400, v4;
	s20 =	sor.u32 s6, s25;
	v9 =	vand.u32 $0xFFFF0000, v9;
	[tilespmem:s17+$0x0] =	vst v28  }
0x206: {  	v32 =	vor.u32 $0x1000, v3;
	s17 =	sor.u32 s14, s23;
	[tilespmem:s20+$0x0] =	vst v9;
	v31 =	vshll.u32 v12, $0x10;
	v8 =	vadd.bf16 v8, v11  }
0x207: {  	v33 =	vadd.s32 $0x1400, v2;
	v12 =	vand.u32 $0xFFFF0000, v12;
	s20 =	sor.u32 s14, s25;
	v10 =	vld.idx.msk [tilespmem:v26+s3+$0x0], $0xffff;
	[tilespmem:s17+$0x0] =	vst v31  }
0x208: {  	s23 =	sor.u32 s12, s23;
	v34 =	vld.idx.msk [tilespmem:v27+s3+$0x0], $0xffff;
	[tilespmem:s20+$0x0] =	vst v12;
	v35 =	vshll.u32 v8, $0x10  }
0x209: {  	s25 =	sor.u32 s12, s25;
	v8 =	vand.u32 $0xFFFF0000, v8;
	[tilespmem:s23+$0x0] =	vst v35;
	v36 =	vld.idx.msk [tilespmem:v29+s3+$0x0], $0xffff  }
0x20a: {  	v37 =	vld.idx.msk [tilespmem:v30+s3+$0x0], $0xffff;
	[tilespmem:s25+$0x0] =	vst v8  }
0x20b: {  	v8 =	vld.idx.msk [tilespmem:v32+s3+$0x0], $0xffff  }
0x20c: {  	v9 =	vld.idx.msk [tilespmem:v33+s3+$0x0], $0xffff  }
0x20d: {  	v38 =	vor.u32 $0x1800, v7;
	v10 =	vadd.bf16 v34, v10  }
0x20e: {  	v39 =	vadd.s32 $0x1C00, v6  }
0x20f: {  	v41 =	vor.u32 $0x1800, v5;
	s17 =	sor.u32 s6, s7;
	v40 =	vshll.u32 v10, $0x10;
	v13 =	vadd.bf16 v37, v36  }
0x210: {  	v42 =	vadd.s32 $0x1C00, v4;
	s20 =	sor.u32 s6, s11;
	v10 =	vand.u32 $0xFFFF0000, v10;
	[tilespmem:s17+$0x0] =	vst v40  }
0x211: {  	v44 =	vor.u32 $0x1800, v3;
	s23 =	sor.u32 s14, s7;
	[tilespmem:s20+$0x0] =	vst v10;
	v43 =	vshll.u32 v13, $0x10;
	v8 =	vadd.bf16 v9, v8  }
0x212: {  	v45 =	vadd.s32 $0x1C00, v2;
	s25 =	sor.u32 s14, s11;
	v13 =	vand.u32 $0xFFFF0000, v13;
	v11 =	vld.idx.msk [tilespmem:v38+s3+$0x0], $0xffff;
	[tilespmem:s23+$0x0] =	vst v43  }
0x213: {  	s7 =	sor.u32 s12, s7;
	v12 =	vld.idx.msk [tilespmem:v39+s3+$0x0], $0xffff;
	[tilespmem:s25+$0x0] =	vst v13;
	v46 =	vshll.u32 v8, $0x10  }
0x214: {  	s11 =	sor.u32 s12, s11;
	v8 =	vand.u32 $0xFFFF0000, v8;
	[tilespmem:s7+$0x0] =	vst v46;
	v47 =	vld.idx.msk [tilespmem:v41+s3+$0x0], $0xffff  }
0x215: {  	v48 =	vld.idx.msk [tilespmem:v42+s3+$0x0], $0xffff;
	[tilespmem:s11+$0x0] =	vst v8  }
0x216: {  	v50 =	vadd.s32 $0x2400, v0;
	v9 =	vld.idx.msk [tilespmem:v44+s3+$0x0], $0xffff  }
0x217: {  	v49 =	vor.u32 $0x2000, v1;
	v10 =	vld.idx.msk [tilespmem:v45+s3+$0x0], $0xffff  }
0x218: {  	v51 =	vor.u32 $0x2000, v7;
	v11 =	vadd.bf16 v12, v11  }
0x219: {  	v16 =	vadd.s32 $0x2400, v6  }
0x21a: {  	v52 =	vor.u32 $0x2000, v5;
	s16 =	sor.u32 s6, s13;
	v17 =	vshll.u32 v11, $0x10;
	v13 =	vadd.bf16 v48, v47  }
0x21b: {  	v53 =	vadd.s32 $0x2400, v4;
	v15 =	vld.idx.msk [tilespmem:v50+s3+$0x0], $0xffff;
	s17 =	sor.u32 s6, s10;
	v11 =	vand.u32 $0xFFFF0000, v11;
	[tilespmem:s16+$0x0] =	vst v17  }
0x21c: {  	v55 =	vor.u32 $0x2000, v3;
	s20 =	sor.u32 s14, s13;
	v8 =	vld.idx.msk [tilespmem:v49+s3+$0x0], $0xffff;
	[tilespmem:s17+$0x0] =	vst v11;
	v54 =	vshll.u32 v13, $0x10;
	v9 =	vadd.bf16 v10, v9  }
0x21d: {  	v56 =	vadd.s32 $0x2400, v2;
	s23 =	sor.u32 s14, s10;
	v13 =	vand.u32 $0xFFFF0000, v13;
	v12 =	vld.idx.msk [tilespmem:v51+s3+$0x0], $0xffff;
	[tilespmem:s20+$0x0] =	vst v54  }
0x21e: {  	s25 =	sor.u32 s12, s13;
	v16 =	vld.idx.msk [tilespmem:v16+s3+$0x0], $0xffff;
	[tilespmem:s23+$0x0] =	vst v13;
	v57 =	vshll.u32 v9, $0x10  }
0x21f: {  	s10 =	sor.u32 s12, s10;
	v9 =	vand.u32 $0xFFFF0000, v9;
	v14 =	vld.idx.msk [tilespmem:v52+s3+$0x0], $0xffff;
	[tilespmem:s25+$0x0] =	vst v57  }
0x220: {  	v58 =	vld.idx.msk [tilespmem:v53+s3+$0x0], $0xffff;
	[tilespmem:s10+$0x0] =	vst v9  }
0x221: {  	v59 =	vor.u32 $0x2800, v1;
	v8 =	vadd.bf16 v15, v8;
	v10 =	vld.idx.msk [tilespmem:v55+s3+$0x0], $0xffff  }
0x222: {  	v60 =	vadd.s32 $0x2C00, v0;
	s7 =	sor.u32 $0x14A00, s0;
	v11 =	vld.idx.msk [tilespmem:v56+s3+$0x0], $0xffff  }
0x223: {  	v62 =	vor.u32 $0x2800, v7;
	s13 =	sor.u32 $0x14A80, s0;
	s11 =	sor.u32 s1, s7;
	v61 =	vshll.u32 v8, $0x10;
	v12 =	vadd.bf16 v16, v12  }
0x224: {  	v63 =	vadd.s32 $0x2C00, v6;
	s16 =	sor.u32 s1, s13;
	v8 =	vand.u32 $0xFFFF0000, v8;
	[tilespmem:s11+$0x0] =	vst v61  }
0x225: {  	v21 =	vor.u32 $0x2800, v5;
	s17 =	sor.u32 s6, s7;
	[tilespmem:s16+$0x0] =	vst v8;
	v20 =	vshll.u32 v12, $0x10;
	v13 =	vadd.bf16 v58, v14  }
0x226: {  	v22 =	vadd.s32 $0x2C00, v4;
	s20 =	sor.u32 s6, s13;
	v9 =	vld.idx.msk [tilespmem:v59+s3+$0x0], $0xffff;
	v12 =	vand.u32 $0xFFFF0000, v12;
	[tilespmem:s17+$0x0] =	vst v20  }
0x227: {  	v24 =	vor.u32 $0x2800, v3;
	s23 =	sor.u32 s14, s7;
	v15 =	vld.idx.msk [tilespmem:v60+s3+$0x0], $0xffff;
	[tilespmem:s20+$0x0] =	vst v12;
	v23 =	vshll.u32 v13, $0x10;
	v10 =	vadd.bf16 v11, v10  }
0x228: {  	v25 =	vadd.s32 $0x2C00, v2;
	s25 =	sor.u32 s14, s13;
	v13 =	vand.u32 $0xFFFF0000, v13;
	v16 =	vld.idx.msk [tilespmem:v62+s3+$0x0], $0xffff;
	[tilespmem:s23+$0x0] =	vst v23  }
0x229: {  	s7 =	sor.u32 s12, s7;
	v17 =	vld.idx.msk [tilespmem:v63+s3+$0x0], $0xffff;
	[tilespmem:s25+$0x0] =	vst v13;
	v26 =	vshll.u32 v10, $0x10  }
0x22a: {  	s10 =	sor.u32 s12, s13;
	v10 =	vand.u32 $0xFFFF0000, v10;
	v14 =	vld.idx.msk [tilespmem:v21+s3+$0x0], $0xffff;
	[tilespmem:s7+$0x0] =	vst v26  }
0x22b: {  	v8 =	vld.idx.msk [tilespmem:v22+s3+$0x0], $0xffff;
	[tilespmem:s10+$0x0] =	vst v10  }
0x22c: {  	v27 =	vor.u32 $0x3000, v1;
	v9 =	vadd.bf16 v15, v9;
	v11 =	vld.idx.msk [tilespmem:v24+s3+$0x0], $0xffff  }
0x22d: {  	v28 =	vadd.s32 $0x3400, v0;
	s7 =	sor.u32 $0x14B00, s0;
	v12 =	vld.idx.msk [tilespmem:v25+s3+$0x0], $0xffff  }
0x22e: {  	v29 =	vor.u32 $0x3000, v7;
	s13 =	sor.u32 $0x14B80, s0;
	v15 =	vshll.u32 v9, $0x10;
	s11 =	sor.u32 s1, s7;
	v16 =	vadd.bf16 v17, v16  }
0x22f: {  	v30 =	vadd.s32 $0x3400, v6;
	s16 =	sor.u32 s1, s13;
	v9 =	vand.u32 $0xFFFF0000, v9;
	[tilespmem:s11+$0x0] =	vst v15  }
0x230: {  	v32 =	vor.u32 $0x3000, v5;
	s17 =	sor.u32 s6, s7;
	[tilespmem:s16+$0x0] =	vst v9;
	v31 =	vshll.u32 v16, $0x10;
	v8 =	vadd.bf16 v8, v14  }
0x231: {  	v33 =	vadd.s32 $0x3400, v4;
	s20 =	sor.u32 s6, s13;
	v10 =	vld.idx.msk [tilespmem:v27+s3+$0x0], $0xffff;
	v16 =	vand.u32 $0xFFFF0000, v16;
	[tilespmem:s17+$0x0] =	vst v31  }
0x232: {  	v35 =	vor.u32 $0x3000, v3;
	s23 =	sor.u32 s14, s7;
	v13 =	vld.idx.msk [tilespmem:v28+s3+$0x0], $0xffff;
	[tilespmem:s20+$0x0] =	vst v16;
	v34 =	vshll.u32 v8, $0x10;
	v11 =	vadd.bf16 v12, v11  }
0x233: {  	v36 =	vadd.s32 $0x3400, v2;
	s25 =	sor.u32 s14, s13;
	v8 =	vand.u32 $0xFFFF0000, v8;
	v17 =	vld.idx.msk [tilespmem:v29+s3+$0x0], $0xffff;
	[tilespmem:s23+$0x0] =	vst v34  }
0x234: {  	s7 =	sor.u32 s12, s7;
	v15 =	vld.idx.msk [tilespmem:v30+s3+$0x0], $0xffff;
	[tilespmem:s25+$0x0] =	vst v8;
	v37 =	vshll.u32 v11, $0x10  }
0x235: {  	s10 =	sor.u32 s12, s13;
	v11 =	vand.u32 $0xFFFF0000, v11;
	v14 =	vld.idx.msk [tilespmem:v32+s3+$0x0], $0xffff;
	[tilespmem:s7+$0x0] =	vst v37  }
0x236: {  	v38 =	vld.idx.msk [tilespmem:v33+s3+$0x0], $0xffff;
	[tilespmem:s10+$0x0] =	vst v11  }
0x237: {  	v40 =	vor.u32 $0x3800, v1;
	v39 =	vadd.bf16 v13, v10;
	v11 =	vld.idx.msk [tilespmem:v35+s3+$0x0], $0xffff  }
0x238: {  	v41 =	vadd.s32 $0x3C00, v0;
	s7 =	sadd.s32 $0x14C00, s0;
	v42 =	vld.idx.msk [tilespmem:v36+s3+$0x0], $0xffff  }
0x239: {  	v44 =	vor.u32 $0x3800, v7;
	s13 =	sadd.s32 $0x14C80, s0;
	v43 =	vshll.u32 v39, $0x10;
	s11 =	sor.u32 s1, s7;
	v15 =	vadd.bf16 v15, v17  }
0x23a: {  	v45 =	vadd.s32 $0x3C00, v6;
	s16 =	sor.u32 s1, s13;
	v9 =	vand.u32 $0xFFFF0000, v39;
	[tilespmem:s11+$0x0] =	vst v43  }
0x23b: {  	v47 =	vor.u32 $0x3800, v5;
	s17 =	sor.u32 s6, s7;
	[tilespmem:s16+$0x0] =	vst v9;
	v46 =	vshll.u32 v15, $0x10;
	v8 =	vadd.bf16 v38, v14  }
0x23c: {  	v48 =	vadd.s32 $0x3C00, v4;
	s20 =	sor.u32 s6, s13;
	v10 =	vld.idx.msk [tilespmem:v40+s3+$0x0], $0xffff;
	v15 =	vand.u32 $0xFFFF0000, v15;
	[tilespmem:s17+$0x0] =	vst v46  }
0x23d: {  	v50 =	vor.u32 $0x3800, v3;
	s23 =	sor.u32 s14, s7;
	v12 =	vld.idx.msk [tilespmem:v41+s3+$0x0], $0xffff;
	[tilespmem:s20+$0x0] =	vst v15;
	v49 =	vshll.u32 v8, $0x10;
	v11 =	vadd.bf16 v42, v11  }
0x23e: {  	v51 =	vadd.s32 $0x3C00, v2;
	s25 =	sor.u32 s14, s13;
	v8 =	vand.u32 $0xFFFF0000, v8;
	v17 =	vld.idx.msk [tilespmem:v44+s3+$0x0], $0xffff;
	[tilespmem:s23+$0x0] =	vst v49  }
0x23f: {  	s7 =	sor.u32 s12, s7;
	v16 =	vld.idx.msk [tilespmem:v45+s3+$0x0], $0xffff;
	[tilespmem:s25+$0x0] =	vst v8;
	v52 =	vshll.u32 v11, $0x10  }
0x240: {  	s10 =	sor.u32 s12, s13;
	v11 =	vand.u32 $0xFFFF0000, v11;
	v14 =	vld.idx.msk [tilespmem:v47+s3+$0x0], $0xffff;
	[tilespmem:s7+$0x0] =	vst v52  }
0x241: {  	v53 =	vld.idx.msk [tilespmem:v48+s3+$0x0], $0xffff;
	[tilespmem:s10+$0x0] =	vst v11  }
0x242: {  	v55 =	vor.u32 $0x4000, v1;
	v54 =	vadd.bf16 v12, v10;
	v11 =	vld.idx.msk [tilespmem:v50+s3+$0x0], $0xffff  }
0x243: {  	v56 =	vadd.s32 $0x4400, v0;
	s7 =	sadd.s32 $0x14D00, s0;
	v57 =	vld.idx.msk [tilespmem:v51+s3+$0x0], $0xffff  }
0x244: {  	v59 =	vor.u32 $0x4000, v7;
	s13 =	sadd.s32 $0x14D80, s0;
	v58 =	vshll.u32 v54, $0x10;
	s11 =	sor.u32 s1, s7;
	v16 =	vadd.bf16 v16, v17  }
0x245: {  	v60 =	vadd.s32 $0x4400, v6;
	s16 =	sor.u32 s1, s13;
	v9 =	vand.u32 $0xFFFF0000, v54;
	[tilespmem:s11+$0x0] =	vst v58  }
0x246: {  	v62 =	vor.u32 $0x4000, v5;
	s17 =	sor.u32 s6, s7;
	[tilespmem:s16+$0x0] =	vst v9;
	v61 =	vshll.u32 v16, $0x10;
	v8 =	vadd.bf16 v53, v14  }
0x247: {  	v63 =	vadd.s32 $0x4400, v4;
	s20 =	sor.u32 s6, s13;
	v10 =	vld.idx.msk [tilespmem:v55+s3+$0x0], $0xffff;
	v16 =	vand.u32 $0xFFFF0000, v16;
	[tilespmem:s17+$0x0] =	vst v61  }
0x248: {  	v21 =	vor.u32 $0x4000, v3;
	s23 =	sor.u32 s14, s7;
	v12 =	vld.idx.msk [tilespmem:v56+s3+$0x0], $0xffff;
	[tilespmem:s20+$0x0] =	vst v16;
	v20 =	vshll.u32 v8, $0x10;
	v11 =	vadd.bf16 v57, v11  }
0x249: {  	v22 =	vadd.s32 $0x4400, v2;
	s25 =	sor.u32 s14, s13;
	v8 =	vand.u32 $0xFFFF0000, v8;
	v17 =	vld.idx.msk [tilespmem:v59+s3+$0x0], $0xffff;
	[tilespmem:s23+$0x0] =	vst v20  }
0x24a: {  	s7 =	sor.u32 s12, s7;
	v15 =	vld.idx.msk [tilespmem:v60+s3+$0x0], $0xffff;
	[tilespmem:s25+$0x0] =	vst v8;
	v23 =	vshll.u32 v11, $0x10  }
0x24b: {  	s10 =	sor.u32 s12, s13;
	v11 =	vand.u32 $0xFFFF0000, v11;
	v14 =	vld.idx.msk [tilespmem:v62+s3+$0x0], $0xffff;
	[tilespmem:s7+$0x0] =	vst v23  }
0x24c: {  	v24 =	vld.idx.msk [tilespmem:v63+s3+$0x0], $0xffff;
	[tilespmem:s10+$0x0] =	vst v11  }
0x24d: {  	v26 =	vor.u32 $0x4800, v1;
	v25 =	vadd.bf16 v12, v10;
	v11 =	vld.idx.msk [tilespmem:v21+s3+$0x0], $0xffff  }
0x24e: {  	v27 =	vadd.s32 $0x4C00, v0;
	s7 =	sor.u32 $0x15200, s0;
	v28 =	vld.idx.msk [tilespmem:v22+s3+$0x0], $0xffff  }
0x24f: {  	v30 =	vor.u32 $0x4800, v7;
	s13 =	sor.u32 $0x15280, s0;
	v29 =	vshll.u32 v25, $0x10;
	s11 =	sor.u32 s1, s7;
	v15 =	vadd.bf16 v15, v17  }
0x250: {  	v31 =	vadd.s32 $0x4C00, v6;
	s16 =	sor.u32 s1, s13;
	v9 =	vand.u32 $0xFFFF0000, v25;
	[tilespmem:s11+$0x0] =	vst v29  }
0x251: {  	v33 =	vor.u32 $0x4800, v5;
	s17 =	sor.u32 s6, s7;
	[tilespmem:s16+$0x0] =	vst v9;
	v32 =	vshll.u32 v15, $0x10;
	v8 =	vadd.bf16 v24, v14  }
0x252: {  	v34 =	vadd.s32 $0x4C00, v4;
	s20 =	sor.u32 s6, s13;
	v10 =	vld.idx.msk [tilespmem:v26+s3+$0x0], $0xffff;
	v15 =	vand.u32 $0xFFFF0000, v15;
	[tilespmem:s17+$0x0] =	vst v32  }
0x253: {  	v36 =	vor.u32 $0x4800, v3;
	s23 =	sor.u32 s14, s7;
	v12 =	vld.idx.msk [tilespmem:v27+s3+$0x0], $0xffff;
	[tilespmem:s20+$0x0] =	vst v15;
	v35 =	vshll.u32 v8, $0x10;
	v11 =	vadd.bf16 v28, v11  }
0x254: {  	v37 =	vadd.s32 $0x4C00, v2;
	s25 =	sor.u32 s14, s13;
	v8 =	vand.u32 $0xFFFF0000, v8;
	v17 =	vld.idx.msk [tilespmem:v30+s3+$0x0], $0xffff;
	[tilespmem:s23+$0x0] =	vst v35  }
0x255: {  	s7 =	sor.u32 s12, s7;
	v16 =	vld.idx.msk [tilespmem:v31+s3+$0x0], $0xffff;
	[tilespmem:s25+$0x0] =	vst v8;
	v38 =	vshll.u32 v11, $0x10  }
0x256: {  	s10 =	sor.u32 s12, s13;
	v11 =	vand.u32 $0xFFFF0000, v11;
	v14 =	vld.idx.msk [tilespmem:v33+s3+$0x0], $0xffff;
	[tilespmem:s7+$0x0] =	vst v38  }
0x257: {  	v39 =	vld.idx.msk [tilespmem:v34+s3+$0x0], $0xffff;
	[tilespmem:s10+$0x0] =	vst v11  }
0x258: {  	v41 =	vor.u32 $0x5000, v1;
	v40 =	vadd.bf16 v12, v10;
	v11 =	vld.idx.msk [tilespmem:v36+s3+$0x0], $0xffff  }
0x259: {  	v42 =	vadd.s32 $0x5400, v0;
	s7 =	sor.u32 $0x15300, s0;
	v43 =	vld.idx.msk [tilespmem:v37+s3+$0x0], $0xffff  }
0x25a: {  	v45 =	vor.u32 $0x5000, v7;
	s13 =	sor.u32 $0x15380, s0;
	v44 =	vshll.u32 v40, $0x10;
	s11 =	sor.u32 s1, s7;
	v16 =	vadd.bf16 v16, v17  }
0x25b: {  	v46 =	vadd.s32 $0x5400, v6;
	s16 =	sor.u32 s1, s13;
	v9 =	vand.u32 $0xFFFF0000, v40;
	[tilespmem:s11+$0x0] =	vst v44  }
0x25c: {  	v48 =	vor.u32 $0x5000, v5;
	s17 =	sor.u32 s6, s7;
	[tilespmem:s16+$0x0] =	vst v9;
	v47 =	vshll.u32 v16, $0x10;
	v8 =	vadd.bf16 v39, v14  }
0x25d: {  	v49 =	vadd.s32 $0x5400, v4;
	s20 =	sor.u32 s6, s13;
	v10 =	vld.idx.msk [tilespmem:v41+s3+$0x0], $0xffff;
	v16 =	vand.u32 $0xFFFF0000, v16;
	[tilespmem:s17+$0x0] =	vst v47  }
0x25e: {  	v51 =	vor.u32 $0x5000, v3;
	s23 =	sor.u32 s14, s7;
	v12 =	vld.idx.msk [tilespmem:v42+s3+$0x0], $0xffff;
	[tilespmem:s20+$0x0] =	vst v16;
	v50 =	vshll.u32 v8, $0x10;
	v11 =	vadd.bf16 v43, v11  }
0x25f: {  	v52 =	vadd.s32 $0x5400, v2;
	s25 =	sor.u32 s14, s13;
	v8 =	vand.u32 $0xFFFF0000, v8;
	v17 =	vld.idx.msk [tilespmem:v45+s3+$0x0], $0xffff;
	[tilespmem:s23+$0x0] =	vst v50  }
0x260: {  	s7 =	sor.u32 s12, s7;
	v15 =	vld.idx.msk [tilespmem:v46+s3+$0x0], $0xffff;
	[tilespmem:s25+$0x0] =	vst v8;
	v53 =	vshll.u32 v11, $0x10  }
0x261: {  	s10 =	sor.u32 s12, s13;
	v11 =	vand.u32 $0xFFFF0000, v11;
	v14 =	vld.idx.msk [tilespmem:v48+s3+$0x0], $0xffff;
	[tilespmem:s7+$0x0] =	vst v53  }
0x262: {  	v54 =	vld.idx.msk [tilespmem:v49+s3+$0x0], $0xffff;
	[tilespmem:s10+$0x0] =	vst v11  }
0x263: {  	v56 =	vor.u32 $0x5800, v1;
	v55 =	vadd.bf16 v12, v10;
	v11 =	vld.idx.msk [tilespmem:v51+s3+$0x0], $0xffff  }
0x264: {  	v57 =	vadd.s32 $0x5C00, v0;
	s7 =	sadd.s32 $0x15400, s0;
	v58 =	vld.idx.msk [tilespmem:v52+s3+$0x0], $0xffff  }
0x265: {  	v60 =	vor.u32 $0x5800, v7;
	s13 =	sadd.s32 $0x15480, s0;
	v59 =	vshll.u32 v55, $0x10;
	s11 =	sor.u32 s1, s7;
	v15 =	vadd.bf16 v15, v17  }
0x266: {  	v61 =	vadd.s32 $0x5C00, v6;
	s16 =	sor.u32 s1, s13;
	v9 =	vand.u32 $0xFFFF0000, v55;
	[tilespmem:s11+$0x0] =	vst v59  }
0x267: {  	v63 =	vor.u32 $0x5800, v5;
	s17 =	sor.u32 s6, s7;
	[tilespmem:s16+$0x0] =	vst v9;
	v62 =	vshll.u32 v15, $0x10;
	v8 =	vadd.bf16 v54, v14  }
0x268: {  	v20 =	vadd.s32 $0x5C00, v4;
	s20 =	sor.u32 s6, s13;
	v10 =	vld.idx.msk [tilespmem:v56+s3+$0x0], $0xffff;
	v15 =	vand.u32 $0xFFFF0000, v15;
	[tilespmem:s17+$0x0] =	vst v62  }
0x269: {  	v22 =	vor.u32 $0x5800, v3;
	s23 =	sor.u32 s14, s7;
	v12 =	vld.idx.msk [tilespmem:v57+s3+$0x0], $0xffff;
	[tilespmem:s20+$0x0] =	vst v15;
	v21 =	vshll.u32 v8, $0x10;
	v11 =	vadd.bf16 v58, v11  }
0x26a: {  	v23 =	vadd.s32 $0x5C00, v2;
	s25 =	sor.u32 s14, s13;
	v8 =	vand.u32 $0xFFFF0000, v8;
	v17 =	vld.idx.msk [tilespmem:v60+s3+$0x0], $0xffff;
	[tilespmem:s23+$0x0] =	vst v21  }
0x26b: {  	s7 =	sor.u32 s12, s7;
	v16 =	vld.idx.msk [tilespmem:v61+s3+$0x0], $0xffff;
	[tilespmem:s25+$0x0] =	vst v8;
	v24 =	vshll.u32 v11, $0x10  }
0x26c: {  	s10 =	sor.u32 s12, s13;
	v11 =	vand.u32 $0xFFFF0000, v11;
	v14 =	vld.idx.msk [tilespmem:v63+s3+$0x0], $0xffff;
	[tilespmem:s7+$0x0] =	vst v24  }
0x26d: {  	v25 =	vld.idx.msk [tilespmem:v20+s3+$0x0], $0xffff;
	[tilespmem:s10+$0x0] =	vst v11  }
0x26e: {  	v27 =	vor.u32 $0x6000, v1;
	v26 =	vadd.bf16 v12, v10;
	v11 =	vld.idx.msk [tilespmem:v22+s3+$0x0], $0xffff  }
0x26f: {  	v28 =	vadd.s32 $0x6400, v0;
	s7 =	sadd.s32 $0x15500, s0;
	v29 =	vld.idx.msk [tilespmem:v23+s3+$0x0], $0xffff  }
0x270: {  	v31 =	vor.u32 $0x6000, v7;
	s13 =	sadd.s32 $0x15580, s0;
	v30 =	vshll.u32 v26, $0x10;
	s11 =	sor.u32 s1, s7;
	v16 =	vadd.bf16 v16, v17  }
0x271: {  	v32 =	vadd.s32 $0x6400, v6;
	s16 =	sor.u32 s1, s13;
	v9 =	vand.u32 $0xFFFF0000, v26;
	[tilespmem:s11+$0x0] =	vst v30  }
0x272: {  	v34 =	vor.u32 $0x6000, v5;
	s17 =	sor.u32 s6, s7;
	[tilespmem:s16+$0x0] =	vst v9;
	v33 =	vshll.u32 v16, $0x10;
	v8 =	vadd.bf16 v25, v14  }
0x273: {  	v35 =	vadd.s32 $0x6400, v4;
	s20 =	sor.u32 s6, s13;
	v10 =	vld.idx.msk [tilespmem:v27+s3+$0x0], $0xffff;
	v16 =	vand.u32 $0xFFFF0000, v16;
	[tilespmem:s17+$0x0] =	vst v33  }
0x274: {  	v37 =	vor.u32 $0x6000, v3;
	s23 =	sor.u32 s14, s7;
	v12 =	vld.idx.msk [tilespmem:v28+s3+$0x0], $0xffff;
	[tilespmem:s20+$0x0] =	vst v16;
	v36 =	vshll.u32 v8, $0x10;
	v11 =	vadd.bf16 v29, v11  }
0x275: {  	v38 =	vadd.s32 $0x6400, v2;
	s25 =	sor.u32 s14, s13;
	v8 =	vand.u32 $0xFFFF0000, v8;
	v17 =	vld.idx.msk [tilespmem:v31+s3+$0x0], $0xffff;
	[tilespmem:s23+$0x0] =	vst v36  }
0x276: {  	s7 =	sor.u32 s12, s7;
	v15 =	vld.idx.msk [tilespmem:v32+s3+$0x0], $0xffff;
	[tilespmem:s25+$0x0] =	vst v8;
	v39 =	vshll.u32 v11, $0x10  }
0x277: {  	s10 =	sor.u32 s12, s13;
	v11 =	vand.u32 $0xFFFF0000, v11;
	v14 =	vld.idx.msk [tilespmem:v34+s3+$0x0], $0xffff;
	[tilespmem:s7+$0x0] =	vst v39  }
0x278: {  	v40 =	vld.idx.msk [tilespmem:v35+s3+$0x0], $0xffff;
	[tilespmem:s10+$0x0] =	vst v11  }
0x279: {  	v42 =	vor.u32 $0x6800, v1;
	v41 =	vadd.bf16 v12, v10;
	v11 =	vld.idx.msk [tilespmem:v37+s3+$0x0], $0xffff  }
0x27a: {  	v43 =	vadd.s32 $0x6C00, v0;
	s7 =	sor.u32 $0x15A00, s0;
	v44 =	vld.idx.msk [tilespmem:v38+s3+$0x0], $0xffff  }
0x27b: {  	v46 =	vor.u32 $0x6800, v7;
	s13 =	sor.u32 $0x15A80, s0;
	v45 =	vshll.u32 v41, $0x10;
	s11 =	sor.u32 s1, s7;
	v15 =	vadd.bf16 v15, v17  }
0x27c: {  	v47 =	vadd.s32 $0x6C00, v6;
	s16 =	sor.u32 s1, s13;
	v9 =	vand.u32 $0xFFFF0000, v41;
	[tilespmem:s11+$0x0] =	vst v45  }
0x27d: {  	v49 =	vor.u32 $0x6800, v5;
	s17 =	sor.u32 s6, s7;
	[tilespmem:s16+$0x0] =	vst v9;
	v48 =	vshll.u32 v15, $0x10;
	v8 =	vadd.bf16 v40, v14  }
0x27e: {  	v50 =	vadd.s32 $0x6C00, v4;
	s20 =	sor.u32 s6, s13;
	v10 =	vld.idx.msk [tilespmem:v42+s3+$0x0], $0xffff;
	v15 =	vand.u32 $0xFFFF0000, v15;
	[tilespmem:s17+$0x0] =	vst v48  }
0x27f: {  	v52 =	vor.u32 $0x6800, v3;
	s23 =	sor.u32 s14, s7;
	v12 =	vld.idx.msk [tilespmem:v43+s3+$0x0], $0xffff;
	[tilespmem:s20+$0x0] =	vst v15;
	v51 =	vshll.u32 v8, $0x10;
	v11 =	vadd.bf16 v44, v11  }
0x280: {  	v53 =	vadd.s32 $0x6C00, v2;
	s25 =	sor.u32 s14, s13;
	v8 =	vand.u32 $0xFFFF0000, v8;
	v17 =	vld.idx.msk [tilespmem:v46+s3+$0x0], $0xffff;
	[tilespmem:s23+$0x0] =	vst v51  }
0x281: {  	s7 =	sor.u32 s12, s7;
	v16 =	vld.idx.msk [tilespmem:v47+s3+$0x0], $0xffff;
	[tilespmem:s25+$0x0] =	vst v8;
	v54 =	vshll.u32 v11, $0x10  }
0x282: {  	s10 =	sor.u32 s12, s13;
	v11 =	vand.u32 $0xFFFF0000, v11;
	v14 =	vld.idx.msk [tilespmem:v49+s3+$0x0], $0xffff;
	[tilespmem:s7+$0x0] =	vst v54  }
0x283: {  	v55 =	vld.idx.msk [tilespmem:v50+s3+$0x0], $0xffff;
	[tilespmem:s10+$0x0] =	vst v11  }
0x284: {  	v57 =	vor.u32 $0x7000, v1;
	v56 =	vadd.bf16 v12, v10;
	v11 =	vld.idx.msk [tilespmem:v52+s3+$0x0], $0xffff  }
0x285: {  	v58 =	vadd.s32 $0x7400, v0;
	s7 =	sor.u32 $0x15B00, s0;
	v59 =	vld.idx.msk [tilespmem:v53+s3+$0x0], $0xffff  }
0x286: {  	v61 =	vor.u32 $0x7000, v7;
	s13 =	sor.u32 $0x15B80, s0;
	v60 =	vshll.u32 v56, $0x10;
	s11 =	sor.u32 s1, s7;
	v16 =	vadd.bf16 v16, v17  }
0x287: {  	v62 =	vadd.s32 $0x7400, v6;
	s16 =	sor.u32 s1, s13;
	v9 =	vand.u32 $0xFFFF0000, v56;
	[tilespmem:s11+$0x0] =	vst v60  }
0x288: {  	v20 =	vor.u32 $0x7000, v5;
	s17 =	sor.u32 s6, s7;
	[tilespmem:s16+$0x0] =	vst v9;
	v63 =	vshll.u32 v16, $0x10;
	v8 =	vadd.bf16 v55, v14  }
0x289: {  	v21 =	vadd.s32 $0x7400, v4;
	s20 =	sor.u32 s6, s13;
	v10 =	vld.idx.msk [tilespmem:v57+s3+$0x0], $0xffff;
	v16 =	vand.u32 $0xFFFF0000, v16;
	[tilespmem:s17+$0x0] =	vst v63  }
0x28a: {  	v23 =	vor.u32 $0x7000, v3;
	s23 =	sor.u32 s14, s7;
	v12 =	vld.idx.msk [tilespmem:v58+s3+$0x0], $0xffff;
	[tilespmem:s20+$0x0] =	vst v16;
	v22 =	vshll.u32 v8, $0x10;
	v11 =	vadd.bf16 v59, v11  }
0x28b: {  	v24 =	vadd.s32 $0x7400, v2;
	s25 =	sor.u32 s14, s13;
	v8 =	vand.u32 $0xFFFF0000, v8;
	v17 =	vld.idx.msk [tilespmem:v61+s3+$0x0], $0xffff;
	[tilespmem:s23+$0x0] =	vst v22  }
0x28c: {  	s7 =	sor.u32 s12, s7;
	v15 =	vld.idx.msk [tilespmem:v62+s3+$0x0], $0xffff;
	[tilespmem:s25+$0x0] =	vst v8;
	v25 =	vshll.u32 v11, $0x10  }
0x28d: {  	s10 =	sor.u32 s12, s13;
	v11 =	vand.u32 $0xFFFF0000, v11;
	v14 =	vld.idx.msk [tilespmem:v20+s3+$0x0], $0xffff;
	[tilespmem:s7+$0x0] =	vst v25  }
0x28e: {  	v26 =	vld.idx.msk [tilespmem:v21+s3+$0x0], $0xffff;
	[tilespmem:s10+$0x0] =	vst v11  }
0x28f: {  	v28 =	vor.u32 $0x7800, v1;
	v27 =	vadd.bf16 v12, v10;
	v11 =	vld.idx.msk [tilespmem:v23+s3+$0x0], $0xffff  }
0x290: {  	v29 =	vadd.s32 $0x7C00, v0;
	s7 =	sadd.s32 $0x15C00, s0;
	v30 =	vld.idx.msk [tilespmem:v24+s3+$0x0], $0xffff  }
0x291: {  	v32 =	vor.u32 $0x7800, v7;
	s13 =	sadd.s32 $0x15C80, s0;
	v31 =	vshll.u32 v27, $0x10;
	s11 =	sor.u32 s1, s7;
	v15 =	vadd.bf16 v15, v17  }
0x292: {  	v33 =	vadd.s32 $0x7C00, v6;
	s16 =	sor.u32 s1, s13;
	v9 =	vand.u32 $0xFFFF0000, v27;
	[tilespmem:s11+$0x0] =	vst v31  }
0x293: {  	v35 =	vor.u32 $0x7800, v5;
	s17 =	sor.u32 s6, s7;
	[tilespmem:s16+$0x0] =	vst v9;
	v34 =	vshll.u32 v15, $0x10;
	v8 =	vadd.bf16 v26, v14  }
0x294: {  	v36 =	vadd.s32 $0x7C00, v4;
	s20 =	sor.u32 s6, s13;
	v10 =	vld.idx.msk [tilespmem:v28+s3+$0x0], $0xffff;
	v15 =	vand.u32 $0xFFFF0000, v15;
	[tilespmem:s17+$0x0] =	vst v34  }
0x295: {  	v38 =	vor.u32 $0x7800, v3;
	s23 =	sor.u32 s14, s7;
	v12 =	vld.idx.msk [tilespmem:v29+s3+$0x0], $0xffff;
	[tilespmem:s20+$0x0] =	vst v15;
	v37 =	vshll.u32 v8, $0x10;
	v11 =	vadd.bf16 v30, v11  }
0x296: {  	v39 =	vadd.s32 $0x7C00, v2;
	s25 =	sor.u32 s14, s13;
	v8 =	vand.u32 $0xFFFF0000, v8;
	v17 =	vld.idx.msk [tilespmem:v32+s3+$0x0], $0xffff;
	[tilespmem:s23+$0x0] =	vst v37  }
0x297: {  	s7 =	sor.u32 s12, s7;
	v16 =	vld.idx.msk [tilespmem:v33+s3+$0x0], $0xffff;
	[tilespmem:s25+$0x0] =	vst v8;
	v40 =	vshll.u32 v11, $0x10  }
0x298: {  	s10 =	sor.u32 s12, s13;
	v11 =	vand.u32 $0xFFFF0000, v11;
	v14 =	vld.idx.msk [tilespmem:v35+s3+$0x0], $0xffff;
	[tilespmem:s7+$0x0] =	vst v40  }
0x299: {  	v41 =	vld.idx.msk [tilespmem:v36+s3+$0x0], $0xffff;
	[tilespmem:s10+$0x0] =	vst v11  }
0x29a: {  	v43 =	vor.u32 $0x8000, v1;
	v42 =	vadd.bf16 v12, v10;
	v11 =	vld.idx.msk [tilespmem:v38+s3+$0x0], $0xffff  }
0x29b: {  	v44 =	vadd.s32 $0x8400, v0;
	s7 =	sadd.s32 $0x15D00, s0;
	v45 =	vld.idx.msk [tilespmem:v39+s3+$0x0], $0xffff  }
0x29c: {  	v47 =	vor.u32 $0x8000, v7;
	s13 =	sadd.s32 $0x15D80, s0;
	v46 =	vshll.u32 v42, $0x10;
	s11 =	sor.u32 s1, s7;
	v16 =	vadd.bf16 v16, v17  }
0x29d: {  	v48 =	vadd.s32 $0x8400, v6;
	s16 =	sor.u32 s1, s13;
	v9 =	vand.u32 $0xFFFF0000, v42;
	[tilespmem:s11+$0x0] =	vst v46  }
0x29e: {  	v50 =	vor.u32 $0x8000, v5;
	s17 =	sor.u32 s6, s7;
	[tilespmem:s16+$0x0] =	vst v9;
	v49 =	vshll.u32 v16, $0x10;
	v8 =	vadd.bf16 v41, v14  }
0x29f: {  	v51 =	vadd.s32 $0x8400, v4;
	s20 =	sor.u32 s6, s13;
	v10 =	vld.idx.msk [tilespmem:v43+s3+$0x0], $0xffff;
	v16 =	vand.u32 $0xFFFF0000, v16;
	[tilespmem:s17+$0x0] =	vst v49  }
0x2a0: {  	v53 =	vor.u32 $0x8000, v3;
	s23 =	sor.u32 s14, s7;
	v12 =	vld.idx.msk [tilespmem:v44+s3+$0x0], $0xffff;
	[tilespmem:s20+$0x0] =	vst v16;
	v52 =	vshll.u32 v8, $0x10;
	v11 =	vadd.bf16 v45, v11  }
0x2a1: {  	v54 =	vadd.s32 $0x8400, v2;
	s25 =	sor.u32 s14, s13;
	v8 =	vand.u32 $0xFFFF0000, v8;
	v17 =	vld.idx.msk [tilespmem:v47+s3+$0x0], $0xffff;
	[tilespmem:s23+$0x0] =	vst v52  }
0x2a2: {  	s7 =	sor.u32 s12, s7;
	v15 =	vld.idx.msk [tilespmem:v48+s3+$0x0], $0xffff;
	[tilespmem:s25+$0x0] =	vst v8;
	v55 =	vshll.u32 v11, $0x10  }
0x2a3: {  	s10 =	sor.u32 s12, s13;
	v11 =	vand.u32 $0xFFFF0000, v11;
	v14 =	vld.idx.msk [tilespmem:v50+s3+$0x0], $0xffff;
	[tilespmem:s7+$0x0] =	vst v55  }
0x2a4: {  	v56 =	vld.idx.msk [tilespmem:v51+s3+$0x0], $0xffff;
	[tilespmem:s10+$0x0] =	vst v11  }
0x2a5: {  	v58 =	vor.u32 $0x8800, v1;
	v57 =	vadd.bf16 v12, v10;
	v11 =	vld.idx.msk [tilespmem:v53+s3+$0x0], $0xffff  }
0x2a6: {  	v59 =	vadd.s32 $0x8C00, v0;
	s7 =	sor.u32 $0x16200, s0;
	v60 =	vld.idx.msk [tilespmem:v54+s3+$0x0], $0xffff  }
0x2a7: {  	v62 =	vor.u32 $0x8800, v7;
	s13 =	sor.u32 $0x16280, s0;
	v61 =	vshll.u32 v57, $0x10;
	s11 =	sor.u32 s1, s7;
	v15 =	vadd.bf16 v15, v17  }
0x2a8: {  	v63 =	vadd.s32 $0x8C00, v6;
	s16 =	sor.u32 s1, s13;
	v9 =	vand.u32 $0xFFFF0000, v57;
	[tilespmem:s11+$0x0] =	vst v61  }
0x2a9: {  	v21 =	vor.u32 $0x8800, v5;
	s17 =	sor.u32 s6, s7;
	[tilespmem:s16+$0x0] =	vst v9;
	v20 =	vshll.u32 v15, $0x10;
	v8 =	vadd.bf16 v56, v14  }
0x2aa: {  	v22 =	vadd.s32 $0x8C00, v4;
	s20 =	sor.u32 s6, s13;
	v10 =	vld.idx.msk [tilespmem:v58+s3+$0x0], $0xffff;
	v15 =	vand.u32 $0xFFFF0000, v15;
	[tilespmem:s17+$0x0] =	vst v20  }
0x2ab: {  	v24 =	vor.u32 $0x8800, v3;
	s23 =	sor.u32 s14, s7;
	v12 =	vld.idx.msk [tilespmem:v59+s3+$0x0], $0xffff;
	[tilespmem:s20+$0x0] =	vst v15;
	v23 =	vshll.u32 v8, $0x10;
	v11 =	vadd.bf16 v60, v11  }
0x2ac: {  	v25 =	vadd.s32 $0x8C00, v2;
	s25 =	sor.u32 s14, s13;
	v8 =	vand.u32 $0xFFFF0000, v8;
	v17 =	vld.idx.msk [tilespmem:v62+s3+$0x0], $0xffff;
	[tilespmem:s23+$0x0] =	vst v23  }
0x2ad: {  	s7 =	sor.u32 s12, s7;
	v16 =	vld.idx.msk [tilespmem:v63+s3+$0x0], $0xffff;
	[tilespmem:s25+$0x0] =	vst v8;
	v26 =	vshll.u32 v11, $0x10  }
0x2ae: {  	s10 =	sor.u32 s12, s13;
	v11 =	vand.u32 $0xFFFF0000, v11;
	v14 =	vld.idx.msk [tilespmem:v21+s3+$0x0], $0xffff;
	[tilespmem:s7+$0x0] =	vst v26  }
0x2af: {  	v27 =	vld.idx.msk [tilespmem:v22+s3+$0x0], $0xffff;
	[tilespmem:s10+$0x0] =	vst v11  }
0x2b0: {  	v29 =	vor.u32 $0x9000, v1;
	v28 =	vadd.bf16 v12, v10;
	v11 =	vld.idx.msk [tilespmem:v24+s3+$0x0], $0xffff  }
0x2b1: {  	v30 =	vadd.s32 $0x9400, v0;
	s7 =	sor.u32 $0x16300, s0;
	v31 =	vld.idx.msk [tilespmem:v25+s3+$0x0], $0xffff  }
0x2b2: {  	v33 =	vor.u32 $0x9000, v7;
	s13 =	sor.u32 $0x16380, s0;
	v32 =	vshll.u32 v28, $0x10;
	s11 =	sor.u32 s1, s7;
	v16 =	vadd.bf16 v16, v17  }
0x2b3: {  	v34 =	vadd.s32 $0x9400, v6;
	s16 =	sor.u32 s1, s13;
	v9 =	vand.u32 $0xFFFF0000, v28;
	[tilespmem:s11+$0x0] =	vst v32  }
0x2b4: {  	v36 =	vor.u32 $0x9000, v5;
	s17 =	sor.u32 s6, s7;
	[tilespmem:s16+$0x0] =	vst v9;
	v35 =	vshll.u32 v16, $0x10;
	v8 =	vadd.bf16 v27, v14  }
0x2b5: {  	v37 =	vadd.s32 $0x9400, v4;
	s20 =	sor.u32 s6, s13;
	v10 =	vld.idx.msk [tilespmem:v29+s3+$0x0], $0xffff;
	v16 =	vand.u32 $0xFFFF0000, v16;
	[tilespmem:s17+$0x0] =	vst v35  }
0x2b6: {  	v39 =	vor.u32 $0x9000, v3;
	s23 =	sor.u32 s14, s7;
	v12 =	vld.idx.msk [tilespmem:v30+s3+$0x0], $0xffff;
	[tilespmem:s20+$0x0] =	vst v16;
	v38 =	vshll.u32 v8, $0x10;
	v11 =	vadd.bf16 v31, v11  }
0x2b7: {  	v40 =	vadd.s32 $0x9400, v2;
	s25 =	sor.u32 s14, s13;
	v8 =	vand.u32 $0xFFFF0000, v8;
	v17 =	vld.idx.msk [tilespmem:v33+s3+$0x0], $0xffff;
	[tilespmem:s23+$0x0] =	vst v38  }
0x2b8: {  	s7 =	sor.u32 s12, s7;
	v15 =	vld.idx.msk [tilespmem:v34+s3+$0x0], $0xffff;
	[tilespmem:s25+$0x0] =	vst v8;
	v41 =	vshll.u32 v11, $0x10  }
0x2b9: {  	s10 =	sor.u32 s12, s13;
	v11 =	vand.u32 $0xFFFF0000, v11;
	v14 =	vld.idx.msk [tilespmem:v36+s3+$0x0], $0xffff;
	[tilespmem:s7+$0x0] =	vst v41  }
0x2ba: {  	v42 =	vld.idx.msk [tilespmem:v37+s3+$0x0], $0xffff;
	[tilespmem:s10+$0x0] =	vst v11  }
0x2bb: {  	v44 =	vor.u32 $0x9800, v1;
	v43 =	vadd.bf16 v12, v10;
	v11 =	vld.idx.msk [tilespmem:v39+s3+$0x0], $0xffff  }
0x2bc: {  	v45 =	vadd.s32 $0x9C00, v0;
	s7 =	sadd.s32 $0x16400, s0;
	v46 =	vld.idx.msk [tilespmem:v40+s3+$0x0], $0xffff  }
0x2bd: {  	v48 =	vor.u32 $0x9800, v7;
	s13 =	sadd.s32 $0x16480, s0;
	v47 =	vshll.u32 v43, $0x10;
	s11 =	sor.u32 s1, s7;
	v15 =	vadd.bf16 v15, v17  }
0x2be: {  	v49 =	vadd.s32 $0x9C00, v6;
	s16 =	sor.u32 s1, s13;
	v9 =	vand.u32 $0xFFFF0000, v43;
	[tilespmem:s11+$0x0] =	vst v47  }
0x2bf: {  	v51 =	vor.u32 $0x9800, v5;
	s17 =	sor.u32 s6, s7;
	[tilespmem:s16+$0x0] =	vst v9;
	v50 =	vshll.u32 v15, $0x10;
	v8 =	vadd.bf16 v42, v14  }
0x2c0: {  	v52 =	vadd.s32 $0x9C00, v4;
	s20 =	sor.u32 s6, s13;
	v10 =	vld.idx.msk [tilespmem:v44+s3+$0x0], $0xffff;
	v15 =	vand.u32 $0xFFFF0000, v15;
	[tilespmem:s17+$0x0] =	vst v50  }
0x2c1: {  	v54 =	vor.u32 $0x9800, v3;
	s23 =	sor.u32 s14, s7;
	v12 =	vld.idx.msk [tilespmem:v45+s3+$0x0], $0xffff;
	[tilespmem:s20+$0x0] =	vst v15;
	v53 =	vshll.u32 v8, $0x10;
	v11 =	vadd.bf16 v46, v11  }
0x2c2: {  	v55 =	vadd.s32 $0x9C00, v2;
	s25 =	sor.u32 s14, s13;
	v8 =	vand.u32 $0xFFFF0000, v8;
	v17 =	vld.idx.msk [tilespmem:v48+s3+$0x0], $0xffff;
	[tilespmem:s23+$0x0] =	vst v53  }
0x2c3: {  	s7 =	sor.u32 s12, s7;
	v16 =	vld.idx.msk [tilespmem:v49+s3+$0x0], $0xffff;
	[tilespmem:s25+$0x0] =	vst v8;
	v56 =	vshll.u32 v11, $0x10  }
0x2c4: {  	s10 =	sor.u32 s12, s13;
	v11 =	vand.u32 $0xFFFF0000, v11;
	v14 =	vld.idx.msk [tilespmem:v51+s3+$0x0], $0xffff;
	[tilespmem:s7+$0x0] =	vst v56  }
0x2c5: {  	v57 =	vld.idx.msk [tilespmem:v52+s3+$0x0], $0xffff;
	[tilespmem:s10+$0x0] =	vst v11  }
0x2c6: {  	v59 =	vor.u32 $0xA000, v1;
	v58 =	vadd.bf16 v12, v10;
	v11 =	vld.idx.msk [tilespmem:v54+s3+$0x0], $0xffff  }
0x2c7: {  	v60 =	vadd.s32 $0xA400, v0;
	s7 =	sadd.s32 $0x16500, s0;
	v61 =	vld.idx.msk [tilespmem:v55+s3+$0x0], $0xffff  }
0x2c8: {  	v63 =	vor.u32 $0xA000, v7;
	s13 =	sadd.s32 $0x16580, s0;
	v62 =	vshll.u32 v58, $0x10;
	s11 =	sor.u32 s1, s7;
	v16 =	vadd.bf16 v16, v17  }
0x2c9: {  	v20 =	vadd.s32 $0xA400, v6;
	s16 =	sor.u32 s1, s13;
	v9 =	vand.u32 $0xFFFF0000, v58;
	[tilespmem:s11+$0x0] =	vst v62  }
0x2ca: {  	v22 =	vor.u32 $0xA000, v5;
	s17 =	sor.u32 s6, s7;
	[tilespmem:s16+$0x0] =	vst v9;
	v21 =	vshll.u32 v16, $0x10;
	v8 =	vadd.bf16 v57, v14  }
0x2cb: {  	v23 =	vadd.s32 $0xA400, v4;
	s20 =	sor.u32 s6, s13;
	v10 =	vld.idx.msk [tilespmem:v59+s3+$0x0], $0xffff;
	v16 =	vand.u32 $0xFFFF0000, v16;
	[tilespmem:s17+$0x0] =	vst v21  }
0x2cc: {  	v25 =	vor.u32 $0xA000, v3;
	s23 =	sor.u32 s14, s7;
	v12 =	vld.idx.msk [tilespmem:v60+s3+$0x0], $0xffff;
	[tilespmem:s20+$0x0] =	vst v16;
	v24 =	vshll.u32 v8, $0x10;
	v11 =	vadd.bf16 v61, v11  }
0x2cd: {  	v26 =	vadd.s32 $0xA400, v2;
	s25 =	sor.u32 s14, s13;
	v8 =	vand.u32 $0xFFFF0000, v8;
	v17 =	vld.idx.msk [tilespmem:v63+s3+$0x0], $0xffff;
	[tilespmem:s23+$0x0] =	vst v24  }
0x2ce: {  	s7 =	sor.u32 s12, s7;
	v15 =	vld.idx.msk [tilespmem:v20+s3+$0x0], $0xffff;
	[tilespmem:s25+$0x0] =	vst v8;
	v27 =	vshll.u32 v11, $0x10  }
0x2cf: {  	s10 =	sor.u32 s12, s13;
	v11 =	vand.u32 $0xFFFF0000, v11;
	v14 =	vld.idx.msk [tilespmem:v22+s3+$0x0], $0xffff;
	[tilespmem:s7+$0x0] =	vst v27  }
0x2d0: {  	v28 =	vld.idx.msk [tilespmem:v23+s3+$0x0], $0xffff;
	[tilespmem:s10+$0x0] =	vst v11  }
0x2d1: {  	v30 =	vor.u32 $0xA800, v1;
	v29 =	vadd.bf16 v12, v10;
	v11 =	vld.idx.msk [tilespmem:v25+s3+$0x0], $0xffff  }
0x2d2: {  	v31 =	vadd.s32 $0xAC00, v0;
	s7 =	sor.u32 $0x16A00, s0;
	v32 =	vld.idx.msk [tilespmem:v26+s3+$0x0], $0xffff  }
0x2d3: {  	v34 =	vor.u32 $0xA800, v7;
	s13 =	sor.u32 $0x16A80, s0;
	v33 =	vshll.u32 v29, $0x10;
	s11 =	sor.u32 s1, s7;
	v15 =	vadd.bf16 v15, v17  }
0x2d4: {  	v35 =	vadd.s32 $0xAC00, v6;
	s16 =	sor.u32 s1, s13;
	v9 =	vand.u32 $0xFFFF0000, v29;
	[tilespmem:s11+$0x0] =	vst v33  }
0x2d5: {  	v37 =	vor.u32 $0xA800, v5;
	s17 =	sor.u32 s6, s7;
	[tilespmem:s16+$0x0] =	vst v9;
	v36 =	vshll.u32 v15, $0x10;
	v8 =	vadd.bf16 v28, v14  }
0x2d6: {  	v38 =	vadd.s32 $0xAC00, v4;
	s20 =	sor.u32 s6, s13;
	v10 =	vld.idx.msk [tilespmem:v30+s3+$0x0], $0xffff;
	v15 =	vand.u32 $0xFFFF0000, v15;
	[tilespmem:s17+$0x0] =	vst v36  }
0x2d7: {  	v40 =	vor.u32 $0xA800, v3;
	s23 =	sor.u32 s14, s7;
	v12 =	vld.idx.msk [tilespmem:v31+s3+$0x0], $0xffff;
	[tilespmem:s20+$0x0] =	vst v15;
	v39 =	vshll.u32 v8, $0x10;
	v11 =	vadd.bf16 v32, v11  }
0x2d8: {  	v41 =	vadd.s32 $0xAC00, v2;
	s25 =	sor.u32 s14, s13;
	v8 =	vand.u32 $0xFFFF0000, v8;
	v17 =	vld.idx.msk [tilespmem:v34+s3+$0x0], $0xffff;
	[tilespmem:s23+$0x0] =	vst v39  }
0x2d9: {  	s7 =	sor.u32 s12, s7;
	v16 =	vld.idx.msk [tilespmem:v35+s3+$0x0], $0xffff;
	[tilespmem:s25+$0x0] =	vst v8;
	v42 =	vshll.u32 v11, $0x10  }
0x2da: {  	s10 =	sor.u32 s12, s13;
	v11 =	vand.u32 $0xFFFF0000, v11;
	v14 =	vld.idx.msk [tilespmem:v37+s3+$0x0], $0xffff;
	[tilespmem:s7+$0x0] =	vst v42  }
0x2db: {  	v43 =	vld.idx.msk [tilespmem:v38+s3+$0x0], $0xffff;
	[tilespmem:s10+$0x0] =	vst v11  }
0x2dc: {  	v45 =	vor.u32 $0xB000, v1;
	v44 =	vadd.bf16 v12, v10;
	v11 =	vld.idx.msk [tilespmem:v40+s3+$0x0], $0xffff  }
0x2dd: {  	v46 =	vadd.s32 $0xB400, v0;
	s7 =	sor.u32 $0x16B00, s0;
	v47 =	vld.idx.msk [tilespmem:v41+s3+$0x0], $0xffff  }
0x2de: {  	v49 =	vor.u32 $0xB000, v7;
	s13 =	sor.u32 $0x16B80, s0;
	v48 =	vshll.u32 v44, $0x10;
	s11 =	sor.u32 s1, s7;
	v16 =	vadd.bf16 v16, v17  }
0x2df: {  	v50 =	vadd.s32 $0xB400, v6;
	s16 =	sor.u32 s1, s13;
	v9 =	vand.u32 $0xFFFF0000, v44;
	[tilespmem:s11+$0x0] =	vst v48  }
0x2e0: {  	v52 =	vor.u32 $0xB000, v5;
	s17 =	sor.u32 s6, s7;
	[tilespmem:s16+$0x0] =	vst v9;
	v51 =	vshll.u32 v16, $0x10;
	v8 =	vadd.bf16 v43, v14  }
0x2e1: {  	v53 =	vadd.s32 $0xB400, v4;
	s20 =	sor.u32 s6, s13;
	v10 =	vld.idx.msk [tilespmem:v45+s3+$0x0], $0xffff;
	v16 =	vand.u32 $0xFFFF0000, v16;
	[tilespmem:s17+$0x0] =	vst v51  }
0x2e2: {  	v55 =	vor.u32 $0xB000, v3;
	s23 =	sor.u32 s14, s7;
	v12 =	vld.idx.msk [tilespmem:v46+s3+$0x0], $0xffff;
	[tilespmem:s20+$0x0] =	vst v16;
	v54 =	vshll.u32 v8, $0x10;
	v11 =	vadd.bf16 v47, v11  }
0x2e3: {  	v56 =	vadd.s32 $0xB400, v2;
	s25 =	sor.u32 s14, s13;
	v8 =	vand.u32 $0xFFFF0000, v8;
	v17 =	vld.idx.msk [tilespmem:v49+s3+$0x0], $0xffff;
	[tilespmem:s23+$0x0] =	vst v54  }
0x2e4: {  	s7 =	sor.u32 s12, s7;
	v15 =	vld.idx.msk [tilespmem:v50+s3+$0x0], $0xffff;
	[tilespmem:s25+$0x0] =	vst v8;
	v57 =	vshll.u32 v11, $0x10  }
0x2e5: {  	s10 =	sor.u32 s12, s13;
	v11 =	vand.u32 $0xFFFF0000, v11;
	v14 =	vld.idx.msk [tilespmem:v52+s3+$0x0], $0xffff;
	[tilespmem:s7+$0x0] =	vst v57  }
0x2e6: {  	v58 =	vld.idx.msk [tilespmem:v53+s3+$0x0], $0xffff;
	[tilespmem:s10+$0x0] =	vst v11  }
0x2e7: {  	v60 =	vor.u32 $0xB800, v1;
	v59 =	vadd.bf16 v12, v10;
	v11 =	vld.idx.msk [tilespmem:v55+s3+$0x0], $0xffff  }
0x2e8: {  	v61 =	vadd.s32 $0xBC00, v0;
	s7 =	sadd.s32 $0x16C00, s0;
	v62 =	vld.idx.msk [tilespmem:v56+s3+$0x0], $0xffff  }
0x2e9: {  	v20 =	vor.u32 $0xB800, v7;
	s13 =	sadd.s32 $0x16C80, s0;
	v63 =	vshll.u32 v59, $0x10;
	s11 =	sor.u32 s1, s7;
	v15 =	vadd.bf16 v15, v17  }
0x2ea: {  	v21 =	vadd.s32 $0xBC00, v6;
	s16 =	sor.u32 s1, s13;
	v9 =	vand.u32 $0xFFFF0000, v59;
	[tilespmem:s11+$0x0] =	vst v63  }
0x2eb: {  	v23 =	vor.u32 $0xB800, v5;
	s17 =	sor.u32 s6, s7;
	[tilespmem:s16+$0x0] =	vst v9;
	v22 =	vshll.u32 v15, $0x10;
	v8 =	vadd.bf16 v58, v14  }
0x2ec: {  	v24 =	vadd.s32 $0xBC00, v4;
	s20 =	sor.u32 s6, s13;
	v10 =	vld.idx.msk [tilespmem:v60+s3+$0x0], $0xffff;
	v15 =	vand.u32 $0xFFFF0000, v15;
	[tilespmem:s17+$0x0] =	vst v22  }
0x2ed: {  	v26 =	vor.u32 $0xB800, v3;
	s23 =	sor.u32 s14, s7;
	v12 =	vld.idx.msk [tilespmem:v61+s3+$0x0], $0xffff;
	[tilespmem:s20+$0x0] =	vst v15;
	v25 =	vshll.u32 v8, $0x10;
	v11 =	vadd.bf16 v62, v11  }
0x2ee: {  	v27 =	vadd.s32 $0xBC00, v2;
	s25 =	sor.u32 s14, s13;
	v8 =	vand.u32 $0xFFFF0000, v8;
	v17 =	vld.idx.msk [tilespmem:v20+s3+$0x0], $0xffff;
	[tilespmem:s23+$0x0] =	vst v25  }
0x2ef: {  	s7 =	sor.u32 s12, s7;
	v16 =	vld.idx.msk [tilespmem:v21+s3+$0x0], $0xffff;
	[tilespmem:s25+$0x0] =	vst v8;
	v28 =	vshll.u32 v11, $0x10  }
0x2f0: {  	s10 =	sor.u32 s12, s13;
	v11 =	vand.u32 $0xFFFF0000, v11;
	v14 =	vld.idx.msk [tilespmem:v23+s3+$0x0], $0xffff;
	[tilespmem:s7+$0x0] =	vst v28  }
0x2f1: {  	v29 =	vld.idx.msk [tilespmem:v24+s3+$0x0], $0xffff;
	[tilespmem:s10+$0x0] =	vst v11  }
0x2f2: {  	v31 =	vor.u32 $0xC000, v1;
	v30 =	vadd.bf16 v12, v10;
	v11 =	vld.idx.msk [tilespmem:v26+s3+$0x0], $0xffff  }
0x2f3: {  	v32 =	vadd.s32 $0xC400, v0;
	s7 =	sadd.s32 $0x16D00, s0;
	v33 =	vld.idx.msk [tilespmem:v27+s3+$0x0], $0xffff  }
0x2f4: {  	v35 =	vor.u32 $0xC000, v7;
	s13 =	sadd.s32 $0x16D80, s0;
	v34 =	vshll.u32 v30, $0x10;
	s11 =	sor.u32 s1, s7;
	v16 =	vadd.bf16 v16, v17  }
0x2f5: {  	v36 =	vadd.s32 $0xC400, v6;
	s16 =	sor.u32 s1, s13;
	v9 =	vand.u32 $0xFFFF0000, v30;
	[tilespmem:s11+$0x0] =	vst v34  }
0x2f6: {  	v38 =	vor.u32 $0xC000, v5;
	s17 =	sor.u32 s6, s7;
	[tilespmem:s16+$0x0] =	vst v9;
	v37 =	vshll.u32 v16, $0x10;
	v8 =	vadd.bf16 v29, v14  }
0x2f7: {  	v39 =	vadd.s32 $0xC400, v4;
	s20 =	sor.u32 s6, s13;
	v10 =	vld.idx.msk [tilespmem:v31+s3+$0x0], $0xffff;
	v16 =	vand.u32 $0xFFFF0000, v16;
	[tilespmem:s17+$0x0] =	vst v37  }
0x2f8: {  	v41 =	vor.u32 $0xC000, v3;
	s23 =	sor.u32 s14, s7;
	v12 =	vld.idx.msk [tilespmem:v32+s3+$0x0], $0xffff;
	[tilespmem:s20+$0x0] =	vst v16;
	v40 =	vshll.u32 v8, $0x10;
	v11 =	vadd.bf16 v33, v11  }
0x2f9: {  	v42 =	vadd.s32 $0xC400, v2;
	s25 =	sor.u32 s14, s13;
	v8 =	vand.u32 $0xFFFF0000, v8;
	v17 =	vld.idx.msk [tilespmem:v35+s3+$0x0], $0xffff;
	[tilespmem:s23+$0x0] =	vst v40  }
0x2fa: {  	s7 =	sor.u32 s12, s7;
	v15 =	vld.idx.msk [tilespmem:v36+s3+$0x0], $0xffff;
	[tilespmem:s25+$0x0] =	vst v8;
	v43 =	vshll.u32 v11, $0x10  }
0x2fb: {  	s10 =	sor.u32 s12, s13;
	v11 =	vand.u32 $0xFFFF0000, v11;
	v14 =	vld.idx.msk [tilespmem:v38+s3+$0x0], $0xffff;
	[tilespmem:s7+$0x0] =	vst v43  }
0x2fc: {  	v44 =	vld.idx.msk [tilespmem:v39+s3+$0x0], $0xffff;
	[tilespmem:s10+$0x0] =	vst v11  }
0x2fd: {  	v46 =	vor.u32 $0xC800, v1;
	v45 =	vadd.bf16 v12, v10;
	v11 =	vld.idx.msk [tilespmem:v41+s3+$0x0], $0xffff  }
0x2fe: {  	v47 =	vadd.s32 $0xCC00, v0;
	s7 =	sor.u32 $0x17200, s0;
	v48 =	vld.idx.msk [tilespmem:v42+s3+$0x0], $0xffff  }
0x2ff: {  	v50 =	vor.u32 $0xC800, v7;
	s13 =	sor.u32 $0x17280, s0;
	v49 =	vshll.u32 v45, $0x10;
	s11 =	sor.u32 s1, s7;
	v15 =	vadd.bf16 v15, v17  }
0x300: {  	v51 =	vadd.s32 $0xCC00, v6;
	s16 =	sor.u32 s1, s13;
	v9 =	vand.u32 $0xFFFF0000, v45;
	[tilespmem:s11+$0x0] =	vst v49  }
0x301: {  	v53 =	vor.u32 $0xC800, v5;
	s17 =	sor.u32 s6, s7;
	[tilespmem:s16+$0x0] =	vst v9;
	v52 =	vshll.u32 v15, $0x10;
	v8 =	vadd.bf16 v44, v14  }
0x302: {  	v54 =	vadd.s32 $0xCC00, v4;
	s20 =	sor.u32 s6, s13;
	v10 =	vld.idx.msk [tilespmem:v46+s3+$0x0], $0xffff;
	v15 =	vand.u32 $0xFFFF0000, v15;
	[tilespmem:s17+$0x0] =	vst v52  }
0x303: {  	v56 =	vor.u32 $0xC800, v3;
	s23 =	sor.u32 s14, s7;
	v12 =	vld.idx.msk [tilespmem:v47+s3+$0x0], $0xffff;
	[tilespmem:s20+$0x0] =	vst v15;
	v55 =	vshll.u32 v8, $0x10;
	v11 =	vadd.bf16 v48, v11  }
0x304: {  	v57 =	vadd.s32 $0xCC00, v2;
	s25 =	sor.u32 s14, s13;
	v8 =	vand.u32 $0xFFFF0000, v8;
	v17 =	vld.idx.msk [tilespmem:v50+s3+$0x0], $0xffff;
	[tilespmem:s23+$0x0] =	vst v55  }
0x305: {  	s7 =	sor.u32 s12, s7;
	v16 =	vld.idx.msk [tilespmem:v51+s3+$0x0], $0xffff;
	[tilespmem:s25+$0x0] =	vst v8;
	v58 =	vshll.u32 v11, $0x10  }
0x306: {  	s10 =	sor.u32 s12, s13;
	v11 =	vand.u32 $0xFFFF0000, v11;
	v14 =	vld.idx.msk [tilespmem:v53+s3+$0x0], $0xffff;
	[tilespmem:s7+$0x0] =	vst v58  }
0x307: {  	v59 =	vld.idx.msk [tilespmem:v54+s3+$0x0], $0xffff;
	[tilespmem:s10+$0x0] =	vst v11  }
0x308: {  	v61 =	vor.u32 $0xD000, v1;
	v60 =	vadd.bf16 v12, v10;
	v11 =	vld.idx.msk [tilespmem:v56+s3+$0x0], $0xffff  }
0x309: {  	v62 =	vadd.s32 $0xD400, v0;
	s7 =	sor.u32 $0x17300, s0;
	v63 =	vld.idx.msk [tilespmem:v57+s3+$0x0], $0xffff  }
0x30a: {  	v21 =	vor.u32 $0xD000, v7;
	s13 =	sor.u32 $0x17380, s0;
	v20 =	vshll.u32 v60, $0x10;
	s11 =	sor.u32 s1, s7;
	v16 =	vadd.bf16 v16, v17  }
0x30b: {  	v22 =	vadd.s32 $0xD400, v6;
	s16 =	sor.u32 s1, s13;
	v9 =	vand.u32 $0xFFFF0000, v60;
	[tilespmem:s11+$0x0] =	vst v20  }
0x30c: {  	v24 =	vor.u32 $0xD000, v5;
	s17 =	sor.u32 s6, s7;
	[tilespmem:s16+$0x0] =	vst v9;
	v23 =	vshll.u32 v16, $0x10;
	v8 =	vadd.bf16 v59, v14  }
0x30d: {  	v25 =	vadd.s32 $0xD400, v4;
	s20 =	sor.u32 s6, s13;
	v10 =	vld.idx.msk [tilespmem:v61+s3+$0x0], $0xffff;
	v16 =	vand.u32 $0xFFFF0000, v16;
	[tilespmem:s17+$0x0] =	vst v23  }
0x30e: {  	v27 =	vor.u32 $0xD000, v3;
	s23 =	sor.u32 s14, s7;
	v12 =	vld.idx.msk [tilespmem:v62+s3+$0x0], $0xffff;
	[tilespmem:s20+$0x0] =	vst v16;
	v26 =	vshll.u32 v8, $0x10;
	v11 =	vadd.bf16 v63, v11  }
0x30f: {  	v28 =	vadd.s32 $0xD400, v2;
	s25 =	sor.u32 s14, s13;
	v8 =	vand.u32 $0xFFFF0000, v8;
	v17 =	vld.idx.msk [tilespmem:v21+s3+$0x0], $0xffff;
	[tilespmem:s23+$0x0] =	vst v26  }
0x310: {  	s7 =	sor.u32 s12, s7;
	v15 =	vld.idx.msk [tilespmem:v22+s3+$0x0], $0xffff;
	[tilespmem:s25+$0x0] =	vst v8;
	v29 =	vshll.u32 v11, $0x10  }
0x311: {  	s10 =	sor.u32 s12, s13;
	v11 =	vand.u32 $0xFFFF0000, v11;
	v14 =	vld.idx.msk [tilespmem:v24+s3+$0x0], $0xffff;
	[tilespmem:s7+$0x0] =	vst v29  }
0x312: {  	v30 =	vld.idx.msk [tilespmem:v25+s3+$0x0], $0xffff;
	[tilespmem:s10+$0x0] =	vst v11  }
0x313: {  	v32 =	vor.u32 $0xD800, v1;
	v31 =	vadd.bf16 v12, v10;
	v11 =	vld.idx.msk [tilespmem:v27+s3+$0x0], $0xffff  }
0x314: {  	v33 =	vadd.s32 $0xDC00, v0;
	s7 =	sadd.s32 $0x17400, s0;
	v34 =	vld.idx.msk [tilespmem:v28+s3+$0x0], $0xffff  }
0x315: {  	v36 =	vor.u32 $0xD800, v7;
	s13 =	sadd.s32 $0x17480, s0;
	v35 =	vshll.u32 v31, $0x10;
	s11 =	sor.u32 s1, s7;
	v15 =	vadd.bf16 v15, v17  }
0x316: {  	v37 =	vadd.s32 $0xDC00, v6;
	s16 =	sor.u32 s1, s13;
	v9 =	vand.u32 $0xFFFF0000, v31;
	[tilespmem:s11+$0x0] =	vst v35  }
0x317: {  	v39 =	vor.u32 $0xD800, v5;
	s17 =	sor.u32 s6, s7;
	[tilespmem:s16+$0x0] =	vst v9;
	v38 =	vshll.u32 v15, $0x10;
	v8 =	vadd.bf16 v30, v14  }
0x318: {  	v40 =	vadd.s32 $0xDC00, v4;
	s20 =	sor.u32 s6, s13;
	v10 =	vld.idx.msk [tilespmem:v32+s3+$0x0], $0xffff;
	v15 =	vand.u32 $0xFFFF0000, v15;
	[tilespmem:s17+$0x0] =	vst v38  }
0x319: {  	v42 =	vor.u32 $0xD800, v3;
	s23 =	sor.u32 s14, s7;
	v12 =	vld.idx.msk [tilespmem:v33+s3+$0x0], $0xffff;
	[tilespmem:s20+$0x0] =	vst v15;
	v41 =	vshll.u32 v8, $0x10;
	v11 =	vadd.bf16 v34, v11  }
0x31a: {  	v43 =	vadd.s32 $0xDC00, v2;
	s25 =	sor.u32 s14, s13;
	v8 =	vand.u32 $0xFFFF0000, v8;
	v17 =	vld.idx.msk [tilespmem:v36+s3+$0x0], $0xffff;
	[tilespmem:s23+$0x0] =	vst v41  }
0x31b: {  	s7 =	sor.u32 s12, s7;
	v16 =	vld.idx.msk [tilespmem:v37+s3+$0x0], $0xffff;
	[tilespmem:s25+$0x0] =	vst v8;
	v44 =	vshll.u32 v11, $0x10  }
0x31c: {  	s10 =	sor.u32 s12, s13;
	v11 =	vand.u32 $0xFFFF0000, v11;
	v14 =	vld.idx.msk [tilespmem:v39+s3+$0x0], $0xffff;
	[tilespmem:s7+$0x0] =	vst v44  }
0x31d: {  	v45 =	vld.idx.msk [tilespmem:v40+s3+$0x0], $0xffff;
	[tilespmem:s10+$0x0] =	vst v11  }
0x31e: {  	v47 =	vor.u32 $0xE000, v1;
	v46 =	vadd.bf16 v12, v10;
	v11 =	vld.idx.msk [tilespmem:v42+s3+$0x0], $0xffff  }
0x31f: {  	v48 =	vadd.s32 $0xE400, v0;
	s7 =	sadd.s32 $0x17500, s0;
	v49 =	vld.idx.msk [tilespmem:v43+s3+$0x0], $0xffff  }
0x320: {  	v51 =	vor.u32 $0xE000, v7;
	s13 =	sadd.s32 $0x17580, s0;
	v50 =	vshll.u32 v46, $0x10;
	s11 =	sor.u32 s1, s7;
	v16 =	vadd.bf16 v16, v17  }
0x321: {  	v52 =	vadd.s32 $0xE400, v6;
	s16 =	sor.u32 s1, s13;
	v9 =	vand.u32 $0xFFFF0000, v46;
	[tilespmem:s11+$0x0] =	vst v50  }
0x322: {  	v54 =	vor.u32 $0xE000, v5;
	s17 =	sor.u32 s6, s7;
	[tilespmem:s16+$0x0] =	vst v9;
	v53 =	vshll.u32 v16, $0x10;
	v8 =	vadd.bf16 v45, v14  }
0x323: {  	v55 =	vadd.s32 $0xE400, v4;
	s20 =	sor.u32 s6, s13;
	v10 =	vld.idx.msk [tilespmem:v47+s3+$0x0], $0xffff;
	v16 =	vand.u32 $0xFFFF0000, v16;
	[tilespmem:s17+$0x0] =	vst v53  }
0x324: {  	v57 =	vor.u32 $0xE000, v3;
	s23 =	sor.u32 s14, s7;
	v12 =	vld.idx.msk [tilespmem:v48+s3+$0x0], $0xffff;
	[tilespmem:s20+$0x0] =	vst v16;
	v56 =	vshll.u32 v8, $0x10;
	v11 =	vadd.bf16 v49, v11  }
0x325: {  	v58 =	vadd.s32 $0xE400, v2;
	s25 =	sor.u32 s14, s13;
	v8 =	vand.u32 $0xFFFF0000, v8;
	v17 =	vld.idx.msk [tilespmem:v51+s3+$0x0], $0xffff;
	[tilespmem:s23+$0x0] =	vst v56  }
0x326: {  	s7 =	sor.u32 s12, s7;
	v15 =	vld.idx.msk [tilespmem:v52+s3+$0x0], $0xffff;
	[tilespmem:s25+$0x0] =	vst v8;
	v59 =	vshll.u32 v11, $0x10  }
0x327: {  	s10 =	sor.u32 s12, s13;
	v11 =	vand.u32 $0xFFFF0000, v11;
	v14 =	vld.idx.msk [tilespmem:v54+s3+$0x0], $0xffff;
	[tilespmem:s7+$0x0] =	vst v59  }
0x328: {  	v60 =	vld.idx.msk [tilespmem:v55+s3+$0x0], $0xffff;
	[tilespmem:s10+$0x0] =	vst v11  }
0x329: {  	v62 =	vor.u32 $0xE800, v1;
	v61 =	vadd.bf16 v12, v10;
	v11 =	vld.idx.msk [tilespmem:v57+s3+$0x0], $0xffff  }
0x32a: {  	v63 =	vadd.s32 $0xEC00, v0;
	s7 =	sor.u32 $0x17A00, s0;
	v20 =	vld.idx.msk [tilespmem:v58+s3+$0x0], $0xffff  }
0x32b: {  	v22 =	vor.u32 $0xE800, v7;
	s13 =	sor.u32 $0x17A80, s0;
	v21 =	vshll.u32 v61, $0x10;
	s11 =	sor.u32 s1, s7;
	v15 =	vadd.bf16 v15, v17  }
0x32c: {  	v23 =	vadd.s32 $0xEC00, v6;
	s16 =	sor.u32 s1, s13;
	v9 =	vand.u32 $0xFFFF0000, v61;
	[tilespmem:s11+$0x0] =	vst v21  }
0x32d: {  	v25 =	vor.u32 $0xE800, v5;
	s17 =	sor.u32 s6, s7;
	[tilespmem:s16+$0x0] =	vst v9;
	v24 =	vshll.u32 v15, $0x10;
	v8 =	vadd.bf16 v60, v14  }
0x32e: {  	v26 =	vadd.s32 $0xEC00, v4;
	s20 =	sor.u32 s6, s13;
	v10 =	vld.idx.msk [tilespmem:v62+s3+$0x0], $0xffff;
	v15 =	vand.u32 $0xFFFF0000, v15;
	[tilespmem:s17+$0x0] =	vst v24  }
0x32f: {  	v28 =	vor.u32 $0xE800, v3;
	s23 =	sor.u32 s14, s7;
	v12 =	vld.idx.msk [tilespmem:v63+s3+$0x0], $0xffff;
	[tilespmem:s20+$0x0] =	vst v15;
	v27 =	vshll.u32 v8, $0x10;
	v11 =	vadd.bf16 v20, v11  }
0x330: {  	v29 =	vadd.s32 $0xEC00, v2;
	s25 =	sor.u32 s14, s13;
	v8 =	vand.u32 $0xFFFF0000, v8;
	v17 =	vld.idx.msk [tilespmem:v22+s3+$0x0], $0xffff;
	[tilespmem:s23+$0x0] =	vst v27  }
0x331: {  	s7 =	sor.u32 s12, s7;
	v16 =	vld.idx.msk [tilespmem:v23+s3+$0x0], $0xffff;
	[tilespmem:s25+$0x0] =	vst v8;
	v30 =	vshll.u32 v11, $0x10  }
0x332: {  	s10 =	sor.u32 s12, s13;
	v11 =	vand.u32 $0xFFFF0000, v11;
	v14 =	vld.idx.msk [tilespmem:v25+s3+$0x0], $0xffff;
	[tilespmem:s7+$0x0] =	vst v30  }
0x333: {  	v31 =	vld.idx.msk [tilespmem:v26+s3+$0x0], $0xffff;
	[tilespmem:s10+$0x0] =	vst v11  }
0x334: {  	v33 =	vor.u32 $0xF000, v1;
	v32 =	vadd.bf16 v12, v10;
	v11 =	vld.idx.msk [tilespmem:v28+s3+$0x0], $0xffff  }
0x335: {  	v34 =	vadd.s32 $0xF400, v0;
	s7 =	sor.u32 $0x17B00, s0;
	v35 =	vld.idx.msk [tilespmem:v29+s3+$0x0], $0xffff  }
0x336: {  	v37 =	vor.u32 $0xF000, v7;
	s13 =	sor.u32 $0x17B80, s0;
	v36 =	vshll.u32 v32, $0x10;
	s11 =	sor.u32 s1, s7;
	v16 =	vadd.bf16 v16, v17  }
0x337: {  	v38 =	vadd.s32 $0xF400, v6;
	s16 =	sor.u32 s1, s13;
	v9 =	vand.u32 $0xFFFF0000, v32;
	[tilespmem:s11+$0x0] =	vst v36  }
0x338: {  	v40 =	vor.u32 $0xF000, v5;
	s17 =	sor.u32 s6, s7;
	[tilespmem:s16+$0x0] =	vst v9;
	v39 =	vshll.u32 v16, $0x10;
	v8 =	vadd.bf16 v31, v14  }
0x339: {  	v41 =	vadd.s32 $0xF400, v4;
	s20 =	sor.u32 s6, s13;
	v10 =	vld.idx.msk [tilespmem:v33+s3+$0x0], $0xffff;
	v16 =	vand.u32 $0xFFFF0000, v16;
	[tilespmem:s17+$0x0] =	vst v39  }
0x33a: {  	v43 =	vor.u32 $0xF000, v3;
	s23 =	sor.u32 s14, s7;
	v12 =	vld.idx.msk [tilespmem:v34+s3+$0x0], $0xffff;
	[tilespmem:s20+$0x0] =	vst v16;
	v42 =	vshll.u32 v8, $0x10;
	v11 =	vadd.bf16 v35, v11  }
0x33b: {  	v44 =	vadd.s32 $0xF400, v2;
	s25 =	sor.u32 s14, s13;
	v8 =	vand.u32 $0xFFFF0000, v8;
	v17 =	vld.idx.msk [tilespmem:v37+s3+$0x0], $0xffff;
	[tilespmem:s23+$0x0] =	vst v42  }
0x33c: {  	s7 =	sor.u32 s12, s7;
	v15 =	vld.idx.msk [tilespmem:v38+s3+$0x0], $0xffff;
	[tilespmem:s25+$0x0] =	vst v8;
	v45 =	vshll.u32 v11, $0x10  }
0x33d: {  	s10 =	sor.u32 s12, s13;
	v11 =	vand.u32 $0xFFFF0000, v11;
	[tilespmem:s7+$0x0] =	vst v45;
	v46 =	vld.idx.msk [tilespmem:v40+s3+$0x0], $0xffff  }
0x33e: {  	v9 =	vld.idx.msk [tilespmem:v41+s3+$0x0], $0xffff;
	[tilespmem:s10+$0x0] =	vst v11  }
0x33f: {  	v1 =	vor.u32 $0xF800, v1;
	v10 =	vadd.bf16 v12, v10;
	v11 =	vld.idx.msk [tilespmem:v43+s3+$0x0], $0xffff  }
0x340: {  	v0 =	vadd.s32 $0xFC00, v0;
	s7 =	sadd.s32 $0x17C00, s0;
	v47 =	vld.idx.msk [tilespmem:v44+s3+$0x0], $0xffff  }
0x341: {  	v7 =	vor.u32 $0xF800, v7;
	s13 =	sadd.s32 $0x17C80, s0;
	v49 =	vshll.u32 v10, $0x10;
	s11 =	sor.u32 s1, s7;
	v48 =	vadd.bf16 v15, v17  }
0x342: {  	v6 =	vadd.s32 $0xFC00, v6;
	s16 =	sor.u32 s1, s13;
	v10 =	vand.u32 $0xFFFF0000, v10;
	[tilespmem:s11+$0x0] =	vst v49  }
0x343: {  	v5 =	vor.u32 $0xF800, v5;
	s17 =	sor.u32 s6, s7;
	[tilespmem:s16+$0x0] =	vst v10;
	v8 =	vadd.bf16 v9, v46;
	v50 =	vshll.u32 v48, $0x10  }
0x344: {  	v4 =	vadd.s32 $0xFC00, v4;
	s20 =	sor.u32 s6, s13;
	v1 =	vld.idx.msk [tilespmem:v1+s3+$0x0], $0xffff;
	v51 =	vand.u32 $0xFFFF0000, v48;
	[tilespmem:s17+$0x0] =	vst v50  }
0x345: {  	v3 =	vor.u32 $0xF800, v3;
	s23 =	sor.u32 s14, s7;
	v0 =	vld.idx.msk [tilespmem:v0+s3+$0x0], $0xffff;
	[tilespmem:s20+$0x0] =	vst v51;
	v52 =	vadd.bf16 v47, v11;
	v53 =	vshll.u32 v8, $0x10  }
0x346: {  	v2 =	vadd.s32 $0xFC00, v2;
	s25 =	sor.u32 s14, s13;
	v8 =	vand.u32 $0xFFFF0000, v8;
	[tilespmem:s23+$0x0] =	vst v53;
	v7 =	vld.idx.msk [tilespmem:v7+s3+$0x0], $0xffff  }
0x347: {  	s7 =	sor.u32 s12, s7;
	v6 =	vld.idx.msk [tilespmem:v6+s3+$0x0], $0xffff;
	[tilespmem:s25+$0x0] =	vst v8;
	v54 =	vshll.u32 v52, $0x10  }
0x348: {  	s10 =	sor.u32 s12, s13;
	v55 =	vand.u32 $0xFFFF0000, v52;
	[tilespmem:s7+$0x0] =	vst v54;
	v5 =	vld.idx.msk [tilespmem:v5+s3+$0x0], $0xffff  }
0x349: {  	v4 =	vld.idx.msk [tilespmem:v4+s3+$0x0], $0xffff;
	[tilespmem:s10+$0x0] =	vst v55  }
0x34a: {  	v0 =	vadd.bf16 v0, v1;
	v56 =	vld.idx.msk [tilespmem:v3+s3+$0x0], $0xffff  }
0x34b: {  	s11 =	sadd.s32 $0x17D00, s0;
	v2 =	vld.idx.msk [tilespmem:v2+s3+$0x0], $0xffff  }
0x34c: {  	s0 =	sadd.s32 $0x17D80, s0;
	s13 =	sor.u32 s1, s11;
	v58 =	vshll.u32 v0, $0x10;
	v57 =	vadd.bf16 v6, v7  }
0x34d: {  	s1 =	sor.u32 s1, s0;
	v0 =	vand.u32 $0xFFFF0000, v0;
	[tilespmem:s13+$0x0] =	vst v58  }
0x34e: {  	s29 =	sadd.s32 $0x4, s29;
	s16 =	sor.u32 s6, s11;
	[tilespmem:s1+$0x0] =	vst v0;
	v59 =	vadd.bf16 v4, v5;
	v60 =	vshll.u32 v57, $0x10  }
0x34f: {  	p0 =	slt.u32 s29, $0xC;
	s17 =	sor.u32 s6, s0;
	v3 =	vand.u32 $0xFFFF0000, v57;
	[tilespmem:s16+$0x0] =	vst v60  }
.Ltmp1:
0x350: {  	s20 =	sor.u32 s14, s11;
	[tilespmem:s17+$0x0] =	vst v3;
	v61 =	vshll.u32 v59, $0x10;
	v1 =	vadd.bf16 v2, v56;
	(pc) =	sbr.rel @p0 .LBB2_5-.Ltmp1, $4  }
0x351: {  	s23 =	sor.u32 s14, s0;
	v0 =	vand.u32 $0xFFFF0000, v59;
	[tilespmem:s20+$0x0] =	vst v61  }
0x352: {  	s25 =	sor.u32 s12, s11;
	[tilespmem:s23+$0x0] =	vst v0;
	v62 =	vshll.u32 v1, $0x10  }
0x353: {  	s0 =	sor.u32 s12, s0;
	v63 =	vand.u32 $0xFFFF0000, v1;
	[tilespmem:s25+$0x0] =	vst v62  }
0x354: {  	s31 =	sadd.s32 $0x40, s31;
	s30 =	sadd.s32 $0x200, s30;
	[tilespmem:s0+$0x0] =	vst v63  }
0x355: {  	s26 =	sadd.s32 $0x1, s26  }
0x356: {  	p0 =	sne.s32 s26, $0x32  }
.Ltmp2:
0x357: {  	s0 =	sshll.u32 s28, $0xB;
	(pc) =	sbr.rel @p0 .LBB2_2-.Ltmp2, $4  }
0x358: {  	s0 =	sadd.s32 s8, s0  }
0x359: {  	s0 =	sshrl.u32 s0, $0x3  }
0x35a: {  	s0 =	sadd.s32 s2, s0  }
0x35b: {  	[hbm4b:s0+s18] =	stream.strided.scatter [tilespmem:s22], [sflag:$0x4], $0x4000, s19, s18, $0x38;
	[tilespmem:$0x18200] =	vst v63  }
0x35c: {  	s0 =	simm.s32 $0x3  }
0x35d: {  	_ =	swait.ge [sflag:s0], $0x4000  }
0x35e: {  	[sflag:s0] =	ssyncset.done $0x0  }
0x35f: {  	[sflag:s0] =	ssyncadd.s32 $0xFFFFC000  }
0x360: {  	_ =	swait.ge [sflag:s24], $0x4000  }
0x361: {  	s1 =	rddreg [dreg:$0x7]  }
0x362: {  	s31 =	rddreg [dreg:$0x5];
	s1 =	sadd.s32 $0x1, s1  }
0x363: {  	p0 =	sne.s32 s1, s31  }
.Ltmp3:
0x364: {  	_ = 	snop;
	(pc) =	sbr.rel @p0 .LBB2_1-.Ltmp3, $3  }
0x365: {  	_ =	sdelay $0x1  }
0x366: {  	[sflag:s24] =	ssyncset.done $0x0  }
0x367: {  	[sflag:s24] =	ssyncadd.s32 $0xFFFFC000  }
0x368: {  	_ =	sfence.sel $0x180000  }
0x369: {  	[bflag:$0x0] =	sbarrier.arrive $0xFFFF  }
0x36a: {  	_ =	strace $0x90000047  }
0x36b: {  	s0 =	stileid.u32;
	[bflag:$0x2] =	sbarrier.arrive $0xFFFF  }
0x36c: {  	p0 =	sne.s32 s0, $0x0;
	s0 =	rddreg [dreg:$0x2]  }
0x36d: {  	s0 =	sadd.s32 @!p0 $0x100000, s0  }
0x36e: {  	[sflag:s0] =	ssyncadd.tile.s32 @!p0 $0x1;
	_ =	shalt  }
.Lfunc_end2:
_tile_overlayer_lowered:
.L_overlay_start_2:
0x36f: {  	(tag) =	ssettag $0x2  }
0x370: {  	s0 =	rddreg [dreg:$0x0];
	s2 =	stileid.u32  }
0x371: {  	s1 =	rddreg [dreg:$0x1];
	p0 =	sne.s32 s2, $0x0  }
0x372: {  	s3 =	rddreg [dreg:$0x2];
	[bflag:$0x3] =	sbarrier.arrive $0xFFFF;
	s2 =	simm.s32 @!p0 $0x1C05  }
0x373: {  	[timem:s3], [sflag:s2] =	dma.local @!p0 [hbm:s0], s1  }
0x374: {  	s0 =	simm.s32 @!p0 $0x5  }
0x375: {  	_ =	swait.ge @!p0 [sflag:s0], s1  }
0x376: {  	s1 =	ssub.s32 @!p0 $0x0, s1;
	[sflag:s0] =	ssyncset.done @!p0 $0x0  }
0x377: {  	[sflag:s0] =	ssyncadd.s32 @!p0 s1  }
0x378: {  	[bflag:$0x3] =	sbarrier.arrive $0xFFFF  }
0x379: {  	_ =	shalt  }

</sc_bundles>
